<compile_context>
chip_gen: v7x
topology: tpu7x:2x2x1
jax: 0.10.2.dev20260603
libtpu: 0.0.44.dev20260713+nightly
codegen_flags: <defaults>
</compile_context>

<pallas_src>
import functools

import jax
import jax.numpy as jnp
from jax import lax
from jax.experimental import pallas as pl
from jax.experimental.pallas import tpu as pltpu
from jax.experimental.pallas import tpu_sc as plsc

EMBED_DIM = 32
VOCAB1 = 100001
BATCH = 16384
NUM_CORES = 2
NUM_SUBCORES = 16
LANES = 16
DIMS_PER_SC = EMBED_DIM // NUM_CORES
B_PER_TILE = BATCH // NUM_SUBCORES
CHUNK = 128
GCHUNK = 64
NGCHUNK = B_PER_TILE // GCHUNK
FULL_TILES = VOCAB1 // CHUNK
PACKED_ROWS = (FULL_TILES + 1) * LANES
TAIL_START = FULL_TILES * CHUNK

_mesh = plsc.VectorSubcoreMesh(core_axis_name="c", subcore_axis_name="s")


@functools.partial(
    pl.kernel,
    mesh=_mesh,
    out_type=jax.ShapeDtypeStruct((EMBED_DIM, BATCH), jnp.float32),
    scratch_types=[
        pltpu.VMEM_SHARED((PACKED_ROWS, 8 * LANES), jnp.float32),
        pltpu.VMEM((DIMS_PER_SC, CHUNK), jnp.float32),
        pltpu.VMEM((DIMS_PER_SC, CHUNK), jnp.float32),
        pltpu.VMEM((GCHUNK, 8 * LANES), jnp.float32),
        pltpu.VMEM((DIMS_PER_SC, B_PER_TILE), jnp.float32),
        pltpu.VMEM((B_PER_TILE,), jnp.int32),
        pltpu.VMEM((B_PER_TILE,), jnp.int32),
        pltpu.SemaphoreType.DMA,
    ],
    compiler_params=pltpu.CompilerParams(needs_layout_passes=False),
)
def _gather_kernel(idx_hbm, table_t_hbm, tail_t_hbm, out_hbm,
                   shared, chunk_in, rowbuf, gbuf, stage, idxb, rvb, sem):
    c = lax.axis_index("c")
    s = lax.axis_index("s")
    d0 = c * DIMS_PER_SC
    jb = s * B_PER_TILE

    lane_iota = lax.iota(jnp.int32, LANES)
    iota_div8 = lane_iota // 8
    iota_mod8_x16 = (lane_iota % 8) * LANES

    pltpu.sync_copy(idx_hbm.at[pl.ds(jb, B_PER_TILE)], idxb)

    def transpose_chunk_to_rowbuf():
        for d in range(DIMS_PER_SC):
            for g in range(CHUNK // LANES):
                vals = chunk_in[d, pl.ds(g * LANES, LANES)]
                plsc.store_scatter(
                    rowbuf,
                    [iota_div8 + (2 * g), iota_mod8_x16 + d],
                    vals,
                )

    def fill(kk, _):
        k = s + NUM_SUBCORES * kk

        @pl.when(k < FULL_TILES)
        def _():
            pltpu.sync_copy(
                table_t_hbm.at[pl.ds(d0, DIMS_PER_SC), pl.ds(k * CHUNK, CHUNK)],
                chunk_in,
            )
            transpose_chunk_to_rowbuf()
            pltpu.sync_copy(rowbuf, shared.at[pl.ds(k * LANES, LANES), :])

        return _

    lax.fori_loop(0, (FULL_TILES + NUM_SUBCORES - 1) // NUM_SUBCORES, fill, None)

    @pl.when(s == NUM_SUBCORES - 1)
    def _():
        pltpu.sync_copy(tail_t_hbm.at[pl.ds(d0, DIMS_PER_SC), :], chunk_in)
        transpose_chunk_to_rowbuf()
        pltpu.sync_copy(
            rowbuf, shared.at[pl.ds(FULL_TILES * LANES, LANES), :]
        )

    def rows(g, _):
        p0 = g * LANES
        v = idxb[pl.ds(p0, LANES)]
        rvb[pl.ds(p0, LANES)] = v >> 3
        return _

    lax.fori_loop(0, B_PER_TILE // LANES, rows, None)

    plsc.subcore_barrier()

    def chunk(cc, _):
        pltpu.async_copy(
            shared.at[rvb.at[pl.ds(cc * GCHUNK, GCHUNK)]], gbuf, sem
        ).wait()
        p_base = cc * GCHUNK
        for g in range(GCHUNK // LANES):
            vvec = idxb[pl.ds(p_base + g * LANES, LANES)]
            lane_base = (vvec & 7) * LANES
            for d in range(DIMS_PER_SC):
                vals = plsc.load_gather(
                    gbuf, [lane_iota + (g * LANES), lane_base + d]
                )
                stage[d, pl.ds(p_base + g * LANES, LANES)] = vals
        return _

    lax.fori_loop(0, NGCHUNK, chunk, None)

    pltpu.sync_copy(
        stage, out_hbm.at[pl.ds(d0, DIMS_PER_SC), pl.ds(jb, B_PER_TILE)]
    )


def kernel(indices, table):
    tail_t = jnp.pad(table[TAIL_START:, :], ((0, CHUNK - (VOCAB1 - TAIL_START)), (0, 0))).T
    out_t = _gather_kernel(indices.astype(jnp.int32), table.T, tail_t)
    return out_t.T

# --- scband reference (transcript-rebuilt; emitter-appended) ---
"""Pipeline reference for scband-user-model-60679297958432 (READ-ONLY COPY).

The authoritative reference and input builder live on the scoring server;
editing this copy changes nothing except your own understanding.
"""

import jax, jax.numpy as jnp
import numpy as np

VOCAB = 100000
EMBED_DIM = 32
BATCH = 16384

def setup_inputs(seed: int = 0) -> dict:
    key = jax.random.key(seed)
    k_idx, k_tab = jax.random.split(key)
    # StringLookup maps strings -> integer ids in [0, vocab]; 0 is the OOV bucket.
    # We model the post-lookup integer indices directly.
    indices = jax.random.randint(k_idx, (BATCH,), 0, VOCAB + 1, dtype=jnp.int64 if jax.config.jax_enable_x64 else jnp.int32)
    # Embedding table of size (vocab + 1, 32), matching Embedding(len(user_ids)+1, 32).
    table = jax.random.normal(k_tab, (VOCAB + 1, EMBED_DIM), dtype=jnp.float32) * 0.05
    return {"indices": indices, "table": table}

def reference(indices, table):
    # Faithful translation of StringLookup + Embedding: pure row gather.
    return jnp.take(table, indices, axis=0)

if __name__ == "__main__":
    import jax
    _d = setup_inputs()
    print(jax.jit(kernel)(*tuple(_d.values())))

</pallas_src>

<mosaic_0001>
#map = affine_map<(d0, d1) -> (0)>
#map1 = affine_map<(d0, d1) -> (0, 0)>
module attributes {stable_mosaic.version = 14 : i64} {
  func.func @_gather_kernel(%arg0: i32, %arg1: i32, %arg2: memref<16384xi32, #tpu.memory_space<hbm>>, %arg3: memref<32x100001xf32, #tpu.memory_space<hbm>>, %arg4: memref<32x128xf32, #tpu.memory_space<hbm>>, %arg5: memref<32x16384xf32, #tpu.memory_space<hbm>>, %arg6: memref<12512x128xf32, #tpu.memory_space<vmem_shared>>, %arg7: memref<16x128xf32, #tpu.memory_space<vmem>>, %arg8: memref<16x128xf32, #tpu.memory_space<vmem>>, %arg9: memref<64x128xf32, #tpu.memory_space<vmem>>, %arg10: memref<16x1024xf32, #tpu.memory_space<vmem>>, %arg11: memref<1024xi32, #tpu.memory_space<vmem>>, %arg12: memref<1024xi32, #tpu.memory_space<vmem>>, %arg13: memref<!tpu.dma_semaphore, #tpu.memory_space<semaphore_mem>>) attributes {dimension_semantics = [#tpu.dimension_semantics<core_parallel>, #tpu.dimension_semantics<subcore_parallel>], iteration_bounds = array<i64: 2, 16>, scalar_prefetch = 0 : i64, scratch_operands = 8 : i64, tpu.core_type = #tpu.core_type<sc_vector_subcore>, window_params = [{transform_indices = #map}, {transform_indices = #map1}, {transform_indices = #map1}, {transform_indices = #map1}]} {
    %mul3A = arith.constant 16 : i32
    %mul3A_0 = arith.muli %arg0, %mul3A : i32
    %mul3A_1 = arith.constant 1024 : i32
    %mul3A_2 = arith.muli %arg1, %mul3A_1 : i32
    %iota3A = tpu.iota {dimensions = array<i32: 0>} : vector<16xi32>
    %jit3A = arith.constant 8 : i32
    %div3A = vector.broadcast %jit3A : i32 to vector<16xi32>
    %div3A_3 = arith.divsi %iota3A, %div3A : vector<16xi32>
    %sign3A = arith.constant 0 : i32
    %sign3A_4 = vector.broadcast %sign3A : i32 to vector<16xi32>
    %sign3A_5 = arith.cmpi sgt, %iota3A, %sign3A_4 : vector<16xi32>
    %sign3A_6 = arith.extui %sign3A_5 : vector<16xi1> to vector<16xi32>
    %sign3A_7 = arith.constant 0 : i32
    %sign3A_8 = vector.broadcast %sign3A_7 : i32 to vector<16xi32>
    %sign3A_9 = arith.cmpi slt, %iota3A, %sign3A_8 : vector<16xi32>
    %sign3A_10 = arith.extui %sign3A_9 : vector<16xi1> to vector<16xi32>
    %sign3A_11 = arith.subi %sign3A_6, %sign3A_10 : vector<16xi32>
    %sign3A_12 = arith.constant 0 : i32
    %sign3A_13 = arith.cmpi sgt, %jit3A, %sign3A_12 : i32
    %sign3A_14 = arith.extui %sign3A_13 : i1 to i32
    %sign3A_15 = arith.constant 0 : i32
    %sign3A_16 = arith.cmpi slt, %jit3A, %sign3A_15 : i32
    %sign3A_17 = arith.extui %sign3A_16 : i1 to i32
    %sign3A_18 = arith.subi %sign3A_14, %sign3A_17 : i32
    %ne3A = vector.broadcast %sign3A_18 : i32 to vector<16xi32>
    %ne3A_19 = arith.cmpi ne, %sign3A_11, %ne3A : vector<16xi32>
    %rem3A = vector.broadcast %jit3A : i32 to vector<16xi32>
    %rem3A_20 = arith.remsi %iota3A, %rem3A : vector<16xi32>
    %ne3A_21 = arith.constant 0 : i32
    %ne3A_22 = vector.broadcast %ne3A_21 : i32 to vector<16xi32>
    %ne3A_23 = arith.cmpi ne, %rem3A_20, %ne3A_22 : vector<16xi32>
    %and3A = arith.andi %ne3A_19, %ne3A_23 : vector<16xi1>
    %sub3A = arith.constant 1 : i32
    %sub3A_24 = vector.broadcast %sub3A : i32 to vector<16xi32>
    %sub3A_25 = arith.subi %div3A_3, %sub3A_24 : vector<16xi32>
    %select_n3A = arith.select %and3A, %sub3A_25, %div3A_3 : vector<16xi1>, vector<16xi32>
    %jit3A_26 = arith.constant 8 : i32
    %eq3A = arith.constant 0 : i32
    %eq3A_27 = arith.cmpi eq, %jit3A_26, %eq3A : i32
    %jit3A_28 = arith.constant 1 : i32
    %select_n3A_29 = arith.select %eq3A_27, %jit3A_28, %jit3A_26 : i32
    %rem3A_30 = vector.broadcast %select_n3A_29 : i32 to vector<16xi32>
    %rem3A_31 = arith.remsi %iota3A, %rem3A_30 : vector<16xi32>
    %ne3A_32 = arith.constant 0 : i32
    %ne3A_33 = vector.broadcast %ne3A_32 : i32 to vector<16xi32>
    %ne3A_34 = arith.cmpi ne, %rem3A_31, %ne3A_33 : vector<16xi32>
    %lt3A = arith.constant 0 : i32
    %lt3A_35 = vector.broadcast %lt3A : i32 to vector<16xi32>
    %lt3A_36 = arith.cmpi slt, %rem3A_31, %lt3A_35 : vector<16xi32>
    %lt3A_37 = arith.constant 0 : i32
    %lt3A_38 = arith.cmpi slt, %select_n3A_29, %lt3A_37 : i32
    %ne3A_39 = vector.broadcast %lt3A_38 : i1 to vector<16xi1>
    %ne3A_40 = vector.broadcast %ne3A_39 : vector<16xi1> to vector<16xi1>
    %ne3A_41 = arith.xori %lt3A_36, %ne3A_40 : vector<16xi1>
    %and3A_42 = arith.andi %ne3A_41, %ne3A_34 : vector<16xi1>
    %add3A = vector.broadcast %select_n3A_29 : i32 to vector<16xi32>
    %add3A_43 = arith.addi %rem3A_31, %add3A : vector<16xi32>
    %select_n3A_44 = arith.select %and3A_42, %add3A_43, %rem3A_31 : vector<16xi1>, vector<16xi32>
    %mul3A_45 = arith.constant 16 : i32
    %mul3A_46 = vector.broadcast %mul3A_45 : i32 to vector<16xi32>
    %mul3A_47 = arith.muli %select_n3A_44, %mul3A_46 : vector<16xi32>
    "tpu.region"() ({
      %run_scoped3A = tpu.sem_alloc : memref<!tpu.dma_semaphore, #tpu.memory_space<semaphore_mem>>
      %dma_start3A = tpu.memref_slice %arg2[%mul3A_2] : memref<16384xi32, #tpu.memory_space<hbm>> -> memref<1024xi32, #tpu.memory_space<hbm>>
      %dma_start3A_65 = tpu.memref_slice %arg2[%mul3A_2] : memref<16384xi32, #tpu.memory_space<hbm>> -> memref<1024xi32, #tpu.memory_space<hbm>>
      tpu.enqueue_dma source(%dma_start3A_65 : memref<1024xi32, #tpu.memory_space<hbm>>) target(%arg11 : memref<1024xi32, #tpu.memory_space<vmem>>) target_semaphore(%run_scoped3A : memref<!tpu.dma_semaphore, #tpu.memory_space<semaphore_mem>>)
      %dma_wait3A = tpu.memref_slice %arg2[%mul3A_2] : memref<16384xi32, #tpu.memory_space<hbm>> -> memref<1024xi32, #tpu.memory_space<hbm>>
      %dma_wait3A_66 = tpu.memref_slice %arg2[%mul3A_2] : memref<16384xi32, #tpu.memory_space<hbm>> -> memref<1024xi32, #tpu.memory_space<hbm>>
      tpu.wait_dma2 semaphore(%run_scoped3A : memref<!tpu.dma_semaphore, #tpu.memory_space<semaphore_mem>>) src(%dma_wait3A_66 : memref<1024xi32, #tpu.memory_space<hbm>>) dst(%arg11 : memref<1024xi32, #tpu.memory_space<vmem>>)
      tpu.yield
    }) : () -> ()
    %scan3A = arith.constant 0 : i32
    %scan3A_48 = arith.constant 49 : i32
    %scan3A_49 = arith.addi %scan3A, %scan3A_48 : i32
    %scan3A_50 = arith.constant 1 : i32
    scf.for %scan3A_65 = %scan3A to %scan3A_49 step %scan3A_50  : i32 {
      %mul3A_66 = arith.constant 16 : i32
      %mul3A_67 = arith.muli %mul3A_66, %scan3A_65 : i32
      %add3A_68 = arith.addi %arg1, %mul3A_67 : i32
      %lt3A_69 = arith.constant 781 : i32
      %lt3A_70 = arith.cmpi slt, %add3A_68, %lt3A_69 : i32
      %convert_element_type3A_71 = arith.extui %lt3A_70 : i1 to i32
      %cond3A_72 = arith.constant 0 : i32
      %cond3A_73 = arith.cmpi ne, %convert_element_type3A_71, %cond3A_72 : i32
      scf.if %cond3A_73 {
        %mul3A_74 = arith.constant 128 : i32
        %mul3A_75 = arith.muli %add3A_68, %mul3A_74 : i32
        "tpu.region"() ({
          %run_scoped3A = tpu.sem_alloc : memref<!tpu.dma_semaphore, #tpu.memory_space<semaphore_mem>>
          %dma_start3A = tpu.memref_slice %arg3[%mul3A_0, %mul3A_75] : memref<32x100001xf32, #tpu.memory_space<hbm>> -> memref<16x128xf32, #tpu.memory_space<hbm>>
          %dma_start3A_1357 = tpu.memref_slice %arg3[%mul3A_0, %mul3A_75] : memref<32x100001xf32, #tpu.memory_space<hbm>> -> memref<16x128xf32, #tpu.memory_space<hbm>>
          tpu.enqueue_dma source(%dma_start3A_1357 : memref<16x128xf32, #tpu.memory_space<hbm>>) target(%arg7 : memref<16x128xf32, #tpu.memory_space<vmem>>) target_semaphore(%run_scoped3A : memref<!tpu.dma_semaphore, #tpu.memory_space<semaphore_mem>>)
          %dma_wait3A = tpu.memref_slice %arg3[%mul3A_0, %mul3A_75] : memref<32x100001xf32, #tpu.memory_space<hbm>> -> memref<16x128xf32, #tpu.memory_space<hbm>>
          %dma_wait3A_1358 = tpu.memref_slice %arg3[%mul3A_0, %mul3A_75] : memref<32x100001xf32, #tpu.memory_space<hbm>> -> memref<16x128xf32, #tpu.memory_space<hbm>>
          tpu.wait_dma2 semaphore(%run_scoped3A : memref<!tpu.dma_semaphore, #tpu.memory_space<semaphore_mem>>) src(%dma_wait3A_1358 : memref<16x128xf32, #tpu.memory_space<hbm>>) dst(%arg7 : memref<16x128xf32, #tpu.memory_space<vmem>>)
          tpu.yield
        }) : () -> ()
        %get3A = arith.constant 0 : i32
        %get3A_76 = arith.index_cast %get3A : i32 to index
        %get3A_77 = arith.constant 0 : index
        %get3A_78 = tpu.vector_load %arg7[%get3A_76, %get3A_77] {strides = array<i32>} : memref<16x128xf32, #tpu.memory_space<vmem>>, vector<16xf32>,
        %add3A_79 = arith.constant 0 : i32
        %add3A_80 = vector.broadcast %add3A_79 : i32 to vector<16xi32>
        %add3A_81 = arith.addi %select_n3A, %add3A_80 : vector<16xi32>
        %add3A_82 = arith.constant 0 : i32
        %add3A_83 = vector.broadcast %add3A_82 : i32 to vector<16xi32>
        %add3A_84 = arith.addi %mul3A_47, %add3A_83 : vector<16xi32>
        tpu.vector_store_idx %arg8[%add3A_81, %add3A_84], %get3A_78 : memref<16x128xf32, #tpu.memory_space<vmem>>[vector<16xi32>, vector<16xi32>], vector<16xf32>,
        %get3A_85 = arith.constant 0 : i32
        %get3A_86 = arith.index_cast %get3A_85 : i32 to index
        %get3A_87 = arith.constant 16 : index
        %get3A_88 = tpu.vector_load %arg7[%get3A_86, %get3A_87] {strides = array<i32>} : memref<16x128xf32, #tpu.memory_space<vmem>>, vector<16xf32>,
        %add3A_89 = arith.constant 2 : i32
        %add3A_90 = vector.broadcast %add3A_89 : i32 to vector<16xi32>
        %add3A_91 = arith.addi %select_n3A, %add3A_90 : vector<16xi32>
        %add3A_92 = arith.constant 0 : i32
        %add3A_93 = vector.broadcast %add3A_92 : i32 to vector<16xi32>
        %add3A_94 = arith.addi %mul3A_47, %add3A_93 : vector<16xi32>
        tpu.vector_store_idx %arg8[%add3A_91, %add3A_94], %get3A_88 : memref<16x128xf32, #tpu.memory_space<vmem>>[vector<16xi32>, vector<16xi32>], vector<16xf32>,
        %get3A_95 = arith.constant 0 : i32
        %get3A_96 = arith.index_cast %get3A_95 : i32 to index
        %get3A_97 = arith.constant 32 : index
        %get3A_98 = tpu.vector_load %arg7[%get3A_96, %get3A_97] {strides = array<i32>} : memref<16x128xf32, #tpu.memory_space<vmem>>, vector<16xf32>,
        %add3A_99 = arith.constant 4 : i32
        %add3A_100 = vector.broadcast %add3A_99 : i32 to vector<16xi32>
        %add3A_101 = arith.addi %select_n3A, %add3A_100 : vector<16xi32>
        %add3A_102 = arith.constant 0 : i32
        %add3A_103 = vector.broadcast %add3A_102 : i32 to vector<16xi32>
        %add3A_104 = arith.addi %mul3A_47, %add3A_103 : vector<16xi32>
        tpu.vector_store_idx %arg8[%add3A_101, %add3A_104], %get3A_98 : memref<16x128xf32, #tpu.memory_space<vmem>>[vector<16xi32>, vector<16xi32>], vector<16xf32>,
        %get3A_105 = arith.constant 0 : i32
        %get3A_106 = arith.index_cast %get3A_105 : i32 to index
        %get3A_107 = arith.constant 48 : index
        %get3A_108 = tpu.vector_load %arg7[%get3A_106, %get3A_107] {strides = array<i32>} : memref<16x128xf32, #tpu.memory_space<vmem>>, vector<16xf32>,
        %add3A_109 = arith.constant 6 : i32
        %add3A_110 = vector.broadcast %add3A_109 : i32 to vector<16xi32>
        %add3A_111 = arith.addi %select_n3A, %add3A_110 : vector<16xi32>
        %add3A_112 = arith.constant 0 : i32
        %add3A_113 = vector.broadcast %add3A_112 : i32 to vector<16xi32>
        %add3A_114 = arith.addi %mul3A_47, %add3A_113 : vector<16xi32>
        tpu.vector_store_idx %arg8[%add3A_111, %add3A_114], %get3A_108 : memref<16x128xf32, #tpu.memory_space<vmem>>[vector<16xi32>, vector<16xi32>], vector<16xf32>,
        %get3A_115 = arith.constant 0 : i32
        %get3A_116 = arith.index_cast %get3A_115 : i32 to index
        %get3A_117 = arith.constant 64 : index
        %get3A_118 = tpu.vector_load %arg7[%get3A_116, %get3A_117] {strides = array<i32>} : memref<16x128xf32, #tpu.memory_space<vmem>>, vector<16xf32>,
        %add3A_119 = arith.constant 8 : i32
        %add3A_120 = vector.broadcast %add3A_119 : i32 to vector<16xi32>
        %add3A_121 = arith.addi %select_n3A, %add3A_120 : vector<16xi32>
        %add3A_122 = arith.constant 0 : i32
        %add3A_123 = vector.broadcast %add3A_122 : i32 to vector<16xi32>
        %add3A_124 = arith.addi %mul3A_47, %add3A_123 : vector<16xi32>
        tpu.vector_store_idx %arg8[%add3A_121, %add3A_124], %get3A_118 : memref<16x128xf32, #tpu.memory_space<vmem>>[vector<16xi32>, vector<16xi32>], vector<16xf32>,
        %get3A_125 = arith.constant 0 : i32
        %get3A_126 = arith.index_cast %get3A_125 : i32 to index
        %get3A_127 = arith.constant 80 : index
        %get3A_128 = tpu.vector_load %arg7[%get3A_126, %get3A_127] {strides = array<i32>} : memref<16x128xf32, #tpu.memory_space<vmem>>, vector<16xf32>,
        %add3A_129 = arith.constant 10 : i32
        %add3A_130 = vector.broadcast %add3A_129 : i32 to vector<16xi32>
        %add3A_131 = arith.addi %select_n3A, %add3A_130 : vector<16xi32>
        %add3A_132 = arith.constant 0 : i32
        %add3A_133 = vector.broadcast %add3A_132 : i32 to vector<16xi32>
        %add3A_134 = arith.addi %mul3A_47, %add3A_133 : vector<16xi32>
        tpu.vector_store_idx %arg8[%add3A_131, %add3A_134], %get3A_128 : memref<16x128xf32, #tpu.memory_space<vmem>>[vector<16xi32>, vector<16xi32>], vector<16xf32>,
        %get3A_135 = arith.constant 0 : i32
        %get3A_136 = arith.index_cast %get3A_135 : i32 to index
        %get3A_137 = arith.constant 96 : index
        %get3A_138 = tpu.vector_load %arg7[%get3A_136, %get3A_137] {strides = array<i32>} : memref<16x128xf32, #tpu.memory_space<vmem>>, vector<16xf32>,
        %add3A_139 = arith.constant 12 : i32
        %add3A_140 = vector.broadcast %add3A_139 : i32 to vector<16xi32>
        %add3A_141 = arith.addi %select_n3A, %add3A_140 : vector<16xi32>
        %add3A_142 = arith.constant 0 : i32
        %add3A_143 = vector.broadcast %add3A_142 : i32 to vector<16xi32>
        %add3A_144 = arith.addi %mul3A_47, %add3A_143 : vector<16xi32>
        tpu.vector_store_idx %arg8[%add3A_141, %add3A_144], %get3A_138 : memref<16x128xf32, #tpu.memory_space<vmem>>[vector<16xi32>, vector<16xi32>], vector<16xf32>,
        %get3A_145 = arith.constant 0 : i32
        %get3A_146 = arith.index_cast %get3A_145 : i32 to index
        %get3A_147 = arith.constant 112 : index
        %get3A_148 = tpu.vector_load %arg7[%get3A_146, %get3A_147] {strides = array<i32>} : memref<16x128xf32, #tpu.memory_space<vmem>>, vector<16xf32>,
        %add3A_149 = arith.constant 14 : i32
        %add3A_150 = vector.broadcast %add3A_149 : i32 to vector<16xi32>
        %add3A_151 = arith.addi %select_n3A, %add3A_150 : vector<16xi32>
        %add3A_152 = arith.constant 0 : i32
        %add3A_153 = vector.broadcast %add3A_152 : i32 to vector<16xi32>
        %add3A_154 = arith.addi %mul3A_47, %add3A_153 : vector<16xi32>
        tpu.vector_store_idx %arg8[%add3A_151, %add3A_154], %get3A_148 : memref<16x128xf32, #tpu.memory_space<vmem>>[vector<16xi32>, vector<16xi32>], vector<16xf32>,
        %get3A_155 = arith.constant 1 : i32
        %get3A_156 = arith.index_cast %get3A_155 : i32 to index
        %get3A_157 = arith.constant 0 : index
        %get3A_158 = tpu.vector_load %arg7[%get3A_156, %get3A_157] {strides = array<i32>} : memref<16x128xf32, #tpu.memory_space<vmem>>, vector<16xf32>,
        %add3A_159 = arith.constant 0 : i32
        %add3A_160 = vector.broadcast %add3A_159 : i32 to vector<16xi32>
        %add3A_161 = arith.addi %select_n3A, %add3A_160 : vector<16xi32>
        %add3A_162 = arith.constant 1 : i32
        %add3A_163 = vector.broadcast %add3A_162 : i32 to vector<16xi32>
        %add3A_164 = arith.addi %mul3A_47, %add3A_163 : vector<16xi32>
        tpu.vector_store_idx %arg8[%add3A_161, %add3A_164], %get3A_158 : memref<16x128xf32, #tpu.memory_space<vmem>>[vector<16xi32>, vector<16xi32>], vector<16xf32>,
        %get3A_165 = arith.constant 1 : i32
        %get3A_166 = arith.index_cast %get3A_165 : i32 to index
        %get3A_167 = arith.constant 16 : index
        %get3A_168 = tpu.vector_load %arg7[%get3A_166, %get3A_167] {strides = array<i32>} : memref<16x128xf32, #tpu.memory_space<vmem>>, vector<16xf32>,
        %add3A_169 = arith.constant 2 : i32
        %add3A_170 = vector.broadcast %add3A_169 : i32 to vector<16xi32>
        %add3A_171 = arith.addi %select_n3A, %add3A_170 : vector<16xi32>
        %add3A_172 = arith.constant 1 : i32
        %add3A_173 = vector.broadcast %add3A_172 : i32 to vector<16xi32>
        %add3A_174 = arith.addi %mul3A_47, %add3A_173 : vector<16xi32>
        tpu.vector_store_idx %arg8[%add3A_171, %add3A_174], %get3A_168 : memref<16x128xf32, #tpu.memory_space<vmem>>[vector<16xi32>, vector<16xi32>], vector<16xf32>,
        %get3A_175 = arith.constant 1 : i32
        %get3A_176 = arith.index_cast %get3A_175 : i32 to index
        %get3A_177 = arith.constant 32 : index
        %get3A_178 = tpu.vector_load %arg7[%get3A_176, %get3A_177] {strides = array<i32>} : memref<16x128xf32, #tpu.memory_space<vmem>>, vector<16xf32>,
        %add3A_179 = arith.constant 4 : i32
        %add3A_180 = vector.broadcast %add3A_179 : i32 to vector<16xi32>
        %add3A_181 = arith.addi %select_n3A, %add3A_180 : vector<16xi32>
        %add3A_182 = arith.constant 1 : i32
        %add3A_183 = vector.broadcast %add3A_182 : i32 to vector<16xi32>
        %add3A_184 = arith.addi %mul3A_47, %add3A_183 : vector<16xi32>
        tpu.vector_store_idx %arg8[%add3A_181, %add3A_184], %get3A_178 : memref<16x128xf32, #tpu.memory_space<vmem>>[vector<16xi32>, vector<16xi32>], vector<16xf32>,
        %get3A_185 = arith.constant 1 : i32
        %get3A_186 = arith.index_cast %get3A_185 : i32 to index
        %get3A_187 = arith.constant 48 : index
        %get3A_188 = tpu.vector_load %arg7[%get3A_186, %get3A_187] {strides = array<i32>} : memref<16x128xf32, #tpu.memory_space<vmem>>, vector<16xf32>,
        %add3A_189 = arith.constant 6 : i32
        %add3A_190 = vector.broadcast %add3A_189 : i32 to vector<16xi32>
        %add3A_191 = arith.addi %select_n3A, %add3A_190 : vector<16xi32>
        %add3A_192 = arith.constant 1 : i32
        %add3A_193 = vector.broadcast %add3A_192 : i32 to vector<16xi32>
        %add3A_194 = arith.addi %mul3A_47, %add3A_193 : vector<16xi32>
        tpu.vector_store_idx %arg8[%add3A_191, %add3A_194], %get3A_188 : memref<16x128xf32, #tpu.memory_space<vmem>>[vector<16xi32>, vector<16xi32>], vector<16xf32>,
        %get3A_195 = arith.constant 1 : i32
        %get3A_196 = arith.index_cast %get3A_195 : i32 to index
        %get3A_197 = arith.constant 64 : index
        %get3A_198 = tpu.vector_load %arg7[%get3A_196, %get3A_197] {strides = array<i32>} : memref<16x128xf32, #tpu.memory_space<vmem>>, vector<16xf32>,
        %add3A_199 = arith.constant 8 : i32
        %add3A_200 = vector.broadcast %add3A_199 : i32 to vector<16xi32>
        %add3A_201 = arith.addi %select_n3A, %add3A_200 : vector<16xi32>
        %add3A_202 = arith.constant 1 : i32
        %add3A_203 = vector.broadcast %add3A_202 : i32 to vector<16xi32>
        %add3A_204 = arith.addi %mul3A_47, %add3A_203 : vector<16xi32>
        tpu.vector_store_idx %arg8[%add3A_201, %add3A_204], %get3A_198 : memref<16x128xf32, #tpu.memory_space<vmem>>[vector<16xi32>, vector<16xi32>], vector<16xf32>,
        %get3A_205 = arith.constant 1 : i32
        %get3A_206 = arith.index_cast %get3A_205 : i32 to index
        %get3A_207 = arith.constant 80 : index
        %get3A_208 = tpu.vector_load %arg7[%get3A_206, %get3A_207] {strides = array<i32>} : memref<16x128xf32, #tpu.memory_space<vmem>>, vector<16xf32>,
        %add3A_209 = arith.constant 10 : i32
        %add3A_210 = vector.broadcast %add3A_209 : i32 to vector<16xi32>
        %add3A_211 = arith.addi %select_n3A, %add3A_210 : vector<16xi32>
        %add3A_212 = arith.constant 1 : i32
        %add3A_213 = vector.broadcast %add3A_212 : i32 to vector<16xi32>
        %add3A_214 = arith.addi %mul3A_47, %add3A_213 : vector<16xi32>
        tpu.vector_store_idx %arg8[%add3A_211, %add3A_214], %get3A_208 : memref<16x128xf32, #tpu.memory_space<vmem>>[vector<16xi32>, vector<16xi32>], vector<16xf32>,
        %get3A_215 = arith.constant 1 : i32
        %get3A_216 = arith.index_cast %get3A_215 : i32 to index
        %get3A_217 = arith.constant 96 : index
        %get3A_218 = tpu.vector_load %arg7[%get3A_216, %get3A_217] {strides = array<i32>} : memref<16x128xf32, #tpu.memory_space<vmem>>, vector<16xf32>,
        %add3A_219 = arith.constant 12 : i32
        %add3A_220 = vector.broadcast %add3A_219 : i32 to vector<16xi32>
        %add3A_221 = arith.addi %select_n3A, %add3A_220 : vector<16xi32>
        %add3A_222 = arith.constant 1 : i32
        %add3A_223 = vector.broadcast %add3A_222 : i32 to vector<16xi32>
        %add3A_224 = arith.addi %mul3A_47, %add3A_223 : vector<16xi32>
        tpu.vector_store_idx %arg8[%add3A_221, %add3A_224], %get3A_218 : memref<16x128xf32, #tpu.memory_space<vmem>>[vector<16xi32>, vector<16xi32>], vector<16xf32>,
        %get3A_225 = arith.constant 1 : i32
        %get3A_226 = arith.index_cast %get3A_225 : i32 to index
        %get3A_227 = arith.constant 112 : index
        %get3A_228 = tpu.vector_load %arg7[%get3A_226, %get3A_227] {strides = array<i32>} : memref<16x128xf32, #tpu.memory_space<vmem>>, vector<16xf32>,
        %add3A_229 = arith.constant 14 : i32
        %add3A_230 = vector.broadcast %add3A_229 : i32 to vector<16xi32>
        %add3A_231 = arith.addi %select_n3A, %add3A_230 : vector<16xi32>
        %add3A_232 = arith.constant 1 : i32
        %add3A_233 = vector.broadcast %add3A_232 : i32 to vector<16xi32>
        %add3A_234 = arith.addi %mul3A_47, %add3A_233 : vector<16xi32>
        tpu.vector_store_idx %arg8[%add3A_231, %add3A_234], %get3A_228 : memref<16x128xf32, #tpu.memory_space<vmem>>[vector<16xi32>, vector<16xi32>], vector<16xf32>,
        %get3A_235 = arith.constant 2 : i32
        %get3A_236 = arith.index_cast %get3A_235 : i32 to index
        %get3A_237 = arith.constant 0 : index
        %get3A_238 = tpu.vector_load %arg7[%get3A_236, %get3A_237] {strides = array<i32>} : memref<16x128xf32, #tpu.memory_space<vmem>>, vector<16xf32>,
        %add3A_239 = arith.constant 0 : i32
        %add3A_240 = vector.broadcast %add3A_239 : i32 to vector<16xi32>
        %add3A_241 = arith.addi %select_n3A, %add3A_240 : vector<16xi32>
        %add3A_242 = arith.constant 2 : i32
        %add3A_243 = vector.broadcast %add3A_242 : i32 to vector<16xi32>
        %add3A_244 = arith.addi %mul3A_47, %add3A_243 : vector<16xi32>
        tpu.vector_store_idx %arg8[%add3A_241, %add3A_244], %get3A_238 : memref<16x128xf32, #tpu.memory_space<vmem>>[vector<16xi32>, vector<16xi32>], vector<16xf32>,
        %get3A_245 = arith.constant 2 : i32
        %get3A_246 = arith.index_cast %get3A_245 : i32 to index
        %get3A_247 = arith.constant 16 : index
        %get3A_248 = tpu.vector_load %arg7[%get3A_246, %get3A_247] {strides = array<i32>} : memref<16x128xf32, #tpu.memory_space<vmem>>, vector<16xf32>,
        %add3A_249 = arith.constant 2 : i32
        %add3A_250 = vector.broadcast %add3A_249 : i32 to vector<16xi32>
        %add3A_251 = arith.addi %select_n3A, %add3A_250 : vector<16xi32>
        %add3A_252 = arith.constant 2 : i32
        %add3A_253 = vector.broadcast %add3A_252 : i32 to vector<16xi32>
        %add3A_254 = arith.addi %mul3A_47, %add3A_253 : vector<16xi32>
        tpu.vector_store_idx %arg8[%add3A_251, %add3A_254], %get3A_248 : memref<16x128xf32, #tpu.memory_space<vmem>>[vector<16xi32>, vector<16xi32>], vector<16xf32>,
        %get3A_255 = arith.constant 2 : i32
        %get3A_256 = arith.index_cast %get3A_255 : i32 to index
        %get3A_257 = arith.constant 32 : index
        %get3A_258 = tpu.vector_load %arg7[%get3A_256, %get3A_257] {strides = array<i32>} : memref<16x128xf32, #tpu.memory_space<vmem>>, vector<16xf32>,
        %add3A_259 = arith.constant 4 : i32
        %add3A_260 = vector.broadcast %add3A_259 : i32 to vector<16xi32>
        %add3A_261 = arith.addi %select_n3A, %add3A_260 : vector<16xi32>
        %add3A_262 = arith.constant 2 : i32
        %add3A_263 = vector.broadcast %add3A_262 : i32 to vector<16xi32>
        %add3A_264 = arith.addi %mul3A_47, %add3A_263 : vector<16xi32>
        tpu.vector_store_idx %arg8[%add3A_261, %add3A_264], %get3A_258 : memref<16x128xf32, #tpu.memory_space<vmem>>[vector<16xi32>, vector<16xi32>], vector<16xf32>,
        %get3A_265 = arith.constant 2 : i32
        %get3A_266 = arith.index_cast %get3A_265 : i32 to index
        %get3A_267 = arith.constant 48 : index
        %get3A_268 = tpu.vector_load %arg7[%get3A_266, %get3A_267] {strides = array<i32>} : memref<16x128xf32, #tpu.memory_space<vmem>>, vector<16xf32>,
        %add3A_269 = arith.constant 6 : i32
        %add3A_270 = vector.broadcast %add3A_269 : i32 to vector<16xi32>
        %add3A_271 = arith.addi %select_n3A, %add3A_270 : vector<16xi32>
        %add3A_272 = arith.constant 2 : i32
        %add3A_273 = vector.broadcast %add3A_272 : i32 to vector<16xi32>
        %add3A_274 = arith.addi %mul3A_47, %add3A_273 : vector<16xi32>
        tpu.vector_store_idx %arg8[%add3A_271, %add3A_274], %get3A_268 : memref<16x128xf32, #tpu.memory_space<vmem>>[vector<16xi32>, vector<16xi32>], vector<16xf32>,
        %get3A_275 = arith.constant 2 : i32
        %get3A_276 = arith.index_cast %get3A_275 : i32 to index
        %get3A_277 = arith.constant 64 : index
        %get3A_278 = tpu.vector_load %arg7[%get3A_276, %get3A_277] {strides = array<i32>} : memref<16x128xf32, #tpu.memory_space<vmem>>, vector<16xf32>,
        %add3A_279 = arith.constant 8 : i32
        %add3A_280 = vector.broadcast %add3A_279 : i32 to vector<16xi32>
        %add3A_281 = arith.addi %select_n3A, %add3A_280 : vector<16xi32>
        %add3A_282 = arith.constant 2 : i32
        %add3A_283 = vector.broadcast %add3A_282 : i32 to vector<16xi32>
        %add3A_284 = arith.addi %mul3A_47, %add3A_283 : vector<16xi32>
        tpu.vector_store_idx %arg8[%add3A_281, %add3A_284], %get3A_278 : memref<16x128xf32, #tpu.memory_space<vmem>>[vector<16xi32>, vector<16xi32>], vector<16xf32>,
        %get3A_285 = arith.constant 2 : i32
        %get3A_286 = arith.index_cast %get3A_285 : i32 to index
        %get3A_287 = arith.constant 80 : index
        %get3A_288 = tpu.vector_load %arg7[%get3A_286, %get3A_287] {strides = array<i32>} : memref<16x128xf32, #tpu.memory_space<vmem>>, vector<16xf32>,
        %add3A_289 = arith.constant 10 : i32
        %add3A_290 = vector.broadcast %add3A_289 : i32 to vector<16xi32>
        %add3A_291 = arith.addi %select_n3A, %add3A_290 : vector<16xi32>
        %add3A_292 = arith.constant 2 : i32
        %add3A_293 = vector.broadcast %add3A_292 : i32 to vector<16xi32>
        %add3A_294 = arith.addi %mul3A_47, %add3A_293 : vector<16xi32>
        tpu.vector_store_idx %arg8[%add3A_291, %add3A_294], %get3A_288 : memref<16x128xf32, #tpu.memory_space<vmem>>[vector<16xi32>, vector<16xi32>], vector<16xf32>,
        %get3A_295 = arith.constant 2 : i32
        %get3A_296 = arith.index_cast %get3A_295 : i32 to index
        %get3A_297 = arith.constant 96 : index
        %get3A_298 = tpu.vector_load %arg7[%get3A_296, %get3A_297] {strides = array<i32>} : memref<16x128xf32, #tpu.memory_space<vmem>>, vector<16xf32>,
        %add3A_299 = arith.constant 12 : i32
        %add3A_300 = vector.broadcast %add3A_299 : i32 to vector<16xi32>
        %add3A_301 = arith.addi %select_n3A, %add3A_300 : vector<16xi32>
        %add3A_302 = arith.constant 2 : i32
        %add3A_303 = vector.broadcast %add3A_302 : i32 to vector<16xi32>
        %add3A_304 = arith.addi %mul3A_47, %add3A_303 : vector<16xi32>
        tpu.vector_store_idx %arg8[%add3A_301, %add3A_304], %get3A_298 : memref<16x128xf32, #tpu.memory_space<vmem>>[vector<16xi32>, vector<16xi32>], vector<16xf32>,
        %get3A_305 = arith.constant 2 : i32
        %get3A_306 = arith.index_cast %get3A_305 : i32 to index
        %get3A_307 = arith.constant 112 : index
        %get3A_308 = tpu.vector_load %arg7[%get3A_306, %get3A_307] {strides = array<i32>} : memref<16x128xf32, #tpu.memory_space<vmem>>, vector<16xf32>,
        %add3A_309 = arith.constant 14 : i32
        %add3A_310 = vector.broadcast %add3A_309 : i32 to vector<16xi32>
        %add3A_311 = arith.addi %select_n3A, %add3A_310 : vector<16xi32>
        %add3A_312 = arith.constant 2 : i32
        %add3A_313 = vector.broadcast %add3A_312 : i32 to vector<16xi32>
        %add3A_314 = arith.addi %mul3A_47, %add3A_313 : vector<16xi32>
        tpu.vector_store_idx %arg8[%add3A_311, %add3A_314], %get3A_308 : memref<16x128xf32, #tpu.memory_space<vmem>>[vector<16xi32>, vector<16xi32>], vector<16xf32>,
        %get3A_315 = arith.constant 3 : i32
        %get3A_316 = arith.index_cast %get3A_315 : i32 to index
        %get3A_317 = arith.constant 0 : index
        %get3A_318 = tpu.vector_load %arg7[%get3A_316, %get3A_317] {strides = array<i32>} : memref<16x128xf32, #tpu.memory_space<vmem>>, vector<16xf32>,
        %add3A_319 = arith.constant 0 : i32
        %add3A_320 = vector.broadcast %add3A_319 : i32 to vector<16xi32>
        %add3A_321 = arith.addi %select_n3A, %add3A_320 : vector<16xi32>
        %add3A_322 = arith.constant 3 : i32
        %add3A_323 = vector.broadcast %add3A_322 : i32 to vector<16xi32>
        %add3A_324 = arith.addi %mul3A_47, %add3A_323 : vector<16xi32>
        tpu.vector_store_idx %arg8[%add3A_321, %add3A_324], %get3A_318 : memref<16x128xf32, #tpu.memory_space<vmem>>[vector<16xi32>, vector<16xi32>], vector<16xf32>,
        %get3A_325 = arith.constant 3 : i32
        %get3A_326 = arith.index_cast %get3A_325 : i32 to index
        %get3A_327 = arith.constant 16 : index
        %get3A_328 = tpu.vector_load %arg7[%get3A_326, %get3A_327] {strides = array<i32>} : memref<16x128xf32, #tpu.memory_space<vmem>>, vector<16xf32>,
        %add3A_329 = arith.constant 2 : i32
        %add3A_330 = vector.broadcast %add3A_329 : i32 to vector<16xi32>
        %add3A_331 = arith.addi %select_n3A, %add3A_330 : vector<16xi32>
        %add3A_332 = arith.constant 3 : i32
        %add3A_333 = vector.broadcast %add3A_332 : i32 to vector<16xi32>
        %add3A_334 = arith.addi %mul3A_47, %add3A_333 : vector<16xi32>
        tpu.vector_store_idx %arg8[%add3A_331, %add3A_334], %get3A_328 : memref<16x128xf32, #tpu.memory_space<vmem>>[vector<16xi32>, vector<16xi32>], vector<16xf32>,
        %get3A_335 = arith.constant 3 : i32
        %get3A_336 = arith.index_cast %get3A_335 : i32 to index
        %get3A_337 = arith.constant 32 : index
        %get3A_338 = tpu.vector_load %arg7[%get3A_336, %get3A_337] {strides = array<i32>} : memref<16x128xf32, #tpu.memory_space<vmem>>, vector<16xf32>,
        %add3A_339 = arith.constant 4 : i32
        %add3A_340 = vector.broadcast %add3A_339 : i32 to vector<16xi32>
        %add3A_341 = arith.addi %select_n3A, %add3A_340 : vector<16xi32>
        %add3A_342 = arith.constant 3 : i32
        %add3A_343 = vector.broadcast %add3A_342 : i32 to vector<16xi32>
        %add3A_344 = arith.addi %mul3A_47, %add3A_343 : vector<16xi32>
        tpu.vector_store_idx %arg8[%add3A_341, %add3A_344], %get3A_338 : memref<16x128xf32, #tpu.memory_space<vmem>>[vector<16xi32>, vector<16xi32>], vector<16xf32>,
        %get3A_345 = arith.constant 3 : i32
        %get3A_346 = arith.index_cast %get3A_345 : i32 to index
        %get3A_347 = arith.constant 48 : index
        %get3A_348 = tpu.vector_load %arg7[%get3A_346, %get3A_347] {strides = array<i32>} : memref<16x128xf32, #tpu.memory_space<vmem>>, vector<16xf32>,
        %add3A_349 = arith.constant 6 : i32
        %add3A_350 = vector.broadcast %add3A_349 : i32 to vector<16xi32>
        %add3A_351 = arith.addi %select_n3A, %add3A_350 : vector<16xi32>
        %add3A_352 = arith.constant 3 : i32
        %add3A_353 = vector.broadcast %add3A_352 : i32 to vector<16xi32>
        %add3A_354 = arith.addi %mul3A_47, %add3A_353 : vector<16xi32>
        tpu.vector_store_idx %arg8[%add3A_351, %add3A_354], %get3A_348 : memref<16x128xf32, #tpu.memory_space<vmem>>[vector<16xi32>, vector<16xi32>], vector<16xf32>,
        %get3A_355 = arith.constant 3 : i32
        %get3A_356 = arith.index_cast %get3A_355 : i32 to index
        %get3A_357 = arith.constant 64 : index
        %get3A_358 = tpu.vector_load %arg7[%get3A_356, %get3A_357] {strides = array<i32>} : memref<16x128xf32, #tpu.memory_space<vmem>>, vector<16xf32>,
        %add3A_359 = arith.constant 8 : i32
        %add3A_360 = vector.broadcast %add3A_359 : i32 to vector<16xi32>
        %add3A_361 = arith.addi %select_n3A, %add3A_360 : vector<16xi32>
        %add3A_362 = arith.constant 3 : i32
        %add3A_363 = vector.broadcast %add3A_362 : i32 to vector<16xi32>
        %add3A_364 = arith.addi %mul3A_47, %add3A_363 : vector<16xi32>
        tpu.vector_store_idx %arg8[%add3A_361, %add3A_364], %get3A_358 : memref<16x128xf32, #tpu.memory_space<vmem>>[vector<16xi32>, vector<16xi32>], vector<16xf32>,
        %get3A_365 = arith.constant 3 : i32
        %get3A_366 = arith.index_cast %get3A_365 : i32 to index
        %get3A_367 = arith.constant 80 : index
        %get3A_368 = tpu.vector_load %arg7[%get3A_366, %get3A_367] {strides = array<i32>} : memref<16x128xf32, #tpu.memory_space<vmem>>, vector<16xf32>,
        %add3A_369 = arith.constant 10 : i32
        %add3A_370 = vector.broadcast %add3A_369 : i32 to vector<16xi32>
        %add3A_371 = arith.addi %select_n3A, %add3A_370 : vector<16xi32>
        %add3A_372 = arith.constant 3 : i32
        %add3A_373 = vector.broadcast %add3A_372 : i32 to vector<16xi32>
        %add3A_374 = arith.addi %mul3A_47, %add3A_373 : vector<16xi32>
        tpu.vector_store_idx %arg8[%add3A_371, %add3A_374], %get3A_368 : memref<16x128xf32, #tpu.memory_space<vmem>>[vector<16xi32>, vector<16xi32>], vector<16xf32>,
        %get3A_375 = arith.constant 3 : i32
        %get3A_376 = arith.index_cast %get3A_375 : i32 to index
        %get3A_377 = arith.constant 96 : index
        %get3A_378 = tpu.vector_load %arg7[%get3A_376, %get3A_377] {strides = array<i32>} : memref<16x128xf32, #tpu.memory_space<vmem>>, vector<16xf32>,
        %add3A_379 = arith.constant 12 : i32
        %add3A_380 = vector.broadcast %add3A_379 : i32 to vector<16xi32>
        %add3A_381 = arith.addi %select_n3A, %add3A_380 : vector<16xi32>
        %add3A_382 = arith.constant 3 : i32
        %add3A_383 = vector.broadcast %add3A_382 : i32 to vector<16xi32>
        %add3A_384 = arith.addi %mul3A_47, %add3A_383 : vector<16xi32>
        tpu.vector_store_idx %arg8[%add3A_381, %add3A_384], %get3A_378 : memref<16x128xf32, #tpu.memory_space<vmem>>[vector<16xi32>, vector<16xi32>], vector<16xf32>,
        %get3A_385 = arith.constant 3 : i32
        %get3A_386 = arith.index_cast %get3A_385 : i32 to index
        %get3A_387 = arith.constant 112 : index
        %get3A_388 = tpu.vector_load %arg7[%get3A_386, %get3A_387] {strides = array<i32>} : memref<16x128xf32, #tpu.memory_space<vmem>>, vector<16xf32>,
        %add3A_389 = arith.constant 14 : i32
        %add3A_390 = vector.broadcast %add3A_389 : i32 to vector<16xi32>
        %add3A_391 = arith.addi %select_n3A, %add3A_390 : vector<16xi32>
        %add3A_392 = arith.constant 3 : i32
        %add3A_393 = vector.broadcast %add3A_392 : i32 to vector<16xi32>
        %add3A_394 = arith.addi %mul3A_47, %add3A_393 : vector<16xi32>
        tpu.vector_store_idx %arg8[%add3A_391, %add3A_394], %get3A_388 : memref<16x128xf32, #tpu.memory_space<vmem>>[vector<16xi32>, vector<16xi32>], vector<16xf32>,
        %get3A_395 = arith.constant 4 : i32
        %get3A_396 = arith.index_cast %get3A_395 : i32 to index
        %get3A_397 = arith.constant 0 : index
        %get3A_398 = tpu.vector_load %arg7[%get3A_396, %get3A_397] {strides = array<i32>} : memref<16x128xf32, #tpu.memory_space<vmem>>, vector<16xf32>,
        %add3A_399 = arith.constant 0 : i32
        %add3A_400 = vector.broadcast %add3A_399 : i32 to vector<16xi32>
        %add3A_401 = arith.addi %select_n3A, %add3A_400 : vector<16xi32>
        %add3A_402 = arith.constant 4 : i32
        %add3A_403 = vector.broadcast %add3A_402 : i32 to vector<16xi32>
        %add3A_404 = arith.addi %mul3A_47, %add3A_403 : vector<16xi32>
        tpu.vector_store_idx %arg8[%add3A_401, %add3A_404], %get3A_398 : memref<16x128xf32, #tpu.memory_space<vmem>>[vector<16xi32>, vector<16xi32>], vector<16xf32>,
        %get3A_405 = arith.constant 4 : i32
        %get3A_406 = arith.index_cast %get3A_405 : i32 to index
        %get3A_407 = arith.constant 16 : index
        %get3A_408 = tpu.vector_load %arg7[%get3A_406, %get3A_407] {strides = array<i32>} : memref<16x128xf32, #tpu.memory_space<vmem>>, vector<16xf32>,
        %add3A_409 = arith.constant 2 : i32
        %add3A_410 = vector.broadcast %add3A_409 : i32 to vector<16xi32>
        %add3A_411 = arith.addi %select_n3A, %add3A_410 : vector<16xi32>
        %add3A_412 = arith.constant 4 : i32
        %add3A_413 = vector.broadcast %add3A_412 : i32 to vector<16xi32>
        %add3A_414 = arith.addi %mul3A_47, %add3A_413 : vector<16xi32>
        tpu.vector_store_idx %arg8[%add3A_411, %add3A_414], %get3A_408 : memref<16x128xf32, #tpu.memory_space<vmem>>[vector<16xi32>, vector<16xi32>], vector<16xf32>,
        %get3A_415 = arith.constant 4 : i32
        %get3A_416 = arith.index_cast %get3A_415 : i32 to index
        %get3A_417 = arith.constant 32 : index
        %get3A_418 = tpu.vector_load %arg7[%get3A_416, %get3A_417] {strides = array<i32>} : memref<16x128xf32, #tpu.memory_space<vmem>>, vector<16xf32>,
        %add3A_419 = arith.constant 4 : i32
        %add3A_420 = vector.broadcast %add3A_419 : i32 to vector<16xi32>
        %add3A_421 = arith.addi %select_n3A, %add3A_420 : vector<16xi32>
        %add3A_422 = arith.constant 4 : i32
        %add3A_423 = vector.broadcast %add3A_422 : i32 to vector<16xi32>
        %add3A_424 = arith.addi %mul3A_47, %add3A_423 : vector<16xi32>
        tpu.vector_store_idx %arg8[%add3A_421, %add3A_424], %get3A_418 : memref<16x128xf32, #tpu.memory_space<vmem>>[vector<16xi32>, vector<16xi32>], vector<16xf32>,
        %get3A_425 = arith.constant 4 : i32
        %get3A_426 = arith.index_cast %get3A_425 : i32 to index
        %get3A_427 = arith.constant 48 : index
        %get3A_428 = tpu.vector_load %arg7[%get3A_426, %get3A_427] {strides = array<i32>} : memref<16x128xf32, #tpu.memory_space<vmem>>, vector<16xf32>,
        %add3A_429 = arith.constant 6 : i32
        %add3A_430 = vector.broadcast %add3A_429 : i32 to vector<16xi32>
        %add3A_431 = arith.addi %select_n3A, %add3A_430 : vector<16xi32>
        %add3A_432 = arith.constant 4 : i32
        %add3A_433 = vector.broadcast %add3A_432 : i32 to vector<16xi32>
        %add3A_434 = arith.addi %mul3A_47, %add3A_433 : vector<16xi32>
        tpu.vector_store_idx %arg8[%add3A_431, %add3A_434], %get3A_428 : memref<16x128xf32, #tpu.memory_space<vmem>>[vector<16xi32>, vector<16xi32>], vector<16xf32>,
        %get3A_435 = arith.constant 4 : i32
        %get3A_436 = arith.index_cast %get3A_435 : i32 to index
        %get3A_437 = arith.constant 64 : index
        %get3A_438 = tpu.vector_load %arg7[%get3A_436, %get3A_437] {strides = array<i32>} : memref<16x128xf32, #tpu.memory_space<vmem>>, vector<16xf32>,
        %add3A_439 = arith.constant 8 : i32
        %add3A_440 = vector.broadcast %add3A_439 : i32 to vector<16xi32>
        %add3A_441 = arith.addi %select_n3A, %add3A_440 : vector<16xi32>
        %add3A_442 = arith.constant 4 : i32
        %add3A_443 = vector.broadcast %add3A_442 : i32 to vector<16xi32>
        %add3A_444 = arith.addi %mul3A_47, %add3A_443 : vector<16xi32>
        tpu.vector_store_idx %arg8[%add3A_441, %add3A_444], %get3A_438 : memref<16x128xf32, #tpu.memory_space<vmem>>[vector<16xi32>, vector<16xi32>], vector<16xf32>,
        %get3A_445 = arith.constant 4 : i32
        %get3A_446 = arith.index_cast %get3A_445 : i32 to index
        %get3A_447 = arith.constant 80 : index
        %get3A_448 = tpu.vector_load %arg7[%get3A_446, %get3A_447] {strides = array<i32>} : memref<16x128xf32, #tpu.memory_space<vmem>>, vector<16xf32>,
        %add3A_449 = arith.constant 10 : i32
        %add3A_450 = vector.broadcast %add3A_449 : i32 to vector<16xi32>
        %add3A_451 = arith.addi %select_n3A, %add3A_450 : vector<16xi32>
        %add3A_452 = arith.constant 4 : i32
        %add3A_453 = vector.broadcast %add3A_452 : i32 to vector<16xi32>
        %add3A_454 = arith.addi %mul3A_47, %add3A_453 : vector<16xi32>
        tpu.vector_store_idx %arg8[%add3A_451, %add3A_454], %get3A_448 : memref<16x128xf32, #tpu.memory_space<vmem>>[vector<16xi32>, vector<16xi32>], vector<16xf32>,
        %get3A_455 = arith.constant 4 : i32
        %get3A_456 = arith.index_cast %get3A_455 : i32 to index
        %get3A_457 = arith.constant 96 : index
        %get3A_458 = tpu.vector_load %arg7[%get3A_456, %get3A_457] {strides = array<i32>} : memref<16x128xf32, #tpu.memory_space<vmem>>, vector<16xf32>,
        %add3A_459 = arith.constant 12 : i32
        %add3A_460 = vector.broadcast %add3A_459 : i32 to vector<16xi32>
        %add3A_461 = arith.addi %select_n3A, %add3A_460 : vector<16xi32>
        %add3A_462 = arith.constant 4 : i32
        %add3A_463 = vector.broadcast %add3A_462 : i32 to vector<16xi32>
        %add3A_464 = arith.addi %mul3A_47, %add3A_463 : vector<16xi32>
        tpu.vector_store_idx %arg8[%add3A_461, %add3A_464], %get3A_458 : memref<16x128xf32, #tpu.memory_space<vmem>>[vector<16xi32>, vector<16xi32>], vector<16xf32>,
        %get3A_465 = arith.constant 4 : i32
        %get3A_466 = arith.index_cast %get3A_465 : i32 to index
        %get3A_467 = arith.constant 112 : index
        %get3A_468 = tpu.vector_load %arg7[%get3A_466, %get3A_467] {strides = array<i32>} : memref<16x128xf32, #tpu.memory_space<vmem>>, vector<16xf32>,
        %add3A_469 = arith.constant 14 : i32
        %add3A_470 = vector.broadcast %add3A_469 : i32 to vector<16xi32>
        %add3A_471 = arith.addi %select_n3A, %add3A_470 : vector<16xi32>
        %add3A_472 = arith.constant 4 : i32
        %add3A_473 = vector.broadcast %add3A_472 : i32 to vector<16xi32>
        %add3A_474 = arith.addi %mul3A_47, %add3A_473 : vector<16xi32>
        tpu.vector_store_idx %arg8[%add3A_471, %add3A_474], %get3A_468 : memref<16x128xf32, #tpu.memory_space<vmem>>[vector<16xi32>, vector<16xi32>], vector<16xf32>,
        %get3A_475 = arith.constant 5 : i32
        %get3A_476 = arith.index_cast %get3A_475 : i32 to index
        %get3A_477 = arith.constant 0 : index
        %get3A_478 = tpu.vector_load %arg7[%get3A_476, %get3A_477] {strides = array<i32>} : memref<16x128xf32, #tpu.memory_space<vmem>>, vector<16xf32>,
        %add3A_479 = arith.constant 0 : i32
        %add3A_480 = vector.broadcast %add3A_479 : i32 to vector<16xi32>
        %add3A_481 = arith.addi %select_n3A, %add3A_480 : vector<16xi32>
        %add3A_482 = arith.constant 5 : i32
        %add3A_483 = vector.broadcast %add3A_482 : i32 to vector<16xi32>
        %add3A_484 = arith.addi %mul3A_47, %add3A_483 : vector<16xi32>
        tpu.vector_store_idx %arg8[%add3A_481, %add3A_484], %get3A_478 : memref<16x128xf32, #tpu.memory_space<vmem>>[vector<16xi32>, vector<16xi32>], vector<16xf32>,
        %get3A_485 = arith.constant 5 : i32
        %get3A_486 = arith.index_cast %get3A_485 : i32 to index
        %get3A_487 = arith.constant 16 : index
        %get3A_488 = tpu.vector_load %arg7[%get3A_486, %get3A_487] {strides = array<i32>} : memref<16x128xf32, #tpu.memory_space<vmem>>, vector<16xf32>,
        %add3A_489 = arith.constant 2 : i32
        %add3A_490 = vector.broadcast %add3A_489 : i32 to vector<16xi32>
        %add3A_491 = arith.addi %select_n3A, %add3A_490 : vector<16xi32>
        %add3A_492 = arith.constant 5 : i32
        %add3A_493 = vector.broadcast %add3A_492 : i32 to vector<16xi32>
        %add3A_494 = arith.addi %mul3A_47, %add3A_493 : vector<16xi32>
        tpu.vector_store_idx %arg8[%add3A_491, %add3A_494], %get3A_488 : memref<16x128xf32, #tpu.memory_space<vmem>>[vector<16xi32>, vector<16xi32>], vector<16xf32>,
        %get3A_495 = arith.constant 5 : i32
        %get3A_496 = arith.index_cast %get3A_495 : i32 to index
        %get3A_497 = arith.constant 32 : index
        %get3A_498 = tpu.vector_load %arg7[%get3A_496, %get3A_497] {strides = array<i32>} : memref<16x128xf32, #tpu.memory_space<vmem>>, vector<16xf32>,
        %add3A_499 = arith.constant 4 : i32
        %add3A_500 = vector.broadcast %add3A_499 : i32 to vector<16xi32>
        %add3A_501 = arith.addi %select_n3A, %add3A_500 : vector<16xi32>
        %add3A_502 = arith.constant 5 : i32
        %add3A_503 = vector.broadcast %add3A_502 : i32 to vector<16xi32>
        %add3A_504 = arith.addi %mul3A_47, %add3A_503 : vector<16xi32>
        tpu.vector_store_idx %arg8[%add3A_501, %add3A_504], %get3A_498 : memref<16x128xf32, #tpu.memory_space<vmem>>[vector<16xi32>, vector<16xi32>], vector<16xf32>,
        %get3A_505 = arith.constant 5 : i32
        %get3A_506 = arith.index_cast %get3A_505 : i32 to index
        %get3A_507 = arith.constant 48 : index
        %get3A_508 = tpu.vector_load %arg7[%get3A_506, %get3A_507] {strides = array<i32>} : memref<16x128xf32, #tpu.memory_space<vmem>>, vector<16xf32>,
        %add3A_509 = arith.constant 6 : i32
        %add3A_510 = vector.broadcast %add3A_509 : i32 to vector<16xi32>
        %add3A_511 = arith.addi %select_n3A, %add3A_510 : vector<16xi32>
        %add3A_512 = arith.constant 5 : i32
        %add3A_513 = vector.broadcast %add3A_512 : i32 to vector<16xi32>
        %add3A_514 = arith.addi %mul3A_47, %add3A_513 : vector<16xi32>
        tpu.vector_store_idx %arg8[%add3A_511, %add3A_514], %get3A_508 : memref<16x128xf32, #tpu.memory_space<vmem>>[vector<16xi32>, vector<16xi32>], vector<16xf32>,
        %get3A_515 = arith.constant 5 : i32
        %get3A_516 = arith.index_cast %get3A_515 : i32 to index
        %get3A_517 = arith.constant 64 : index
        %get3A_518 = tpu.vector_load %arg7[%get3A_516, %get3A_517] {strides = array<i32>} : memref<16x128xf32, #tpu.memory_space<vmem>>, vector<16xf32>,
        %add3A_519 = arith.constant 8 : i32
        %add3A_520 = vector.broadcast %add3A_519 : i32 to vector<16xi32>
        %add3A_521 = arith.addi %select_n3A, %add3A_520 : vector<16xi32>
        %add3A_522 = arith.constant 5 : i32
        %add3A_523 = vector.broadcast %add3A_522 : i32 to vector<16xi32>
        %add3A_524 = arith.addi %mul3A_47, %add3A_523 : vector<16xi32>
        tpu.vector_store_idx %arg8[%add3A_521, %add3A_524], %get3A_518 : memref<16x128xf32, #tpu.memory_space<vmem>>[vector<16xi32>, vector<16xi32>], vector<16xf32>,
        %get3A_525 = arith.constant 5 : i32
        %get3A_526 = arith.index_cast %get3A_525 : i32 to index
        %get3A_527 = arith.constant 80 : index
        %get3A_528 = tpu.vector_load %arg7[%get3A_526, %get3A_527] {strides = array<i32>} : memref<16x128xf32, #tpu.memory_space<vmem>>, vector<16xf32>,
        %add3A_529 = arith.constant 10 : i32
        %add3A_530 = vector.broadcast %add3A_529 : i32 to vector<16xi32>
        %add3A_531 = arith.addi %select_n3A, %add3A_530 : vector<16xi32>
        %add3A_532 = arith.constant 5 : i32
        %add3A_533 = vector.broadcast %add3A_532 : i32 to vector<16xi32>
        %add3A_534 = arith.addi %mul3A_47, %add3A_533 : vector<16xi32>
        tpu.vector_store_idx %arg8[%add3A_531, %add3A_534], %get3A_528 : memref<16x128xf32, #tpu.memory_space<vmem>>[vector<16xi32>, vector<16xi32>], vector<16xf32>,
        %get3A_535 = arith.constant 5 : i32
        %get3A_536 = arith.index_cast %get3A_535 : i32 to index
        %get3A_537 = arith.constant 96 : index
        %get3A_538 = tpu.vector_load %arg7[%get3A_536, %get3A_537] {strides = array<i32>} : memref<16x128xf32, #tpu.memory_space<vmem>>, vector<16xf32>,
        %add3A_539 = arith.constant 12 : i32
        %add3A_540 = vector.broadcast %add3A_539 : i32 to vector<16xi32>
        %add3A_541 = arith.addi %select_n3A, %add3A_540 : vector<16xi32>
        %add3A_542 = arith.constant 5 : i32
        %add3A_543 = vector.broadcast %add3A_542 : i32 to vector<16xi32>
        %add3A_544 = arith.addi %mul3A_47, %add3A_543 : vector<16xi32>
        tpu.vector_store_idx %arg8[%add3A_541, %add3A_544], %get3A_538 : memref<16x128xf32, #tpu.memory_space<vmem>>[vector<16xi32>, vector<16xi32>], vector<16xf32>,
        %get3A_545 = arith.constant 5 : i32
        %get3A_546 = arith.index_cast %get3A_545 : i32 to index
        %get3A_547 = arith.constant 112 : index
        %get3A_548 = tpu.vector_load %arg7[%get3A_546, %get3A_547] {strides = array<i32>} : memref<16x128xf32, #tpu.memory_space<vmem>>, vector<16xf32>,
        %add3A_549 = arith.constant 14 : i32
        %add3A_550 = vector.broadcast %add3A_549 : i32 to vector<16xi32>
        %add3A_551 = arith.addi %select_n3A, %add3A_550 : vector<16xi32>
        %add3A_552 = arith.constant 5 : i32
        %add3A_553 = vector.broadcast %add3A_552 : i32 to vector<16xi32>
        %add3A_554 = arith.addi %mul3A_47, %add3A_553 : vector<16xi32>
        tpu.vector_store_idx %arg8[%add3A_551, %add3A_554], %get3A_548 : memref<16x128xf32, #tpu.memory_space<vmem>>[vector<16xi32>, vector<16xi32>], vector<16xf32>,
        %get3A_555 = arith.constant 6 : i32
        %get3A_556 = arith.index_cast %get3A_555 : i32 to index
        %get3A_557 = arith.constant 0 : index
        %get3A_558 = tpu.vector_load %arg7[%get3A_556, %get3A_557] {strides = array<i32>} : memref<16x128xf32, #tpu.memory_space<vmem>>, vector<16xf32>,
        %add3A_559 = arith.constant 0 : i32
        %add3A_560 = vector.broadcast %add3A_559 : i32 to vector<16xi32>
        %add3A_561 = arith.addi %select_n3A, %add3A_560 : vector<16xi32>
        %add3A_562 = arith.constant 6 : i32
        %add3A_563 = vector.broadcast %add3A_562 : i32 to vector<16xi32>
        %add3A_564 = arith.addi %mul3A_47, %add3A_563 : vector<16xi32>
        tpu.vector_store_idx %arg8[%add3A_561, %add3A_564], %get3A_558 : memref<16x128xf32, #tpu.memory_space<vmem>>[vector<16xi32>, vector<16xi32>], vector<16xf32>,
        %get3A_565 = arith.constant 6 : i32
        %get3A_566 = arith.index_cast %get3A_565 : i32 to index
        %get3A_567 = arith.constant 16 : index
        %get3A_568 = tpu.vector_load %arg7[%get3A_566, %get3A_567] {strides = array<i32>} : memref<16x128xf32, #tpu.memory_space<vmem>>, vector<16xf32>,
        %add3A_569 = arith.constant 2 : i32
        %add3A_570 = vector.broadcast %add3A_569 : i32 to vector<16xi32>
        %add3A_571 = arith.addi %select_n3A, %add3A_570 : vector<16xi32>
        %add3A_572 = arith.constant 6 : i32
        %add3A_573 = vector.broadcast %add3A_572 : i32 to vector<16xi32>
        %add3A_574 = arith.addi %mul3A_47, %add3A_573 : vector<16xi32>
        tpu.vector_store_idx %arg8[%add3A_571, %add3A_574], %get3A_568 : memref<16x128xf32, #tpu.memory_space<vmem>>[vector<16xi32>, vector<16xi32>], vector<16xf32>,
        %get3A_575 = arith.constant 6 : i32
        %get3A_576 = arith.index_cast %get3A_575 : i32 to index
        %get3A_577 = arith.constant 32 : index
        %get3A_578 = tpu.vector_load %arg7[%get3A_576, %get3A_577] {strides = array<i32>} : memref<16x128xf32, #tpu.memory_space<vmem>>, vector<16xf32>,
        %add3A_579 = arith.constant 4 : i32
        %add3A_580 = vector.broadcast %add3A_579 : i32 to vector<16xi32>
        %add3A_581 = arith.addi %select_n3A, %add3A_580 : vector<16xi32>
        %add3A_582 = arith.constant 6 : i32
        %add3A_583 = vector.broadcast %add3A_582 : i32 to vector<16xi32>
        %add3A_584 = arith.addi %mul3A_47, %add3A_583 : vector<16xi32>
        tpu.vector_store_idx %arg8[%add3A_581, %add3A_584], %get3A_578 : memref<16x128xf32, #tpu.memory_space<vmem>>[vector<16xi32>, vector<16xi32>], vector<16xf32>,
        %get3A_585 = arith.constant 6 : i32
        %get3A_586 = arith.index_cast %get3A_585 : i32 to index
        %get3A_587 = arith.constant 48 : index
        %get3A_588 = tpu.vector_load %arg7[%get3A_586, %get3A_587] {strides = array<i32>} : memref<16x128xf32, #tpu.memory_space<vmem>>, vector<16xf32>,
        %add3A_589 = arith.constant 6 : i32
        %add3A_590 = vector.broadcast %add3A_589 : i32 to vector<16xi32>
        %add3A_591 = arith.addi %select_n3A, %add3A_590 : vector<16xi32>
        %add3A_592 = arith.constant 6 : i32
        %add3A_593 = vector.broadcast %add3A_592 : i32 to vector<16xi32>
        %add3A_594 = arith.addi %mul3A_47, %add3A_593 : vector<16xi32>
        tpu.vector_store_idx %arg8[%add3A_591, %add3A_594], %get3A_588 : memref<16x128xf32, #tpu.memory_space<vmem>>[vector<16xi32>, vector<16xi32>], vector<16xf32>,
        %get3A_595 = arith.constant 6 : i32
        %get3A_596 = arith.index_cast %get3A_595 : i32 to index
        %get3A_597 = arith.constant 64 : index
        %get3A_598 = tpu.vector_load %arg7[%get3A_596, %get3A_597] {strides = array<i32>} : memref<16x128xf32, #tpu.memory_space<vmem>>, vector<16xf32>,
        %add3A_599 = arith.constant 8 : i32
        %add3A_600 = vector.broadcast %add3A_599 : i32 to vector<16xi32>
        %add3A_601 = arith.addi %select_n3A, %add3A_600 : vector<16xi32>
        %add3A_602 = arith.constant 6 : i32
        %add3A_603 = vector.broadcast %add3A_602 : i32 to vector<16xi32>
        %add3A_604 = arith.addi %mul3A_47, %add3A_603 : vector<16xi32>
        tpu.vector_store_idx %arg8[%add3A_601, %add3A_604], %get3A_598 : memref<16x128xf32, #tpu.memory_space<vmem>>[vector<16xi32>, vector<16xi32>], vector<16xf32>,
        %get3A_605 = arith.constant 6 : i32
        %get3A_606 = arith.index_cast %get3A_605 : i32 to index
        %get3A_607 = arith.constant 80 : index
        %get3A_608 = tpu.vector_load %arg7[%get3A_606, %get3A_607] {strides = array<i32>} : memref<16x128xf32, #tpu.memory_space<vmem>>, vector<16xf32>,
        %add3A_609 = arith.constant 10 : i32
        %add3A_610 = vector.broadcast %add3A_609 : i32 to vector<16xi32>
        %add3A_611 = arith.addi %select_n3A, %add3A_610 : vector<16xi32>
        %add3A_612 = arith.constant 6 : i32
        %add3A_613 = vector.broadcast %add3A_612 : i32 to vector<16xi32>
        %add3A_614 = arith.addi %mul3A_47, %add3A_613 : vector<16xi32>
        tpu.vector_store_idx %arg8[%add3A_611, %add3A_614], %get3A_608 : memref<16x128xf32, #tpu.memory_space<vmem>>[vector<16xi32>, vector<16xi32>], vector<16xf32>,
        %get3A_615 = arith.constant 6 : i32
        %get3A_616 = arith.index_cast %get3A_615 : i32 to index
        %get3A_617 = arith.constant 96 : index
        %get3A_618 = tpu.vector_load %arg7[%get3A_616, %get3A_617] {strides = array<i32>} : memref<16x128xf32, #tpu.memory_space<vmem>>, vector<16xf32>,
        %add3A_619 = arith.constant 12 : i32
        %add3A_620 = vector.broadcast %add3A_619 : i32 to vector<16xi32>
        %add3A_621 = arith.addi %select_n3A, %add3A_620 : vector<16xi32>
        %add3A_622 = arith.constant 6 : i32
        %add3A_623 = vector.broadcast %add3A_622 : i32 to vector<16xi32>
        %add3A_624 = arith.addi %mul3A_47, %add3A_623 : vector<16xi32>
        tpu.vector_store_idx %arg8[%add3A_621, %add3A_624], %get3A_618 : memref<16x128xf32, #tpu.memory_space<vmem>>[vector<16xi32>, vector<16xi32>], vector<16xf32>,
        %get3A_625 = arith.constant 6 : i32
        %get3A_626 = arith.index_cast %get3A_625 : i32 to index
        %get3A_627 = arith.constant 112 : index
        %get3A_628 = tpu.vector_load %arg7[%get3A_626, %get3A_627] {strides = array<i32>} : memref<16x128xf32, #tpu.memory_space<vmem>>, vector<16xf32>,
        %add3A_629 = arith.constant 14 : i32
        %add3A_630 = vector.broadcast %add3A_629 : i32 to vector<16xi32>
        %add3A_631 = arith.addi %select_n3A, %add3A_630 : vector<16xi32>
        %add3A_632 = arith.constant 6 : i32
        %add3A_633 = vector.broadcast %add3A_632 : i32 to vector<16xi32>
        %add3A_634 = arith.addi %mul3A_47, %add3A_633 : vector<16xi32>
        tpu.vector_store_idx %arg8[%add3A_631, %add3A_634], %get3A_628 : memref<16x128xf32, #tpu.memory_space<vmem>>[vector<16xi32>, vector<16xi32>], vector<16xf32>,
        %get3A_635 = arith.constant 7 : i32
        %get3A_636 = arith.index_cast %get3A_635 : i32 to index
        %get3A_637 = arith.constant 0 : index
        %get3A_638 = tpu.vector_load %arg7[%get3A_636, %get3A_637] {strides = array<i32>} : memref<16x128xf32, #tpu.memory_space<vmem>>, vector<16xf32>,
        %add3A_639 = arith.constant 0 : i32
        %add3A_640 = vector.broadcast %add3A_639 : i32 to vector<16xi32>
        %add3A_641 = arith.addi %select_n3A, %add3A_640 : vector<16xi32>
        %add3A_642 = arith.constant 7 : i32
        %add3A_643 = vector.broadcast %add3A_642 : i32 to vector<16xi32>
        %add3A_644 = arith.addi %mul3A_47, %add3A_643 : vector<16xi32>
        tpu.vector_store_idx %arg8[%add3A_641, %add3A_644], %get3A_638 : memref<16x128xf32, #tpu.memory_space<vmem>>[vector<16xi32>, vector<16xi32>], vector<16xf32>,
        %get3A_645 = arith.constant 7 : i32
        %get3A_646 = arith.index_cast %get3A_645 : i32 to index
        %get3A_647 = arith.constant 16 : index
        %get3A_648 = tpu.vector_load %arg7[%get3A_646, %get3A_647] {strides = array<i32>} : memref<16x128xf32, #tpu.memory_space<vmem>>, vector<16xf32>,
        %add3A_649 = arith.constant 2 : i32
        %add3A_650 = vector.broadcast %add3A_649 : i32 to vector<16xi32>
        %add3A_651 = arith.addi %select_n3A, %add3A_650 : vector<16xi32>
        %add3A_652 = arith.constant 7 : i32
        %add3A_653 = vector.broadcast %add3A_652 : i32 to vector<16xi32>
        %add3A_654 = arith.addi %mul3A_47, %add3A_653 : vector<16xi32>
        tpu.vector_store_idx %arg8[%add3A_651, %add3A_654], %get3A_648 : memref<16x128xf32, #tpu.memory_space<vmem>>[vector<16xi32>, vector<16xi32>], vector<16xf32>,
        %get3A_655 = arith.constant 7 : i32
        %get3A_656 = arith.index_cast %get3A_655 : i32 to index
        %get3A_657 = arith.constant 32 : index
        %get3A_658 = tpu.vector_load %arg7[%get3A_656, %get3A_657] {strides = array<i32>} : memref<16x128xf32, #tpu.memory_space<vmem>>, vector<16xf32>,
        %add3A_659 = arith.constant 4 : i32
        %add3A_660 = vector.broadcast %add3A_659 : i32 to vector<16xi32>
        %add3A_661 = arith.addi %select_n3A, %add3A_660 : vector<16xi32>
        %add3A_662 = arith.constant 7 : i32
        %add3A_663 = vector.broadcast %add3A_662 : i32 to vector<16xi32>
        %add3A_664 = arith.addi %mul3A_47, %add3A_663 : vector<16xi32>
        tpu.vector_store_idx %arg8[%add3A_661, %add3A_664], %get3A_658 : memref<16x128xf32, #tpu.memory_space<vmem>>[vector<16xi32>, vector<16xi32>], vector<16xf32>,
        %get3A_665 = arith.constant 7 : i32
        %get3A_666 = arith.index_cast %get3A_665 : i32 to index
        %get3A_667 = arith.constant 48 : index
        %get3A_668 = tpu.vector_load %arg7[%get3A_666, %get3A_667] {strides = array<i32>} : memref<16x128xf32, #tpu.memory_space<vmem>>, vector<16xf32>,
        %add3A_669 = arith.constant 6 : i32
        %add3A_670 = vector.broadcast %add3A_669 : i32 to vector<16xi32>
        %add3A_671 = arith.addi %select_n3A, %add3A_670 : vector<16xi32>
        %add3A_672 = arith.constant 7 : i32
        %add3A_673 = vector.broadcast %add3A_672 : i32 to vector<16xi32>
        %add3A_674 = arith.addi %mul3A_47, %add3A_673 : vector<16xi32>
        tpu.vector_store_idx %arg8[%add3A_671, %add3A_674], %get3A_668 : memref<16x128xf32, #tpu.memory_space<vmem>>[vector<16xi32>, vector<16xi32>], vector<16xf32>,
        %get3A_675 = arith.constant 7 : i32
        %get3A_676 = arith.index_cast %get3A_675 : i32 to index
        %get3A_677 = arith.constant 64 : index
        %get3A_678 = tpu.vector_load %arg7[%get3A_676, %get3A_677] {strides = array<i32>} : memref<16x128xf32, #tpu.memory_space<vmem>>, vector<16xf32>,
        %add3A_679 = arith.constant 8 : i32
        %add3A_680 = vector.broadcast %add3A_679 : i32 to vector<16xi32>
        %add3A_681 = arith.addi %select_n3A, %add3A_680 : vector<16xi32>
        %add3A_682 = arith.constant 7 : i32
        %add3A_683 = vector.broadcast %add3A_682 : i32 to vector<16xi32>
        %add3A_684 = arith.addi %mul3A_47, %add3A_683 : vector<16xi32>
        tpu.vector_store_idx %arg8[%add3A_681, %add3A_684], %get3A_678 : memref<16x128xf32, #tpu.memory_space<vmem>>[vector<16xi32>, vector<16xi32>], vector<16xf32>,
        %get3A_685 = arith.constant 7 : i32
        %get3A_686 = arith.index_cast %get3A_685 : i32 to index
        %get3A_687 = arith.constant 80 : index
        %get3A_688 = tpu.vector_load %arg7[%get3A_686, %get3A_687] {strides = array<i32>} : memref<16x128xf32, #tpu.memory_space<vmem>>, vector<16xf32>,
        %add3A_689 = arith.constant 10 : i32
        %add3A_690 = vector.broadcast %add3A_689 : i32 to vector<16xi32>
        %add3A_691 = arith.addi %select_n3A, %add3A_690 : vector<16xi32>
        %add3A_692 = arith.constant 7 : i32
        %add3A_693 = vector.broadcast %add3A_692 : i32 to vector<16xi32>
        %add3A_694 = arith.addi %mul3A_47, %add3A_693 : vector<16xi32>
        tpu.vector_store_idx %arg8[%add3A_691, %add3A_694], %get3A_688 : memref<16x128xf32, #tpu.memory_space<vmem>>[vector<16xi32>, vector<16xi32>], vector<16xf32>,
        %get3A_695 = arith.constant 7 : i32
        %get3A_696 = arith.index_cast %get3A_695 : i32 to index
        %get3A_697 = arith.constant 96 : index
        %get3A_698 = tpu.vector_load %arg7[%get3A_696, %get3A_697] {strides = array<i32>} : memref<16x128xf32, #tpu.memory_space<vmem>>, vector<16xf32>,
        %add3A_699 = arith.constant 12 : i32
        %add3A_700 = vector.broadcast %add3A_699 : i32 to vector<16xi32>
        %add3A_701 = arith.addi %select_n3A, %add3A_700 : vector<16xi32>
        %add3A_702 = arith.constant 7 : i32
        %add3A_703 = vector.broadcast %add3A_702 : i32 to vector<16xi32>
        %add3A_704 = arith.addi %mul3A_47, %add3A_703 : vector<16xi32>
        tpu.vector_store_idx %arg8[%add3A_701, %add3A_704], %get3A_698 : memref<16x128xf32, #tpu.memory_space<vmem>>[vector<16xi32>, vector<16xi32>], vector<16xf32>,
        %get3A_705 = arith.constant 7 : i32
        %get3A_706 = arith.index_cast %get3A_705 : i32 to index
        %get3A_707 = arith.constant 112 : index
        %get3A_708 = tpu.vector_load %arg7[%get3A_706, %get3A_707] {strides = array<i32>} : memref<16x128xf32, #tpu.memory_space<vmem>>, vector<16xf32>,
        %add3A_709 = arith.constant 14 : i32
        %add3A_710 = vector.broadcast %add3A_709 : i32 to vector<16xi32>
        %add3A_711 = arith.addi %select_n3A, %add3A_710 : vector<16xi32>
        %add3A_712 = arith.constant 7 : i32
        %add3A_713 = vector.broadcast %add3A_712 : i32 to vector<16xi32>
        %add3A_714 = arith.addi %mul3A_47, %add3A_713 : vector<16xi32>
        tpu.vector_store_idx %arg8[%add3A_711, %add3A_714], %get3A_708 : memref<16x128xf32, #tpu.memory_space<vmem>>[vector<16xi32>, vector<16xi32>], vector<16xf32>,
        %get3A_715 = arith.constant 8 : i32
        %get3A_716 = arith.index_cast %get3A_715 : i32 to index
        %get3A_717 = arith.constant 0 : index
        %get3A_718 = tpu.vector_load %arg7[%get3A_716, %get3A_717] {strides = array<i32>} : memref<16x128xf32, #tpu.memory_space<vmem>>, vector<16xf32>,
        %add3A_719 = arith.constant 0 : i32
        %add3A_720 = vector.broadcast %add3A_719 : i32 to vector<16xi32>
        %add3A_721 = arith.addi %select_n3A, %add3A_720 : vector<16xi32>
        %add3A_722 = arith.constant 8 : i32
        %add3A_723 = vector.broadcast %add3A_722 : i32 to vector<16xi32>
        %add3A_724 = arith.addi %mul3A_47, %add3A_723 : vector<16xi32>
        tpu.vector_store_idx %arg8[%add3A_721, %add3A_724], %get3A_718 : memref<16x128xf32, #tpu.memory_space<vmem>>[vector<16xi32>, vector<16xi32>], vector<16xf32>,
        %get3A_725 = arith.constant 8 : i32
        %get3A_726 = arith.index_cast %get3A_725 : i32 to index
        %get3A_727 = arith.constant 16 : index
        %get3A_728 = tpu.vector_load %arg7[%get3A_726, %get3A_727] {strides = array<i32>} : memref<16x128xf32, #tpu.memory_space<vmem>>, vector<16xf32>,
        %add3A_729 = arith.constant 2 : i32
        %add3A_730 = vector.broadcast %add3A_729 : i32 to vector<16xi32>
        %add3A_731 = arith.addi %select_n3A, %add3A_730 : vector<16xi32>
        %add3A_732 = arith.constant 8 : i32
        %add3A_733 = vector.broadcast %add3A_732 : i32 to vector<16xi32>
        %add3A_734 = arith.addi %mul3A_47, %add3A_733 : vector<16xi32>
        tpu.vector_store_idx %arg8[%add3A_731, %add3A_734], %get3A_728 : memref<16x128xf32, #tpu.memory_space<vmem>>[vector<16xi32>, vector<16xi32>], vector<16xf32>,
        %get3A_735 = arith.constant 8 : i32
        %get3A_736 = arith.index_cast %get3A_735 : i32 to index
        %get3A_737 = arith.constant 32 : index
        %get3A_738 = tpu.vector_load %arg7[%get3A_736, %get3A_737] {strides = array<i32>} : memref<16x128xf32, #tpu.memory_space<vmem>>, vector<16xf32>,
        %add3A_739 = arith.constant 4 : i32
        %add3A_740 = vector.broadcast %add3A_739 : i32 to vector<16xi32>
        %add3A_741 = arith.addi %select_n3A, %add3A_740 : vector<16xi32>
        %add3A_742 = arith.constant 8 : i32
        %add3A_743 = vector.broadcast %add3A_742 : i32 to vector<16xi32>
        %add3A_744 = arith.addi %mul3A_47, %add3A_743 : vector<16xi32>
        tpu.vector_store_idx %arg8[%add3A_741, %add3A_744], %get3A_738 : memref<16x128xf32, #tpu.memory_space<vmem>>[vector<16xi32>, vector<16xi32>], vector<16xf32>,
        %get3A_745 = arith.constant 8 : i32
        %get3A_746 = arith.index_cast %get3A_745 : i32 to index
        %get3A_747 = arith.constant 48 : index
        %get3A_748 = tpu.vector_load %arg7[%get3A_746, %get3A_747] {strides = array<i32>} : memref<16x128xf32, #tpu.memory_space<vmem>>, vector<16xf32>,
        %add3A_749 = arith.constant 6 : i32
        %add3A_750 = vector.broadcast %add3A_749 : i32 to vector<16xi32>
        %add3A_751 = arith.addi %select_n3A, %add3A_750 : vector<16xi32>
        %add3A_752 = arith.constant 8 : i32
        %add3A_753 = vector.broadcast %add3A_752 : i32 to vector<16xi32>
        %add3A_754 = arith.addi %mul3A_47, %add3A_753 : vector<16xi32>
        tpu.vector_store_idx %arg8[%add3A_751, %add3A_754], %get3A_748 : memref<16x128xf32, #tpu.memory_space<vmem>>[vector<16xi32>, vector<16xi32>], vector<16xf32>,
        %get3A_755 = arith.constant 8 : i32
        %get3A_756 = arith.index_cast %get3A_755 : i32 to index
        %get3A_757 = arith.constant 64 : index
        %get3A_758 = tpu.vector_load %arg7[%get3A_756, %get3A_757] {strides = array<i32>} : memref<16x128xf32, #tpu.memory_space<vmem>>, vector<16xf32>,
        %add3A_759 = arith.constant 8 : i32
        %add3A_760 = vector.broadcast %add3A_759 : i32 to vector<16xi32>
        %add3A_761 = arith.addi %select_n3A, %add3A_760 : vector<16xi32>
        %add3A_762 = arith.constant 8 : i32
        %add3A_763 = vector.broadcast %add3A_762 : i32 to vector<16xi32>
        %add3A_764 = arith.addi %mul3A_47, %add3A_763 : vector<16xi32>
        tpu.vector_store_idx %arg8[%add3A_761, %add3A_764], %get3A_758 : memref<16x128xf32, #tpu.memory_space<vmem>>[vector<16xi32>, vector<16xi32>], vector<16xf32>,
        %get3A_765 = arith.constant 8 : i32
        %get3A_766 = arith.index_cast %get3A_765 : i32 to index
        %get3A_767 = arith.constant 80 : index
        %get3A_768 = tpu.vector_load %arg7[%get3A_766, %get3A_767] {strides = array<i32>} : memref<16x128xf32, #tpu.memory_space<vmem>>, vector<16xf32>,
        %add3A_769 = arith.constant 10 : i32
        %add3A_770 = vector.broadcast %add3A_769 : i32 to vector<16xi32>
        %add3A_771 = arith.addi %select_n3A, %add3A_770 : vector<16xi32>
        %add3A_772 = arith.constant 8 : i32
        %add3A_773 = vector.broadcast %add3A_772 : i32 to vector<16xi32>
        %add3A_774 = arith.addi %mul3A_47, %add3A_773 : vector<16xi32>
        tpu.vector_store_idx %arg8[%add3A_771, %add3A_774], %get3A_768 : memref<16x128xf32, #tpu.memory_space<vmem>>[vector<16xi32>, vector<16xi32>], vector<16xf32>,
        %get3A_775 = arith.constant 8 : i32
        %get3A_776 = arith.index_cast %get3A_775 : i32 to index
        %get3A_777 = arith.constant 96 : index
        %get3A_778 = tpu.vector_load %arg7[%get3A_776, %get3A_777] {strides = array<i32>} : memref<16x128xf32, #tpu.memory_space<vmem>>, vector<16xf32>,
        %add3A_779 = arith.constant 12 : i32
        %add3A_780 = vector.broadcast %add3A_779 : i32 to vector<16xi32>
        %add3A_781 = arith.addi %select_n3A, %add3A_780 : vector<16xi32>
        %add3A_782 = arith.constant 8 : i32
        %add3A_783 = vector.broadcast %add3A_782 : i32 to vector<16xi32>
        %add3A_784 = arith.addi %mul3A_47, %add3A_783 : vector<16xi32>
        tpu.vector_store_idx %arg8[%add3A_781, %add3A_784], %get3A_778 : memref<16x128xf32, #tpu.memory_space<vmem>>[vector<16xi32>, vector<16xi32>], vector<16xf32>,
        %get3A_785 = arith.constant 8 : i32
        %get3A_786 = arith.index_cast %get3A_785 : i32 to index
        %get3A_787 = arith.constant 112 : index
        %get3A_788 = tpu.vector_load %arg7[%get3A_786, %get3A_787] {strides = array<i32>} : memref<16x128xf32, #tpu.memory_space<vmem>>, vector<16xf32>,
        %add3A_789 = arith.constant 14 : i32
        %add3A_790 = vector.broadcast %add3A_789 : i32 to vector<16xi32>
        %add3A_791 = arith.addi %select_n3A, %add3A_790 : vector<16xi32>
        %add3A_792 = arith.constant 8 : i32
        %add3A_793 = vector.broadcast %add3A_792 : i32 to vector<16xi32>
        %add3A_794 = arith.addi %mul3A_47, %add3A_793 : vector<16xi32>
        tpu.vector_store_idx %arg8[%add3A_791, %add3A_794], %get3A_788 : memref<16x128xf32, #tpu.memory_space<vmem>>[vector<16xi32>, vector<16xi32>], vector<16xf32>,
        %get3A_795 = arith.constant 9 : i32
        %get3A_796 = arith.index_cast %get3A_795 : i32 to index
        %get3A_797 = arith.constant 0 : index
        %get3A_798 = tpu.vector_load %arg7[%get3A_796, %get3A_797] {strides = array<i32>} : memref<16x128xf32, #tpu.memory_space<vmem>>, vector<16xf32>,
        %add3A_799 = arith.constant 0 : i32
        %add3A_800 = vector.broadcast %add3A_799 : i32 to vector<16xi32>
        %add3A_801 = arith.addi %select_n3A, %add3A_800 : vector<16xi32>
        %add3A_802 = arith.constant 9 : i32
        %add3A_803 = vector.broadcast %add3A_802 : i32 to vector<16xi32>
        %add3A_804 = arith.addi %mul3A_47, %add3A_803 : vector<16xi32>
        tpu.vector_store_idx %arg8[%add3A_801, %add3A_804], %get3A_798 : memref<16x128xf32, #tpu.memory_space<vmem>>[vector<16xi32>, vector<16xi32>], vector<16xf32>,
        %get3A_805 = arith.constant 9 : i32
        %get3A_806 = arith.index_cast %get3A_805 : i32 to index
        %get3A_807 = arith.constant 16 : index
        %get3A_808 = tpu.vector_load %arg7[%get3A_806, %get3A_807] {strides = array<i32>} : memref<16x128xf32, #tpu.memory_space<vmem>>, vector<16xf32>,
        %add3A_809 = arith.constant 2 : i32
        %add3A_810 = vector.broadcast %add3A_809 : i32 to vector<16xi32>
        %add3A_811 = arith.addi %select_n3A, %add3A_810 : vector<16xi32>
        %add3A_812 = arith.constant 9 : i32
        %add3A_813 = vector.broadcast %add3A_812 : i32 to vector<16xi32>
        %add3A_814 = arith.addi %mul3A_47, %add3A_813 : vector<16xi32>
        tpu.vector_store_idx %arg8[%add3A_811, %add3A_814], %get3A_808 : memref<16x128xf32, #tpu.memory_space<vmem>>[vector<16xi32>, vector<16xi32>], vector<16xf32>,
        %get3A_815 = arith.constant 9 : i32
        %get3A_816 = arith.index_cast %get3A_815 : i32 to index
        %get3A_817 = arith.constant 32 : index
        %get3A_818 = tpu.vector_load %arg7[%get3A_816, %get3A_817] {strides = array<i32>} : memref<16x128xf32, #tpu.memory_space<vmem>>, vector<16xf32>,
        %add3A_819 = arith.constant 4 : i32
        %add3A_820 = vector.broadcast %add3A_819 : i32 to vector<16xi32>
        %add3A_821 = arith.addi %select_n3A, %add3A_820 : vector<16xi32>
        %add3A_822 = arith.constant 9 : i32
        %add3A_823 = vector.broadcast %add3A_822 : i32 to vector<16xi32>
        %add3A_824 = arith.addi %mul3A_47, %add3A_823 : vector<16xi32>
        tpu.vector_store_idx %arg8[%add3A_821, %add3A_824], %get3A_818 : memref<16x128xf32, #tpu.memory_space<vmem>>[vector<16xi32>, vector<16xi32>], vector<16xf32>,
        %get3A_825 = arith.constant 9 : i32
        %get3A_826 = arith.index_cast %get3A_825 : i32 to index
        %get3A_827 = arith.constant 48 : index
        %get3A_828 = tpu.vector_load %arg7[%get3A_826, %get3A_827] {strides = array<i32>} : memref<16x128xf32, #tpu.memory_space<vmem>>, vector<16xf32>,
        %add3A_829 = arith.constant 6 : i32
        %add3A_830 = vector.broadcast %add3A_829 : i32 to vector<16xi32>
        %add3A_831 = arith.addi %select_n3A, %add3A_830 : vector<16xi32>
        %add3A_832 = arith.constant 9 : i32
        %add3A_833 = vector.broadcast %add3A_832 : i32 to vector<16xi32>
        %add3A_834 = arith.addi %mul3A_47, %add3A_833 : vector<16xi32>
        tpu.vector_store_idx %arg8[%add3A_831, %add3A_834], %get3A_828 : memref<16x128xf32, #tpu.memory_space<vmem>>[vector<16xi32>, vector<16xi32>], vector<16xf32>,
        %get3A_835 = arith.constant 9 : i32
        %get3A_836 = arith.index_cast %get3A_835 : i32 to index
        %get3A_837 = arith.constant 64 : index
        %get3A_838 = tpu.vector_load %arg7[%get3A_836, %get3A_837] {strides = array<i32>} : memref<16x128xf32, #tpu.memory_space<vmem>>, vector<16xf32>,
        %add3A_839 = arith.constant 8 : i32
        %add3A_840 = vector.broadcast %add3A_839 : i32 to vector<16xi32>
        %add3A_841 = arith.addi %select_n3A, %add3A_840 : vector<16xi32>
        %add3A_842 = arith.constant 9 : i32
        %add3A_843 = vector.broadcast %add3A_842 : i32 to vector<16xi32>
        %add3A_844 = arith.addi %mul3A_47, %add3A_843 : vector<16xi32>
        tpu.vector_store_idx %arg8[%add3A_841, %add3A_844], %get3A_838 : memref<16x128xf32, #tpu.memory_space<vmem>>[vector<16xi32>, vector<16xi32>], vector<16xf32>,
        %get3A_845 = arith.constant 9 : i32
        %get3A_846 = arith.index_cast %get3A_845 : i32 to index
        %get3A_847 = arith.constant 80 : index
        %get3A_848 = tpu.vector_load %arg7[%get3A_846, %get3A_847] {strides = array<i32>} : memref<16x128xf32, #tpu.memory_space<vmem>>, vector<16xf32>,
        %add3A_849 = arith.constant 10 : i32
        %add3A_850 = vector.broadcast %add3A_849 : i32 to vector<16xi32>
        %add3A_851 = arith.addi %select_n3A, %add3A_850 : vector<16xi32>
        %add3A_852 = arith.constant 9 : i32
        %add3A_853 = vector.broadcast %add3A_852 : i32 to vector<16xi32>
        %add3A_854 = arith.addi %mul3A_47, %add3A_853 : vector<16xi32>
        tpu.vector_store_idx %arg8[%add3A_851, %add3A_854], %get3A_848 : memref<16x128xf32, #tpu.memory_space<vmem>>[vector<16xi32>, vector<16xi32>], vector<16xf32>,
        %get3A_855 = arith.constant 9 : i32
        %get3A_856 = arith.index_cast %get3A_855 : i32 to index
        %get3A_857 = arith.constant 96 : index
        %get3A_858 = tpu.vector_load %arg7[%get3A_856, %get3A_857] {strides = array<i32>} : memref<16x128xf32, #tpu.memory_space<vmem>>, vector<16xf32>,
        %add3A_859 = arith.constant 12 : i32
        %add3A_860 = vector.broadcast %add3A_859 : i32 to vector<16xi32>
        %add3A_861 = arith.addi %select_n3A, %add3A_860 : vector<16xi32>
        %add3A_862 = arith.constant 9 : i32
        %add3A_863 = vector.broadcast %add3A_862 : i32 to vector<16xi32>
        %add3A_864 = arith.addi %mul3A_47, %add3A_863 : vector<16xi32>
        tpu.vector_store_idx %arg8[%add3A_861, %add3A_864], %get3A_858 : memref<16x128xf32, #tpu.memory_space<vmem>>[vector<16xi32>, vector<16xi32>], vector<16xf32>,
        %get3A_865 = arith.constant 9 : i32
        %get3A_866 = arith.index_cast %get3A_865 : i32 to index
        %get3A_867 = arith.constant 112 : index
        %get3A_868 = tpu.vector_load %arg7[%get3A_866, %get3A_867] {strides = array<i32>} : memref<16x128xf32, #tpu.memory_space<vmem>>, vector<16xf32>,
        %add3A_869 = arith.constant 14 : i32
        %add3A_870 = vector.broadcast %add3A_869 : i32 to vector<16xi32>
        %add3A_871 = arith.addi %select_n3A, %add3A_870 : vector<16xi32>
        %add3A_872 = arith.constant 9 : i32
        %add3A_873 = vector.broadcast %add3A_872 : i32 to vector<16xi32>
        %add3A_874 = arith.addi %mul3A_47, %add3A_873 : vector<16xi32>
        tpu.vector_store_idx %arg8[%add3A_871, %add3A_874], %get3A_868 : memref<16x128xf32, #tpu.memory_space<vmem>>[vector<16xi32>, vector<16xi32>], vector<16xf32>,
        %get3A_875 = arith.constant 10 : i32
        %get3A_876 = arith.index_cast %get3A_875 : i32 to index
        %get3A_877 = arith.constant 0 : index
        %get3A_878 = tpu.vector_load %arg7[%get3A_876, %get3A_877] {strides = array<i32>} : memref<16x128xf32, #tpu.memory_space<vmem>>, vector<16xf32>,
        %add3A_879 = arith.constant 0 : i32
        %add3A_880 = vector.broadcast %add3A_879 : i32 to vector<16xi32>
        %add3A_881 = arith.addi %select_n3A, %add3A_880 : vector<16xi32>
        %add3A_882 = arith.constant 10 : i32
        %add3A_883 = vector.broadcast %add3A_882 : i32 to vector<16xi32>
        %add3A_884 = arith.addi %mul3A_47, %add3A_883 : vector<16xi32>
        tpu.vector_store_idx %arg8[%add3A_881, %add3A_884], %get3A_878 : memref<16x128xf32, #tpu.memory_space<vmem>>[vector<16xi32>, vector<16xi32>], vector<16xf32>,
        %get3A_885 = arith.constant 10 : i32
        %get3A_886 = arith.index_cast %get3A_885 : i32 to index
        %get3A_887 = arith.constant 16 : index
        %get3A_888 = tpu.vector_load %arg7[%get3A_886, %get3A_887] {strides = array<i32>} : memref<16x128xf32, #tpu.memory_space<vmem>>, vector<16xf32>,
        %add3A_889 = arith.constant 2 : i32
        %add3A_890 = vector.broadcast %add3A_889 : i32 to vector<16xi32>
        %add3A_891 = arith.addi %select_n3A, %add3A_890 : vector<16xi32>
        %add3A_892 = arith.constant 10 : i32
        %add3A_893 = vector.broadcast %add3A_892 : i32 to vector<16xi32>
        %add3A_894 = arith.addi %mul3A_47, %add3A_893 : vector<16xi32>
        tpu.vector_store_idx %arg8[%add3A_891, %add3A_894], %get3A_888 : memref<16x128xf32, #tpu.memory_space<vmem>>[vector<16xi32>, vector<16xi32>], vector<16xf32>,
        %get3A_895 = arith.constant 10 : i32
        %get3A_896 = arith.index_cast %get3A_895 : i32 to index
        %get3A_897 = arith.constant 32 : index
        %get3A_898 = tpu.vector_load %arg7[%get3A_896, %get3A_897] {strides = array<i32>} : memref<16x128xf32, #tpu.memory_space<vmem>>, vector<16xf32>,
        %add3A_899 = arith.constant 4 : i32
        %add3A_900 = vector.broadcast %add3A_899 : i32 to vector<16xi32>
        %add3A_901 = arith.addi %select_n3A, %add3A_900 : vector<16xi32>
        %add3A_902 = arith.constant 10 : i32
        %add3A_903 = vector.broadcast %add3A_902 : i32 to vector<16xi32>
        %add3A_904 = arith.addi %mul3A_47, %add3A_903 : vector<16xi32>
        tpu.vector_store_idx %arg8[%add3A_901, %add3A_904], %get3A_898 : memref<16x128xf32, #tpu.memory_space<vmem>>[vector<16xi32>, vector<16xi32>], vector<16xf32>,
        %get3A_905 = arith.constant 10 : i32
        %get3A_906 = arith.index_cast %get3A_905 : i32 to index
        %get3A_907 = arith.constant 48 : index
        %get3A_908 = tpu.vector_load %arg7[%get3A_906, %get3A_907] {strides = array<i32>} : memref<16x128xf32, #tpu.memory_space<vmem>>, vector<16xf32>,
        %add3A_909 = arith.constant 6 : i32
        %add3A_910 = vector.broadcast %add3A_909 : i32 to vector<16xi32>
        %add3A_911 = arith.addi %select_n3A, %add3A_910 : vector<16xi32>
        %add3A_912 = arith.constant 10 : i32
        %add3A_913 = vector.broadcast %add3A_912 : i32 to vector<16xi32>
        %add3A_914 = arith.addi %mul3A_47, %add3A_913 : vector<16xi32>
        tpu.vector_store_idx %arg8[%add3A_911, %add3A_914], %get3A_908 : memref<16x128xf32, #tpu.memory_space<vmem>>[vector<16xi32>, vector<16xi32>], vector<16xf32>,
        %get3A_915 = arith.constant 10 : i32
        %get3A_916 = arith.index_cast %get3A_915 : i32 to index
        %get3A_917 = arith.constant 64 : index
        %get3A_918 = tpu.vector_load %arg7[%get3A_916, %get3A_917] {strides = array<i32>} : memref<16x128xf32, #tpu.memory_space<vmem>>, vector<16xf32>,
        %add3A_919 = arith.constant 8 : i32
        %add3A_920 = vector.broadcast %add3A_919 : i32 to vector<16xi32>
        %add3A_921 = arith.addi %select_n3A, %add3A_920 : vector<16xi32>
        %add3A_922 = arith.constant 10 : i32
        %add3A_923 = vector.broadcast %add3A_922 : i32 to vector<16xi32>
        %add3A_924 = arith.addi %mul3A_47, %add3A_923 : vector<16xi32>
        tpu.vector_store_idx %arg8[%add3A_921, %add3A_924], %get3A_918 : memref<16x128xf32, #tpu.memory_space<vmem>>[vector<16xi32>, vector<16xi32>], vector<16xf32>,
        %get3A_925 = arith.constant 10 : i32
        %get3A_926 = arith.index_cast %get3A_925 : i32 to index
        %get3A_927 = arith.constant 80 : index
        %get3A_928 = tpu.vector_load %arg7[%get3A_926, %get3A_927] {strides = array<i32>} : memref<16x128xf32, #tpu.memory_space<vmem>>, vector<16xf32>,
        %add3A_929 = arith.constant 10 : i32
        %add3A_930 = vector.broadcast %add3A_929 : i32 to vector<16xi32>
        %add3A_931 = arith.addi %select_n3A, %add3A_930 : vector<16xi32>
        %add3A_932 = arith.constant 10 : i32
        %add3A_933 = vector.broadcast %add3A_932 : i32 to vector<16xi32>
        %add3A_934 = arith.addi %mul3A_47, %add3A_933 : vector<16xi32>
        tpu.vector_store_idx %arg8[%add3A_931, %add3A_934], %get3A_928 : memref<16x128xf32, #tpu.memory_space<vmem>>[vector<16xi32>, vector<16xi32>], vector<16xf32>,
        %get3A_935 = arith.constant 10 : i32
        %get3A_936 = arith.index_cast %get3A_935 : i32 to index
        %get3A_937 = arith.constant 96 : index
        %get3A_938 = tpu.vector_load %arg7[%get3A_936, %get3A_937] {strides = array<i32>} : memref<16x128xf32, #tpu.memory_space<vmem>>, vector<16xf32>,
        %add3A_939 = arith.constant 12 : i32
        %add3A_940 = vector.broadcast %add3A_939 : i32 to vector<16xi32>
        %add3A_941 = arith.addi %select_n3A, %add3A_940 : vector<16xi32>
        %add3A_942 = arith.constant 10 : i32
        %add3A_943 = vector.broadcast %add3A_942 : i32 to vector<16xi32>
        %add3A_944 = arith.addi %mul3A_47, %add3A_943 : vector<16xi32>
        tpu.vector_store_idx %arg8[%add3A_941, %add3A_944], %get3A_938 : memref<16x128xf32, #tpu.memory_space<vmem>>[vector<16xi32>, vector<16xi32>], vector<16xf32>,
        %get3A_945 = arith.constant 10 : i32
        %get3A_946 = arith.index_cast %get3A_945 : i32 to index
        %get3A_947 = arith.constant 112 : index
        %get3A_948 = tpu.vector_load %arg7[%get3A_946, %get3A_947] {strides = array<i32>} : memref<16x128xf32, #tpu.memory_space<vmem>>, vector<16xf32>,
        %add3A_949 = arith.constant 14 : i32
        %add3A_950 = vector.broadcast %add3A_949 : i32 to vector<16xi32>
        %add3A_951 = arith.addi %select_n3A, %add3A_950 : vector<16xi32>
        %add3A_952 = arith.constant 10 : i32
        %add3A_953 = vector.broadcast %add3A_952 : i32 to vector<16xi32>
        %add3A_954 = arith.addi %mul3A_47, %add3A_953 : vector<16xi32>
        tpu.vector_store_idx %arg8[%add3A_951, %add3A_954], %get3A_948 : memref<16x128xf32, #tpu.memory_space<vmem>>[vector<16xi32>, vector<16xi32>], vector<16xf32>,
        %get3A_955 = arith.constant 11 : i32
        %get3A_956 = arith.index_cast %get3A_955 : i32 to index
        %get3A_957 = arith.constant 0 : index
        %get3A_958 = tpu.vector_load %arg7[%get3A_956, %get3A_957] {strides = array<i32>} : memref<16x128xf32, #tpu.memory_space<vmem>>, vector<16xf32>,
        %add3A_959 = arith.constant 0 : i32
        %add3A_960 = vector.broadcast %add3A_959 : i32 to vector<16xi32>
        %add3A_961 = arith.addi %select_n3A, %add3A_960 : vector<16xi32>
        %add3A_962 = arith.constant 11 : i32
        %add3A_963 = vector.broadcast %add3A_962 : i32 to vector<16xi32>
        %add3A_964 = arith.addi %mul3A_47, %add3A_963 : vector<16xi32>
        tpu.vector_store_idx %arg8[%add3A_961, %add3A_964], %get3A_958 : memref<16x128xf32, #tpu.memory_space<vmem>>[vector<16xi32>, vector<16xi32>], vector<16xf32>,
        %get3A_965 = arith.constant 11 : i32
        %get3A_966 = arith.index_cast %get3A_965 : i32 to index
        %get3A_967 = arith.constant 16 : index
        %get3A_968 = tpu.vector_load %arg7[%get3A_966, %get3A_967] {strides = array<i32>} : memref<16x128xf32, #tpu.memory_space<vmem>>, vector<16xf32>,
        %add3A_969 = arith.constant 2 : i32
        %add3A_970 = vector.broadcast %add3A_969 : i32 to vector<16xi32>
        %add3A_971 = arith.addi %select_n3A, %add3A_970 : vector<16xi32>
        %add3A_972 = arith.constant 11 : i32
        %add3A_973 = vector.broadcast %add3A_972 : i32 to vector<16xi32>
        %add3A_974 = arith.addi %mul3A_47, %add3A_973 : vector<16xi32>
        tpu.vector_store_idx %arg8[%add3A_971, %add3A_974], %get3A_968 : memref<16x128xf32, #tpu.memory_space<vmem>>[vector<16xi32>, vector<16xi32>], vector<16xf32>,
        %get3A_975 = arith.constant 11 : i32
        %get3A_976 = arith.index_cast %get3A_975 : i32 to index
        %get3A_977 = arith.constant 32 : index
        %get3A_978 = tpu.vector_load %arg7[%get3A_976, %get3A_977] {strides = array<i32>} : memref<16x128xf32, #tpu.memory_space<vmem>>, vector<16xf32>,
        %add3A_979 = arith.constant 4 : i32
        %add3A_980 = vector.broadcast %add3A_979 : i32 to vector<16xi32>
        %add3A_981 = arith.addi %select_n3A, %add3A_980 : vector<16xi32>
        %add3A_982 = arith.constant 11 : i32
        %add3A_983 = vector.broadcast %add3A_982 : i32 to vector<16xi32>
        %add3A_984 = arith.addi %mul3A_47, %add3A_983 : vector<16xi32>
        tpu.vector_store_idx %arg8[%add3A_981, %add3A_984], %get3A_978 : memref<16x128xf32, #tpu.memory_space<vmem>>[vector<16xi32>, vector<16xi32>], vector<16xf32>,
        %get3A_985 = arith.constant 11 : i32
        %get3A_986 = arith.index_cast %get3A_985 : i32 to index
        %get3A_987 = arith.constant 48 : index
        %get3A_988 = tpu.vector_load %arg7[%get3A_986, %get3A_987] {strides = array<i32>} : memref<16x128xf32, #tpu.memory_space<vmem>>, vector<16xf32>,
        %add3A_989 = arith.constant 6 : i32
        %add3A_990 = vector.broadcast %add3A_989 : i32 to vector<16xi32>
        %add3A_991 = arith.addi %select_n3A, %add3A_990 : vector<16xi32>
        %add3A_992 = arith.constant 11 : i32
        %add3A_993 = vector.broadcast %add3A_992 : i32 to vector<16xi32>
        %add3A_994 = arith.addi %mul3A_47, %add3A_993 : vector<16xi32>
        tpu.vector_store_idx %arg8[%add3A_991, %add3A_994], %get3A_988 : memref<16x128xf32, #tpu.memory_space<vmem>>[vector<16xi32>, vector<16xi32>], vector<16xf32>,
        %get3A_995 = arith.constant 11 : i32
        %get3A_996 = arith.index_cast %get3A_995 : i32 to index
        %get3A_997 = arith.constant 64 : index
        %get3A_998 = tpu.vector_load %arg7[%get3A_996, %get3A_997] {strides = array<i32>} : memref<16x128xf32, #tpu.memory_space<vmem>>, vector<16xf32>,
        %add3A_999 = arith.constant 8 : i32
        %add3A_1000 = vector.broadcast %add3A_999 : i32 to vector<16xi32>
        %add3A_1001 = arith.addi %select_n3A, %add3A_1000 : vector<16xi32>
        %add3A_1002 = arith.constant 11 : i32
        %add3A_1003 = vector.broadcast %add3A_1002 : i32 to vector<16xi32>
        %add3A_1004 = arith.addi %mul3A_47, %add3A_1003 : vector<16xi32>
        tpu.vector_store_idx %arg8[%add3A_1001, %add3A_1004], %get3A_998 : memref<16x128xf32, #tpu.memory_space<vmem>>[vector<16xi32>, vector<16xi32>], vector<16xf32>,
        %get3A_1005 = arith.constant 11 : i32
        %get3A_1006 = arith.index_cast %get3A_1005 : i32 to index
        %get3A_1007 = arith.constant 80 : index
        %get3A_1008 = tpu.vector_load %arg7[%get3A_1006, %get3A_1007] {strides = array<i32>} : memref<16x128xf32, #tpu.memory_space<vmem>>, vector<16xf32>,
        %add3A_1009 = arith.constant 10 : i32
        %add3A_1010 = vector.broadcast %add3A_1009 : i32 to vector<16xi32>
        %add3A_1011 = arith.addi %select_n3A, %add3A_1010 : vector<16xi32>
        %add3A_1012 = arith.constant 11 : i32
        %add3A_1013 = vector.broadcast %add3A_1012 : i32 to vector<16xi32>
        %add3A_1014 = arith.addi %mul3A_47, %add3A_1013 : vector<16xi32>
        tpu.vector_store_idx %arg8[%add3A_1011, %add3A_1014], %get3A_1008 : memref<16x128xf32, #tpu.memory_space<vmem>>[vector<16xi32>, vector<16xi32>], vector<16xf32>,
        %get3A_1015 = arith.constant 11 : i32
        %get3A_1016 = arith.index_cast %get3A_1015 : i32 to index
        %get3A_1017 = arith.constant 96 : index
        %get3A_1018 = tpu.vector_load %arg7[%get3A_1016, %get3A_1017] {strides = array<i32>} : memref<16x128xf32, #tpu.memory_space<vmem>>, vector<16xf32>,
        %add3A_1019 = arith.constant 12 : i32
        %add3A_1020 = vector.broadcast %add3A_1019 : i32 to vector<16xi32>
        %add3A_1021 = arith.addi %select_n3A, %add3A_1020 : vector<16xi32>
        %add3A_1022 = arith.constant 11 : i32
        %add3A_1023 = vector.broadcast %add3A_1022 : i32 to vector<16xi32>
        %add3A_1024 = arith.addi %mul3A_47, %add3A_1023 : vector<16xi32>
        tpu.vector_store_idx %arg8[%add3A_1021, %add3A_1024], %get3A_1018 : memref<16x128xf32, #tpu.memory_space<vmem>>[vector<16xi32>, vector<16xi32>], vector<16xf32>,
        %get3A_1025 = arith.constant 11 : i32
        %get3A_1026 = arith.index_cast %get3A_1025 : i32 to index
        %get3A_1027 = arith.constant 112 : index
        %get3A_1028 = tpu.vector_load %arg7[%get3A_1026, %get3A_1027] {strides = array<i32>} : memref<16x128xf32, #tpu.memory_space<vmem>>, vector<16xf32>,
        %add3A_1029 = arith.constant 14 : i32
        %add3A_1030 = vector.broadcast %add3A_1029 : i32 to vector<16xi32>
        %add3A_1031 = arith.addi %select_n3A, %add3A_1030 : vector<16xi32>
        %add3A_1032 = arith.constant 11 : i32
        %add3A_1033 = vector.broadcast %add3A_1032 : i32 to vector<16xi32>
        %add3A_1034 = arith.addi %mul3A_47, %add3A_1033 : vector<16xi32>
        tpu.vector_store_idx %arg8[%add3A_1031, %add3A_1034], %get3A_1028 : memref<16x128xf32, #tpu.memory_space<vmem>>[vector<16xi32>, vector<16xi32>], vector<16xf32>,
        %get3A_1035 = arith.constant 12 : i32
        %get3A_1036 = arith.index_cast %get3A_1035 : i32 to index
        %get3A_1037 = arith.constant 0 : index
        %get3A_1038 = tpu.vector_load %arg7[%get3A_1036, %get3A_1037] {strides = array<i32>} : memref<16x128xf32, #tpu.memory_space<vmem>>, vector<16xf32>,
        %add3A_1039 = arith.constant 0 : i32
        %add3A_1040 = vector.broadcast %add3A_1039 : i32 to vector<16xi32>
        %add3A_1041 = arith.addi %select_n3A, %add3A_1040 : vector<16xi32>
        %add3A_1042 = arith.constant 12 : i32
        %add3A_1043 = vector.broadcast %add3A_1042 : i32 to vector<16xi32>
        %add3A_1044 = arith.addi %mul3A_47, %add3A_1043 : vector<16xi32>
        tpu.vector_store_idx %arg8[%add3A_1041, %add3A_1044], %get3A_1038 : memref<16x128xf32, #tpu.memory_space<vmem>>[vector<16xi32>, vector<16xi32>], vector<16xf32>,
        %get3A_1045 = arith.constant 12 : i32
        %get3A_1046 = arith.index_cast %get3A_1045 : i32 to index
        %get3A_1047 = arith.constant 16 : index
        %get3A_1048 = tpu.vector_load %arg7[%get3A_1046, %get3A_1047] {strides = array<i32>} : memref<16x128xf32, #tpu.memory_space<vmem>>, vector<16xf32>,
        %add3A_1049 = arith.constant 2 : i32
        %add3A_1050 = vector.broadcast %add3A_1049 : i32 to vector<16xi32>
        %add3A_1051 = arith.addi %select_n3A, %add3A_1050 : vector<16xi32>
        %add3A_1052 = arith.constant 12 : i32
        %add3A_1053 = vector.broadcast %add3A_1052 : i32 to vector<16xi32>
        %add3A_1054 = arith.addi %mul3A_47, %add3A_1053 : vector<16xi32>
        tpu.vector_store_idx %arg8[%add3A_1051, %add3A_1054], %get3A_1048 : memref<16x128xf32, #tpu.memory_space<vmem>>[vector<16xi32>, vector<16xi32>], vector<16xf32>,
        %get3A_1055 = arith.constant 12 : i32
        %get3A_1056 = arith.index_cast %get3A_1055 : i32 to index
        %get3A_1057 = arith.constant 32 : index
        %get3A_1058 = tpu.vector_load %arg7[%get3A_1056, %get3A_1057] {strides = array<i32>} : memref<16x128xf32, #tpu.memory_space<vmem>>, vector<16xf32>,
        %add3A_1059 = arith.constant 4 : i32
        %add3A_1060 = vector.broadcast %add3A_1059 : i32 to vector<16xi32>
        %add3A_1061 = arith.addi %select_n3A, %add3A_1060 : vector<16xi32>
        %add3A_1062 = arith.constant 12 : i32
        %add3A_1063 = vector.broadcast %add3A_1062 : i32 to vector<16xi32>
        %add3A_1064 = arith.addi %mul3A_47, %add3A_1063 : vector<16xi32>
        tpu.vector_store_idx %arg8[%add3A_1061, %add3A_1064], %get3A_1058 : memref<16x128xf32, #tpu.memory_space<vmem>>[vector<16xi32>, vector<16xi32>], vector<16xf32>,
        %get3A_1065 = arith.constant 12 : i32
        %get3A_1066 = arith.index_cast %get3A_1065 : i32 to index
        %get3A_1067 = arith.constant 48 : index
        %get3A_1068 = tpu.vector_load %arg7[%get3A_1066, %get3A_1067] {strides = array<i32>} : memref<16x128xf32, #tpu.memory_space<vmem>>, vector<16xf32>,
        %add3A_1069 = arith.constant 6 : i32
        %add3A_1070 = vector.broadcast %add3A_1069 : i32 to vector<16xi32>
        %add3A_1071 = arith.addi %select_n3A, %add3A_1070 : vector<16xi32>
        %add3A_1072 = arith.constant 12 : i32
        %add3A_1073 = vector.broadcast %add3A_1072 : i32 to vector<16xi32>
        %add3A_1074 = arith.addi %mul3A_47, %add3A_1073 : vector<16xi32>
        tpu.vector_store_idx %arg8[%add3A_1071, %add3A_1074], %get3A_1068 : memref<16x128xf32, #tpu.memory_space<vmem>>[vector<16xi32>, vector<16xi32>], vector<16xf32>,
        %get3A_1075 = arith.constant 12 : i32
        %get3A_1076 = arith.index_cast %get3A_1075 : i32 to index
        %get3A_1077 = arith.constant 64 : index
        %get3A_1078 = tpu.vector_load %arg7[%get3A_1076, %get3A_1077] {strides = array<i32>} : memref<16x128xf32, #tpu.memory_space<vmem>>, vector<16xf32>,
        %add3A_1079 = arith.constant 8 : i32
        %add3A_1080 = vector.broadcast %add3A_1079 : i32 to vector<16xi32>
        %add3A_1081 = arith.addi %select_n3A, %add3A_1080 : vector<16xi32>
        %add3A_1082 = arith.constant 12 : i32
        %add3A_1083 = vector.broadcast %add3A_1082 : i32 to vector<16xi32>
        %add3A_1084 = arith.addi %mul3A_47, %add3A_1083 : vector<16xi32>
        tpu.vector_store_idx %arg8[%add3A_1081, %add3A_1084], %get3A_1078 : memref<16x128xf32, #tpu.memory_space<vmem>>[vector<16xi32>, vector<16xi32>], vector<16xf32>,
        %get3A_1085 = arith.constant 12 : i32
        %get3A_1086 = arith.index_cast %get3A_1085 : i32 to index
        %get3A_1087 = arith.constant 80 : index
        %get3A_1088 = tpu.vector_load %arg7[%get3A_1086, %get3A_1087] {strides = array<i32>} : memref<16x128xf32, #tpu.memory_space<vmem>>, vector<16xf32>,
        %add3A_1089 = arith.constant 10 : i32
        %add3A_1090 = vector.broadcast %add3A_1089 : i32 to vector<16xi32>
        %add3A_1091 = arith.addi %select_n3A, %add3A_1090 : vector<16xi32>
        %add3A_1092 = arith.constant 12 : i32
        %add3A_1093 = vector.broadcast %add3A_1092 : i32 to vector<16xi32>
        %add3A_1094 = arith.addi %mul3A_47, %add3A_1093 : vector<16xi32>
        tpu.vector_store_idx %arg8[%add3A_1091, %add3A_1094], %get3A_1088 : memref<16x128xf32, #tpu.memory_space<vmem>>[vector<16xi32>, vector<16xi32>], vector<16xf32>,
        %get3A_1095 = arith.constant 12 : i32
        %get3A_1096 = arith.index_cast %get3A_1095 : i32 to index
        %get3A_1097 = arith.constant 96 : index
        %get3A_1098 = tpu.vector_load %arg7[%get3A_1096, %get3A_1097] {strides = array<i32>} : memref<16x128xf32, #tpu.memory_space<vmem>>, vector<16xf32>,
        %add3A_1099 = arith.constant 12 : i32
        %add3A_1100 = vector.broadcast %add3A_1099 : i32 to vector<16xi32>
        %add3A_1101 = arith.addi %select_n3A, %add3A_1100 : vector<16xi32>
        %add3A_1102 = arith.constant 12 : i32
        %add3A_1103 = vector.broadcast %add3A_1102 : i32 to vector<16xi32>
        %add3A_1104 = arith.addi %mul3A_47, %add3A_1103 : vector<16xi32>
        tpu.vector_store_idx %arg8[%add3A_1101, %add3A_1104], %get3A_1098 : memref<16x128xf32, #tpu.memory_space<vmem>>[vector<16xi32>, vector<16xi32>], vector<16xf32>,
        %get3A_1105 = arith.constant 12 : i32
        %get3A_1106 = arith.index_cast %get3A_1105 : i32 to index
        %get3A_1107 = arith.constant 112 : index
        %get3A_1108 = tpu.vector_load %arg7[%get3A_1106, %get3A_1107] {strides = array<i32>} : memref<16x128xf32, #tpu.memory_space<vmem>>, vector<16xf32>,
        %add3A_1109 = arith.constant 14 : i32
        %add3A_1110 = vector.broadcast %add3A_1109 : i32 to vector<16xi32>
        %add3A_1111 = arith.addi %select_n3A, %add3A_1110 : vector<16xi32>
        %add3A_1112 = arith.constant 12 : i32
        %add3A_1113 = vector.broadcast %add3A_1112 : i32 to vector<16xi32>
        %add3A_1114 = arith.addi %mul3A_47, %add3A_1113 : vector<16xi32>
        tpu.vector_store_idx %arg8[%add3A_1111, %add3A_1114], %get3A_1108 : memref<16x128xf32, #tpu.memory_space<vmem>>[vector<16xi32>, vector<16xi32>], vector<16xf32>,
        %get3A_1115 = arith.constant 13 : i32
        %get3A_1116 = arith.index_cast %get3A_1115 : i32 to index
        %get3A_1117 = arith.constant 0 : index
        %get3A_1118 = tpu.vector_load %arg7[%get3A_1116, %get3A_1117] {strides = array<i32>} : memref<16x128xf32, #tpu.memory_space<vmem>>, vector<16xf32>,
        %add3A_1119 = arith.constant 0 : i32
        %add3A_1120 = vector.broadcast %add3A_1119 : i32 to vector<16xi32>
        %add3A_1121 = arith.addi %select_n3A, %add3A_1120 : vector<16xi32>
        %add3A_1122 = arith.constant 13 : i32
        %add3A_1123 = vector.broadcast %add3A_1122 : i32 to vector<16xi32>
        %add3A_1124 = arith.addi %mul3A_47, %add3A_1123 : vector<16xi32>
        tpu.vector_store_idx %arg8[%add3A_1121, %add3A_1124], %get3A_1118 : memref<16x128xf32, #tpu.memory_space<vmem>>[vector<16xi32>, vector<16xi32>], vector<16xf32>,
        %get3A_1125 = arith.constant 13 : i32
        %get3A_1126 = arith.index_cast %get3A_1125 : i32 to index
        %get3A_1127 = arith.constant 16 : index
        %get3A_1128 = tpu.vector_load %arg7[%get3A_1126, %get3A_1127] {strides = array<i32>} : memref<16x128xf32, #tpu.memory_space<vmem>>, vector<16xf32>,
        %add3A_1129 = arith.constant 2 : i32
        %add3A_1130 = vector.broadcast %add3A_1129 : i32 to vector<16xi32>
        %add3A_1131 = arith.addi %select_n3A, %add3A_1130 : vector<16xi32>
        %add3A_1132 = arith.constant 13 : i32
        %add3A_1133 = vector.broadcast %add3A_1132 : i32 to vector<16xi32>
        %add3A_1134 = arith.addi %mul3A_47, %add3A_1133 : vector<16xi32>
        tpu.vector_store_idx %arg8[%add3A_1131, %add3A_1134], %get3A_1128 : memref<16x128xf32, #tpu.memory_space<vmem>>[vector<16xi32>, vector<16xi32>], vector<16xf32>,
        %get3A_1135 = arith.constant 13 : i32
        %get3A_1136 = arith.index_cast %get3A_1135 : i32 to index
        %get3A_1137 = arith.constant 32 : index
        %get3A_1138 = tpu.vector_load %arg7[%get3A_1136, %get3A_1137] {strides = array<i32>} : memref<16x128xf32, #tpu.memory_space<vmem>>, vector<16xf32>,
        %add3A_1139 = arith.constant 4 : i32
        %add3A_1140 = vector.broadcast %add3A_1139 : i32 to vector<16xi32>
        %add3A_1141 = arith.addi %select_n3A, %add3A_1140 : vector<16xi32>
        %add3A_1142 = arith.constant 13 : i32
        %add3A_1143 = vector.broadcast %add3A_1142 : i32 to vector<16xi32>
        %add3A_1144 = arith.addi %mul3A_47, %add3A_1143 : vector<16xi32>
        tpu.vector_store_idx %arg8[%add3A_1141, %add3A_1144], %get3A_1138 : memref<16x128xf32, #tpu.memory_space<vmem>>[vector<16xi32>, vector<16xi32>], vector<16xf32>,
        %get3A_1145 = arith.constant 13 : i32
        %get3A_1146 = arith.index_cast %get3A_1145 : i32 to index
        %get3A_1147 = arith.constant 48 : index
        %get3A_1148 = tpu.vector_load %arg7[%get3A_1146, %get3A_1147] {strides = array<i32>} : memref<16x128xf32, #tpu.memory_space<vmem>>, vector<16xf32>,
        %add3A_1149 = arith.constant 6 : i32
        %add3A_1150 = vector.broadcast %add3A_1149 : i32 to vector<16xi32>
        %add3A_1151 = arith.addi %select_n3A, %add3A_1150 : vector<16xi32>
        %add3A_1152 = arith.constant 13 : i32
        %add3A_1153 = vector.broadcast %add3A_1152 : i32 to vector<16xi32>
        %add3A_1154 = arith.addi %mul3A_47, %add3A_1153 : vector<16xi32>
        tpu.vector_store_idx %arg8[%add3A_1151, %add3A_1154], %get3A_1148 : memref<16x128xf32, #tpu.memory_space<vmem>>[vector<16xi32>, vector<16xi32>], vector<16xf32>,
        %get3A_1155 = arith.constant 13 : i32
        %get3A_1156 = arith.index_cast %get3A_1155 : i32 to index
        %get3A_1157 = arith.constant 64 : index
        %get3A_1158 = tpu.vector_load %arg7[%get3A_1156, %get3A_1157] {strides = array<i32>} : memref<16x128xf32, #tpu.memory_space<vmem>>, vector<16xf32>,
        %add3A_1159 = arith.constant 8 : i32
        %add3A_1160 = vector.broadcast %add3A_1159 : i32 to vector<16xi32>
        %add3A_1161 = arith.addi %select_n3A, %add3A_1160 : vector<16xi32>
        %add3A_1162 = arith.constant 13 : i32
        %add3A_1163 = vector.broadcast %add3A_1162 : i32 to vector<16xi32>
        %add3A_1164 = arith.addi %mul3A_47, %add3A_1163 : vector<16xi32>
        tpu.vector_store_idx %arg8[%add3A_1161, %add3A_1164], %get3A_1158 : memref<16x128xf32, #tpu.memory_space<vmem>>[vector<16xi32>, vector<16xi32>], vector<16xf32>,
        %get3A_1165 = arith.constant 13 : i32
        %get3A_1166 = arith.index_cast %get3A_1165 : i32 to index
        %get3A_1167 = arith.constant 80 : index
        %get3A_1168 = tpu.vector_load %arg7[%get3A_1166, %get3A_1167] {strides = array<i32>} : memref<16x128xf32, #tpu.memory_space<vmem>>, vector<16xf32>,
        %add3A_1169 = arith.constant 10 : i32
        %add3A_1170 = vector.broadcast %add3A_1169 : i32 to vector<16xi32>
        %add3A_1171 = arith.addi %select_n3A, %add3A_1170 : vector<16xi32>
        %add3A_1172 = arith.constant 13 : i32
        %add3A_1173 = vector.broadcast %add3A_1172 : i32 to vector<16xi32>
        %add3A_1174 = arith.addi %mul3A_47, %add3A_1173 : vector<16xi32>
        tpu.vector_store_idx %arg8[%add3A_1171, %add3A_1174], %get3A_1168 : memref<16x128xf32, #tpu.memory_space<vmem>>[vector<16xi32>, vector<16xi32>], vector<16xf32>,
        %get3A_1175 = arith.constant 13 : i32
        %get3A_1176 = arith.index_cast %get3A_1175 : i32 to index
        %get3A_1177 = arith.constant 96 : index
        %get3A_1178 = tpu.vector_load %arg7[%get3A_1176, %get3A_1177] {strides = array<i32>} : memref<16x128xf32, #tpu.memory_space<vmem>>, vector<16xf32>,
        %add3A_1179 = arith.constant 12 : i32
        %add3A_1180 = vector.broadcast %add3A_1179 : i32 to vector<16xi32>
        %add3A_1181 = arith.addi %select_n3A, %add3A_1180 : vector<16xi32>
        %add3A_1182 = arith.constant 13 : i32
        %add3A_1183 = vector.broadcast %add3A_1182 : i32 to vector<16xi32>
        %add3A_1184 = arith.addi %mul3A_47, %add3A_1183 : vector<16xi32>
        tpu.vector_store_idx %arg8[%add3A_1181, %add3A_1184], %get3A_1178 : memref<16x128xf32, #tpu.memory_space<vmem>>[vector<16xi32>, vector<16xi32>], vector<16xf32>,
        %get3A_1185 = arith.constant 13 : i32
        %get3A_1186 = arith.index_cast %get3A_1185 : i32 to index
        %get3A_1187 = arith.constant 112 : index
        %get3A_1188 = tpu.vector_load %arg7[%get3A_1186, %get3A_1187] {strides = array<i32>} : memref<16x128xf32, #tpu.memory_space<vmem>>, vector<16xf32>,
        %add3A_1189 = arith.constant 14 : i32
        %add3A_1190 = vector.broadcast %add3A_1189 : i32 to vector<16xi32>
        %add3A_1191 = arith.addi %select_n3A, %add3A_1190 : vector<16xi32>
        %add3A_1192 = arith.constant 13 : i32
        %add3A_1193 = vector.broadcast %add3A_1192 : i32 to vector<16xi32>
        %add3A_1194 = arith.addi %mul3A_47, %add3A_1193 : vector<16xi32>
        tpu.vector_store_idx %arg8[%add3A_1191, %add3A_1194], %get3A_1188 : memref<16x128xf32, #tpu.memory_space<vmem>>[vector<16xi32>, vector<16xi32>], vector<16xf32>,
        %get3A_1195 = arith.constant 14 : i32
        %get3A_1196 = arith.index_cast %get3A_1195 : i32 to index
        %get3A_1197 = arith.constant 0 : index
        %get3A_1198 = tpu.vector_load %arg7[%get3A_1196, %get3A_1197] {strides = array<i32>} : memref<16x128xf32, #tpu.memory_space<vmem>>, vector<16xf32>,
        %add3A_1199 = arith.constant 0 : i32
        %add3A_1200 = vector.broadcast %add3A_1199 : i32 to vector<16xi32>
        %add3A_1201 = arith.addi %select_n3A, %add3A_1200 : vector<16xi32>
        %add3A_1202 = arith.constant 14 : i32
        %add3A_1203 = vector.broadcast %add3A_1202 : i32 to vector<16xi32>
        %add3A_1204 = arith.addi %mul3A_47, %add3A_1203 : vector<16xi32>
        tpu.vector_store_idx %arg8[%add3A_1201, %add3A_1204], %get3A_1198 : memref<16x128xf32, #tpu.memory_space<vmem>>[vector<16xi32>, vector<16xi32>], vector<16xf32>,
        %get3A_1205 = arith.constant 14 : i32
        %get3A_1206 = arith.index_cast %get3A_1205 : i32 to index
        %get3A_1207 = arith.constant 16 : index
        %get3A_1208 = tpu.vector_load %arg7[%get3A_1206, %get3A_1207] {strides = array<i32>} : memref<16x128xf32, #tpu.memory_space<vmem>>, vector<16xf32>,
        %add3A_1209 = arith.constant 2 : i32
        %add3A_1210 = vector.broadcast %add3A_1209 : i32 to vector<16xi32>
        %add3A_1211 = arith.addi %select_n3A, %add3A_1210 : vector<16xi32>
        %add3A_1212 = arith.constant 14 : i32
        %add3A_1213 = vector.broadcast %add3A_1212 : i32 to vector<16xi32>
        %add3A_1214 = arith.addi %mul3A_47, %add3A_1213 : vector<16xi32>
        tpu.vector_store_idx %arg8[%add3A_1211, %add3A_1214], %get3A_1208 : memref<16x128xf32, #tpu.memory_space<vmem>>[vector<16xi32>, vector<16xi32>], vector<16xf32>,
        %get3A_1215 = arith.constant 14 : i32
        %get3A_1216 = arith.index_cast %get3A_1215 : i32 to index
        %get3A_1217 = arith.constant 32 : index
        %get3A_1218 = tpu.vector_load %arg7[%get3A_1216, %get3A_1217] {strides = array<i32>} : memref<16x128xf32, #tpu.memory_space<vmem>>, vector<16xf32>,
        %add3A_1219 = arith.constant 4 : i32
        %add3A_1220 = vector.broadcast %add3A_1219 : i32 to vector<16xi32>
        %add3A_1221 = arith.addi %select_n3A, %add3A_1220 : vector<16xi32>
        %add3A_1222 = arith.constant 14 : i32
        %add3A_1223 = vector.broadcast %add3A_1222 : i32 to vector<16xi32>
        %add3A_1224 = arith.addi %mul3A_47, %add3A_1223 : vector<16xi32>
        tpu.vector_store_idx %arg8[%add3A_1221, %add3A_1224], %get3A_1218 : memref<16x128xf32, #tpu.memory_space<vmem>>[vector<16xi32>, vector<16xi32>], vector<16xf32>,
        %get3A_1225 = arith.constant 14 : i32
        %get3A_1226 = arith.index_cast %get3A_1225 : i32 to index
        %get3A_1227 = arith.constant 48 : index
        %get3A_1228 = tpu.vector_load %arg7[%get3A_1226, %get3A_1227] {strides = array<i32>} : memref<16x128xf32, #tpu.memory_space<vmem>>, vector<16xf32>,
        %add3A_1229 = arith.constant 6 : i32
        %add3A_1230 = vector.broadcast %add3A_1229 : i32 to vector<16xi32>
        %add3A_1231 = arith.addi %select_n3A, %add3A_1230 : vector<16xi32>
        %add3A_1232 = arith.constant 14 : i32
        %add3A_1233 = vector.broadcast %add3A_1232 : i32 to vector<16xi32>
        %add3A_1234 = arith.addi %mul3A_47, %add3A_1233 : vector<16xi32>
        tpu.vector_store_idx %arg8[%add3A_1231, %add3A_1234], %get3A_1228 : memref<16x128xf32, #tpu.memory_space<vmem>>[vector<16xi32>, vector<16xi32>], vector<16xf32>,
        %get3A_1235 = arith.constant 14 : i32
        %get3A_1236 = arith.index_cast %get3A_1235 : i32 to index
        %get3A_1237 = arith.constant 64 : index
        %get3A_1238 = tpu.vector_load %arg7[%get3A_1236, %get3A_1237] {strides = array<i32>} : memref<16x128xf32, #tpu.memory_space<vmem>>, vector<16xf32>,
        %add3A_1239 = arith.constant 8 : i32
        %add3A_1240 = vector.broadcast %add3A_1239 : i32 to vector<16xi32>
        %add3A_1241 = arith.addi %select_n3A, %add3A_1240 : vector<16xi32>
        %add3A_1242 = arith.constant 14 : i32
        %add3A_1243 = vector.broadcast %add3A_1242 : i32 to vector<16xi32>
        %add3A_1244 = arith.addi %mul3A_47, %add3A_1243 : vector<16xi32>
        tpu.vector_store_idx %arg8[%add3A_1241, %add3A_1244], %get3A_1238 : memref<16x128xf32, #tpu.memory_space<vmem>>[vector<16xi32>, vector<16xi32>], vector<16xf32>,
        %get3A_1245 = arith.constant 14 : i32
        %get3A_1246 = arith.index_cast %get3A_1245 : i32 to index
        %get3A_1247 = arith.constant 80 : index
        %get3A_1248 = tpu.vector_load %arg7[%get3A_1246, %get3A_1247] {strides = array<i32>} : memref<16x128xf32, #tpu.memory_space<vmem>>, vector<16xf32>,
        %add3A_1249 = arith.constant 10 : i32
        %add3A_1250 = vector.broadcast %add3A_1249 : i32 to vector<16xi32>
        %add3A_1251 = arith.addi %select_n3A, %add3A_1250 : vector<16xi32>
        %add3A_1252 = arith.constant 14 : i32
        %add3A_1253 = vector.broadcast %add3A_1252 : i32 to vector<16xi32>
        %add3A_1254 = arith.addi %mul3A_47, %add3A_1253 : vector<16xi32>
        tpu.vector_store_idx %arg8[%add3A_1251, %add3A_1254], %get3A_1248 : memref<16x128xf32, #tpu.memory_space<vmem>>[vector<16xi32>, vector<16xi32>], vector<16xf32>,
        %get3A_1255 = arith.constant 14 : i32
        %get3A_1256 = arith.index_cast %get3A_1255 : i32 to index
        %get3A_1257 = arith.constant 96 : index
        %get3A_1258 = tpu.vector_load %arg7[%get3A_1256, %get3A_1257] {strides = array<i32>} : memref<16x128xf32, #tpu.memory_space<vmem>>, vector<16xf32>,
        %add3A_1259 = arith.constant 12 : i32
        %add3A_1260 = vector.broadcast %add3A_1259 : i32 to vector<16xi32>
        %add3A_1261 = arith.addi %select_n3A, %add3A_1260 : vector<16xi32>
        %add3A_1262 = arith.constant 14 : i32
        %add3A_1263 = vector.broadcast %add3A_1262 : i32 to vector<16xi32>
        %add3A_1264 = arith.addi %mul3A_47, %add3A_1263 : vector<16xi32>
        tpu.vector_store_idx %arg8[%add3A_1261, %add3A_1264], %get3A_1258 : memref<16x128xf32, #tpu.memory_space<vmem>>[vector<16xi32>, vector<16xi32>], vector<16xf32>,
        %get3A_1265 = arith.constant 14 : i32
        %get3A_1266 = arith.index_cast %get3A_1265 : i32 to index
        %get3A_1267 = arith.constant 112 : index
        %get3A_1268 = tpu.vector_load %arg7[%get3A_1266, %get3A_1267] {strides = array<i32>} : memref<16x128xf32, #tpu.memory_space<vmem>>, vector<16xf32>,
        %add3A_1269 = arith.constant 14 : i32
        %add3A_1270 = vector.broadcast %add3A_1269 : i32 to vector<16xi32>
        %add3A_1271 = arith.addi %select_n3A, %add3A_1270 : vector<16xi32>
        %add3A_1272 = arith.constant 14 : i32
        %add3A_1273 = vector.broadcast %add3A_1272 : i32 to vector<16xi32>
        %add3A_1274 = arith.addi %mul3A_47, %add3A_1273 : vector<16xi32>
        tpu.vector_store_idx %arg8[%add3A_1271, %add3A_1274], %get3A_1268 : memref<16x128xf32, #tpu.memory_space<vmem>>[vector<16xi32>, vector<16xi32>], vector<16xf32>,
        %get3A_1275 = arith.constant 15 : i32
        %get3A_1276 = arith.index_cast %get3A_1275 : i32 to index
        %get3A_1277 = arith.constant 0 : index
        %get3A_1278 = tpu.vector_load %arg7[%get3A_1276, %get3A_1277] {strides = array<i32>} : memref<16x128xf32, #tpu.memory_space<vmem>>, vector<16xf32>,
        %add3A_1279 = arith.constant 0 : i32
        %add3A_1280 = vector.broadcast %add3A_1279 : i32 to vector<16xi32>
        %add3A_1281 = arith.addi %select_n3A, %add3A_1280 : vector<16xi32>
        %add3A_1282 = arith.constant 15 : i32
        %add3A_1283 = vector.broadcast %add3A_1282 : i32 to vector<16xi32>
        %add3A_1284 = arith.addi %mul3A_47, %add3A_1283 : vector<16xi32>
        tpu.vector_store_idx %arg8[%add3A_1281, %add3A_1284], %get3A_1278 : memref<16x128xf32, #tpu.memory_space<vmem>>[vector<16xi32>, vector<16xi32>], vector<16xf32>,
        %get3A_1285 = arith.constant 15 : i32
        %get3A_1286 = arith.index_cast %get3A_1285 : i32 to index
        %get3A_1287 = arith.constant 16 : index
        %get3A_1288 = tpu.vector_load %arg7[%get3A_1286, %get3A_1287] {strides = array<i32>} : memref<16x128xf32, #tpu.memory_space<vmem>>, vector<16xf32>,
        %add3A_1289 = arith.constant 2 : i32
        %add3A_1290 = vector.broadcast %add3A_1289 : i32 to vector<16xi32>
        %add3A_1291 = arith.addi %select_n3A, %add3A_1290 : vector<16xi32>
        %add3A_1292 = arith.constant 15 : i32
        %add3A_1293 = vector.broadcast %add3A_1292 : i32 to vector<16xi32>
        %add3A_1294 = arith.addi %mul3A_47, %add3A_1293 : vector<16xi32>
        tpu.vector_store_idx %arg8[%add3A_1291, %add3A_1294], %get3A_1288 : memref<16x128xf32, #tpu.memory_space<vmem>>[vector<16xi32>, vector<16xi32>], vector<16xf32>,
        %get3A_1295 = arith.constant 15 : i32
        %get3A_1296 = arith.index_cast %get3A_1295 : i32 to index
        %get3A_1297 = arith.constant 32 : index
        %get3A_1298 = tpu.vector_load %arg7[%get3A_1296, %get3A_1297] {strides = array<i32>} : memref<16x128xf32, #tpu.memory_space<vmem>>, vector<16xf32>,
        %add3A_1299 = arith.constant 4 : i32
        %add3A_1300 = vector.broadcast %add3A_1299 : i32 to vector<16xi32>
        %add3A_1301 = arith.addi %select_n3A, %add3A_1300 : vector<16xi32>
        %add3A_1302 = arith.constant 15 : i32
        %add3A_1303 = vector.broadcast %add3A_1302 : i32 to vector<16xi32>
        %add3A_1304 = arith.addi %mul3A_47, %add3A_1303 : vector<16xi32>
        tpu.vector_store_idx %arg8[%add3A_1301, %add3A_1304], %get3A_1298 : memref<16x128xf32, #tpu.memory_space<vmem>>[vector<16xi32>, vector<16xi32>], vector<16xf32>,
        %get3A_1305 = arith.constant 15 : i32
        %get3A_1306 = arith.index_cast %get3A_1305 : i32 to index
        %get3A_1307 = arith.constant 48 : index
        %get3A_1308 = tpu.vector_load %arg7[%get3A_1306, %get3A_1307] {strides = array<i32>} : memref<16x128xf32, #tpu.memory_space<vmem>>, vector<16xf32>,
        %add3A_1309 = arith.constant 6 : i32
        %add3A_1310 = vector.broadcast %add3A_1309 : i32 to vector<16xi32>
        %add3A_1311 = arith.addi %select_n3A, %add3A_1310 : vector<16xi32>
        %add3A_1312 = arith.constant 15 : i32
        %add3A_1313 = vector.broadcast %add3A_1312 : i32 to vector<16xi32>
        %add3A_1314 = arith.addi %mul3A_47, %add3A_1313 : vector<16xi32>
        tpu.vector_store_idx %arg8[%add3A_1311, %add3A_1314], %get3A_1308 : memref<16x128xf32, #tpu.memory_space<vmem>>[vector<16xi32>, vector<16xi32>], vector<16xf32>,
        %get3A_1315 = arith.constant 15 : i32
        %get3A_1316 = arith.index_cast %get3A_1315 : i32 to index
        %get3A_1317 = arith.constant 64 : index
        %get3A_1318 = tpu.vector_load %arg7[%get3A_1316, %get3A_1317] {strides = array<i32>} : memref<16x128xf32, #tpu.memory_space<vmem>>, vector<16xf32>,
        %add3A_1319 = arith.constant 8 : i32
        %add3A_1320 = vector.broadcast %add3A_1319 : i32 to vector<16xi32>
        %add3A_1321 = arith.addi %select_n3A, %add3A_1320 : vector<16xi32>
        %add3A_1322 = arith.constant 15 : i32
        %add3A_1323 = vector.broadcast %add3A_1322 : i32 to vector<16xi32>
        %add3A_1324 = arith.addi %mul3A_47, %add3A_1323 : vector<16xi32>
        tpu.vector_store_idx %arg8[%add3A_1321, %add3A_1324], %get3A_1318 : memref<16x128xf32, #tpu.memory_space<vmem>>[vector<16xi32>, vector<16xi32>], vector<16xf32>,
        %get3A_1325 = arith.constant 15 : i32
        %get3A_1326 = arith.index_cast %get3A_1325 : i32 to index
        %get3A_1327 = arith.constant 80 : index
        %get3A_1328 = tpu.vector_load %arg7[%get3A_1326, %get3A_1327] {strides = array<i32>} : memref<16x128xf32, #tpu.memory_space<vmem>>, vector<16xf32>,
        %add3A_1329 = arith.constant 10 : i32
        %add3A_1330 = vector.broadcast %add3A_1329 : i32 to vector<16xi32>
        %add3A_1331 = arith.addi %select_n3A, %add3A_1330 : vector<16xi32>
        %add3A_1332 = arith.constant 15 : i32
        %add3A_1333 = vector.broadcast %add3A_1332 : i32 to vector<16xi32>
        %add3A_1334 = arith.addi %mul3A_47, %add3A_1333 : vector<16xi32>
        tpu.vector_store_idx %arg8[%add3A_1331, %add3A_1334], %get3A_1328 : memref<16x128xf32, #tpu.memory_space<vmem>>[vector<16xi32>, vector<16xi32>], vector<16xf32>,
        %get3A_1335 = arith.constant 15 : i32
        %get3A_1336 = arith.index_cast %get3A_1335 : i32 to index
        %get3A_1337 = arith.constant 96 : index
        %get3A_1338 = tpu.vector_load %arg7[%get3A_1336, %get3A_1337] {strides = array<i32>} : memref<16x128xf32, #tpu.memory_space<vmem>>, vector<16xf32>,
        %add3A_1339 = arith.constant 12 : i32
        %add3A_1340 = vector.broadcast %add3A_1339 : i32 to vector<16xi32>
        %add3A_1341 = arith.addi %select_n3A, %add3A_1340 : vector<16xi32>
        %add3A_1342 = arith.constant 15 : i32
        %add3A_1343 = vector.broadcast %add3A_1342 : i32 to vector<16xi32>
        %add3A_1344 = arith.addi %mul3A_47, %add3A_1343 : vector<16xi32>
        tpu.vector_store_idx %arg8[%add3A_1341, %add3A_1344], %get3A_1338 : memref<16x128xf32, #tpu.memory_space<vmem>>[vector<16xi32>, vector<16xi32>], vector<16xf32>,
        %get3A_1345 = arith.constant 15 : i32
        %get3A_1346 = arith.index_cast %get3A_1345 : i32 to index
        %get3A_1347 = arith.constant 112 : index
        %get3A_1348 = tpu.vector_load %arg7[%get3A_1346, %get3A_1347] {strides = array<i32>} : memref<16x128xf32, #tpu.memory_space<vmem>>, vector<16xf32>,
        %add3A_1349 = arith.constant 14 : i32
        %add3A_1350 = vector.broadcast %add3A_1349 : i32 to vector<16xi32>
        %add3A_1351 = arith.addi %select_n3A, %add3A_1350 : vector<16xi32>
        %add3A_1352 = arith.constant 15 : i32
        %add3A_1353 = vector.broadcast %add3A_1352 : i32 to vector<16xi32>
        %add3A_1354 = arith.addi %mul3A_47, %add3A_1353 : vector<16xi32>
        tpu.vector_store_idx %arg8[%add3A_1351, %add3A_1354], %get3A_1348 : memref<16x128xf32, #tpu.memory_space<vmem>>[vector<16xi32>, vector<16xi32>], vector<16xf32>,
        %mul3A_1355 = arith.constant 16 : i32
        %mul3A_1356 = arith.muli %add3A_68, %mul3A_1355 : i32
        "tpu.region"() ({
          %run_scoped3A = tpu.sem_alloc : memref<!tpu.dma_semaphore, #tpu.memory_space<semaphore_mem>>
          %dma_start3A = arith.constant 0 : i32
          %dma_start3A_1357 = tpu.memref_slice %arg6[%mul3A_1356, %dma_start3A] : memref<12512x128xf32, #tpu.memory_space<vmem_shared>> -> memref<16x128xf32, #tpu.memory_space<vmem_shared>>
          %dma_start3A_1358 = arith.constant 0 : i32
          %dma_start3A_1359 = tpu.memref_slice %arg6[%mul3A_1356, %dma_start3A_1358] : memref<12512x128xf32, #tpu.memory_space<vmem_shared>> -> memref<16x128xf32, #tpu.memory_space<vmem_shared>>
          tpu.enqueue_dma source(%arg8 : memref<16x128xf32, #tpu.memory_space<vmem>>) target(%dma_start3A_1359 : memref<16x128xf32, #tpu.memory_space<vmem_shared>>) target_semaphore(%run_scoped3A : memref<!tpu.dma_semaphore, #tpu.memory_space<semaphore_mem>>)
          %dma_wait3A = arith.constant 0 : i32
          %dma_wait3A_1360 = tpu.memref_slice %arg6[%mul3A_1356, %dma_wait3A] : memref<12512x128xf32, #tpu.memory_space<vmem_shared>> -> memref<16x128xf32, #tpu.memory_space<vmem_shared>>
          %dma_wait3A_1361 = arith.constant 0 : i32
          %dma_wait3A_1362 = tpu.memref_slice %arg6[%mul3A_1356, %dma_wait3A_1361] : memref<12512x128xf32, #tpu.memory_space<vmem_shared>> -> memref<16x128xf32, #tpu.memory_space<vmem_shared>>
          tpu.wait_dma2 semaphore(%run_scoped3A : memref<!tpu.dma_semaphore, #tpu.memory_space<semaphore_mem>>) src(%arg8 : memref<16x128xf32, #tpu.memory_space<vmem>>) dst(%dma_wait3A_1362 : memref<16x128xf32, #tpu.memory_space<vmem_shared>>)
          tpu.yield
        }) : () -> ()
      } else {
      }
    }
    %scan3A_51 = arith.constant 49 : i32
    %eq3A_52 = arith.constant 15 : i32
    %eq3A_53 = arith.cmpi eq, %arg1, %eq3A_52 : i32
    %convert_element_type3A = arith.extui %eq3A_53 : i1 to i32
    %cond3A = arith.constant 0 : i32
    %cond3A_54 = arith.cmpi ne, %convert_element_type3A, %cond3A : i32
    scf.if %cond3A_54 {
      "tpu.region"() ({
        %run_scoped3A = tpu.sem_alloc : memref<!tpu.dma_semaphore, #tpu.memory_space<semaphore_mem>>
        %dma_start3A = arith.constant 0 : i32
        %dma_start3A_1344 = tpu.memref_slice %arg4[%mul3A_0, %dma_start3A] : memref<32x128xf32, #tpu.memory_space<hbm>> -> memref<16x128xf32, #tpu.memory_space<hbm>>
        %dma_start3A_1345 = arith.constant 0 : i32
        %dma_start3A_1346 = tpu.memref_slice %arg4[%mul3A_0, %dma_start3A_1345] : memref<32x128xf32, #tpu.memory_space<hbm>> -> memref<16x128xf32, #tpu.memory_space<hbm>>
        tpu.enqueue_dma source(%dma_start3A_1346 : memref<16x128xf32, #tpu.memory_space<hbm>>) target(%arg7 : memref<16x128xf32, #tpu.memory_space<vmem>>) target_semaphore(%run_scoped3A : memref<!tpu.dma_semaphore, #tpu.memory_space<semaphore_mem>>)
        %dma_wait3A = arith.constant 0 : i32
        %dma_wait3A_1347 = tpu.memref_slice %arg4[%mul3A_0, %dma_wait3A] : memref<32x128xf32, #tpu.memory_space<hbm>> -> memref<16x128xf32, #tpu.memory_space<hbm>>
        %dma_wait3A_1348 = arith.constant 0 : i32
        %dma_wait3A_1349 = tpu.memref_slice %arg4[%mul3A_0, %dma_wait3A_1348] : memref<32x128xf32, #tpu.memory_space<hbm>> -> memref<16x128xf32, #tpu.memory_space<hbm>>
        tpu.wait_dma2 semaphore(%run_scoped3A : memref<!tpu.dma_semaphore, #tpu.memory_space<semaphore_mem>>) src(%dma_wait3A_1349 : memref<16x128xf32, #tpu.memory_space<hbm>>) dst(%arg7 : memref<16x128xf32, #tpu.memory_space<vmem>>)
        tpu.yield
      }) : () -> ()
      %get3A = arith.constant 0 : i32
      %get3A_65 = arith.index_cast %get3A : i32 to index
      %get3A_66 = arith.constant 0 : index
      %get3A_67 = tpu.vector_load %arg7[%get3A_65, %get3A_66] {strides = array<i32>} : memref<16x128xf32, #tpu.memory_space<vmem>>, vector<16xf32>,
      %add3A_68 = arith.constant 0 : i32
      %add3A_69 = vector.broadcast %add3A_68 : i32 to vector<16xi32>
      %add3A_70 = arith.addi %select_n3A, %add3A_69 : vector<16xi32>
      %add3A_71 = arith.constant 0 : i32
      %add3A_72 = vector.broadcast %add3A_71 : i32 to vector<16xi32>
      %add3A_73 = arith.addi %mul3A_47, %add3A_72 : vector<16xi32>
      tpu.vector_store_idx %arg8[%add3A_70, %add3A_73], %get3A_67 : memref<16x128xf32, #tpu.memory_space<vmem>>[vector<16xi32>, vector<16xi32>], vector<16xf32>,
      %get3A_74 = arith.constant 0 : i32
      %get3A_75 = arith.index_cast %get3A_74 : i32 to index
      %get3A_76 = arith.constant 16 : index
      %get3A_77 = tpu.vector_load %arg7[%get3A_75, %get3A_76] {strides = array<i32>} : memref<16x128xf32, #tpu.memory_space<vmem>>, vector<16xf32>,
      %add3A_78 = arith.constant 2 : i32
      %add3A_79 = vector.broadcast %add3A_78 : i32 to vector<16xi32>
      %add3A_80 = arith.addi %select_n3A, %add3A_79 : vector<16xi32>
      %add3A_81 = arith.constant 0 : i32
      %add3A_82 = vector.broadcast %add3A_81 : i32 to vector<16xi32>
      %add3A_83 = arith.addi %mul3A_47, %add3A_82 : vector<16xi32>
      tpu.vector_store_idx %arg8[%add3A_80, %add3A_83], %get3A_77 : memref<16x128xf32, #tpu.memory_space<vmem>>[vector<16xi32>, vector<16xi32>], vector<16xf32>,
      %get3A_84 = arith.constant 0 : i32
      %get3A_85 = arith.index_cast %get3A_84 : i32 to index
      %get3A_86 = arith.constant 32 : index
      %get3A_87 = tpu.vector_load %arg7[%get3A_85, %get3A_86] {strides = array<i32>} : memref<16x128xf32, #tpu.memory_space<vmem>>, vector<16xf32>,
      %add3A_88 = arith.constant 4 : i32
      %add3A_89 = vector.broadcast %add3A_88 : i32 to vector<16xi32>
      %add3A_90 = arith.addi %select_n3A, %add3A_89 : vector<16xi32>
      %add3A_91 = arith.constant 0 : i32
      %add3A_92 = vector.broadcast %add3A_91 : i32 to vector<16xi32>
      %add3A_93 = arith.addi %mul3A_47, %add3A_92 : vector<16xi32>
      tpu.vector_store_idx %arg8[%add3A_90, %add3A_93], %get3A_87 : memref<16x128xf32, #tpu.memory_space<vmem>>[vector<16xi32>, vector<16xi32>], vector<16xf32>,
      %get3A_94 = arith.constant 0 : i32
      %get3A_95 = arith.index_cast %get3A_94 : i32 to index
      %get3A_96 = arith.constant 48 : index
      %get3A_97 = tpu.vector_load %arg7[%get3A_95, %get3A_96] {strides = array<i32>} : memref<16x128xf32, #tpu.memory_space<vmem>>, vector<16xf32>,
      %add3A_98 = arith.constant 6 : i32
      %add3A_99 = vector.broadcast %add3A_98 : i32 to vector<16xi32>
      %add3A_100 = arith.addi %select_n3A, %add3A_99 : vector<16xi32>
      %add3A_101 = arith.constant 0 : i32
      %add3A_102 = vector.broadcast %add3A_101 : i32 to vector<16xi32>
      %add3A_103 = arith.addi %mul3A_47, %add3A_102 : vector<16xi32>
      tpu.vector_store_idx %arg8[%add3A_100, %add3A_103], %get3A_97 : memref<16x128xf32, #tpu.memory_space<vmem>>[vector<16xi32>, vector<16xi32>], vector<16xf32>,
      %get3A_104 = arith.constant 0 : i32
      %get3A_105 = arith.index_cast %get3A_104 : i32 to index
      %get3A_106 = arith.constant 64 : index
      %get3A_107 = tpu.vector_load %arg7[%get3A_105, %get3A_106] {strides = array<i32>} : memref<16x128xf32, #tpu.memory_space<vmem>>, vector<16xf32>,
      %add3A_108 = arith.constant 8 : i32
      %add3A_109 = vector.broadcast %add3A_108 : i32 to vector<16xi32>
      %add3A_110 = arith.addi %select_n3A, %add3A_109 : vector<16xi32>
      %add3A_111 = arith.constant 0 : i32
      %add3A_112 = vector.broadcast %add3A_111 : i32 to vector<16xi32>
      %add3A_113 = arith.addi %mul3A_47, %add3A_112 : vector<16xi32>
      tpu.vector_store_idx %arg8[%add3A_110, %add3A_113], %get3A_107 : memref<16x128xf32, #tpu.memory_space<vmem>>[vector<16xi32>, vector<16xi32>], vector<16xf32>,
      %get3A_114 = arith.constant 0 : i32
      %get3A_115 = arith.index_cast %get3A_114 : i32 to index
      %get3A_116 = arith.constant 80 : index
      %get3A_117 = tpu.vector_load %arg7[%get3A_115, %get3A_116] {strides = array<i32>} : memref<16x128xf32, #tpu.memory_space<vmem>>, vector<16xf32>,
      %add3A_118 = arith.constant 10 : i32
      %add3A_119 = vector.broadcast %add3A_118 : i32 to vector<16xi32>
      %add3A_120 = arith.addi %select_n3A, %add3A_119 : vector<16xi32>
      %add3A_121 = arith.constant 0 : i32
      %add3A_122 = vector.broadcast %add3A_121 : i32 to vector<16xi32>
      %add3A_123 = arith.addi %mul3A_47, %add3A_122 : vector<16xi32>
      tpu.vector_store_idx %arg8[%add3A_120, %add3A_123], %get3A_117 : memref<16x128xf32, #tpu.memory_space<vmem>>[vector<16xi32>, vector<16xi32>], vector<16xf32>,
      %get3A_124 = arith.constant 0 : i32
      %get3A_125 = arith.index_cast %get3A_124 : i32 to index
      %get3A_126 = arith.constant 96 : index
      %get3A_127 = tpu.vector_load %arg7[%get3A_125, %get3A_126] {strides = array<i32>} : memref<16x128xf32, #tpu.memory_space<vmem>>, vector<16xf32>,
      %add3A_128 = arith.constant 12 : i32
      %add3A_129 = vector.broadcast %add3A_128 : i32 to vector<16xi32>
      %add3A_130 = arith.addi %select_n3A, %add3A_129 : vector<16xi32>
      %add3A_131 = arith.constant 0 : i32
      %add3A_132 = vector.broadcast %add3A_131 : i32 to vector<16xi32>
      %add3A_133 = arith.addi %mul3A_47, %add3A_132 : vector<16xi32>
      tpu.vector_store_idx %arg8[%add3A_130, %add3A_133], %get3A_127 : memref<16x128xf32, #tpu.memory_space<vmem>>[vector<16xi32>, vector<16xi32>], vector<16xf32>,
      %get3A_134 = arith.constant 0 : i32
      %get3A_135 = arith.index_cast %get3A_134 : i32 to index
      %get3A_136 = arith.constant 112 : index
      %get3A_137 = tpu.vector_load %arg7[%get3A_135, %get3A_136] {strides = array<i32>} : memref<16x128xf32, #tpu.memory_space<vmem>>, vector<16xf32>,
      %add3A_138 = arith.constant 14 : i32
      %add3A_139 = vector.broadcast %add3A_138 : i32 to vector<16xi32>
      %add3A_140 = arith.addi %select_n3A, %add3A_139 : vector<16xi32>
      %add3A_141 = arith.constant 0 : i32
      %add3A_142 = vector.broadcast %add3A_141 : i32 to vector<16xi32>
      %add3A_143 = arith.addi %mul3A_47, %add3A_142 : vector<16xi32>
      tpu.vector_store_idx %arg8[%add3A_140, %add3A_143], %get3A_137 : memref<16x128xf32, #tpu.memory_space<vmem>>[vector<16xi32>, vector<16xi32>], vector<16xf32>,
      %get3A_144 = arith.constant 1 : i32
      %get3A_145 = arith.index_cast %get3A_144 : i32 to index
      %get3A_146 = arith.constant 0 : index
      %get3A_147 = tpu.vector_load %arg7[%get3A_145, %get3A_146] {strides = array<i32>} : memref<16x128xf32, #tpu.memory_space<vmem>>, vector<16xf32>,
      %add3A_148 = arith.constant 0 : i32
      %add3A_149 = vector.broadcast %add3A_148 : i32 to vector<16xi32>
      %add3A_150 = arith.addi %select_n3A, %add3A_149 : vector<16xi32>
      %add3A_151 = arith.constant 1 : i32
      %add3A_152 = vector.broadcast %add3A_151 : i32 to vector<16xi32>
      %add3A_153 = arith.addi %mul3A_47, %add3A_152 : vector<16xi32>
      tpu.vector_store_idx %arg8[%add3A_150, %add3A_153], %get3A_147 : memref<16x128xf32, #tpu.memory_space<vmem>>[vector<16xi32>, vector<16xi32>], vector<16xf32>,
      %get3A_154 = arith.constant 1 : i32
      %get3A_155 = arith.index_cast %get3A_154 : i32 to index
      %get3A_156 = arith.constant 16 : index
      %get3A_157 = tpu.vector_load %arg7[%get3A_155, %get3A_156] {strides = array<i32>} : memref<16x128xf32, #tpu.memory_space<vmem>>, vector<16xf32>,
      %add3A_158 = arith.constant 2 : i32
      %add3A_159 = vector.broadcast %add3A_158 : i32 to vector<16xi32>
      %add3A_160 = arith.addi %select_n3A, %add3A_159 : vector<16xi32>
      %add3A_161 = arith.constant 1 : i32
      %add3A_162 = vector.broadcast %add3A_161 : i32 to vector<16xi32>
      %add3A_163 = arith.addi %mul3A_47, %add3A_162 : vector<16xi32>
      tpu.vector_store_idx %arg8[%add3A_160, %add3A_163], %get3A_157 : memref<16x128xf32, #tpu.memory_space<vmem>>[vector<16xi32>, vector<16xi32>], vector<16xf32>,
      %get3A_164 = arith.constant 1 : i32
      %get3A_165 = arith.index_cast %get3A_164 : i32 to index
      %get3A_166 = arith.constant 32 : index
      %get3A_167 = tpu.vector_load %arg7[%get3A_165, %get3A_166] {strides = array<i32>} : memref<16x128xf32, #tpu.memory_space<vmem>>, vector<16xf32>,
      %add3A_168 = arith.constant 4 : i32
      %add3A_169 = vector.broadcast %add3A_168 : i32 to vector<16xi32>
      %add3A_170 = arith.addi %select_n3A, %add3A_169 : vector<16xi32>
      %add3A_171 = arith.constant 1 : i32
      %add3A_172 = vector.broadcast %add3A_171 : i32 to vector<16xi32>
      %add3A_173 = arith.addi %mul3A_47, %add3A_172 : vector<16xi32>
      tpu.vector_store_idx %arg8[%add3A_170, %add3A_173], %get3A_167 : memref<16x128xf32, #tpu.memory_space<vmem>>[vector<16xi32>, vector<16xi32>], vector<16xf32>,
      %get3A_174 = arith.constant 1 : i32
      %get3A_175 = arith.index_cast %get3A_174 : i32 to index
      %get3A_176 = arith.constant 48 : index
      %get3A_177 = tpu.vector_load %arg7[%get3A_175, %get3A_176] {strides = array<i32>} : memref<16x128xf32, #tpu.memory_space<vmem>>, vector<16xf32>,
      %add3A_178 = arith.constant 6 : i32
      %add3A_179 = vector.broadcast %add3A_178 : i32 to vector<16xi32>
      %add3A_180 = arith.addi %select_n3A, %add3A_179 : vector<16xi32>
      %add3A_181 = arith.constant 1 : i32
      %add3A_182 = vector.broadcast %add3A_181 : i32 to vector<16xi32>
      %add3A_183 = arith.addi %mul3A_47, %add3A_182 : vector<16xi32>
      tpu.vector_store_idx %arg8[%add3A_180, %add3A_183], %get3A_177 : memref<16x128xf32, #tpu.memory_space<vmem>>[vector<16xi32>, vector<16xi32>], vector<16xf32>,
      %get3A_184 = arith.constant 1 : i32
      %get3A_185 = arith.index_cast %get3A_184 : i32 to index
      %get3A_186 = arith.constant 64 : index
      %get3A_187 = tpu.vector_load %arg7[%get3A_185, %get3A_186] {strides = array<i32>} : memref<16x128xf32, #tpu.memory_space<vmem>>, vector<16xf32>,
      %add3A_188 = arith.constant 8 : i32
      %add3A_189 = vector.broadcast %add3A_188 : i32 to vector<16xi32>
      %add3A_190 = arith.addi %select_n3A, %add3A_189 : vector<16xi32>
      %add3A_191 = arith.constant 1 : i32
      %add3A_192 = vector.broadcast %add3A_191 : i32 to vector<16xi32>
      %add3A_193 = arith.addi %mul3A_47, %add3A_192 : vector<16xi32>
      tpu.vector_store_idx %arg8[%add3A_190, %add3A_193], %get3A_187 : memref<16x128xf32, #tpu.memory_space<vmem>>[vector<16xi32>, vector<16xi32>], vector<16xf32>,
      %get3A_194 = arith.constant 1 : i32
      %get3A_195 = arith.index_cast %get3A_194 : i32 to index
      %get3A_196 = arith.constant 80 : index
      %get3A_197 = tpu.vector_load %arg7[%get3A_195, %get3A_196] {strides = array<i32>} : memref<16x128xf32, #tpu.memory_space<vmem>>, vector<16xf32>,
      %add3A_198 = arith.constant 10 : i32
      %add3A_199 = vector.broadcast %add3A_198 : i32 to vector<16xi32>
      %add3A_200 = arith.addi %select_n3A, %add3A_199 : vector<16xi32>
      %add3A_201 = arith.constant 1 : i32
      %add3A_202 = vector.broadcast %add3A_201 : i32 to vector<16xi32>
      %add3A_203 = arith.addi %mul3A_47, %add3A_202 : vector<16xi32>
      tpu.vector_store_idx %arg8[%add3A_200, %add3A_203], %get3A_197 : memref<16x128xf32, #tpu.memory_space<vmem>>[vector<16xi32>, vector<16xi32>], vector<16xf32>,
      %get3A_204 = arith.constant 1 : i32
      %get3A_205 = arith.index_cast %get3A_204 : i32 to index
      %get3A_206 = arith.constant 96 : index
      %get3A_207 = tpu.vector_load %arg7[%get3A_205, %get3A_206] {strides = array<i32>} : memref<16x128xf32, #tpu.memory_space<vmem>>, vector<16xf32>,
      %add3A_208 = arith.constant 12 : i32
      %add3A_209 = vector.broadcast %add3A_208 : i32 to vector<16xi32>
      %add3A_210 = arith.addi %select_n3A, %add3A_209 : vector<16xi32>
      %add3A_211 = arith.constant 1 : i32
      %add3A_212 = vector.broadcast %add3A_211 : i32 to vector<16xi32>
      %add3A_213 = arith.addi %mul3A_47, %add3A_212 : vector<16xi32>
      tpu.vector_store_idx %arg8[%add3A_210, %add3A_213], %get3A_207 : memref<16x128xf32, #tpu.memory_space<vmem>>[vector<16xi32>, vector<16xi32>], vector<16xf32>,
      %get3A_214 = arith.constant 1 : i32
      %get3A_215 = arith.index_cast %get3A_214 : i32 to index
      %get3A_216 = arith.constant 112 : index
      %get3A_217 = tpu.vector_load %arg7[%get3A_215, %get3A_216] {strides = array<i32>} : memref<16x128xf32, #tpu.memory_space<vmem>>, vector<16xf32>,
      %add3A_218 = arith.constant 14 : i32
      %add3A_219 = vector.broadcast %add3A_218 : i32 to vector<16xi32>
      %add3A_220 = arith.addi %select_n3A, %add3A_219 : vector<16xi32>
      %add3A_221 = arith.constant 1 : i32
      %add3A_222 = vector.broadcast %add3A_221 : i32 to vector<16xi32>
      %add3A_223 = arith.addi %mul3A_47, %add3A_222 : vector<16xi32>
      tpu.vector_store_idx %arg8[%add3A_220, %add3A_223], %get3A_217 : memref<16x128xf32, #tpu.memory_space<vmem>>[vector<16xi32>, vector<16xi32>], vector<16xf32>,
      %get3A_224 = arith.constant 2 : i32
      %get3A_225 = arith.index_cast %get3A_224 : i32 to index
      %get3A_226 = arith.constant 0 : index
      %get3A_227 = tpu.vector_load %arg7[%get3A_225, %get3A_226] {strides = array<i32>} : memref<16x128xf32, #tpu.memory_space<vmem>>, vector<16xf32>,
      %add3A_228 = arith.constant 0 : i32
      %add3A_229 = vector.broadcast %add3A_228 : i32 to vector<16xi32>
      %add3A_230 = arith.addi %select_n3A, %add3A_229 : vector<16xi32>
      %add3A_231 = arith.constant 2 : i32
      %add3A_232 = vector.broadcast %add3A_231 : i32 to vector<16xi32>
      %add3A_233 = arith.addi %mul3A_47, %add3A_232 : vector<16xi32>
      tpu.vector_store_idx %arg8[%add3A_230, %add3A_233], %get3A_227 : memref<16x128xf32, #tpu.memory_space<vmem>>[vector<16xi32>, vector<16xi32>], vector<16xf32>,
      %get3A_234 = arith.constant 2 : i32
      %get3A_235 = arith.index_cast %get3A_234 : i32 to index
      %get3A_236 = arith.constant 16 : index
      %get3A_237 = tpu.vector_load %arg7[%get3A_235, %get3A_236] {strides = array<i32>} : memref<16x128xf32, #tpu.memory_space<vmem>>, vector<16xf32>,
      %add3A_238 = arith.constant 2 : i32
      %add3A_239 = vector.broadcast %add3A_238 : i32 to vector<16xi32>
      %add3A_240 = arith.addi %select_n3A, %add3A_239 : vector<16xi32>
      %add3A_241 = arith.constant 2 : i32
      %add3A_242 = vector.broadcast %add3A_241 : i32 to vector<16xi32>
      %add3A_243 = arith.addi %mul3A_47, %add3A_242 : vector<16xi32>
      tpu.vector_store_idx %arg8[%add3A_240, %add3A_243], %get3A_237 : memref<16x128xf32, #tpu.memory_space<vmem>>[vector<16xi32>, vector<16xi32>], vector<16xf32>,
      %get3A_244 = arith.constant 2 : i32
      %get3A_245 = arith.index_cast %get3A_244 : i32 to index
      %get3A_246 = arith.constant 32 : index
      %get3A_247 = tpu.vector_load %arg7[%get3A_245, %get3A_246] {strides = array<i32>} : memref<16x128xf32, #tpu.memory_space<vmem>>, vector<16xf32>,
      %add3A_248 = arith.constant 4 : i32
      %add3A_249 = vector.broadcast %add3A_248 : i32 to vector<16xi32>
      %add3A_250 = arith.addi %select_n3A, %add3A_249 : vector<16xi32>
      %add3A_251 = arith.constant 2 : i32
      %add3A_252 = vector.broadcast %add3A_251 : i32 to vector<16xi32>
      %add3A_253 = arith.addi %mul3A_47, %add3A_252 : vector<16xi32>
      tpu.vector_store_idx %arg8[%add3A_250, %add3A_253], %get3A_247 : memref<16x128xf32, #tpu.memory_space<vmem>>[vector<16xi32>, vector<16xi32>], vector<16xf32>,
      %get3A_254 = arith.constant 2 : i32
      %get3A_255 = arith.index_cast %get3A_254 : i32 to index
      %get3A_256 = arith.constant 48 : index
      %get3A_257 = tpu.vector_load %arg7[%get3A_255, %get3A_256] {strides = array<i32>} : memref<16x128xf32, #tpu.memory_space<vmem>>, vector<16xf32>,
      %add3A_258 = arith.constant 6 : i32
      %add3A_259 = vector.broadcast %add3A_258 : i32 to vector<16xi32>
      %add3A_260 = arith.addi %select_n3A, %add3A_259 : vector<16xi32>
      %add3A_261 = arith.constant 2 : i32
      %add3A_262 = vector.broadcast %add3A_261 : i32 to vector<16xi32>
      %add3A_263 = arith.addi %mul3A_47, %add3A_262 : vector<16xi32>
      tpu.vector_store_idx %arg8[%add3A_260, %add3A_263], %get3A_257 : memref<16x128xf32, #tpu.memory_space<vmem>>[vector<16xi32>, vector<16xi32>], vector<16xf32>,
      %get3A_264 = arith.constant 2 : i32
      %get3A_265 = arith.index_cast %get3A_264 : i32 to index
      %get3A_266 = arith.constant 64 : index
      %get3A_267 = tpu.vector_load %arg7[%get3A_265, %get3A_266] {strides = array<i32>} : memref<16x128xf32, #tpu.memory_space<vmem>>, vector<16xf32>,
      %add3A_268 = arith.constant 8 : i32
      %add3A_269 = vector.broadcast %add3A_268 : i32 to vector<16xi32>
      %add3A_270 = arith.addi %select_n3A, %add3A_269 : vector<16xi32>
      %add3A_271 = arith.constant 2 : i32
      %add3A_272 = vector.broadcast %add3A_271 : i32 to vector<16xi32>
      %add3A_273 = arith.addi %mul3A_47, %add3A_272 : vector<16xi32>
      tpu.vector_store_idx %arg8[%add3A_270, %add3A_273], %get3A_267 : memref<16x128xf32, #tpu.memory_space<vmem>>[vector<16xi32>, vector<16xi32>], vector<16xf32>,
      %get3A_274 = arith.constant 2 : i32
      %get3A_275 = arith.index_cast %get3A_274 : i32 to index
      %get3A_276 = arith.constant 80 : index
      %get3A_277 = tpu.vector_load %arg7[%get3A_275, %get3A_276] {strides = array<i32>} : memref<16x128xf32, #tpu.memory_space<vmem>>, vector<16xf32>,
      %add3A_278 = arith.constant 10 : i32
      %add3A_279 = vector.broadcast %add3A_278 : i32 to vector<16xi32>
      %add3A_280 = arith.addi %select_n3A, %add3A_279 : vector<16xi32>
      %add3A_281 = arith.constant 2 : i32
      %add3A_282 = vector.broadcast %add3A_281 : i32 to vector<16xi32>
      %add3A_283 = arith.addi %mul3A_47, %add3A_282 : vector<16xi32>
      tpu.vector_store_idx %arg8[%add3A_280, %add3A_283], %get3A_277 : memref<16x128xf32, #tpu.memory_space<vmem>>[vector<16xi32>, vector<16xi32>], vector<16xf32>,
      %get3A_284 = arith.constant 2 : i32
      %get3A_285 = arith.index_cast %get3A_284 : i32 to index
      %get3A_286 = arith.constant 96 : index
      %get3A_287 = tpu.vector_load %arg7[%get3A_285, %get3A_286] {strides = array<i32>} : memref<16x128xf32, #tpu.memory_space<vmem>>, vector<16xf32>,
      %add3A_288 = arith.constant 12 : i32
      %add3A_289 = vector.broadcast %add3A_288 : i32 to vector<16xi32>
      %add3A_290 = arith.addi %select_n3A, %add3A_289 : vector<16xi32>
      %add3A_291 = arith.constant 2 : i32
      %add3A_292 = vector.broadcast %add3A_291 : i32 to vector<16xi32>
      %add3A_293 = arith.addi %mul3A_47, %add3A_292 : vector<16xi32>
      tpu.vector_store_idx %arg8[%add3A_290, %add3A_293], %get3A_287 : memref<16x128xf32, #tpu.memory_space<vmem>>[vector<16xi32>, vector<16xi32>], vector<16xf32>,
      %get3A_294 = arith.constant 2 : i32
      %get3A_295 = arith.index_cast %get3A_294 : i32 to index
      %get3A_296 = arith.constant 112 : index
      %get3A_297 = tpu.vector_load %arg7[%get3A_295, %get3A_296] {strides = array<i32>} : memref<16x128xf32, #tpu.memory_space<vmem>>, vector<16xf32>,
      %add3A_298 = arith.constant 14 : i32
      %add3A_299 = vector.broadcast %add3A_298 : i32 to vector<16xi32>
      %add3A_300 = arith.addi %select_n3A, %add3A_299 : vector<16xi32>
      %add3A_301 = arith.constant 2 : i32
      %add3A_302 = vector.broadcast %add3A_301 : i32 to vector<16xi32>
      %add3A_303 = arith.addi %mul3A_47, %add3A_302 : vector<16xi32>
      tpu.vector_store_idx %arg8[%add3A_300, %add3A_303], %get3A_297 : memref<16x128xf32, #tpu.memory_space<vmem>>[vector<16xi32>, vector<16xi32>], vector<16xf32>,
      %get3A_304 = arith.constant 3 : i32
      %get3A_305 = arith.index_cast %get3A_304 : i32 to index
      %get3A_306 = arith.constant 0 : index
      %get3A_307 = tpu.vector_load %arg7[%get3A_305, %get3A_306] {strides = array<i32>} : memref<16x128xf32, #tpu.memory_space<vmem>>, vector<16xf32>,
      %add3A_308 = arith.constant 0 : i32
      %add3A_309 = vector.broadcast %add3A_308 : i32 to vector<16xi32>
      %add3A_310 = arith.addi %select_n3A, %add3A_309 : vector<16xi32>
      %add3A_311 = arith.constant 3 : i32
      %add3A_312 = vector.broadcast %add3A_311 : i32 to vector<16xi32>
      %add3A_313 = arith.addi %mul3A_47, %add3A_312 : vector<16xi32>
      tpu.vector_store_idx %arg8[%add3A_310, %add3A_313], %get3A_307 : memref<16x128xf32, #tpu.memory_space<vmem>>[vector<16xi32>, vector<16xi32>], vector<16xf32>,
      %get3A_314 = arith.constant 3 : i32
      %get3A_315 = arith.index_cast %get3A_314 : i32 to index
      %get3A_316 = arith.constant 16 : index
      %get3A_317 = tpu.vector_load %arg7[%get3A_315, %get3A_316] {strides = array<i32>} : memref<16x128xf32, #tpu.memory_space<vmem>>, vector<16xf32>,
      %add3A_318 = arith.constant 2 : i32
      %add3A_319 = vector.broadcast %add3A_318 : i32 to vector<16xi32>
      %add3A_320 = arith.addi %select_n3A, %add3A_319 : vector<16xi32>
      %add3A_321 = arith.constant 3 : i32
      %add3A_322 = vector.broadcast %add3A_321 : i32 to vector<16xi32>
      %add3A_323 = arith.addi %mul3A_47, %add3A_322 : vector<16xi32>
      tpu.vector_store_idx %arg8[%add3A_320, %add3A_323], %get3A_317 : memref<16x128xf32, #tpu.memory_space<vmem>>[vector<16xi32>, vector<16xi32>], vector<16xf32>,
      %get3A_324 = arith.constant 3 : i32
      %get3A_325 = arith.index_cast %get3A_324 : i32 to index
      %get3A_326 = arith.constant 32 : index
      %get3A_327 = tpu.vector_load %arg7[%get3A_325, %get3A_326] {strides = array<i32>} : memref<16x128xf32, #tpu.memory_space<vmem>>, vector<16xf32>,
      %add3A_328 = arith.constant 4 : i32
      %add3A_329 = vector.broadcast %add3A_328 : i32 to vector<16xi32>
      %add3A_330 = arith.addi %select_n3A, %add3A_329 : vector<16xi32>
      %add3A_331 = arith.constant 3 : i32
      %add3A_332 = vector.broadcast %add3A_331 : i32 to vector<16xi32>
      %add3A_333 = arith.addi %mul3A_47, %add3A_332 : vector<16xi32>
      tpu.vector_store_idx %arg8[%add3A_330, %add3A_333], %get3A_327 : memref<16x128xf32, #tpu.memory_space<vmem>>[vector<16xi32>, vector<16xi32>], vector<16xf32>,
      %get3A_334 = arith.constant 3 : i32
      %get3A_335 = arith.index_cast %get3A_334 : i32 to index
      %get3A_336 = arith.constant 48 : index
      %get3A_337 = tpu.vector_load %arg7[%get3A_335, %get3A_336] {strides = array<i32>} : memref<16x128xf32, #tpu.memory_space<vmem>>, vector<16xf32>,
      %add3A_338 = arith.constant 6 : i32
      %add3A_339 = vector.broadcast %add3A_338 : i32 to vector<16xi32>
      %add3A_340 = arith.addi %select_n3A, %add3A_339 : vector<16xi32>
      %add3A_341 = arith.constant 3 : i32
      %add3A_342 = vector.broadcast %add3A_341 : i32 to vector<16xi32>
      %add3A_343 = arith.addi %mul3A_47, %add3A_342 : vector<16xi32>
      tpu.vector_store_idx %arg8[%add3A_340, %add3A_343], %get3A_337 : memref<16x128xf32, #tpu.memory_space<vmem>>[vector<16xi32>, vector<16xi32>], vector<16xf32>,
      %get3A_344 = arith.constant 3 : i32
      %get3A_345 = arith.index_cast %get3A_344 : i32 to index
      %get3A_346 = arith.constant 64 : index
      %get3A_347 = tpu.vector_load %arg7[%get3A_345, %get3A_346] {strides = array<i32>} : memref<16x128xf32, #tpu.memory_space<vmem>>, vector<16xf32>,
      %add3A_348 = arith.constant 8 : i32
      %add3A_349 = vector.broadcast %add3A_348 : i32 to vector<16xi32>
      %add3A_350 = arith.addi %select_n3A, %add3A_349 : vector<16xi32>
      %add3A_351 = arith.constant 3 : i32
      %add3A_352 = vector.broadcast %add3A_351 : i32 to vector<16xi32>
      %add3A_353 = arith.addi %mul3A_47, %add3A_352 : vector<16xi32>
      tpu.vector_store_idx %arg8[%add3A_350, %add3A_353], %get3A_347 : memref<16x128xf32, #tpu.memory_space<vmem>>[vector<16xi32>, vector<16xi32>], vector<16xf32>,
      %get3A_354 = arith.constant 3 : i32
      %get3A_355 = arith.index_cast %get3A_354 : i32 to index
      %get3A_356 = arith.constant 80 : index
      %get3A_357 = tpu.vector_load %arg7[%get3A_355, %get3A_356] {strides = array<i32>} : memref<16x128xf32, #tpu.memory_space<vmem>>, vector<16xf32>,
      %add3A_358 = arith.constant 10 : i32
      %add3A_359 = vector.broadcast %add3A_358 : i32 to vector<16xi32>
      %add3A_360 = arith.addi %select_n3A, %add3A_359 : vector<16xi32>
      %add3A_361 = arith.constant 3 : i32
      %add3A_362 = vector.broadcast %add3A_361 : i32 to vector<16xi32>
      %add3A_363 = arith.addi %mul3A_47, %add3A_362 : vector<16xi32>
      tpu.vector_store_idx %arg8[%add3A_360, %add3A_363], %get3A_357 : memref<16x128xf32, #tpu.memory_space<vmem>>[vector<16xi32>, vector<16xi32>], vector<16xf32>,
      %get3A_364 = arith.constant 3 : i32
      %get3A_365 = arith.index_cast %get3A_364 : i32 to index
      %get3A_366 = arith.constant 96 : index
      %get3A_367 = tpu.vector_load %arg7[%get3A_365, %get3A_366] {strides = array<i32>} : memref<16x128xf32, #tpu.memory_space<vmem>>, vector<16xf32>,
      %add3A_368 = arith.constant 12 : i32
      %add3A_369 = vector.broadcast %add3A_368 : i32 to vector<16xi32>
      %add3A_370 = arith.addi %select_n3A, %add3A_369 : vector<16xi32>
      %add3A_371 = arith.constant 3 : i32
      %add3A_372 = vector.broadcast %add3A_371 : i32 to vector<16xi32>
      %add3A_373 = arith.addi %mul3A_47, %add3A_372 : vector<16xi32>
      tpu.vector_store_idx %arg8[%add3A_370, %add3A_373], %get3A_367 : memref<16x128xf32, #tpu.memory_space<vmem>>[vector<16xi32>, vector<16xi32>], vector<16xf32>,
      %get3A_374 = arith.constant 3 : i32
      %get3A_375 = arith.index_cast %get3A_374 : i32 to index
      %get3A_376 = arith.constant 112 : index
      %get3A_377 = tpu.vector_load %arg7[%get3A_375, %get3A_376] {strides = array<i32>} : memref<16x128xf32, #tpu.memory_space<vmem>>, vector<16xf32>,
      %add3A_378 = arith.constant 14 : i32
      %add3A_379 = vector.broadcast %add3A_378 : i32 to vector<16xi32>
      %add3A_380 = arith.addi %select_n3A, %add3A_379 : vector<16xi32>
      %add3A_381 = arith.constant 3 : i32
      %add3A_382 = vector.broadcast %add3A_381 : i32 to vector<16xi32>
      %add3A_383 = arith.addi %mul3A_47, %add3A_382 : vector<16xi32>
      tpu.vector_store_idx %arg8[%add3A_380, %add3A_383], %get3A_377 : memref<16x128xf32, #tpu.memory_space<vmem>>[vector<16xi32>, vector<16xi32>], vector<16xf32>,
      %get3A_384 = arith.constant 4 : i32
      %get3A_385 = arith.index_cast %get3A_384 : i32 to index
      %get3A_386 = arith.constant 0 : index
      %get3A_387 = tpu.vector_load %arg7[%get3A_385, %get3A_386] {strides = array<i32>} : memref<16x128xf32, #tpu.memory_space<vmem>>, vector<16xf32>,
      %add3A_388 = arith.constant 0 : i32
      %add3A_389 = vector.broadcast %add3A_388 : i32 to vector<16xi32>
      %add3A_390 = arith.addi %select_n3A, %add3A_389 : vector<16xi32>
      %add3A_391 = arith.constant 4 : i32
      %add3A_392 = vector.broadcast %add3A_391 : i32 to vector<16xi32>
      %add3A_393 = arith.addi %mul3A_47, %add3A_392 : vector<16xi32>
      tpu.vector_store_idx %arg8[%add3A_390, %add3A_393], %get3A_387 : memref<16x128xf32, #tpu.memory_space<vmem>>[vector<16xi32>, vector<16xi32>], vector<16xf32>,
      %get3A_394 = arith.constant 4 : i32
      %get3A_395 = arith.index_cast %get3A_394 : i32 to index
      %get3A_396 = arith.constant 16 : index
      %get3A_397 = tpu.vector_load %arg7[%get3A_395, %get3A_396] {strides = array<i32>} : memref<16x128xf32, #tpu.memory_space<vmem>>, vector<16xf32>,
      %add3A_398 = arith.constant 2 : i32
      %add3A_399 = vector.broadcast %add3A_398 : i32 to vector<16xi32>
      %add3A_400 = arith.addi %select_n3A, %add3A_399 : vector<16xi32>
      %add3A_401 = arith.constant 4 : i32
      %add3A_402 = vector.broadcast %add3A_401 : i32 to vector<16xi32>
      %add3A_403 = arith.addi %mul3A_47, %add3A_402 : vector<16xi32>
      tpu.vector_store_idx %arg8[%add3A_400, %add3A_403], %get3A_397 : memref<16x128xf32, #tpu.memory_space<vmem>>[vector<16xi32>, vector<16xi32>], vector<16xf32>,
      %get3A_404 = arith.constant 4 : i32
      %get3A_405 = arith.index_cast %get3A_404 : i32 to index
      %get3A_406 = arith.constant 32 : index
      %get3A_407 = tpu.vector_load %arg7[%get3A_405, %get3A_406] {strides = array<i32>} : memref<16x128xf32, #tpu.memory_space<vmem>>, vector<16xf32>,
      %add3A_408 = arith.constant 4 : i32
      %add3A_409 = vector.broadcast %add3A_408 : i32 to vector<16xi32>
      %add3A_410 = arith.addi %select_n3A, %add3A_409 : vector<16xi32>
      %add3A_411 = arith.constant 4 : i32
      %add3A_412 = vector.broadcast %add3A_411 : i32 to vector<16xi32>
      %add3A_413 = arith.addi %mul3A_47, %add3A_412 : vector<16xi32>
      tpu.vector_store_idx %arg8[%add3A_410, %add3A_413], %get3A_407 : memref<16x128xf32, #tpu.memory_space<vmem>>[vector<16xi32>, vector<16xi32>], vector<16xf32>,
      %get3A_414 = arith.constant 4 : i32
      %get3A_415 = arith.index_cast %get3A_414 : i32 to index
      %get3A_416 = arith.constant 48 : index
      %get3A_417 = tpu.vector_load %arg7[%get3A_415, %get3A_416] {strides = array<i32>} : memref<16x128xf32, #tpu.memory_space<vmem>>, vector<16xf32>,
      %add3A_418 = arith.constant 6 : i32
      %add3A_419 = vector.broadcast %add3A_418 : i32 to vector<16xi32>
      %add3A_420 = arith.addi %select_n3A, %add3A_419 : vector<16xi32>
      %add3A_421 = arith.constant 4 : i32
      %add3A_422 = vector.broadcast %add3A_421 : i32 to vector<16xi32>
      %add3A_423 = arith.addi %mul3A_47, %add3A_422 : vector<16xi32>
      tpu.vector_store_idx %arg8[%add3A_420, %add3A_423], %get3A_417 : memref<16x128xf32, #tpu.memory_space<vmem>>[vector<16xi32>, vector<16xi32>], vector<16xf32>,
      %get3A_424 = arith.constant 4 : i32
      %get3A_425 = arith.index_cast %get3A_424 : i32 to index
      %get3A_426 = arith.constant 64 : index
      %get3A_427 = tpu.vector_load %arg7[%get3A_425, %get3A_426] {strides = array<i32>} : memref<16x128xf32, #tpu.memory_space<vmem>>, vector<16xf32>,
      %add3A_428 = arith.constant 8 : i32
      %add3A_429 = vector.broadcast %add3A_428 : i32 to vector<16xi32>
      %add3A_430 = arith.addi %select_n3A, %add3A_429 : vector<16xi32>
      %add3A_431 = arith.constant 4 : i32
      %add3A_432 = vector.broadcast %add3A_431 : i32 to vector<16xi32>
      %add3A_433 = arith.addi %mul3A_47, %add3A_432 : vector<16xi32>
      tpu.vector_store_idx %arg8[%add3A_430, %add3A_433], %get3A_427 : memref<16x128xf32, #tpu.memory_space<vmem>>[vector<16xi32>, vector<16xi32>], vector<16xf32>,
      %get3A_434 = arith.constant 4 : i32
      %get3A_435 = arith.index_cast %get3A_434 : i32 to index
      %get3A_436 = arith.constant 80 : index
      %get3A_437 = tpu.vector_load %arg7[%get3A_435, %get3A_436] {strides = array<i32>} : memref<16x128xf32, #tpu.memory_space<vmem>>, vector<16xf32>,
      %add3A_438 = arith.constant 10 : i32
      %add3A_439 = vector.broadcast %add3A_438 : i32 to vector<16xi32>
      %add3A_440 = arith.addi %select_n3A, %add3A_439 : vector<16xi32>
      %add3A_441 = arith.constant 4 : i32
      %add3A_442 = vector.broadcast %add3A_441 : i32 to vector<16xi32>
      %add3A_443 = arith.addi %mul3A_47, %add3A_442 : vector<16xi32>
      tpu.vector_store_idx %arg8[%add3A_440, %add3A_443], %get3A_437 : memref<16x128xf32, #tpu.memory_space<vmem>>[vector<16xi32>, vector<16xi32>], vector<16xf32>,
      %get3A_444 = arith.constant 4 : i32
      %get3A_445 = arith.index_cast %get3A_444 : i32 to index
      %get3A_446 = arith.constant 96 : index
      %get3A_447 = tpu.vector_load %arg7[%get3A_445, %get3A_446] {strides = array<i32>} : memref<16x128xf32, #tpu.memory_space<vmem>>, vector<16xf32>,
      %add3A_448 = arith.constant 12 : i32
      %add3A_449 = vector.broadcast %add3A_448 : i32 to vector<16xi32>
      %add3A_450 = arith.addi %select_n3A, %add3A_449 : vector<16xi32>
      %add3A_451 = arith.constant 4 : i32
      %add3A_452 = vector.broadcast %add3A_451 : i32 to vector<16xi32>
      %add3A_453 = arith.addi %mul3A_47, %add3A_452 : vector<16xi32>
      tpu.vector_store_idx %arg8[%add3A_450, %add3A_453], %get3A_447 : memref<16x128xf32, #tpu.memory_space<vmem>>[vector<16xi32>, vector<16xi32>], vector<16xf32>,
      %get3A_454 = arith.constant 4 : i32
      %get3A_455 = arith.index_cast %get3A_454 : i32 to index
      %get3A_456 = arith.constant 112 : index
      %get3A_457 = tpu.vector_load %arg7[%get3A_455, %get3A_456] {strides = array<i32>} : memref<16x128xf32, #tpu.memory_space<vmem>>, vector<16xf32>,
      %add3A_458 = arith.constant 14 : i32
      %add3A_459 = vector.broadcast %add3A_458 : i32 to vector<16xi32>
      %add3A_460 = arith.addi %select_n3A, %add3A_459 : vector<16xi32>
      %add3A_461 = arith.constant 4 : i32
      %add3A_462 = vector.broadcast %add3A_461 : i32 to vector<16xi32>
      %add3A_463 = arith.addi %mul3A_47, %add3A_462 : vector<16xi32>
      tpu.vector_store_idx %arg8[%add3A_460, %add3A_463], %get3A_457 : memref<16x128xf32, #tpu.memory_space<vmem>>[vector<16xi32>, vector<16xi32>], vector<16xf32>,
      %get3A_464 = arith.constant 5 : i32
      %get3A_465 = arith.index_cast %get3A_464 : i32 to index
      %get3A_466 = arith.constant 0 : index
      %get3A_467 = tpu.vector_load %arg7[%get3A_465, %get3A_466] {strides = array<i32>} : memref<16x128xf32, #tpu.memory_space<vmem>>, vector<16xf32>,
      %add3A_468 = arith.constant 0 : i32
      %add3A_469 = vector.broadcast %add3A_468 : i32 to vector<16xi32>
      %add3A_470 = arith.addi %select_n3A, %add3A_469 : vector<16xi32>
      %add3A_471 = arith.constant 5 : i32
      %add3A_472 = vector.broadcast %add3A_471 : i32 to vector<16xi32>
      %add3A_473 = arith.addi %mul3A_47, %add3A_472 : vector<16xi32>
      tpu.vector_store_idx %arg8[%add3A_470, %add3A_473], %get3A_467 : memref<16x128xf32, #tpu.memory_space<vmem>>[vector<16xi32>, vector<16xi32>], vector<16xf32>,
      %get3A_474 = arith.constant 5 : i32
      %get3A_475 = arith.index_cast %get3A_474 : i32 to index
      %get3A_476 = arith.constant 16 : index
      %get3A_477 = tpu.vector_load %arg7[%get3A_475, %get3A_476] {strides = array<i32>} : memref<16x128xf32, #tpu.memory_space<vmem>>, vector<16xf32>,
      %add3A_478 = arith.constant 2 : i32
      %add3A_479 = vector.broadcast %add3A_478 : i32 to vector<16xi32>
      %add3A_480 = arith.addi %select_n3A, %add3A_479 : vector<16xi32>
      %add3A_481 = arith.constant 5 : i32
      %add3A_482 = vector.broadcast %add3A_481 : i32 to vector<16xi32>
      %add3A_483 = arith.addi %mul3A_47, %add3A_482 : vector<16xi32>
      tpu.vector_store_idx %arg8[%add3A_480, %add3A_483], %get3A_477 : memref<16x128xf32, #tpu.memory_space<vmem>>[vector<16xi32>, vector<16xi32>], vector<16xf32>,
      %get3A_484 = arith.constant 5 : i32
      %get3A_485 = arith.index_cast %get3A_484 : i32 to index
      %get3A_486 = arith.constant 32 : index
      %get3A_487 = tpu.vector_load %arg7[%get3A_485, %get3A_486] {strides = array<i32>} : memref<16x128xf32, #tpu.memory_space<vmem>>, vector<16xf32>,
      %add3A_488 = arith.constant 4 : i32
      %add3A_489 = vector.broadcast %add3A_488 : i32 to vector<16xi32>
      %add3A_490 = arith.addi %select_n3A, %add3A_489 : vector<16xi32>
      %add3A_491 = arith.constant 5 : i32
      %add3A_492 = vector.broadcast %add3A_491 : i32 to vector<16xi32>
      %add3A_493 = arith.addi %mul3A_47, %add3A_492 : vector<16xi32>
      tpu.vector_store_idx %arg8[%add3A_490, %add3A_493], %get3A_487 : memref<16x128xf32, #tpu.memory_space<vmem>>[vector<16xi32>, vector<16xi32>], vector<16xf32>,
      %get3A_494 = arith.constant 5 : i32
      %get3A_495 = arith.index_cast %get3A_494 : i32 to index
      %get3A_496 = arith.constant 48 : index
      %get3A_497 = tpu.vector_load %arg7[%get3A_495, %get3A_496] {strides = array<i32>} : memref<16x128xf32, #tpu.memory_space<vmem>>, vector<16xf32>,
      %add3A_498 = arith.constant 6 : i32
      %add3A_499 = vector.broadcast %add3A_498 : i32 to vector<16xi32>
      %add3A_500 = arith.addi %select_n3A, %add3A_499 : vector<16xi32>
      %add3A_501 = arith.constant 5 : i32
      %add3A_502 = vector.broadcast %add3A_501 : i32 to vector<16xi32>
      %add3A_503 = arith.addi %mul3A_47, %add3A_502 : vector<16xi32>
      tpu.vector_store_idx %arg8[%add3A_500, %add3A_503], %get3A_497 : memref<16x128xf32, #tpu.memory_space<vmem>>[vector<16xi32>, vector<16xi32>], vector<16xf32>,
      %get3A_504 = arith.constant 5 : i32
      %get3A_505 = arith.index_cast %get3A_504 : i32 to index
      %get3A_506 = arith.constant 64 : index
      %get3A_507 = tpu.vector_load %arg7[%get3A_505, %get3A_506] {strides = array<i32>} : memref<16x128xf32, #tpu.memory_space<vmem>>, vector<16xf32>,
      %add3A_508 = arith.constant 8 : i32
      %add3A_509 = vector.broadcast %add3A_508 : i32 to vector<16xi32>
      %add3A_510 = arith.addi %select_n3A, %add3A_509 : vector<16xi32>
      %add3A_511 = arith.constant 5 : i32
      %add3A_512 = vector.broadcast %add3A_511 : i32 to vector<16xi32>
      %add3A_513 = arith.addi %mul3A_47, %add3A_512 : vector<16xi32>
      tpu.vector_store_idx %arg8[%add3A_510, %add3A_513], %get3A_507 : memref<16x128xf32, #tpu.memory_space<vmem>>[vector<16xi32>, vector<16xi32>], vector<16xf32>,
      %get3A_514 = arith.constant 5 : i32
      %get3A_515 = arith.index_cast %get3A_514 : i32 to index
      %get3A_516 = arith.constant 80 : index
      %get3A_517 = tpu.vector_load %arg7[%get3A_515, %get3A_516] {strides = array<i32>} : memref<16x128xf32, #tpu.memory_space<vmem>>, vector<16xf32>,
      %add3A_518 = arith.constant 10 : i32
      %add3A_519 = vector.broadcast %add3A_518 : i32 to vector<16xi32>
      %add3A_520 = arith.addi %select_n3A, %add3A_519 : vector<16xi32>
      %add3A_521 = arith.constant 5 : i32
      %add3A_522 = vector.broadcast %add3A_521 : i32 to vector<16xi32>
      %add3A_523 = arith.addi %mul3A_47, %add3A_522 : vector<16xi32>
      tpu.vector_store_idx %arg8[%add3A_520, %add3A_523], %get3A_517 : memref<16x128xf32, #tpu.memory_space<vmem>>[vector<16xi32>, vector<16xi32>], vector<16xf32>,
      %get3A_524 = arith.constant 5 : i32
      %get3A_525 = arith.index_cast %get3A_524 : i32 to index
      %get3A_526 = arith.constant 96 : index
      %get3A_527 = tpu.vector_load %arg7[%get3A_525, %get3A_526] {strides = array<i32>} : memref<16x128xf32, #tpu.memory_space<vmem>>, vector<16xf32>,
      %add3A_528 = arith.constant 12 : i32
      %add3A_529 = vector.broadcast %add3A_528 : i32 to vector<16xi32>
      %add3A_530 = arith.addi %select_n3A, %add3A_529 : vector<16xi32>
      %add3A_531 = arith.constant 5 : i32
      %add3A_532 = vector.broadcast %add3A_531 : i32 to vector<16xi32>
      %add3A_533 = arith.addi %mul3A_47, %add3A_532 : vector<16xi32>
      tpu.vector_store_idx %arg8[%add3A_530, %add3A_533], %get3A_527 : memref<16x128xf32, #tpu.memory_space<vmem>>[vector<16xi32>, vector<16xi32>], vector<16xf32>,
      %get3A_534 = arith.constant 5 : i32
      %get3A_535 = arith.index_cast %get3A_534 : i32 to index
      %get3A_536 = arith.constant 112 : index
      %get3A_537 = tpu.vector_load %arg7[%get3A_535, %get3A_536] {strides = array<i32>} : memref<16x128xf32, #tpu.memory_space<vmem>>, vector<16xf32>,
      %add3A_538 = arith.constant 14 : i32
      %add3A_539 = vector.broadcast %add3A_538 : i32 to vector<16xi32>
      %add3A_540 = arith.addi %select_n3A, %add3A_539 : vector<16xi32>
      %add3A_541 = arith.constant 5 : i32
      %add3A_542 = vector.broadcast %add3A_541 : i32 to vector<16xi32>
      %add3A_543 = arith.addi %mul3A_47, %add3A_542 : vector<16xi32>
      tpu.vector_store_idx %arg8[%add3A_540, %add3A_543], %get3A_537 : memref<16x128xf32, #tpu.memory_space<vmem>>[vector<16xi32>, vector<16xi32>], vector<16xf32>,
      %get3A_544 = arith.constant 6 : i32
      %get3A_545 = arith.index_cast %get3A_544 : i32 to index
      %get3A_546 = arith.constant 0 : index
      %get3A_547 = tpu.vector_load %arg7[%get3A_545, %get3A_546] {strides = array<i32>} : memref<16x128xf32, #tpu.memory_space<vmem>>, vector<16xf32>,
      %add3A_548 = arith.constant 0 : i32
      %add3A_549 = vector.broadcast %add3A_548 : i32 to vector<16xi32>
      %add3A_550 = arith.addi %select_n3A, %add3A_549 : vector<16xi32>
      %add3A_551 = arith.constant 6 : i32
      %add3A_552 = vector.broadcast %add3A_551 : i32 to vector<16xi32>
      %add3A_553 = arith.addi %mul3A_47, %add3A_552 : vector<16xi32>
      tpu.vector_store_idx %arg8[%add3A_550, %add3A_553], %get3A_547 : memref<16x128xf32, #tpu.memory_space<vmem>>[vector<16xi32>, vector<16xi32>], vector<16xf32>,
      %get3A_554 = arith.constant 6 : i32
      %get3A_555 = arith.index_cast %get3A_554 : i32 to index
      %get3A_556 = arith.constant 16 : index
      %get3A_557 = tpu.vector_load %arg7[%get3A_555, %get3A_556] {strides = array<i32>} : memref<16x128xf32, #tpu.memory_space<vmem>>, vector<16xf32>,
      %add3A_558 = arith.constant 2 : i32
      %add3A_559 = vector.broadcast %add3A_558 : i32 to vector<16xi32>
      %add3A_560 = arith.addi %select_n3A, %add3A_559 : vector<16xi32>
      %add3A_561 = arith.constant 6 : i32
      %add3A_562 = vector.broadcast %add3A_561 : i32 to vector<16xi32>
      %add3A_563 = arith.addi %mul3A_47, %add3A_562 : vector<16xi32>
      tpu.vector_store_idx %arg8[%add3A_560, %add3A_563], %get3A_557 : memref<16x128xf32, #tpu.memory_space<vmem>>[vector<16xi32>, vector<16xi32>], vector<16xf32>,
      %get3A_564 = arith.constant 6 : i32
      %get3A_565 = arith.index_cast %get3A_564 : i32 to index
      %get3A_566 = arith.constant 32 : index
      %get3A_567 = tpu.vector_load %arg7[%get3A_565, %get3A_566] {strides = array<i32>} : memref<16x128xf32, #tpu.memory_space<vmem>>, vector<16xf32>,
      %add3A_568 = arith.constant 4 : i32
      %add3A_569 = vector.broadcast %add3A_568 : i32 to vector<16xi32>
      %add3A_570 = arith.addi %select_n3A, %add3A_569 : vector<16xi32>
      %add3A_571 = arith.constant 6 : i32
      %add3A_572 = vector.broadcast %add3A_571 : i32 to vector<16xi32>
      %add3A_573 = arith.addi %mul3A_47, %add3A_572 : vector<16xi32>
      tpu.vector_store_idx %arg8[%add3A_570, %add3A_573], %get3A_567 : memref<16x128xf32, #tpu.memory_space<vmem>>[vector<16xi32>, vector<16xi32>], vector<16xf32>,
      %get3A_574 = arith.constant 6 : i32
      %get3A_575 = arith.index_cast %get3A_574 : i32 to index
      %get3A_576 = arith.constant 48 : index
      %get3A_577 = tpu.vector_load %arg7[%get3A_575, %get3A_576] {strides = array<i32>} : memref<16x128xf32, #tpu.memory_space<vmem>>, vector<16xf32>,
      %add3A_578 = arith.constant 6 : i32
      %add3A_579 = vector.broadcast %add3A_578 : i32 to vector<16xi32>
      %add3A_580 = arith.addi %select_n3A, %add3A_579 : vector<16xi32>
      %add3A_581 = arith.constant 6 : i32
      %add3A_582 = vector.broadcast %add3A_581 : i32 to vector<16xi32>
      %add3A_583 = arith.addi %mul3A_47, %add3A_582 : vector<16xi32>
      tpu.vector_store_idx %arg8[%add3A_580, %add3A_583], %get3A_577 : memref<16x128xf32, #tpu.memory_space<vmem>>[vector<16xi32>, vector<16xi32>], vector<16xf32>,
      %get3A_584 = arith.constant 6 : i32
      %get3A_585 = arith.index_cast %get3A_584 : i32 to index
      %get3A_586 = arith.constant 64 : index
      %get3A_587 = tpu.vector_load %arg7[%get3A_585, %get3A_586] {strides = array<i32>} : memref<16x128xf32, #tpu.memory_space<vmem>>, vector<16xf32>,
      %add3A_588 = arith.constant 8 : i32
      %add3A_589 = vector.broadcast %add3A_588 : i32 to vector<16xi32>
      %add3A_590 = arith.addi %select_n3A, %add3A_589 : vector<16xi32>
      %add3A_591 = arith.constant 6 : i32
      %add3A_592 = vector.broadcast %add3A_591 : i32 to vector<16xi32>
      %add3A_593 = arith.addi %mul3A_47, %add3A_592 : vector<16xi32>
      tpu.vector_store_idx %arg8[%add3A_590, %add3A_593], %get3A_587 : memref<16x128xf32, #tpu.memory_space<vmem>>[vector<16xi32>, vector<16xi32>], vector<16xf32>,
      %get3A_594 = arith.constant 6 : i32
      %get3A_595 = arith.index_cast %get3A_594 : i32 to index
      %get3A_596 = arith.constant 80 : index
      %get3A_597 = tpu.vector_load %arg7[%get3A_595, %get3A_596] {strides = array<i32>} : memref<16x128xf32, #tpu.memory_space<vmem>>, vector<16xf32>,
      %add3A_598 = arith.constant 10 : i32
      %add3A_599 = vector.broadcast %add3A_598 : i32 to vector<16xi32>
      %add3A_600 = arith.addi %select_n3A, %add3A_599 : vector<16xi32>
      %add3A_601 = arith.constant 6 : i32
      %add3A_602 = vector.broadcast %add3A_601 : i32 to vector<16xi32>
      %add3A_603 = arith.addi %mul3A_47, %add3A_602 : vector<16xi32>
      tpu.vector_store_idx %arg8[%add3A_600, %add3A_603], %get3A_597 : memref<16x128xf32, #tpu.memory_space<vmem>>[vector<16xi32>, vector<16xi32>], vector<16xf32>,
      %get3A_604 = arith.constant 6 : i32
      %get3A_605 = arith.index_cast %get3A_604 : i32 to index
      %get3A_606 = arith.constant 96 : index
      %get3A_607 = tpu.vector_load %arg7[%get3A_605, %get3A_606] {strides = array<i32>} : memref<16x128xf32, #tpu.memory_space<vmem>>, vector<16xf32>,
      %add3A_608 = arith.constant 12 : i32
      %add3A_609 = vector.broadcast %add3A_608 : i32 to vector<16xi32>
      %add3A_610 = arith.addi %select_n3A, %add3A_609 : vector<16xi32>
      %add3A_611 = arith.constant 6 : i32
      %add3A_612 = vector.broadcast %add3A_611 : i32 to vector<16xi32>
      %add3A_613 = arith.addi %mul3A_47, %add3A_612 : vector<16xi32>
      tpu.vector_store_idx %arg8[%add3A_610, %add3A_613], %get3A_607 : memref<16x128xf32, #tpu.memory_space<vmem>>[vector<16xi32>, vector<16xi32>], vector<16xf32>,
      %get3A_614 = arith.constant 6 : i32
      %get3A_615 = arith.index_cast %get3A_614 : i32 to index
      %get3A_616 = arith.constant 112 : index
      %get3A_617 = tpu.vector_load %arg7[%get3A_615, %get3A_616] {strides = array<i32>} : memref<16x128xf32, #tpu.memory_space<vmem>>, vector<16xf32>,
      %add3A_618 = arith.constant 14 : i32
      %add3A_619 = vector.broadcast %add3A_618 : i32 to vector<16xi32>
      %add3A_620 = arith.addi %select_n3A, %add3A_619 : vector<16xi32>
      %add3A_621 = arith.constant 6 : i32
      %add3A_622 = vector.broadcast %add3A_621 : i32 to vector<16xi32>
      %add3A_623 = arith.addi %mul3A_47, %add3A_622 : vector<16xi32>
      tpu.vector_store_idx %arg8[%add3A_620, %add3A_623], %get3A_617 : memref<16x128xf32, #tpu.memory_space<vmem>>[vector<16xi32>, vector<16xi32>], vector<16xf32>,
      %get3A_624 = arith.constant 7 : i32
      %get3A_625 = arith.index_cast %get3A_624 : i32 to index
      %get3A_626 = arith.constant 0 : index
      %get3A_627 = tpu.vector_load %arg7[%get3A_625, %get3A_626] {strides = array<i32>} : memref<16x128xf32, #tpu.memory_space<vmem>>, vector<16xf32>,
      %add3A_628 = arith.constant 0 : i32
      %add3A_629 = vector.broadcast %add3A_628 : i32 to vector<16xi32>
      %add3A_630 = arith.addi %select_n3A, %add3A_629 : vector<16xi32>
      %add3A_631 = arith.constant 7 : i32
      %add3A_632 = vector.broadcast %add3A_631 : i32 to vector<16xi32>
      %add3A_633 = arith.addi %mul3A_47, %add3A_632 : vector<16xi32>
      tpu.vector_store_idx %arg8[%add3A_630, %add3A_633], %get3A_627 : memref<16x128xf32, #tpu.memory_space<vmem>>[vector<16xi32>, vector<16xi32>], vector<16xf32>,
      %get3A_634 = arith.constant 7 : i32
      %get3A_635 = arith.index_cast %get3A_634 : i32 to index
      %get3A_636 = arith.constant 16 : index
      %get3A_637 = tpu.vector_load %arg7[%get3A_635, %get3A_636] {strides = array<i32>} : memref<16x128xf32, #tpu.memory_space<vmem>>, vector<16xf32>,
      %add3A_638 = arith.constant 2 : i32
      %add3A_639 = vector.broadcast %add3A_638 : i32 to vector<16xi32>
      %add3A_640 = arith.addi %select_n3A, %add3A_639 : vector<16xi32>
      %add3A_641 = arith.constant 7 : i32
      %add3A_642 = vector.broadcast %add3A_641 : i32 to vector<16xi32>
      %add3A_643 = arith.addi %mul3A_47, %add3A_642 : vector<16xi32>
      tpu.vector_store_idx %arg8[%add3A_640, %add3A_643], %get3A_637 : memref<16x128xf32, #tpu.memory_space<vmem>>[vector<16xi32>, vector<16xi32>], vector<16xf32>,
      %get3A_644 = arith.constant 7 : i32
      %get3A_645 = arith.index_cast %get3A_644 : i32 to index
      %get3A_646 = arith.constant 32 : index
      %get3A_647 = tpu.vector_load %arg7[%get3A_645, %get3A_646] {strides = array<i32>} : memref<16x128xf32, #tpu.memory_space<vmem>>, vector<16xf32>,
      %add3A_648 = arith.constant 4 : i32
      %add3A_649 = vector.broadcast %add3A_648 : i32 to vector<16xi32>
      %add3A_650 = arith.addi %select_n3A, %add3A_649 : vector<16xi32>
      %add3A_651 = arith.constant 7 : i32
      %add3A_652 = vector.broadcast %add3A_651 : i32 to vector<16xi32>
      %add3A_653 = arith.addi %mul3A_47, %add3A_652 : vector<16xi32>
      tpu.vector_store_idx %arg8[%add3A_650, %add3A_653], %get3A_647 : memref<16x128xf32, #tpu.memory_space<vmem>>[vector<16xi32>, vector<16xi32>], vector<16xf32>,
      %get3A_654 = arith.constant 7 : i32
      %get3A_655 = arith.index_cast %get3A_654 : i32 to index
      %get3A_656 = arith.constant 48 : index
      %get3A_657 = tpu.vector_load %arg7[%get3A_655, %get3A_656] {strides = array<i32>} : memref<16x128xf32, #tpu.memory_space<vmem>>, vector<16xf32>,
      %add3A_658 = arith.constant 6 : i32
      %add3A_659 = vector.broadcast %add3A_658 : i32 to vector<16xi32>
      %add3A_660 = arith.addi %select_n3A, %add3A_659 : vector<16xi32>
      %add3A_661 = arith.constant 7 : i32
      %add3A_662 = vector.broadcast %add3A_661 : i32 to vector<16xi32>
      %add3A_663 = arith.addi %mul3A_47, %add3A_662 : vector<16xi32>
      tpu.vector_store_idx %arg8[%add3A_660, %add3A_663], %get3A_657 : memref<16x128xf32, #tpu.memory_space<vmem>>[vector<16xi32>, vector<16xi32>], vector<16xf32>,
      %get3A_664 = arith.constant 7 : i32
      %get3A_665 = arith.index_cast %get3A_664 : i32 to index
      %get3A_666 = arith.constant 64 : index
      %get3A_667 = tpu.vector_load %arg7[%get3A_665, %get3A_666] {strides = array<i32>} : memref<16x128xf32, #tpu.memory_space<vmem>>, vector<16xf32>,
      %add3A_668 = arith.constant 8 : i32
      %add3A_669 = vector.broadcast %add3A_668 : i32 to vector<16xi32>
      %add3A_670 = arith.addi %select_n3A, %add3A_669 : vector<16xi32>
      %add3A_671 = arith.constant 7 : i32
      %add3A_672 = vector.broadcast %add3A_671 : i32 to vector<16xi32>
      %add3A_673 = arith.addi %mul3A_47, %add3A_672 : vector<16xi32>
      tpu.vector_store_idx %arg8[%add3A_670, %add3A_673], %get3A_667 : memref<16x128xf32, #tpu.memory_space<vmem>>[vector<16xi32>, vector<16xi32>], vector<16xf32>,
      %get3A_674 = arith.constant 7 : i32
      %get3A_675 = arith.index_cast %get3A_674 : i32 to index
      %get3A_676 = arith.constant 80 : index
      %get3A_677 = tpu.vector_load %arg7[%get3A_675, %get3A_676] {strides = array<i32>} : memref<16x128xf32, #tpu.memory_space<vmem>>, vector<16xf32>,
      %add3A_678 = arith.constant 10 : i32
      %add3A_679 = vector.broadcast %add3A_678 : i32 to vector<16xi32>
      %add3A_680 = arith.addi %select_n3A, %add3A_679 : vector<16xi32>
      %add3A_681 = arith.constant 7 : i32
      %add3A_682 = vector.broadcast %add3A_681 : i32 to vector<16xi32>
      %add3A_683 = arith.addi %mul3A_47, %add3A_682 : vector<16xi32>
      tpu.vector_store_idx %arg8[%add3A_680, %add3A_683], %get3A_677 : memref<16x128xf32, #tpu.memory_space<vmem>>[vector<16xi32>, vector<16xi32>], vector<16xf32>,
      %get3A_684 = arith.constant 7 : i32
      %get3A_685 = arith.index_cast %get3A_684 : i32 to index
      %get3A_686 = arith.constant 96 : index
      %get3A_687 = tpu.vector_load %arg7[%get3A_685, %get3A_686] {strides = array<i32>} : memref<16x128xf32, #tpu.memory_space<vmem>>, vector<16xf32>,
      %add3A_688 = arith.constant 12 : i32
      %add3A_689 = vector.broadcast %add3A_688 : i32 to vector<16xi32>
      %add3A_690 = arith.addi %select_n3A, %add3A_689 : vector<16xi32>
      %add3A_691 = arith.constant 7 : i32
      %add3A_692 = vector.broadcast %add3A_691 : i32 to vector<16xi32>
      %add3A_693 = arith.addi %mul3A_47, %add3A_692 : vector<16xi32>
      tpu.vector_store_idx %arg8[%add3A_690, %add3A_693], %get3A_687 : memref<16x128xf32, #tpu.memory_space<vmem>>[vector<16xi32>, vector<16xi32>], vector<16xf32>,
      %get3A_694 = arith.constant 7 : i32
      %get3A_695 = arith.index_cast %get3A_694 : i32 to index
      %get3A_696 = arith.constant 112 : index
      %get3A_697 = tpu.vector_load %arg7[%get3A_695, %get3A_696] {strides = array<i32>} : memref<16x128xf32, #tpu.memory_space<vmem>>, vector<16xf32>,
      %add3A_698 = arith.constant 14 : i32
      %add3A_699 = vector.broadcast %add3A_698 : i32 to vector<16xi32>
      %add3A_700 = arith.addi %select_n3A, %add3A_699 : vector<16xi32>
      %add3A_701 = arith.constant 7 : i32
      %add3A_702 = vector.broadcast %add3A_701 : i32 to vector<16xi32>
      %add3A_703 = arith.addi %mul3A_47, %add3A_702 : vector<16xi32>
      tpu.vector_store_idx %arg8[%add3A_700, %add3A_703], %get3A_697 : memref<16x128xf32, #tpu.memory_space<vmem>>[vector<16xi32>, vector<16xi32>], vector<16xf32>,
      %get3A_704 = arith.constant 8 : i32
      %get3A_705 = arith.index_cast %get3A_704 : i32 to index
      %get3A_706 = arith.constant 0 : index
      %get3A_707 = tpu.vector_load %arg7[%get3A_705, %get3A_706] {strides = array<i32>} : memref<16x128xf32, #tpu.memory_space<vmem>>, vector<16xf32>,
      %add3A_708 = arith.constant 0 : i32
      %add3A_709 = vector.broadcast %add3A_708 : i32 to vector<16xi32>
      %add3A_710 = arith.addi %select_n3A, %add3A_709 : vector<16xi32>
      %add3A_711 = arith.constant 8 : i32
      %add3A_712 = vector.broadcast %add3A_711 : i32 to vector<16xi32>
      %add3A_713 = arith.addi %mul3A_47, %add3A_712 : vector<16xi32>
      tpu.vector_store_idx %arg8[%add3A_710, %add3A_713], %get3A_707 : memref<16x128xf32, #tpu.memory_space<vmem>>[vector<16xi32>, vector<16xi32>], vector<16xf32>,
      %get3A_714 = arith.constant 8 : i32
      %get3A_715 = arith.index_cast %get3A_714 : i32 to index
      %get3A_716 = arith.constant 16 : index
      %get3A_717 = tpu.vector_load %arg7[%get3A_715, %get3A_716] {strides = array<i32>} : memref<16x128xf32, #tpu.memory_space<vmem>>, vector<16xf32>,
      %add3A_718 = arith.constant 2 : i32
      %add3A_719 = vector.broadcast %add3A_718 : i32 to vector<16xi32>
      %add3A_720 = arith.addi %select_n3A, %add3A_719 : vector<16xi32>
      %add3A_721 = arith.constant 8 : i32
      %add3A_722 = vector.broadcast %add3A_721 : i32 to vector<16xi32>
      %add3A_723 = arith.addi %mul3A_47, %add3A_722 : vector<16xi32>
      tpu.vector_store_idx %arg8[%add3A_720, %add3A_723], %get3A_717 : memref<16x128xf32, #tpu.memory_space<vmem>>[vector<16xi32>, vector<16xi32>], vector<16xf32>,
      %get3A_724 = arith.constant 8 : i32
      %get3A_725 = arith.index_cast %get3A_724 : i32 to index
      %get3A_726 = arith.constant 32 : index
      %get3A_727 = tpu.vector_load %arg7[%get3A_725, %get3A_726] {strides = array<i32>} : memref<16x128xf32, #tpu.memory_space<vmem>>, vector<16xf32>,
      %add3A_728 = arith.constant 4 : i32
      %add3A_729 = vector.broadcast %add3A_728 : i32 to vector<16xi32>
      %add3A_730 = arith.addi %select_n3A, %add3A_729 : vector<16xi32>
      %add3A_731 = arith.constant 8 : i32
      %add3A_732 = vector.broadcast %add3A_731 : i32 to vector<16xi32>
      %add3A_733 = arith.addi %mul3A_47, %add3A_732 : vector<16xi32>
      tpu.vector_store_idx %arg8[%add3A_730, %add3A_733], %get3A_727 : memref<16x128xf32, #tpu.memory_space<vmem>>[vector<16xi32>, vector<16xi32>], vector<16xf32>,
      %get3A_734 = arith.constant 8 : i32
      %get3A_735 = arith.index_cast %get3A_734 : i32 to index
      %get3A_736 = arith.constant 48 : index
      %get3A_737 = tpu.vector_load %arg7[%get3A_735, %get3A_736] {strides = array<i32>} : memref<16x128xf32, #tpu.memory_space<vmem>>, vector<16xf32>,
      %add3A_738 = arith.constant 6 : i32
      %add3A_739 = vector.broadcast %add3A_738 : i32 to vector<16xi32>
      %add3A_740 = arith.addi %select_n3A, %add3A_739 : vector<16xi32>
      %add3A_741 = arith.constant 8 : i32
      %add3A_742 = vector.broadcast %add3A_741 : i32 to vector<16xi32>
      %add3A_743 = arith.addi %mul3A_47, %add3A_742 : vector<16xi32>
      tpu.vector_store_idx %arg8[%add3A_740, %add3A_743], %get3A_737 : memref<16x128xf32, #tpu.memory_space<vmem>>[vector<16xi32>, vector<16xi32>], vector<16xf32>,
      %get3A_744 = arith.constant 8 : i32
      %get3A_745 = arith.index_cast %get3A_744 : i32 to index
      %get3A_746 = arith.constant 64 : index
      %get3A_747 = tpu.vector_load %arg7[%get3A_745, %get3A_746] {strides = array<i32>} : memref<16x128xf32, #tpu.memory_space<vmem>>, vector<16xf32>,
      %add3A_748 = arith.constant 8 : i32
      %add3A_749 = vector.broadcast %add3A_748 : i32 to vector<16xi32>
      %add3A_750 = arith.addi %select_n3A, %add3A_749 : vector<16xi32>
      %add3A_751 = arith.constant 8 : i32
      %add3A_752 = vector.broadcast %add3A_751 : i32 to vector<16xi32>
      %add3A_753 = arith.addi %mul3A_47, %add3A_752 : vector<16xi32>
      tpu.vector_store_idx %arg8[%add3A_750, %add3A_753], %get3A_747 : memref<16x128xf32, #tpu.memory_space<vmem>>[vector<16xi32>, vector<16xi32>], vector<16xf32>,
      %get3A_754 = arith.constant 8 : i32
      %get3A_755 = arith.index_cast %get3A_754 : i32 to index
      %get3A_756 = arith.constant 80 : index
      %get3A_757 = tpu.vector_load %arg7[%get3A_755, %get3A_756] {strides = array<i32>} : memref<16x128xf32, #tpu.memory_space<vmem>>, vector<16xf32>,
      %add3A_758 = arith.constant 10 : i32
      %add3A_759 = vector.broadcast %add3A_758 : i32 to vector<16xi32>
      %add3A_760 = arith.addi %select_n3A, %add3A_759 : vector<16xi32>
      %add3A_761 = arith.constant 8 : i32
      %add3A_762 = vector.broadcast %add3A_761 : i32 to vector<16xi32>
      %add3A_763 = arith.addi %mul3A_47, %add3A_762 : vector<16xi32>
      tpu.vector_store_idx %arg8[%add3A_760, %add3A_763], %get3A_757 : memref<16x128xf32, #tpu.memory_space<vmem>>[vector<16xi32>, vector<16xi32>], vector<16xf32>,
      %get3A_764 = arith.constant 8 : i32
      %get3A_765 = arith.index_cast %get3A_764 : i32 to index
      %get3A_766 = arith.constant 96 : index
      %get3A_767 = tpu.vector_load %arg7[%get3A_765, %get3A_766] {strides = array<i32>} : memref<16x128xf32, #tpu.memory_space<vmem>>, vector<16xf32>,
      %add3A_768 = arith.constant 12 : i32
      %add3A_769 = vector.broadcast %add3A_768 : i32 to vector<16xi32>
      %add3A_770 = arith.addi %select_n3A, %add3A_769 : vector<16xi32>
      %add3A_771 = arith.constant 8 : i32
      %add3A_772 = vector.broadcast %add3A_771 : i32 to vector<16xi32>
      %add3A_773 = arith.addi %mul3A_47, %add3A_772 : vector<16xi32>
      tpu.vector_store_idx %arg8[%add3A_770, %add3A_773], %get3A_767 : memref<16x128xf32, #tpu.memory_space<vmem>>[vector<16xi32>, vector<16xi32>], vector<16xf32>,
      %get3A_774 = arith.constant 8 : i32
      %get3A_775 = arith.index_cast %get3A_774 : i32 to index
      %get3A_776 = arith.constant 112 : index
      %get3A_777 = tpu.vector_load %arg7[%get3A_775, %get3A_776] {strides = array<i32>} : memref<16x128xf32, #tpu.memory_space<vmem>>, vector<16xf32>,
      %add3A_778 = arith.constant 14 : i32
      %add3A_779 = vector.broadcast %add3A_778 : i32 to vector<16xi32>
      %add3A_780 = arith.addi %select_n3A, %add3A_779 : vector<16xi32>
      %add3A_781 = arith.constant 8 : i32
      %add3A_782 = vector.broadcast %add3A_781 : i32 to vector<16xi32>
      %add3A_783 = arith.addi %mul3A_47, %add3A_782 : vector<16xi32>
      tpu.vector_store_idx %arg8[%add3A_780, %add3A_783], %get3A_777 : memref<16x128xf32, #tpu.memory_space<vmem>>[vector<16xi32>, vector<16xi32>], vector<16xf32>,
      %get3A_784 = arith.constant 9 : i32
      %get3A_785 = arith.index_cast %get3A_784 : i32 to index
      %get3A_786 = arith.constant 0 : index
      %get3A_787 = tpu.vector_load %arg7[%get3A_785, %get3A_786] {strides = array<i32>} : memref<16x128xf32, #tpu.memory_space<vmem>>, vector<16xf32>,
      %add3A_788 = arith.constant 0 : i32
      %add3A_789 = vector.broadcast %add3A_788 : i32 to vector<16xi32>
      %add3A_790 = arith.addi %select_n3A, %add3A_789 : vector<16xi32>
      %add3A_791 = arith.constant 9 : i32
      %add3A_792 = vector.broadcast %add3A_791 : i32 to vector<16xi32>
      %add3A_793 = arith.addi %mul3A_47, %add3A_792 : vector<16xi32>
      tpu.vector_store_idx %arg8[%add3A_790, %add3A_793], %get3A_787 : memref<16x128xf32, #tpu.memory_space<vmem>>[vector<16xi32>, vector<16xi32>], vector<16xf32>,
      %get3A_794 = arith.constant 9 : i32
      %get3A_795 = arith.index_cast %get3A_794 : i32 to index
      %get3A_796 = arith.constant 16 : index
      %get3A_797 = tpu.vector_load %arg7[%get3A_795, %get3A_796] {strides = array<i32>} : memref<16x128xf32, #tpu.memory_space<vmem>>, vector<16xf32>,
      %add3A_798 = arith.constant 2 : i32
      %add3A_799 = vector.broadcast %add3A_798 : i32 to vector<16xi32>
      %add3A_800 = arith.addi %select_n3A, %add3A_799 : vector<16xi32>
      %add3A_801 = arith.constant 9 : i32
      %add3A_802 = vector.broadcast %add3A_801 : i32 to vector<16xi32>
      %add3A_803 = arith.addi %mul3A_47, %add3A_802 : vector<16xi32>
      tpu.vector_store_idx %arg8[%add3A_800, %add3A_803], %get3A_797 : memref<16x128xf32, #tpu.memory_space<vmem>>[vector<16xi32>, vector<16xi32>], vector<16xf32>,
      %get3A_804 = arith.constant 9 : i32
      %get3A_805 = arith.index_cast %get3A_804 : i32 to index
      %get3A_806 = arith.constant 32 : index
      %get3A_807 = tpu.vector_load %arg7[%get3A_805, %get3A_806] {strides = array<i32>} : memref<16x128xf32, #tpu.memory_space<vmem>>, vector<16xf32>,
      %add3A_808 = arith.constant 4 : i32
      %add3A_809 = vector.broadcast %add3A_808 : i32 to vector<16xi32>
      %add3A_810 = arith.addi %select_n3A, %add3A_809 : vector<16xi32>
      %add3A_811 = arith.constant 9 : i32
      %add3A_812 = vector.broadcast %add3A_811 : i32 to vector<16xi32>
      %add3A_813 = arith.addi %mul3A_47, %add3A_812 : vector<16xi32>
      tpu.vector_store_idx %arg8[%add3A_810, %add3A_813], %get3A_807 : memref<16x128xf32, #tpu.memory_space<vmem>>[vector<16xi32>, vector<16xi32>], vector<16xf32>,
      %get3A_814 = arith.constant 9 : i32
      %get3A_815 = arith.index_cast %get3A_814 : i32 to index
      %get3A_816 = arith.constant 48 : index
      %get3A_817 = tpu.vector_load %arg7[%get3A_815, %get3A_816] {strides = array<i32>} : memref<16x128xf32, #tpu.memory_space<vmem>>, vector<16xf32>,
      %add3A_818 = arith.constant 6 : i32
      %add3A_819 = vector.broadcast %add3A_818 : i32 to vector<16xi32>
      %add3A_820 = arith.addi %select_n3A, %add3A_819 : vector<16xi32>
      %add3A_821 = arith.constant 9 : i32
      %add3A_822 = vector.broadcast %add3A_821 : i32 to vector<16xi32>
      %add3A_823 = arith.addi %mul3A_47, %add3A_822 : vector<16xi32>
      tpu.vector_store_idx %arg8[%add3A_820, %add3A_823], %get3A_817 : memref<16x128xf32, #tpu.memory_space<vmem>>[vector<16xi32>, vector<16xi32>], vector<16xf32>,
      %get3A_824 = arith.constant 9 : i32
      %get3A_825 = arith.index_cast %get3A_824 : i32 to index
      %get3A_826 = arith.constant 64 : index
      %get3A_827 = tpu.vector_load %arg7[%get3A_825, %get3A_826] {strides = array<i32>} : memref<16x128xf32, #tpu.memory_space<vmem>>, vector<16xf32>,
      %add3A_828 = arith.constant 8 : i32
      %add3A_829 = vector.broadcast %add3A_828 : i32 to vector<16xi32>
      %add3A_830 = arith.addi %select_n3A, %add3A_829 : vector<16xi32>
      %add3A_831 = arith.constant 9 : i32
      %add3A_832 = vector.broadcast %add3A_831 : i32 to vector<16xi32>
      %add3A_833 = arith.addi %mul3A_47, %add3A_832 : vector<16xi32>
      tpu.vector_store_idx %arg8[%add3A_830, %add3A_833], %get3A_827 : memref<16x128xf32, #tpu.memory_space<vmem>>[vector<16xi32>, vector<16xi32>], vector<16xf32>,
      %get3A_834 = arith.constant 9 : i32
      %get3A_835 = arith.index_cast %get3A_834 : i32 to index
      %get3A_836 = arith.constant 80 : index
      %get3A_837 = tpu.vector_load %arg7[%get3A_835, %get3A_836] {strides = array<i32>} : memref<16x128xf32, #tpu.memory_space<vmem>>, vector<16xf32>,
      %add3A_838 = arith.constant 10 : i32
      %add3A_839 = vector.broadcast %add3A_838 : i32 to vector<16xi32>
      %add3A_840 = arith.addi %select_n3A, %add3A_839 : vector<16xi32>
      %add3A_841 = arith.constant 9 : i32
      %add3A_842 = vector.broadcast %add3A_841 : i32 to vector<16xi32>
      %add3A_843 = arith.addi %mul3A_47, %add3A_842 : vector<16xi32>
      tpu.vector_store_idx %arg8[%add3A_840, %add3A_843], %get3A_837 : memref<16x128xf32, #tpu.memory_space<vmem>>[vector<16xi32>, vector<16xi32>], vector<16xf32>,
      %get3A_844 = arith.constant 9 : i32
      %get3A_845 = arith.index_cast %get3A_844 : i32 to index
      %get3A_846 = arith.constant 96 : index
      %get3A_847 = tpu.vector_load %arg7[%get3A_845, %get3A_846] {strides = array<i32>} : memref<16x128xf32, #tpu.memory_space<vmem>>, vector<16xf32>,
      %add3A_848 = arith.constant 12 : i32
      %add3A_849 = vector.broadcast %add3A_848 : i32 to vector<16xi32>
      %add3A_850 = arith.addi %select_n3A, %add3A_849 : vector<16xi32>
      %add3A_851 = arith.constant 9 : i32
      %add3A_852 = vector.broadcast %add3A_851 : i32 to vector<16xi32>
      %add3A_853 = arith.addi %mul3A_47, %add3A_852 : vector<16xi32>
      tpu.vector_store_idx %arg8[%add3A_850, %add3A_853], %get3A_847 : memref<16x128xf32, #tpu.memory_space<vmem>>[vector<16xi32>, vector<16xi32>], vector<16xf32>,
      %get3A_854 = arith.constant 9 : i32
      %get3A_855 = arith.index_cast %get3A_854 : i32 to index
      %get3A_856 = arith.constant 112 : index
      %get3A_857 = tpu.vector_load %arg7[%get3A_855, %get3A_856] {strides = array<i32>} : memref<16x128xf32, #tpu.memory_space<vmem>>, vector<16xf32>,
      %add3A_858 = arith.constant 14 : i32
      %add3A_859 = vector.broadcast %add3A_858 : i32 to vector<16xi32>
      %add3A_860 = arith.addi %select_n3A, %add3A_859 : vector<16xi32>
      %add3A_861 = arith.constant 9 : i32
      %add3A_862 = vector.broadcast %add3A_861 : i32 to vector<16xi32>
      %add3A_863 = arith.addi %mul3A_47, %add3A_862 : vector<16xi32>
      tpu.vector_store_idx %arg8[%add3A_860, %add3A_863], %get3A_857 : memref<16x128xf32, #tpu.memory_space<vmem>>[vector<16xi32>, vector<16xi32>], vector<16xf32>,
      %get3A_864 = arith.constant 10 : i32
      %get3A_865 = arith.index_cast %get3A_864 : i32 to index
      %get3A_866 = arith.constant 0 : index
      %get3A_867 = tpu.vector_load %arg7[%get3A_865, %get3A_866] {strides = array<i32>} : memref<16x128xf32, #tpu.memory_space<vmem>>, vector<16xf32>,
      %add3A_868 = arith.constant 0 : i32
      %add3A_869 = vector.broadcast %add3A_868 : i32 to vector<16xi32>
      %add3A_870 = arith.addi %select_n3A, %add3A_869 : vector<16xi32>
      %add3A_871 = arith.constant 10 : i32
      %add3A_872 = vector.broadcast %add3A_871 : i32 to vector<16xi32>
      %add3A_873 = arith.addi %mul3A_47, %add3A_872 : vector<16xi32>
      tpu.vector_store_idx %arg8[%add3A_870, %add3A_873], %get3A_867 : memref<16x128xf32, #tpu.memory_space<vmem>>[vector<16xi32>, vector<16xi32>], vector<16xf32>,
      %get3A_874 = arith.constant 10 : i32
      %get3A_875 = arith.index_cast %get3A_874 : i32 to index
      %get3A_876 = arith.constant 16 : index
      %get3A_877 = tpu.vector_load %arg7[%get3A_875, %get3A_876] {strides = array<i32>} : memref<16x128xf32, #tpu.memory_space<vmem>>, vector<16xf32>,
      %add3A_878 = arith.constant 2 : i32
      %add3A_879 = vector.broadcast %add3A_878 : i32 to vector<16xi32>
      %add3A_880 = arith.addi %select_n3A, %add3A_879 : vector<16xi32>
      %add3A_881 = arith.constant 10 : i32
      %add3A_882 = vector.broadcast %add3A_881 : i32 to vector<16xi32>
      %add3A_883 = arith.addi %mul3A_47, %add3A_882 : vector<16xi32>
      tpu.vector_store_idx %arg8[%add3A_880, %add3A_883], %get3A_877 : memref<16x128xf32, #tpu.memory_space<vmem>>[vector<16xi32>, vector<16xi32>], vector<16xf32>,
      %get3A_884 = arith.constant 10 : i32
      %get3A_885 = arith.index_cast %get3A_884 : i32 to index
      %get3A_886 = arith.constant 32 : index
      %get3A_887 = tpu.vector_load %arg7[%get3A_885, %get3A_886] {strides = array<i32>} : memref<16x128xf32, #tpu.memory_space<vmem>>, vector<16xf32>,
      %add3A_888 = arith.constant 4 : i32
      %add3A_889 = vector.broadcast %add3A_888 : i32 to vector<16xi32>
      %add3A_890 = arith.addi %select_n3A, %add3A_889 : vector<16xi32>
      %add3A_891 = arith.constant 10 : i32
      %add3A_892 = vector.broadcast %add3A_891 : i32 to vector<16xi32>
      %add3A_893 = arith.addi %mul3A_47, %add3A_892 : vector<16xi32>
      tpu.vector_store_idx %arg8[%add3A_890, %add3A_893], %get3A_887 : memref<16x128xf32, #tpu.memory_space<vmem>>[vector<16xi32>, vector<16xi32>], vector<16xf32>,
      %get3A_894 = arith.constant 10 : i32
      %get3A_895 = arith.index_cast %get3A_894 : i32 to index
      %get3A_896 = arith.constant 48 : index
      %get3A_897 = tpu.vector_load %arg7[%get3A_895, %get3A_896] {strides = array<i32>} : memref<16x128xf32, #tpu.memory_space<vmem>>, vector<16xf32>,
      %add3A_898 = arith.constant 6 : i32
      %add3A_899 = vector.broadcast %add3A_898 : i32 to vector<16xi32>
      %add3A_900 = arith.addi %select_n3A, %add3A_899 : vector<16xi32>
      %add3A_901 = arith.constant 10 : i32
      %add3A_902 = vector.broadcast %add3A_901 : i32 to vector<16xi32>
      %add3A_903 = arith.addi %mul3A_47, %add3A_902 : vector<16xi32>
      tpu.vector_store_idx %arg8[%add3A_900, %add3A_903], %get3A_897 : memref<16x128xf32, #tpu.memory_space<vmem>>[vector<16xi32>, vector<16xi32>], vector<16xf32>,
      %get3A_904 = arith.constant 10 : i32
      %get3A_905 = arith.index_cast %get3A_904 : i32 to index
      %get3A_906 = arith.constant 64 : index
      %get3A_907 = tpu.vector_load %arg7[%get3A_905, %get3A_906] {strides = array<i32>} : memref<16x128xf32, #tpu.memory_space<vmem>>, vector<16xf32>,
      %add3A_908 = arith.constant 8 : i32
      %add3A_909 = vector.broadcast %add3A_908 : i32 to vector<16xi32>
      %add3A_910 = arith.addi %select_n3A, %add3A_909 : vector<16xi32>
      %add3A_911 = arith.constant 10 : i32
      %add3A_912 = vector.broadcast %add3A_911 : i32 to vector<16xi32>
      %add3A_913 = arith.addi %mul3A_47, %add3A_912 : vector<16xi32>
      tpu.vector_store_idx %arg8[%add3A_910, %add3A_913], %get3A_907 : memref<16x128xf32, #tpu.memory_space<vmem>>[vector<16xi32>, vector<16xi32>], vector<16xf32>,
      %get3A_914 = arith.constant 10 : i32
      %get3A_915 = arith.index_cast %get3A_914 : i32 to index
      %get3A_916 = arith.constant 80 : index
      %get3A_917 = tpu.vector_load %arg7[%get3A_915, %get3A_916] {strides = array<i32>} : memref<16x128xf32, #tpu.memory_space<vmem>>, vector<16xf32>,
      %add3A_918 = arith.constant 10 : i32
      %add3A_919 = vector.broadcast %add3A_918 : i32 to vector<16xi32>
      %add3A_920 = arith.addi %select_n3A, %add3A_919 : vector<16xi32>
      %add3A_921 = arith.constant 10 : i32
      %add3A_922 = vector.broadcast %add3A_921 : i32 to vector<16xi32>
      %add3A_923 = arith.addi %mul3A_47, %add3A_922 : vector<16xi32>
      tpu.vector_store_idx %arg8[%add3A_920, %add3A_923], %get3A_917 : memref<16x128xf32, #tpu.memory_space<vmem>>[vector<16xi32>, vector<16xi32>], vector<16xf32>,
      %get3A_924 = arith.constant 10 : i32
      %get3A_925 = arith.index_cast %get3A_924 : i32 to index
      %get3A_926 = arith.constant 96 : index
      %get3A_927 = tpu.vector_load %arg7[%get3A_925, %get3A_926] {strides = array<i32>} : memref<16x128xf32, #tpu.memory_space<vmem>>, vector<16xf32>,
      %add3A_928 = arith.constant 12 : i32
      %add3A_929 = vector.broadcast %add3A_928 : i32 to vector<16xi32>
      %add3A_930 = arith.addi %select_n3A, %add3A_929 : vector<16xi32>
      %add3A_931 = arith.constant 10 : i32
      %add3A_932 = vector.broadcast %add3A_931 : i32 to vector<16xi32>
      %add3A_933 = arith.addi %mul3A_47, %add3A_932 : vector<16xi32>
      tpu.vector_store_idx %arg8[%add3A_930, %add3A_933], %get3A_927 : memref<16x128xf32, #tpu.memory_space<vmem>>[vector<16xi32>, vector<16xi32>], vector<16xf32>,
      %get3A_934 = arith.constant 10 : i32
      %get3A_935 = arith.index_cast %get3A_934 : i32 to index
      %get3A_936 = arith.constant 112 : index
      %get3A_937 = tpu.vector_load %arg7[%get3A_935, %get3A_936] {strides = array<i32>} : memref<16x128xf32, #tpu.memory_space<vmem>>, vector<16xf32>,
      %add3A_938 = arith.constant 14 : i32
      %add3A_939 = vector.broadcast %add3A_938 : i32 to vector<16xi32>
      %add3A_940 = arith.addi %select_n3A, %add3A_939 : vector<16xi32>
      %add3A_941 = arith.constant 10 : i32
      %add3A_942 = vector.broadcast %add3A_941 : i32 to vector<16xi32>
      %add3A_943 = arith.addi %mul3A_47, %add3A_942 : vector<16xi32>
      tpu.vector_store_idx %arg8[%add3A_940, %add3A_943], %get3A_937 : memref<16x128xf32, #tpu.memory_space<vmem>>[vector<16xi32>, vector<16xi32>], vector<16xf32>,
      %get3A_944 = arith.constant 11 : i32
      %get3A_945 = arith.index_cast %get3A_944 : i32 to index
      %get3A_946 = arith.constant 0 : index
      %get3A_947 = tpu.vector_load %arg7[%get3A_945, %get3A_946] {strides = array<i32>} : memref<16x128xf32, #tpu.memory_space<vmem>>, vector<16xf32>,
      %add3A_948 = arith.constant 0 : i32
      %add3A_949 = vector.broadcast %add3A_948 : i32 to vector<16xi32>
      %add3A_950 = arith.addi %select_n3A, %add3A_949 : vector<16xi32>
      %add3A_951 = arith.constant 11 : i32
      %add3A_952 = vector.broadcast %add3A_951 : i32 to vector<16xi32>
      %add3A_953 = arith.addi %mul3A_47, %add3A_952 : vector<16xi32>
      tpu.vector_store_idx %arg8[%add3A_950, %add3A_953], %get3A_947 : memref<16x128xf32, #tpu.memory_space<vmem>>[vector<16xi32>, vector<16xi32>], vector<16xf32>,
      %get3A_954 = arith.constant 11 : i32
      %get3A_955 = arith.index_cast %get3A_954 : i32 to index
      %get3A_956 = arith.constant 16 : index
      %get3A_957 = tpu.vector_load %arg7[%get3A_955, %get3A_956] {strides = array<i32>} : memref<16x128xf32, #tpu.memory_space<vmem>>, vector<16xf32>,
      %add3A_958 = arith.constant 2 : i32
      %add3A_959 = vector.broadcast %add3A_958 : i32 to vector<16xi32>
      %add3A_960 = arith.addi %select_n3A, %add3A_959 : vector<16xi32>
      %add3A_961 = arith.constant 11 : i32
      %add3A_962 = vector.broadcast %add3A_961 : i32 to vector<16xi32>
      %add3A_963 = arith.addi %mul3A_47, %add3A_962 : vector<16xi32>
      tpu.vector_store_idx %arg8[%add3A_960, %add3A_963], %get3A_957 : memref<16x128xf32, #tpu.memory_space<vmem>>[vector<16xi32>, vector<16xi32>], vector<16xf32>,
      %get3A_964 = arith.constant 11 : i32
      %get3A_965 = arith.index_cast %get3A_964 : i32 to index
      %get3A_966 = arith.constant 32 : index
      %get3A_967 = tpu.vector_load %arg7[%get3A_965, %get3A_966] {strides = array<i32>} : memref<16x128xf32, #tpu.memory_space<vmem>>, vector<16xf32>,
      %add3A_968 = arith.constant 4 : i32
      %add3A_969 = vector.broadcast %add3A_968 : i32 to vector<16xi32>
      %add3A_970 = arith.addi %select_n3A, %add3A_969 : vector<16xi32>
      %add3A_971 = arith.constant 11 : i32
      %add3A_972 = vector.broadcast %add3A_971 : i32 to vector<16xi32>
      %add3A_973 = arith.addi %mul3A_47, %add3A_972 : vector<16xi32>
      tpu.vector_store_idx %arg8[%add3A_970, %add3A_973], %get3A_967 : memref<16x128xf32, #tpu.memory_space<vmem>>[vector<16xi32>, vector<16xi32>], vector<16xf32>,
      %get3A_974 = arith.constant 11 : i32
      %get3A_975 = arith.index_cast %get3A_974 : i32 to index
      %get3A_976 = arith.constant 48 : index
      %get3A_977 = tpu.vector_load %arg7[%get3A_975, %get3A_976] {strides = array<i32>} : memref<16x128xf32, #tpu.memory_space<vmem>>, vector<16xf32>,
      %add3A_978 = arith.constant 6 : i32
      %add3A_979 = vector.broadcast %add3A_978 : i32 to vector<16xi32>
      %add3A_980 = arith.addi %select_n3A, %add3A_979 : vector<16xi32>
      %add3A_981 = arith.constant 11 : i32
      %add3A_982 = vector.broadcast %add3A_981 : i32 to vector<16xi32>
      %add3A_983 = arith.addi %mul3A_47, %add3A_982 : vector<16xi32>
      tpu.vector_store_idx %arg8[%add3A_980, %add3A_983], %get3A_977 : memref<16x128xf32, #tpu.memory_space<vmem>>[vector<16xi32>, vector<16xi32>], vector<16xf32>,
      %get3A_984 = arith.constant 11 : i32
      %get3A_985 = arith.index_cast %get3A_984 : i32 to index
      %get3A_986 = arith.constant 64 : index
      %get3A_987 = tpu.vector_load %arg7[%get3A_985, %get3A_986] {strides = array<i32>} : memref<16x128xf32, #tpu.memory_space<vmem>>, vector<16xf32>,
      %add3A_988 = arith.constant 8 : i32
      %add3A_989 = vector.broadcast %add3A_988 : i32 to vector<16xi32>
      %add3A_990 = arith.addi %select_n3A, %add3A_989 : vector<16xi32>
      %add3A_991 = arith.constant 11 : i32
      %add3A_992 = vector.broadcast %add3A_991 : i32 to vector<16xi32>
      %add3A_993 = arith.addi %mul3A_47, %add3A_992 : vector<16xi32>
      tpu.vector_store_idx %arg8[%add3A_990, %add3A_993], %get3A_987 : memref<16x128xf32, #tpu.memory_space<vmem>>[vector<16xi32>, vector<16xi32>], vector<16xf32>,
      %get3A_994 = arith.constant 11 : i32
      %get3A_995 = arith.index_cast %get3A_994 : i32 to index
      %get3A_996 = arith.constant 80 : index
      %get3A_997 = tpu.vector_load %arg7[%get3A_995, %get3A_996] {strides = array<i32>} : memref<16x128xf32, #tpu.memory_space<vmem>>, vector<16xf32>,
      %add3A_998 = arith.constant 10 : i32
      %add3A_999 = vector.broadcast %add3A_998 : i32 to vector<16xi32>
      %add3A_1000 = arith.addi %select_n3A, %add3A_999 : vector<16xi32>
      %add3A_1001 = arith.constant 11 : i32
      %add3A_1002 = vector.broadcast %add3A_1001 : i32 to vector<16xi32>
      %add3A_1003 = arith.addi %mul3A_47, %add3A_1002 : vector<16xi32>
      tpu.vector_store_idx %arg8[%add3A_1000, %add3A_1003], %get3A_997 : memref<16x128xf32, #tpu.memory_space<vmem>>[vector<16xi32>, vector<16xi32>], vector<16xf32>,
      %get3A_1004 = arith.constant 11 : i32
      %get3A_1005 = arith.index_cast %get3A_1004 : i32 to index
      %get3A_1006 = arith.constant 96 : index
      %get3A_1007 = tpu.vector_load %arg7[%get3A_1005, %get3A_1006] {strides = array<i32>} : memref<16x128xf32, #tpu.memory_space<vmem>>, vector<16xf32>,
      %add3A_1008 = arith.constant 12 : i32
      %add3A_1009 = vector.broadcast %add3A_1008 : i32 to vector<16xi32>
      %add3A_1010 = arith.addi %select_n3A, %add3A_1009 : vector<16xi32>
      %add3A_1011 = arith.constant 11 : i32
      %add3A_1012 = vector.broadcast %add3A_1011 : i32 to vector<16xi32>
      %add3A_1013 = arith.addi %mul3A_47, %add3A_1012 : vector<16xi32>
      tpu.vector_store_idx %arg8[%add3A_1010, %add3A_1013], %get3A_1007 : memref<16x128xf32, #tpu.memory_space<vmem>>[vector<16xi32>, vector<16xi32>], vector<16xf32>,
      %get3A_1014 = arith.constant 11 : i32
      %get3A_1015 = arith.index_cast %get3A_1014 : i32 to index
      %get3A_1016 = arith.constant 112 : index
      %get3A_1017 = tpu.vector_load %arg7[%get3A_1015, %get3A_1016] {strides = array<i32>} : memref<16x128xf32, #tpu.memory_space<vmem>>, vector<16xf32>,
      %add3A_1018 = arith.constant 14 : i32
      %add3A_1019 = vector.broadcast %add3A_1018 : i32 to vector<16xi32>
      %add3A_1020 = arith.addi %select_n3A, %add3A_1019 : vector<16xi32>
      %add3A_1021 = arith.constant 11 : i32
      %add3A_1022 = vector.broadcast %add3A_1021 : i32 to vector<16xi32>
      %add3A_1023 = arith.addi %mul3A_47, %add3A_1022 : vector<16xi32>
      tpu.vector_store_idx %arg8[%add3A_1020, %add3A_1023], %get3A_1017 : memref<16x128xf32, #tpu.memory_space<vmem>>[vector<16xi32>, vector<16xi32>], vector<16xf32>,
      %get3A_1024 = arith.constant 12 : i32
      %get3A_1025 = arith.index_cast %get3A_1024 : i32 to index
      %get3A_1026 = arith.constant 0 : index
      %get3A_1027 = tpu.vector_load %arg7[%get3A_1025, %get3A_1026] {strides = array<i32>} : memref<16x128xf32, #tpu.memory_space<vmem>>, vector<16xf32>,
      %add3A_1028 = arith.constant 0 : i32
      %add3A_1029 = vector.broadcast %add3A_1028 : i32 to vector<16xi32>
      %add3A_1030 = arith.addi %select_n3A, %add3A_1029 : vector<16xi32>
      %add3A_1031 = arith.constant 12 : i32
      %add3A_1032 = vector.broadcast %add3A_1031 : i32 to vector<16xi32>
      %add3A_1033 = arith.addi %mul3A_47, %add3A_1032 : vector<16xi32>
      tpu.vector_store_idx %arg8[%add3A_1030, %add3A_1033], %get3A_1027 : memref<16x128xf32, #tpu.memory_space<vmem>>[vector<16xi32>, vector<16xi32>], vector<16xf32>,
      %get3A_1034 = arith.constant 12 : i32
      %get3A_1035 = arith.index_cast %get3A_1034 : i32 to index
      %get3A_1036 = arith.constant 16 : index
      %get3A_1037 = tpu.vector_load %arg7[%get3A_1035, %get3A_1036] {strides = array<i32>} : memref<16x128xf32, #tpu.memory_space<vmem>>, vector<16xf32>,
      %add3A_1038 = arith.constant 2 : i32
      %add3A_1039 = vector.broadcast %add3A_1038 : i32 to vector<16xi32>
      %add3A_1040 = arith.addi %select_n3A, %add3A_1039 : vector<16xi32>
      %add3A_1041 = arith.constant 12 : i32
      %add3A_1042 = vector.broadcast %add3A_1041 : i32 to vector<16xi32>
      %add3A_1043 = arith.addi %mul3A_47, %add3A_1042 : vector<16xi32>
      tpu.vector_store_idx %arg8[%add3A_1040, %add3A_1043], %get3A_1037 : memref<16x128xf32, #tpu.memory_space<vmem>>[vector<16xi32>, vector<16xi32>], vector<16xf32>,
      %get3A_1044 = arith.constant 12 : i32
      %get3A_1045 = arith.index_cast %get3A_1044 : i32 to index
      %get3A_1046 = arith.constant 32 : index
      %get3A_1047 = tpu.vector_load %arg7[%get3A_1045, %get3A_1046] {strides = array<i32>} : memref<16x128xf32, #tpu.memory_space<vmem>>, vector<16xf32>,
      %add3A_1048 = arith.constant 4 : i32
      %add3A_1049 = vector.broadcast %add3A_1048 : i32 to vector<16xi32>
      %add3A_1050 = arith.addi %select_n3A, %add3A_1049 : vector<16xi32>
      %add3A_1051 = arith.constant 12 : i32
      %add3A_1052 = vector.broadcast %add3A_1051 : i32 to vector<16xi32>
      %add3A_1053 = arith.addi %mul3A_47, %add3A_1052 : vector<16xi32>
      tpu.vector_store_idx %arg8[%add3A_1050, %add3A_1053], %get3A_1047 : memref<16x128xf32, #tpu.memory_space<vmem>>[vector<16xi32>, vector<16xi32>], vector<16xf32>,
      %get3A_1054 = arith.constant 12 : i32
      %get3A_1055 = arith.index_cast %get3A_1054 : i32 to index
      %get3A_1056 = arith.constant 48 : index
      %get3A_1057 = tpu.vector_load %arg7[%get3A_1055, %get3A_1056] {strides = array<i32>} : memref<16x128xf32, #tpu.memory_space<vmem>>, vector<16xf32>,
      %add3A_1058 = arith.constant 6 : i32
      %add3A_1059 = vector.broadcast %add3A_1058 : i32 to vector<16xi32>
      %add3A_1060 = arith.addi %select_n3A, %add3A_1059 : vector<16xi32>
      %add3A_1061 = arith.constant 12 : i32
      %add3A_1062 = vector.broadcast %add3A_1061 : i32 to vector<16xi32>
      %add3A_1063 = arith.addi %mul3A_47, %add3A_1062 : vector<16xi32>
      tpu.vector_store_idx %arg8[%add3A_1060, %add3A_1063], %get3A_1057 : memref<16x128xf32, #tpu.memory_space<vmem>>[vector<16xi32>, vector<16xi32>], vector<16xf32>,
      %get3A_1064 = arith.constant 12 : i32
      %get3A_1065 = arith.index_cast %get3A_1064 : i32 to index
      %get3A_1066 = arith.constant 64 : index
      %get3A_1067 = tpu.vector_load %arg7[%get3A_1065, %get3A_1066] {strides = array<i32>} : memref<16x128xf32, #tpu.memory_space<vmem>>, vector<16xf32>,
      %add3A_1068 = arith.constant 8 : i32
      %add3A_1069 = vector.broadcast %add3A_1068 : i32 to vector<16xi32>
      %add3A_1070 = arith.addi %select_n3A, %add3A_1069 : vector<16xi32>
      %add3A_1071 = arith.constant 12 : i32
      %add3A_1072 = vector.broadcast %add3A_1071 : i32 to vector<16xi32>
      %add3A_1073 = arith.addi %mul3A_47, %add3A_1072 : vector<16xi32>
      tpu.vector_store_idx %arg8[%add3A_1070, %add3A_1073], %get3A_1067 : memref<16x128xf32, #tpu.memory_space<vmem>>[vector<16xi32>, vector<16xi32>], vector<16xf32>,
      %get3A_1074 = arith.constant 12 : i32
      %get3A_1075 = arith.index_cast %get3A_1074 : i32 to index
      %get3A_1076 = arith.constant 80 : index
      %get3A_1077 = tpu.vector_load %arg7[%get3A_1075, %get3A_1076] {strides = array<i32>} : memref<16x128xf32, #tpu.memory_space<vmem>>, vector<16xf32>,
      %add3A_1078 = arith.constant 10 : i32
      %add3A_1079 = vector.broadcast %add3A_1078 : i32 to vector<16xi32>
      %add3A_1080 = arith.addi %select_n3A, %add3A_1079 : vector<16xi32>
      %add3A_1081 = arith.constant 12 : i32
      %add3A_1082 = vector.broadcast %add3A_1081 : i32 to vector<16xi32>
      %add3A_1083 = arith.addi %mul3A_47, %add3A_1082 : vector<16xi32>
      tpu.vector_store_idx %arg8[%add3A_1080, %add3A_1083], %get3A_1077 : memref<16x128xf32, #tpu.memory_space<vmem>>[vector<16xi32>, vector<16xi32>], vector<16xf32>,
      %get3A_1084 = arith.constant 12 : i32
      %get3A_1085 = arith.index_cast %get3A_1084 : i32 to index
      %get3A_1086 = arith.constant 96 : index
      %get3A_1087 = tpu.vector_load %arg7[%get3A_1085, %get3A_1086] {strides = array<i32>} : memref<16x128xf32, #tpu.memory_space<vmem>>, vector<16xf32>,
      %add3A_1088 = arith.constant 12 : i32
      %add3A_1089 = vector.broadcast %add3A_1088 : i32 to vector<16xi32>
      %add3A_1090 = arith.addi %select_n3A, %add3A_1089 : vector<16xi32>
      %add3A_1091 = arith.constant 12 : i32
      %add3A_1092 = vector.broadcast %add3A_1091 : i32 to vector<16xi32>
      %add3A_1093 = arith.addi %mul3A_47, %add3A_1092 : vector<16xi32>
      tpu.vector_store_idx %arg8[%add3A_1090, %add3A_1093], %get3A_1087 : memref<16x128xf32, #tpu.memory_space<vmem>>[vector<16xi32>, vector<16xi32>], vector<16xf32>,
      %get3A_1094 = arith.constant 12 : i32
      %get3A_1095 = arith.index_cast %get3A_1094 : i32 to index
      %get3A_1096 = arith.constant 112 : index
      %get3A_1097 = tpu.vector_load %arg7[%get3A_1095, %get3A_1096] {strides = array<i32>} : memref<16x128xf32, #tpu.memory_space<vmem>>, vector<16xf32>,
      %add3A_1098 = arith.constant 14 : i32
      %add3A_1099 = vector.broadcast %add3A_1098 : i32 to vector<16xi32>
      %add3A_1100 = arith.addi %select_n3A, %add3A_1099 : vector<16xi32>
      %add3A_1101 = arith.constant 12 : i32
      %add3A_1102 = vector.broadcast %add3A_1101 : i32 to vector<16xi32>
      %add3A_1103 = arith.addi %mul3A_47, %add3A_1102 : vector<16xi32>
      tpu.vector_store_idx %arg8[%add3A_1100, %add3A_1103], %get3A_1097 : memref<16x128xf32, #tpu.memory_space<vmem>>[vector<16xi32>, vector<16xi32>], vector<16xf32>,
      %get3A_1104 = arith.constant 13 : i32
      %get3A_1105 = arith.index_cast %get3A_1104 : i32 to index
      %get3A_1106 = arith.constant 0 : index
      %get3A_1107 = tpu.vector_load %arg7[%get3A_1105, %get3A_1106] {strides = array<i32>} : memref<16x128xf32, #tpu.memory_space<vmem>>, vector<16xf32>,
      %add3A_1108 = arith.constant 0 : i32
      %add3A_1109 = vector.broadcast %add3A_1108 : i32 to vector<16xi32>
      %add3A_1110 = arith.addi %select_n3A, %add3A_1109 : vector<16xi32>
      %add3A_1111 = arith.constant 13 : i32
      %add3A_1112 = vector.broadcast %add3A_1111 : i32 to vector<16xi32>
      %add3A_1113 = arith.addi %mul3A_47, %add3A_1112 : vector<16xi32>
      tpu.vector_store_idx %arg8[%add3A_1110, %add3A_1113], %get3A_1107 : memref<16x128xf32, #tpu.memory_space<vmem>>[vector<16xi32>, vector<16xi32>], vector<16xf32>,
      %get3A_1114 = arith.constant 13 : i32
      %get3A_1115 = arith.index_cast %get3A_1114 : i32 to index
      %get3A_1116 = arith.constant 16 : index
      %get3A_1117 = tpu.vector_load %arg7[%get3A_1115, %get3A_1116] {strides = array<i32>} : memref<16x128xf32, #tpu.memory_space<vmem>>, vector<16xf32>,
      %add3A_1118 = arith.constant 2 : i32
      %add3A_1119 = vector.broadcast %add3A_1118 : i32 to vector<16xi32>
      %add3A_1120 = arith.addi %select_n3A, %add3A_1119 : vector<16xi32>
      %add3A_1121 = arith.constant 13 : i32
      %add3A_1122 = vector.broadcast %add3A_1121 : i32 to vector<16xi32>
      %add3A_1123 = arith.addi %mul3A_47, %add3A_1122 : vector<16xi32>
      tpu.vector_store_idx %arg8[%add3A_1120, %add3A_1123], %get3A_1117 : memref<16x128xf32, #tpu.memory_space<vmem>>[vector<16xi32>, vector<16xi32>], vector<16xf32>,
      %get3A_1124 = arith.constant 13 : i32
      %get3A_1125 = arith.index_cast %get3A_1124 : i32 to index
      %get3A_1126 = arith.constant 32 : index
      %get3A_1127 = tpu.vector_load %arg7[%get3A_1125, %get3A_1126] {strides = array<i32>} : memref<16x128xf32, #tpu.memory_space<vmem>>, vector<16xf32>,
      %add3A_1128 = arith.constant 4 : i32
      %add3A_1129 = vector.broadcast %add3A_1128 : i32 to vector<16xi32>
      %add3A_1130 = arith.addi %select_n3A, %add3A_1129 : vector<16xi32>
      %add3A_1131 = arith.constant 13 : i32
      %add3A_1132 = vector.broadcast %add3A_1131 : i32 to vector<16xi32>
      %add3A_1133 = arith.addi %mul3A_47, %add3A_1132 : vector<16xi32>
      tpu.vector_store_idx %arg8[%add3A_1130, %add3A_1133], %get3A_1127 : memref<16x128xf32, #tpu.memory_space<vmem>>[vector<16xi32>, vector<16xi32>], vector<16xf32>,
      %get3A_1134 = arith.constant 13 : i32
      %get3A_1135 = arith.index_cast %get3A_1134 : i32 to index
      %get3A_1136 = arith.constant 48 : index
      %get3A_1137 = tpu.vector_load %arg7[%get3A_1135, %get3A_1136] {strides = array<i32>} : memref<16x128xf32, #tpu.memory_space<vmem>>, vector<16xf32>,
      %add3A_1138 = arith.constant 6 : i32
      %add3A_1139 = vector.broadcast %add3A_1138 : i32 to vector<16xi32>
      %add3A_1140 = arith.addi %select_n3A, %add3A_1139 : vector<16xi32>
      %add3A_1141 = arith.constant 13 : i32
      %add3A_1142 = vector.broadcast %add3A_1141 : i32 to vector<16xi32>
      %add3A_1143 = arith.addi %mul3A_47, %add3A_1142 : vector<16xi32>
      tpu.vector_store_idx %arg8[%add3A_1140, %add3A_1143], %get3A_1137 : memref<16x128xf32, #tpu.memory_space<vmem>>[vector<16xi32>, vector<16xi32>], vector<16xf32>,
      %get3A_1144 = arith.constant 13 : i32
      %get3A_1145 = arith.index_cast %get3A_1144 : i32 to index
      %get3A_1146 = arith.constant 64 : index
      %get3A_1147 = tpu.vector_load %arg7[%get3A_1145, %get3A_1146] {strides = array<i32>} : memref<16x128xf32, #tpu.memory_space<vmem>>, vector<16xf32>,
      %add3A_1148 = arith.constant 8 : i32
      %add3A_1149 = vector.broadcast %add3A_1148 : i32 to vector<16xi32>
      %add3A_1150 = arith.addi %select_n3A, %add3A_1149 : vector<16xi32>
      %add3A_1151 = arith.constant 13 : i32
      %add3A_1152 = vector.broadcast %add3A_1151 : i32 to vector<16xi32>
      %add3A_1153 = arith.addi %mul3A_47, %add3A_1152 : vector<16xi32>
      tpu.vector_store_idx %arg8[%add3A_1150, %add3A_1153], %get3A_1147 : memref<16x128xf32, #tpu.memory_space<vmem>>[vector<16xi32>, vector<16xi32>], vector<16xf32>,
      %get3A_1154 = arith.constant 13 : i32
      %get3A_1155 = arith.index_cast %get3A_1154 : i32 to index
      %get3A_1156 = arith.constant 80 : index
      %get3A_1157 = tpu.vector_load %arg7[%get3A_1155, %get3A_1156] {strides = array<i32>} : memref<16x128xf32, #tpu.memory_space<vmem>>, vector<16xf32>,
      %add3A_1158 = arith.constant 10 : i32
      %add3A_1159 = vector.broadcast %add3A_1158 : i32 to vector<16xi32>
      %add3A_1160 = arith.addi %select_n3A, %add3A_1159 : vector<16xi32>
      %add3A_1161 = arith.constant 13 : i32
      %add3A_1162 = vector.broadcast %add3A_1161 : i32 to vector<16xi32>
      %add3A_1163 = arith.addi %mul3A_47, %add3A_1162 : vector<16xi32>
      tpu.vector_store_idx %arg8[%add3A_1160, %add3A_1163], %get3A_1157 : memref<16x128xf32, #tpu.memory_space<vmem>>[vector<16xi32>, vector<16xi32>], vector<16xf32>,
      %get3A_1164 = arith.constant 13 : i32
      %get3A_1165 = arith.index_cast %get3A_1164 : i32 to index
      %get3A_1166 = arith.constant 96 : index
      %get3A_1167 = tpu.vector_load %arg7[%get3A_1165, %get3A_1166] {strides = array<i32>} : memref<16x128xf32, #tpu.memory_space<vmem>>, vector<16xf32>,
      %add3A_1168 = arith.constant 12 : i32
      %add3A_1169 = vector.broadcast %add3A_1168 : i32 to vector<16xi32>
      %add3A_1170 = arith.addi %select_n3A, %add3A_1169 : vector<16xi32>
      %add3A_1171 = arith.constant 13 : i32
      %add3A_1172 = vector.broadcast %add3A_1171 : i32 to vector<16xi32>
      %add3A_1173 = arith.addi %mul3A_47, %add3A_1172 : vector<16xi32>
      tpu.vector_store_idx %arg8[%add3A_1170, %add3A_1173], %get3A_1167 : memref<16x128xf32, #tpu.memory_space<vmem>>[vector<16xi32>, vector<16xi32>], vector<16xf32>,
      %get3A_1174 = arith.constant 13 : i32
      %get3A_1175 = arith.index_cast %get3A_1174 : i32 to index
      %get3A_1176 = arith.constant 112 : index
      %get3A_1177 = tpu.vector_load %arg7[%get3A_1175, %get3A_1176] {strides = array<i32>} : memref<16x128xf32, #tpu.memory_space<vmem>>, vector<16xf32>,
      %add3A_1178 = arith.constant 14 : i32
      %add3A_1179 = vector.broadcast %add3A_1178 : i32 to vector<16xi32>
      %add3A_1180 = arith.addi %select_n3A, %add3A_1179 : vector<16xi32>
      %add3A_1181 = arith.constant 13 : i32
      %add3A_1182 = vector.broadcast %add3A_1181 : i32 to vector<16xi32>
      %add3A_1183 = arith.addi %mul3A_47, %add3A_1182 : vector<16xi32>
      tpu.vector_store_idx %arg8[%add3A_1180, %add3A_1183], %get3A_1177 : memref<16x128xf32, #tpu.memory_space<vmem>>[vector<16xi32>, vector<16xi32>], vector<16xf32>,
      %get3A_1184 = arith.constant 14 : i32
      %get3A_1185 = arith.index_cast %get3A_1184 : i32 to index
      %get3A_1186 = arith.constant 0 : index
      %get3A_1187 = tpu.vector_load %arg7[%get3A_1185, %get3A_1186] {strides = array<i32>} : memref<16x128xf32, #tpu.memory_space<vmem>>, vector<16xf32>,
      %add3A_1188 = arith.constant 0 : i32
      %add3A_1189 = vector.broadcast %add3A_1188 : i32 to vector<16xi32>
      %add3A_1190 = arith.addi %select_n3A, %add3A_1189 : vector<16xi32>
      %add3A_1191 = arith.constant 14 : i32
      %add3A_1192 = vector.broadcast %add3A_1191 : i32 to vector<16xi32>
      %add3A_1193 = arith.addi %mul3A_47, %add3A_1192 : vector<16xi32>
      tpu.vector_store_idx %arg8[%add3A_1190, %add3A_1193], %get3A_1187 : memref<16x128xf32, #tpu.memory_space<vmem>>[vector<16xi32>, vector<16xi32>], vector<16xf32>,
      %get3A_1194 = arith.constant 14 : i32
      %get3A_1195 = arith.index_cast %get3A_1194 : i32 to index
      %get3A_1196 = arith.constant 16 : index
      %get3A_1197 = tpu.vector_load %arg7[%get3A_1195, %get3A_1196] {strides = array<i32>} : memref<16x128xf32, #tpu.memory_space<vmem>>, vector<16xf32>,
      %add3A_1198 = arith.constant 2 : i32
      %add3A_1199 = vector.broadcast %add3A_1198 : i32 to vector<16xi32>
      %add3A_1200 = arith.addi %select_n3A, %add3A_1199 : vector<16xi32>
      %add3A_1201 = arith.constant 14 : i32
      %add3A_1202 = vector.broadcast %add3A_1201 : i32 to vector<16xi32>
      %add3A_1203 = arith.addi %mul3A_47, %add3A_1202 : vector<16xi32>
      tpu.vector_store_idx %arg8[%add3A_1200, %add3A_1203], %get3A_1197 : memref<16x128xf32, #tpu.memory_space<vmem>>[vector<16xi32>, vector<16xi32>], vector<16xf32>,
      %get3A_1204 = arith.constant 14 : i32
      %get3A_1205 = arith.index_cast %get3A_1204 : i32 to index
      %get3A_1206 = arith.constant 32 : index
      %get3A_1207 = tpu.vector_load %arg7[%get3A_1205, %get3A_1206] {strides = array<i32>} : memref<16x128xf32, #tpu.memory_space<vmem>>, vector<16xf32>,
      %add3A_1208 = arith.constant 4 : i32
      %add3A_1209 = vector.broadcast %add3A_1208 : i32 to vector<16xi32>
      %add3A_1210 = arith.addi %select_n3A, %add3A_1209 : vector<16xi32>
      %add3A_1211 = arith.constant 14 : i32
      %add3A_1212 = vector.broadcast %add3A_1211 : i32 to vector<16xi32>
      %add3A_1213 = arith.addi %mul3A_47, %add3A_1212 : vector<16xi32>
      tpu.vector_store_idx %arg8[%add3A_1210, %add3A_1213], %get3A_1207 : memref<16x128xf32, #tpu.memory_space<vmem>>[vector<16xi32>, vector<16xi32>], vector<16xf32>,
      %get3A_1214 = arith.constant 14 : i32
      %get3A_1215 = arith.index_cast %get3A_1214 : i32 to index
      %get3A_1216 = arith.constant 48 : index
      %get3A_1217 = tpu.vector_load %arg7[%get3A_1215, %get3A_1216] {strides = array<i32>} : memref<16x128xf32, #tpu.memory_space<vmem>>, vector<16xf32>,
      %add3A_1218 = arith.constant 6 : i32
      %add3A_1219 = vector.broadcast %add3A_1218 : i32 to vector<16xi32>
      %add3A_1220 = arith.addi %select_n3A, %add3A_1219 : vector<16xi32>
      %add3A_1221 = arith.constant 14 : i32
      %add3A_1222 = vector.broadcast %add3A_1221 : i32 to vector<16xi32>
      %add3A_1223 = arith.addi %mul3A_47, %add3A_1222 : vector<16xi32>
      tpu.vector_store_idx %arg8[%add3A_1220, %add3A_1223], %get3A_1217 : memref<16x128xf32, #tpu.memory_space<vmem>>[vector<16xi32>, vector<16xi32>], vector<16xf32>,
      %get3A_1224 = arith.constant 14 : i32
      %get3A_1225 = arith.index_cast %get3A_1224 : i32 to index
      %get3A_1226 = arith.constant 64 : index
      %get3A_1227 = tpu.vector_load %arg7[%get3A_1225, %get3A_1226] {strides = array<i32>} : memref<16x128xf32, #tpu.memory_space<vmem>>, vector<16xf32>,
      %add3A_1228 = arith.constant 8 : i32
      %add3A_1229 = vector.broadcast %add3A_1228 : i32 to vector<16xi32>
      %add3A_1230 = arith.addi %select_n3A, %add3A_1229 : vector<16xi32>
      %add3A_1231 = arith.constant 14 : i32
      %add3A_1232 = vector.broadcast %add3A_1231 : i32 to vector<16xi32>
      %add3A_1233 = arith.addi %mul3A_47, %add3A_1232 : vector<16xi32>
      tpu.vector_store_idx %arg8[%add3A_1230, %add3A_1233], %get3A_1227 : memref<16x128xf32, #tpu.memory_space<vmem>>[vector<16xi32>, vector<16xi32>], vector<16xf32>,
      %get3A_1234 = arith.constant 14 : i32
      %get3A_1235 = arith.index_cast %get3A_1234 : i32 to index
      %get3A_1236 = arith.constant 80 : index
      %get3A_1237 = tpu.vector_load %arg7[%get3A_1235, %get3A_1236] {strides = array<i32>} : memref<16x128xf32, #tpu.memory_space<vmem>>, vector<16xf32>,
      %add3A_1238 = arith.constant 10 : i32
      %add3A_1239 = vector.broadcast %add3A_1238 : i32 to vector<16xi32>
      %add3A_1240 = arith.addi %select_n3A, %add3A_1239 : vector<16xi32>
      %add3A_1241 = arith.constant 14 : i32
      %add3A_1242 = vector.broadcast %add3A_1241 : i32 to vector<16xi32>
      %add3A_1243 = arith.addi %mul3A_47, %add3A_1242 : vector<16xi32>
      tpu.vector_store_idx %arg8[%add3A_1240, %add3A_1243], %get3A_1237 : memref<16x128xf32, #tpu.memory_space<vmem>>[vector<16xi32>, vector<16xi32>], vector<16xf32>,
      %get3A_1244 = arith.constant 14 : i32
      %get3A_1245 = arith.index_cast %get3A_1244 : i32 to index
      %get3A_1246 = arith.constant 96 : index
      %get3A_1247 = tpu.vector_load %arg7[%get3A_1245, %get3A_1246] {strides = array<i32>} : memref<16x128xf32, #tpu.memory_space<vmem>>, vector<16xf32>,
      %add3A_1248 = arith.constant 12 : i32
      %add3A_1249 = vector.broadcast %add3A_1248 : i32 to vector<16xi32>
      %add3A_1250 = arith.addi %select_n3A, %add3A_1249 : vector<16xi32>
      %add3A_1251 = arith.constant 14 : i32
      %add3A_1252 = vector.broadcast %add3A_1251 : i32 to vector<16xi32>
      %add3A_1253 = arith.addi %mul3A_47, %add3A_1252 : vector<16xi32>
      tpu.vector_store_idx %arg8[%add3A_1250, %add3A_1253], %get3A_1247 : memref<16x128xf32, #tpu.memory_space<vmem>>[vector<16xi32>, vector<16xi32>], vector<16xf32>,
      %get3A_1254 = arith.constant 14 : i32
      %get3A_1255 = arith.index_cast %get3A_1254 : i32 to index
      %get3A_1256 = arith.constant 112 : index
      %get3A_1257 = tpu.vector_load %arg7[%get3A_1255, %get3A_1256] {strides = array<i32>} : memref<16x128xf32, #tpu.memory_space<vmem>>, vector<16xf32>,
      %add3A_1258 = arith.constant 14 : i32
      %add3A_1259 = vector.broadcast %add3A_1258 : i32 to vector<16xi32>
      %add3A_1260 = arith.addi %select_n3A, %add3A_1259 : vector<16xi32>
      %add3A_1261 = arith.constant 14 : i32
      %add3A_1262 = vector.broadcast %add3A_1261 : i32 to vector<16xi32>
      %add3A_1263 = arith.addi %mul3A_47, %add3A_1262 : vector<16xi32>
      tpu.vector_store_idx %arg8[%add3A_1260, %add3A_1263], %get3A_1257 : memref<16x128xf32, #tpu.memory_space<vmem>>[vector<16xi32>, vector<16xi32>], vector<16xf32>,
      %get3A_1264 = arith.constant 15 : i32
      %get3A_1265 = arith.index_cast %get3A_1264 : i32 to index
      %get3A_1266 = arith.constant 0 : index
      %get3A_1267 = tpu.vector_load %arg7[%get3A_1265, %get3A_1266] {strides = array<i32>} : memref<16x128xf32, #tpu.memory_space<vmem>>, vector<16xf32>,
      %add3A_1268 = arith.constant 0 : i32
      %add3A_1269 = vector.broadcast %add3A_1268 : i32 to vector<16xi32>
      %add3A_1270 = arith.addi %select_n3A, %add3A_1269 : vector<16xi32>
      %add3A_1271 = arith.constant 15 : i32
      %add3A_1272 = vector.broadcast %add3A_1271 : i32 to vector<16xi32>
      %add3A_1273 = arith.addi %mul3A_47, %add3A_1272 : vector<16xi32>
      tpu.vector_store_idx %arg8[%add3A_1270, %add3A_1273], %get3A_1267 : memref<16x128xf32, #tpu.memory_space<vmem>>[vector<16xi32>, vector<16xi32>], vector<16xf32>,
      %get3A_1274 = arith.constant 15 : i32
      %get3A_1275 = arith.index_cast %get3A_1274 : i32 to index
      %get3A_1276 = arith.constant 16 : index
      %get3A_1277 = tpu.vector_load %arg7[%get3A_1275, %get3A_1276] {strides = array<i32>} : memref<16x128xf32, #tpu.memory_space<vmem>>, vector<16xf32>,
      %add3A_1278 = arith.constant 2 : i32
      %add3A_1279 = vector.broadcast %add3A_1278 : i32 to vector<16xi32>
      %add3A_1280 = arith.addi %select_n3A, %add3A_1279 : vector<16xi32>
      %add3A_1281 = arith.constant 15 : i32
      %add3A_1282 = vector.broadcast %add3A_1281 : i32 to vector<16xi32>
      %add3A_1283 = arith.addi %mul3A_47, %add3A_1282 : vector<16xi32>
      tpu.vector_store_idx %arg8[%add3A_1280, %add3A_1283], %get3A_1277 : memref<16x128xf32, #tpu.memory_space<vmem>>[vector<16xi32>, vector<16xi32>], vector<16xf32>,
      %get3A_1284 = arith.constant 15 : i32
      %get3A_1285 = arith.index_cast %get3A_1284 : i32 to index
      %get3A_1286 = arith.constant 32 : index
      %get3A_1287 = tpu.vector_load %arg7[%get3A_1285, %get3A_1286] {strides = array<i32>} : memref<16x128xf32, #tpu.memory_space<vmem>>, vector<16xf32>,
      %add3A_1288 = arith.constant 4 : i32
      %add3A_1289 = vector.broadcast %add3A_1288 : i32 to vector<16xi32>
      %add3A_1290 = arith.addi %select_n3A, %add3A_1289 : vector<16xi32>
      %add3A_1291 = arith.constant 15 : i32
      %add3A_1292 = vector.broadcast %add3A_1291 : i32 to vector<16xi32>
      %add3A_1293 = arith.addi %mul3A_47, %add3A_1292 : vector<16xi32>
      tpu.vector_store_idx %arg8[%add3A_1290, %add3A_1293], %get3A_1287 : memref<16x128xf32, #tpu.memory_space<vmem>>[vector<16xi32>, vector<16xi32>], vector<16xf32>,
      %get3A_1294 = arith.constant 15 : i32
      %get3A_1295 = arith.index_cast %get3A_1294 : i32 to index
      %get3A_1296 = arith.constant 48 : index
      %get3A_1297 = tpu.vector_load %arg7[%get3A_1295, %get3A_1296] {strides = array<i32>} : memref<16x128xf32, #tpu.memory_space<vmem>>, vector<16xf32>,
      %add3A_1298 = arith.constant 6 : i32
      %add3A_1299 = vector.broadcast %add3A_1298 : i32 to vector<16xi32>
      %add3A_1300 = arith.addi %select_n3A, %add3A_1299 : vector<16xi32>
      %add3A_1301 = arith.constant 15 : i32
      %add3A_1302 = vector.broadcast %add3A_1301 : i32 to vector<16xi32>
      %add3A_1303 = arith.addi %mul3A_47, %add3A_1302 : vector<16xi32>
      tpu.vector_store_idx %arg8[%add3A_1300, %add3A_1303], %get3A_1297 : memref<16x128xf32, #tpu.memory_space<vmem>>[vector<16xi32>, vector<16xi32>], vector<16xf32>,
      %get3A_1304 = arith.constant 15 : i32
      %get3A_1305 = arith.index_cast %get3A_1304 : i32 to index
      %get3A_1306 = arith.constant 64 : index
      %get3A_1307 = tpu.vector_load %arg7[%get3A_1305, %get3A_1306] {strides = array<i32>} : memref<16x128xf32, #tpu.memory_space<vmem>>, vector<16xf32>,
      %add3A_1308 = arith.constant 8 : i32
      %add3A_1309 = vector.broadcast %add3A_1308 : i32 to vector<16xi32>
      %add3A_1310 = arith.addi %select_n3A, %add3A_1309 : vector<16xi32>
      %add3A_1311 = arith.constant 15 : i32
      %add3A_1312 = vector.broadcast %add3A_1311 : i32 to vector<16xi32>
      %add3A_1313 = arith.addi %mul3A_47, %add3A_1312 : vector<16xi32>
      tpu.vector_store_idx %arg8[%add3A_1310, %add3A_1313], %get3A_1307 : memref<16x128xf32, #tpu.memory_space<vmem>>[vector<16xi32>, vector<16xi32>], vector<16xf32>,
      %get3A_1314 = arith.constant 15 : i32
      %get3A_1315 = arith.index_cast %get3A_1314 : i32 to index
      %get3A_1316 = arith.constant 80 : index
      %get3A_1317 = tpu.vector_load %arg7[%get3A_1315, %get3A_1316] {strides = array<i32>} : memref<16x128xf32, #tpu.memory_space<vmem>>, vector<16xf32>,
      %add3A_1318 = arith.constant 10 : i32
      %add3A_1319 = vector.broadcast %add3A_1318 : i32 to vector<16xi32>
      %add3A_1320 = arith.addi %select_n3A, %add3A_1319 : vector<16xi32>
      %add3A_1321 = arith.constant 15 : i32
      %add3A_1322 = vector.broadcast %add3A_1321 : i32 to vector<16xi32>
      %add3A_1323 = arith.addi %mul3A_47, %add3A_1322 : vector<16xi32>
      tpu.vector_store_idx %arg8[%add3A_1320, %add3A_1323], %get3A_1317 : memref<16x128xf32, #tpu.memory_space<vmem>>[vector<16xi32>, vector<16xi32>], vector<16xf32>,
      %get3A_1324 = arith.constant 15 : i32
      %get3A_1325 = arith.index_cast %get3A_1324 : i32 to index
      %get3A_1326 = arith.constant 96 : index
      %get3A_1327 = tpu.vector_load %arg7[%get3A_1325, %get3A_1326] {strides = array<i32>} : memref<16x128xf32, #tpu.memory_space<vmem>>, vector<16xf32>,
      %add3A_1328 = arith.constant 12 : i32
      %add3A_1329 = vector.broadcast %add3A_1328 : i32 to vector<16xi32>
      %add3A_1330 = arith.addi %select_n3A, %add3A_1329 : vector<16xi32>
      %add3A_1331 = arith.constant 15 : i32
      %add3A_1332 = vector.broadcast %add3A_1331 : i32 to vector<16xi32>
      %add3A_1333 = arith.addi %mul3A_47, %add3A_1332 : vector<16xi32>
      tpu.vector_store_idx %arg8[%add3A_1330, %add3A_1333], %get3A_1327 : memref<16x128xf32, #tpu.memory_space<vmem>>[vector<16xi32>, vector<16xi32>], vector<16xf32>,
      %get3A_1334 = arith.constant 15 : i32
      %get3A_1335 = arith.index_cast %get3A_1334 : i32 to index
      %get3A_1336 = arith.constant 112 : index
      %get3A_1337 = tpu.vector_load %arg7[%get3A_1335, %get3A_1336] {strides = array<i32>} : memref<16x128xf32, #tpu.memory_space<vmem>>, vector<16xf32>,
      %add3A_1338 = arith.constant 14 : i32
      %add3A_1339 = vector.broadcast %add3A_1338 : i32 to vector<16xi32>
      %add3A_1340 = arith.addi %select_n3A, %add3A_1339 : vector<16xi32>
      %add3A_1341 = arith.constant 15 : i32
      %add3A_1342 = vector.broadcast %add3A_1341 : i32 to vector<16xi32>
      %add3A_1343 = arith.addi %mul3A_47, %add3A_1342 : vector<16xi32>
      tpu.vector_store_idx %arg8[%add3A_1340, %add3A_1343], %get3A_1337 : memref<16x128xf32, #tpu.memory_space<vmem>>[vector<16xi32>, vector<16xi32>], vector<16xf32>,
      "tpu.region"() ({
        %run_scoped3A = tpu.sem_alloc : memref<!tpu.dma_semaphore, #tpu.memory_space<semaphore_mem>>
        %dma_start3A = arith.constant 12496 : i32
        %dma_start3A_1344 = arith.constant 0 : i32
        %dma_start3A_1345 = tpu.memref_slice %arg6[%dma_start3A, %dma_start3A_1344] : memref<12512x128xf32, #tpu.memory_space<vmem_shared>> -> memref<16x128xf32, #tpu.memory_space<vmem_shared>>
        %dma_start3A_1346 = arith.constant 12496 : i32
        %dma_start3A_1347 = arith.constant 0 : i32
        %dma_start3A_1348 = tpu.memref_slice %arg6[%dma_start3A_1346, %dma_start3A_1347] : memref<12512x128xf32, #tpu.memory_space<vmem_shared>> -> memref<16x128xf32, #tpu.memory_space<vmem_shared>>
        tpu.enqueue_dma source(%arg8 : memref<16x128xf32, #tpu.memory_space<vmem>>) target(%dma_start3A_1348 : memref<16x128xf32, #tpu.memory_space<vmem_shared>>) target_semaphore(%run_scoped3A : memref<!tpu.dma_semaphore, #tpu.memory_space<semaphore_mem>>)
        %dma_wait3A = arith.constant 12496 : i32
        %dma_wait3A_1349 = arith.constant 0 : i32
        %dma_wait3A_1350 = tpu.memref_slice %arg6[%dma_wait3A, %dma_wait3A_1349] : memref<12512x128xf32, #tpu.memory_space<vmem_shared>> -> memref<16x128xf32, #tpu.memory_space<vmem_shared>>
        %dma_wait3A_1351 = arith.constant 12496 : i32
        %dma_wait3A_1352 = arith.constant 0 : i32
        %dma_wait3A_1353 = tpu.memref_slice %arg6[%dma_wait3A_1351, %dma_wait3A_1352] : memref<12512x128xf32, #tpu.memory_space<vmem_shared>> -> memref<16x128xf32, #tpu.memory_space<vmem_shared>>
        tpu.wait_dma2 semaphore(%run_scoped3A : memref<!tpu.dma_semaphore, #tpu.memory_space<semaphore_mem>>) src(%arg8 : memref<16x128xf32, #tpu.memory_space<vmem>>) dst(%dma_wait3A_1353 : memref<16x128xf32, #tpu.memory_space<vmem_shared>>)
        tpu.yield
      }) : () -> ()
    } else {
    }
    %scan3A_55 = arith.constant 0 : i32
    %scan3A_56 = arith.constant 64 : i32
    %scan3A_57 = arith.addi %scan3A_55, %scan3A_56 : i32
    %scan3A_58 = arith.constant 1 : i32
    scf.for %scan3A_65 = %scan3A_55 to %scan3A_57 step %scan3A_58  : i32 {
      %mul3A_66 = arith.constant 16 : i32
      %mul3A_67 = arith.muli %scan3A_65, %mul3A_66 : i32
      %get3A = arith.index_cast %mul3A_67 : i32 to index
      %get3A_68 = tpu.vector_load %arg11[%get3A] {strides = array<i32>} : memref<1024xi32, #tpu.memory_space<vmem>>, vector<16xi32>,
      %shift_right_arithmetic3A = arith.constant 3 : i32
      %shift_right_arithmetic3A_69 = vector.broadcast %shift_right_arithmetic3A : i32 to vector<16xi32>
      %shift_right_arithmetic3A_70 = arith.shrsi %get3A_68, %shift_right_arithmetic3A_69 : vector<16xi32>
      %swap3A = arith.index_cast %mul3A_67 : i32 to index
      %swap3A_71 = tpu.vector_load %arg12[%swap3A] {strides = array<i32>} : memref<1024xi32, #tpu.memory_space<vmem>>, vector<16xi32>,
      tpu.vector_store %arg12[%swap3A], %shift_right_arithmetic3A_70 {strides = array<i32>} : memref<1024xi32, #tpu.memory_space<vmem>>, vector<16xi32>,
    }
    %scan3A_59 = arith.constant 64 : i32
    %barrier3A = arith.constant 0 : index
    tpu.barrier barrier_id(%barrier3A)
    %scan3A_60 = arith.constant 0 : i32
    %scan3A_61 = arith.constant 16 : i32
    %scan3A_62 = arith.addi %scan3A_60, %scan3A_61 : i32
    %scan3A_63 = arith.constant 1 : i32
    scf.for %scan3A_65 = %scan3A_60 to %scan3A_62 step %scan3A_63  : i32 {
      %mul3A_66 = arith.constant 64 : i32
      %mul3A_67 = arith.muli %scan3A_65, %mul3A_66 : i32
      %dma_start3A = tpu.memref_slice %arg12[%mul3A_67] : memref<1024xi32, #tpu.memory_space<vmem>> -> memref<64xi32, #tpu.memory_space<vmem>>
      %dma_start3A_68 = arith.constant 0 : i32
      %dma_start3A_69 = arith.constant 0 : i32
      %dma_start3A_70 = tpu.memref_slice %arg6[%dma_start3A_68, %dma_start3A_69] : memref<12512x128xf32, #tpu.memory_space<vmem_shared>> -> memref<12512x128xf32, #tpu.memory_space<vmem_shared>>
      tpu.enqueue_indirect_dma source(%dma_start3A_70 : memref<12512x128xf32, #tpu.memory_space<vmem_shared>>) target(%arg9 : memref<64x128xf32, #tpu.memory_space<vmem>>) offsets(%dma_start3A : memref<64xi32, #tpu.memory_space<vmem>>) semaphore(%arg13 : memref<!tpu.dma_semaphore, #tpu.memory_space<semaphore_mem>>)
      %dma_wait3A = tpu.memref_slice %arg12[%mul3A_67] : memref<1024xi32, #tpu.memory_space<vmem>> -> memref<64xi32, #tpu.memory_space<vmem>>
      %dma_wait3A_71 = arith.constant 0 : i32
      %dma_wait3A_72 = arith.constant 0 : i32
      %dma_wait3A_73 = tpu.memref_slice %arg6[%dma_wait3A_71, %dma_wait3A_72] : memref<12512x128xf32, #tpu.memory_space<vmem_shared>> -> memref<12512x128xf32, #tpu.memory_space<vmem_shared>>
      tpu.wait_indirect_dma semaphore(%arg13 : memref<!tpu.dma_semaphore, #tpu.memory_space<semaphore_mem>>) src(%dma_wait3A_73 : memref<12512x128xf32, #tpu.memory_space<vmem_shared>>) dst(%arg9 : memref<64x128xf32, #tpu.memory_space<vmem>>)
      %mul3A_74 = arith.constant 64 : i32
      %mul3A_75 = arith.muli %scan3A_65, %mul3A_74 : i32
      %add3A_76 = arith.constant 0 : i32
      %add3A_77 = arith.addi %mul3A_75, %add3A_76 : i32
      %get3A = arith.index_cast %add3A_77 : i32 to index
      %get3A_78 = tpu.vector_load %arg11[%get3A] {strides = array<i32>} : memref<1024xi32, #tpu.memory_space<vmem>>, vector<16xi32>,
      %and3A_79 = arith.constant 7 : i32
      %and3A_80 = vector.broadcast %and3A_79 : i32 to vector<16xi32>
      %and3A_81 = arith.andi %get3A_78, %and3A_80 : vector<16xi32>
      %mul3A_82 = arith.constant 16 : i32
      %mul3A_83 = vector.broadcast %mul3A_82 : i32 to vector<16xi32>
      %mul3A_84 = arith.muli %and3A_81, %mul3A_83 : vector<16xi32>
      %add3A_85 = arith.constant 0 : i32
      %add3A_86 = vector.broadcast %add3A_85 : i32 to vector<16xi32>
      %add3A_87 = arith.addi %iota3A, %add3A_86 : vector<16xi32>
      %add3A_88 = arith.constant 0 : i32
      %add3A_89 = vector.broadcast %add3A_88 : i32 to vector<16xi32>
      %add3A_90 = arith.addi %mul3A_84, %add3A_89 : vector<16xi32>
      %gather3A = tpu.vector_load_idx %arg9[%add3A_87, %add3A_90] : memref<64x128xf32, #tpu.memory_space<vmem>>[vector<16xi32>, vector<16xi32>], vector<16xf32>,
      %add3A_91 = arith.constant 0 : i32
      %add3A_92 = arith.addi %mul3A_75, %add3A_91 : i32
      %swap3A = arith.constant 0 : i32
      %swap3A_93 = arith.index_cast %swap3A : i32 to index
      %swap3A_94 = arith.index_cast %add3A_92 : i32 to index
      %swap3A_95 = tpu.vector_load %arg10[%swap3A_93, %swap3A_94] {strides = array<i32>} : memref<16x1024xf32, #tpu.memory_space<vmem>>, vector<16xf32>,
      tpu.vector_store %arg10[%swap3A_93, %swap3A_94], %gather3A {strides = array<i32>} : memref<16x1024xf32, #tpu.memory_space<vmem>>, vector<16xf32>,
      %add3A_96 = arith.constant 0 : i32
      %add3A_97 = vector.broadcast %add3A_96 : i32 to vector<16xi32>
      %add3A_98 = arith.addi %iota3A, %add3A_97 : vector<16xi32>
      %add3A_99 = arith.constant 1 : i32
      %add3A_100 = vector.broadcast %add3A_99 : i32 to vector<16xi32>
      %add3A_101 = arith.addi %mul3A_84, %add3A_100 : vector<16xi32>
      %gather3A_102 = tpu.vector_load_idx %arg9[%add3A_98, %add3A_101] : memref<64x128xf32, #tpu.memory_space<vmem>>[vector<16xi32>, vector<16xi32>], vector<16xf32>,
      %add3A_103 = arith.constant 0 : i32
      %add3A_104 = arith.addi %mul3A_75, %add3A_103 : i32
      %swap3A_105 = arith.constant 1 : i32
      %swap3A_106 = arith.index_cast %swap3A_105 : i32 to index
      %swap3A_107 = arith.index_cast %add3A_104 : i32 to index
      %swap3A_108 = tpu.vector_load %arg10[%swap3A_106, %swap3A_107] {strides = array<i32>} : memref<16x1024xf32, #tpu.memory_space<vmem>>, vector<16xf32>,
      tpu.vector_store %arg10[%swap3A_106, %swap3A_107], %gather3A_102 {strides = array<i32>} : memref<16x1024xf32, #tpu.memory_space<vmem>>, vector<16xf32>,
      %add3A_109 = arith.constant 0 : i32
      %add3A_110 = vector.broadcast %add3A_109 : i32 to vector<16xi32>
      %add3A_111 = arith.addi %iota3A, %add3A_110 : vector<16xi32>
      %add3A_112 = arith.constant 2 : i32
      %add3A_113 = vector.broadcast %add3A_112 : i32 to vector<16xi32>
      %add3A_114 = arith.addi %mul3A_84, %add3A_113 : vector<16xi32>
      %gather3A_115 = tpu.vector_load_idx %arg9[%add3A_111, %add3A_114] : memref<64x128xf32, #tpu.memory_space<vmem>>[vector<16xi32>, vector<16xi32>], vector<16xf32>,
      %add3A_116 = arith.constant 0 : i32
      %add3A_117 = arith.addi %mul3A_75, %add3A_116 : i32
      %swap3A_118 = arith.constant 2 : i32
      %swap3A_119 = arith.index_cast %swap3A_118 : i32 to index
      %swap3A_120 = arith.index_cast %add3A_117 : i32 to index
      %swap3A_121 = tpu.vector_load %arg10[%swap3A_119, %swap3A_120] {strides = array<i32>} : memref<16x1024xf32, #tpu.memory_space<vmem>>, vector<16xf32>,
      tpu.vector_store %arg10[%swap3A_119, %swap3A_120], %gather3A_115 {strides = array<i32>} : memref<16x1024xf32, #tpu.memory_space<vmem>>, vector<16xf32>,
      %add3A_122 = arith.constant 0 : i32
      %add3A_123 = vector.broadcast %add3A_122 : i32 to vector<16xi32>
      %add3A_124 = arith.addi %iota3A, %add3A_123 : vector<16xi32>
      %add3A_125 = arith.constant 3 : i32
      %add3A_126 = vector.broadcast %add3A_125 : i32 to vector<16xi32>
      %add3A_127 = arith.addi %mul3A_84, %add3A_126 : vector<16xi32>
      %gather3A_128 = tpu.vector_load_idx %arg9[%add3A_124, %add3A_127] : memref<64x128xf32, #tpu.memory_space<vmem>>[vector<16xi32>, vector<16xi32>], vector<16xf32>,
      %add3A_129 = arith.constant 0 : i32
      %add3A_130 = arith.addi %mul3A_75, %add3A_129 : i32
      %swap3A_131 = arith.constant 3 : i32
      %swap3A_132 = arith.index_cast %swap3A_131 : i32 to index
      %swap3A_133 = arith.index_cast %add3A_130 : i32 to index
      %swap3A_134 = tpu.vector_load %arg10[%swap3A_132, %swap3A_133] {strides = array<i32>} : memref<16x1024xf32, #tpu.memory_space<vmem>>, vector<16xf32>,
      tpu.vector_store %arg10[%swap3A_132, %swap3A_133], %gather3A_128 {strides = array<i32>} : memref<16x1024xf32, #tpu.memory_space<vmem>>, vector<16xf32>,
      %add3A_135 = arith.constant 0 : i32
      %add3A_136 = vector.broadcast %add3A_135 : i32 to vector<16xi32>
      %add3A_137 = arith.addi %iota3A, %add3A_136 : vector<16xi32>
      %add3A_138 = arith.constant 4 : i32
      %add3A_139 = vector.broadcast %add3A_138 : i32 to vector<16xi32>
      %add3A_140 = arith.addi %mul3A_84, %add3A_139 : vector<16xi32>
      %gather3A_141 = tpu.vector_load_idx %arg9[%add3A_137, %add3A_140] : memref<64x128xf32, #tpu.memory_space<vmem>>[vector<16xi32>, vector<16xi32>], vector<16xf32>,
      %add3A_142 = arith.constant 0 : i32
      %add3A_143 = arith.addi %mul3A_75, %add3A_142 : i32
      %swap3A_144 = arith.constant 4 : i32
      %swap3A_145 = arith.index_cast %swap3A_144 : i32 to index
      %swap3A_146 = arith.index_cast %add3A_143 : i32 to index
      %swap3A_147 = tpu.vector_load %arg10[%swap3A_145, %swap3A_146] {strides = array<i32>} : memref<16x1024xf32, #tpu.memory_space<vmem>>, vector<16xf32>,
      tpu.vector_store %arg10[%swap3A_145, %swap3A_146], %gather3A_141 {strides = array<i32>} : memref<16x1024xf32, #tpu.memory_space<vmem>>, vector<16xf32>,
      %add3A_148 = arith.constant 0 : i32
      %add3A_149 = vector.broadcast %add3A_148 : i32 to vector<16xi32>
      %add3A_150 = arith.addi %iota3A, %add3A_149 : vector<16xi32>
      %add3A_151 = arith.constant 5 : i32
      %add3A_152 = vector.broadcast %add3A_151 : i32 to vector<16xi32>
      %add3A_153 = arith.addi %mul3A_84, %add3A_152 : vector<16xi32>
      %gather3A_154 = tpu.vector_load_idx %arg9[%add3A_150, %add3A_153] : memref<64x128xf32, #tpu.memory_space<vmem>>[vector<16xi32>, vector<16xi32>], vector<16xf32>,
      %add3A_155 = arith.constant 0 : i32
      %add3A_156 = arith.addi %mul3A_75, %add3A_155 : i32
      %swap3A_157 = arith.constant 5 : i32
      %swap3A_158 = arith.index_cast %swap3A_157 : i32 to index
      %swap3A_159 = arith.index_cast %add3A_156 : i32 to index
      %swap3A_160 = tpu.vector_load %arg10[%swap3A_158, %swap3A_159] {strides = array<i32>} : memref<16x1024xf32, #tpu.memory_space<vmem>>, vector<16xf32>,
      tpu.vector_store %arg10[%swap3A_158, %swap3A_159], %gather3A_154 {strides = array<i32>} : memref<16x1024xf32, #tpu.memory_space<vmem>>, vector<16xf32>,
      %add3A_161 = arith.constant 0 : i32
      %add3A_162 = vector.broadcast %add3A_161 : i32 to vector<16xi32>
      %add3A_163 = arith.addi %iota3A, %add3A_162 : vector<16xi32>
      %add3A_164 = arith.constant 6 : i32
      %add3A_165 = vector.broadcast %add3A_164 : i32 to vector<16xi32>
      %add3A_166 = arith.addi %mul3A_84, %add3A_165 : vector<16xi32>
      %gather3A_167 = tpu.vector_load_idx %arg9[%add3A_163, %add3A_166] : memref<64x128xf32, #tpu.memory_space<vmem>>[vector<16xi32>, vector<16xi32>], vector<16xf32>,
      %add3A_168 = arith.constant 0 : i32
      %add3A_169 = arith.addi %mul3A_75, %add3A_168 : i32
      %swap3A_170 = arith.constant 6 : i32
      %swap3A_171 = arith.index_cast %swap3A_170 : i32 to index
      %swap3A_172 = arith.index_cast %add3A_169 : i32 to index
      %swap3A_173 = tpu.vector_load %arg10[%swap3A_171, %swap3A_172] {strides = array<i32>} : memref<16x1024xf32, #tpu.memory_space<vmem>>, vector<16xf32>,
      tpu.vector_store %arg10[%swap3A_171, %swap3A_172], %gather3A_167 {strides = array<i32>} : memref<16x1024xf32, #tpu.memory_space<vmem>>, vector<16xf32>,
      %add3A_174 = arith.constant 0 : i32
      %add3A_175 = vector.broadcast %add3A_174 : i32 to vector<16xi32>
      %add3A_176 = arith.addi %iota3A, %add3A_175 : vector<16xi32>
      %add3A_177 = arith.constant 7 : i32
      %add3A_178 = vector.broadcast %add3A_177 : i32 to vector<16xi32>
      %add3A_179 = arith.addi %mul3A_84, %add3A_178 : vector<16xi32>
      %gather3A_180 = tpu.vector_load_idx %arg9[%add3A_176, %add3A_179] : memref<64x128xf32, #tpu.memory_space<vmem>>[vector<16xi32>, vector<16xi32>], vector<16xf32>,
      %add3A_181 = arith.constant 0 : i32
      %add3A_182 = arith.addi %mul3A_75, %add3A_181 : i32
      %swap3A_183 = arith.constant 7 : i32
      %swap3A_184 = arith.index_cast %swap3A_183 : i32 to index
      %swap3A_185 = arith.index_cast %add3A_182 : i32 to index
      %swap3A_186 = tpu.vector_load %arg10[%swap3A_184, %swap3A_185] {strides = array<i32>} : memref<16x1024xf32, #tpu.memory_space<vmem>>, vector<16xf32>,
      tpu.vector_store %arg10[%swap3A_184, %swap3A_185], %gather3A_180 {strides = array<i32>} : memref<16x1024xf32, #tpu.memory_space<vmem>>, vector<16xf32>,
      %add3A_187 = arith.constant 0 : i32
      %add3A_188 = vector.broadcast %add3A_187 : i32 to vector<16xi32>
      %add3A_189 = arith.addi %iota3A, %add3A_188 : vector<16xi32>
      %add3A_190 = arith.constant 8 : i32
      %add3A_191 = vector.broadcast %add3A_190 : i32 to vector<16xi32>
      %add3A_192 = arith.addi %mul3A_84, %add3A_191 : vector<16xi32>
      %gather3A_193 = tpu.vector_load_idx %arg9[%add3A_189, %add3A_192] : memref<64x128xf32, #tpu.memory_space<vmem>>[vector<16xi32>, vector<16xi32>], vector<16xf32>,
      %add3A_194 = arith.constant 0 : i32
      %add3A_195 = arith.addi %mul3A_75, %add3A_194 : i32
      %swap3A_196 = arith.constant 8 : i32
      %swap3A_197 = arith.index_cast %swap3A_196 : i32 to index
      %swap3A_198 = arith.index_cast %add3A_195 : i32 to index
      %swap3A_199 = tpu.vector_load %arg10[%swap3A_197, %swap3A_198] {strides = array<i32>} : memref<16x1024xf32, #tpu.memory_space<vmem>>, vector<16xf32>,
      tpu.vector_store %arg10[%swap3A_197, %swap3A_198], %gather3A_193 {strides = array<i32>} : memref<16x1024xf32, #tpu.memory_space<vmem>>, vector<16xf32>,
      %add3A_200 = arith.constant 0 : i32
      %add3A_201 = vector.broadcast %add3A_200 : i32 to vector<16xi32>
      %add3A_202 = arith.addi %iota3A, %add3A_201 : vector<16xi32>
      %add3A_203 = arith.constant 9 : i32
      %add3A_204 = vector.broadcast %add3A_203 : i32 to vector<16xi32>
      %add3A_205 = arith.addi %mul3A_84, %add3A_204 : vector<16xi32>
      %gather3A_206 = tpu.vector_load_idx %arg9[%add3A_202, %add3A_205] : memref<64x128xf32, #tpu.memory_space<vmem>>[vector<16xi32>, vector<16xi32>], vector<16xf32>,
      %add3A_207 = arith.constant 0 : i32
      %add3A_208 = arith.addi %mul3A_75, %add3A_207 : i32
      %swap3A_209 = arith.constant 9 : i32
      %swap3A_210 = arith.index_cast %swap3A_209 : i32 to index
      %swap3A_211 = arith.index_cast %add3A_208 : i32 to index
      %swap3A_212 = tpu.vector_load %arg10[%swap3A_210, %swap3A_211] {strides = array<i32>} : memref<16x1024xf32, #tpu.memory_space<vmem>>, vector<16xf32>,
      tpu.vector_store %arg10[%swap3A_210, %swap3A_211], %gather3A_206 {strides = array<i32>} : memref<16x1024xf32, #tpu.memory_space<vmem>>, vector<16xf32>,
      %add3A_213 = arith.constant 0 : i32
      %add3A_214 = vector.broadcast %add3A_213 : i32 to vector<16xi32>
      %add3A_215 = arith.addi %iota3A, %add3A_214 : vector<16xi32>
      %add3A_216 = arith.constant 10 : i32
      %add3A_217 = vector.broadcast %add3A_216 : i32 to vector<16xi32>
      %add3A_218 = arith.addi %mul3A_84, %add3A_217 : vector<16xi32>
      %gather3A_219 = tpu.vector_load_idx %arg9[%add3A_215, %add3A_218] : memref<64x128xf32, #tpu.memory_space<vmem>>[vector<16xi32>, vector<16xi32>], vector<16xf32>,
      %add3A_220 = arith.constant 0 : i32
      %add3A_221 = arith.addi %mul3A_75, %add3A_220 : i32
      %swap3A_222 = arith.constant 10 : i32
      %swap3A_223 = arith.index_cast %swap3A_222 : i32 to index
      %swap3A_224 = arith.index_cast %add3A_221 : i32 to index
      %swap3A_225 = tpu.vector_load %arg10[%swap3A_223, %swap3A_224] {strides = array<i32>} : memref<16x1024xf32, #tpu.memory_space<vmem>>, vector<16xf32>,
      tpu.vector_store %arg10[%swap3A_223, %swap3A_224], %gather3A_219 {strides = array<i32>} : memref<16x1024xf32, #tpu.memory_space<vmem>>, vector<16xf32>,
      %add3A_226 = arith.constant 0 : i32
      %add3A_227 = vector.broadcast %add3A_226 : i32 to vector<16xi32>
      %add3A_228 = arith.addi %iota3A, %add3A_227 : vector<16xi32>
      %add3A_229 = arith.constant 11 : i32
      %add3A_230 = vector.broadcast %add3A_229 : i32 to vector<16xi32>
      %add3A_231 = arith.addi %mul3A_84, %add3A_230 : vector<16xi32>
      %gather3A_232 = tpu.vector_load_idx %arg9[%add3A_228, %add3A_231] : memref<64x128xf32, #tpu.memory_space<vmem>>[vector<16xi32>, vector<16xi32>], vector<16xf32>,
      %add3A_233 = arith.constant 0 : i32
      %add3A_234 = arith.addi %mul3A_75, %add3A_233 : i32
      %swap3A_235 = arith.constant 11 : i32
      %swap3A_236 = arith.index_cast %swap3A_235 : i32 to index
      %swap3A_237 = arith.index_cast %add3A_234 : i32 to index
      %swap3A_238 = tpu.vector_load %arg10[%swap3A_236, %swap3A_237] {strides = array<i32>} : memref<16x1024xf32, #tpu.memory_space<vmem>>, vector<16xf32>,
      tpu.vector_store %arg10[%swap3A_236, %swap3A_237], %gather3A_232 {strides = array<i32>} : memref<16x1024xf32, #tpu.memory_space<vmem>>, vector<16xf32>,
      %add3A_239 = arith.constant 0 : i32
      %add3A_240 = vector.broadcast %add3A_239 : i32 to vector<16xi32>
      %add3A_241 = arith.addi %iota3A, %add3A_240 : vector<16xi32>
      %add3A_242 = arith.constant 12 : i32
      %add3A_243 = vector.broadcast %add3A_242 : i32 to vector<16xi32>
      %add3A_244 = arith.addi %mul3A_84, %add3A_243 : vector<16xi32>
      %gather3A_245 = tpu.vector_load_idx %arg9[%add3A_241, %add3A_244] : memref<64x128xf32, #tpu.memory_space<vmem>>[vector<16xi32>, vector<16xi32>], vector<16xf32>,
      %add3A_246 = arith.constant 0 : i32
      %add3A_247 = arith.addi %mul3A_75, %add3A_246 : i32
      %swap3A_248 = arith.constant 12 : i32
      %swap3A_249 = arith.index_cast %swap3A_248 : i32 to index
      %swap3A_250 = arith.index_cast %add3A_247 : i32 to index
      %swap3A_251 = tpu.vector_load %arg10[%swap3A_249, %swap3A_250] {strides = array<i32>} : memref<16x1024xf32, #tpu.memory_space<vmem>>, vector<16xf32>,
      tpu.vector_store %arg10[%swap3A_249, %swap3A_250], %gather3A_245 {strides = array<i32>} : memref<16x1024xf32, #tpu.memory_space<vmem>>, vector<16xf32>,
      %add3A_252 = arith.constant 0 : i32
      %add3A_253 = vector.broadcast %add3A_252 : i32 to vector<16xi32>
      %add3A_254 = arith.addi %iota3A, %add3A_253 : vector<16xi32>
      %add3A_255 = arith.constant 13 : i32
      %add3A_256 = vector.broadcast %add3A_255 : i32 to vector<16xi32>
      %add3A_257 = arith.addi %mul3A_84, %add3A_256 : vector<16xi32>
      %gather3A_258 = tpu.vector_load_idx %arg9[%add3A_254, %add3A_257] : memref<64x128xf32, #tpu.memory_space<vmem>>[vector<16xi32>, vector<16xi32>], vector<16xf32>,
      %add3A_259 = arith.constant 0 : i32
      %add3A_260 = arith.addi %mul3A_75, %add3A_259 : i32
      %swap3A_261 = arith.constant 13 : i32
      %swap3A_262 = arith.index_cast %swap3A_261 : i32 to index
      %swap3A_263 = arith.index_cast %add3A_260 : i32 to index
      %swap3A_264 = tpu.vector_load %arg10[%swap3A_262, %swap3A_263] {strides = array<i32>} : memref<16x1024xf32, #tpu.memory_space<vmem>>, vector<16xf32>,
      tpu.vector_store %arg10[%swap3A_262, %swap3A_263], %gather3A_258 {strides = array<i32>} : memref<16x1024xf32, #tpu.memory_space<vmem>>, vector<16xf32>,
      %add3A_265 = arith.constant 0 : i32
      %add3A_266 = vector.broadcast %add3A_265 : i32 to vector<16xi32>
      %add3A_267 = arith.addi %iota3A, %add3A_266 : vector<16xi32>
      %add3A_268 = arith.constant 14 : i32
      %add3A_269 = vector.broadcast %add3A_268 : i32 to vector<16xi32>
      %add3A_270 = arith.addi %mul3A_84, %add3A_269 : vector<16xi32>
      %gather3A_271 = tpu.vector_load_idx %arg9[%add3A_267, %add3A_270] : memref<64x128xf32, #tpu.memory_space<vmem>>[vector<16xi32>, vector<16xi32>], vector<16xf32>,
      %add3A_272 = arith.constant 0 : i32
      %add3A_273 = arith.addi %mul3A_75, %add3A_272 : i32
      %swap3A_274 = arith.constant 14 : i32
      %swap3A_275 = arith.index_cast %swap3A_274 : i32 to index
      %swap3A_276 = arith.index_cast %add3A_273 : i32 to index
      %swap3A_277 = tpu.vector_load %arg10[%swap3A_275, %swap3A_276] {strides = array<i32>} : memref<16x1024xf32, #tpu.memory_space<vmem>>, vector<16xf32>,
      tpu.vector_store %arg10[%swap3A_275, %swap3A_276], %gather3A_271 {strides = array<i32>} : memref<16x1024xf32, #tpu.memory_space<vmem>>, vector<16xf32>,
      %add3A_278 = arith.constant 0 : i32
      %add3A_279 = vector.broadcast %add3A_278 : i32 to vector<16xi32>
      %add3A_280 = arith.addi %iota3A, %add3A_279 : vector<16xi32>
      %add3A_281 = arith.constant 15 : i32
      %add3A_282 = vector.broadcast %add3A_281 : i32 to vector<16xi32>
      %add3A_283 = arith.addi %mul3A_84, %add3A_282 : vector<16xi32>
      %gather3A_284 = tpu.vector_load_idx %arg9[%add3A_280, %add3A_283] : memref<64x128xf32, #tpu.memory_space<vmem>>[vector<16xi32>, vector<16xi32>], vector<16xf32>,
      %add3A_285 = arith.constant 0 : i32
      %add3A_286 = arith.addi %mul3A_75, %add3A_285 : i32
      %swap3A_287 = arith.constant 15 : i32
      %swap3A_288 = arith.index_cast %swap3A_287 : i32 to index
      %swap3A_289 = arith.index_cast %add3A_286 : i32 to index
      %swap3A_290 = tpu.vector_load %arg10[%swap3A_288, %swap3A_289] {strides = array<i32>} : memref<16x1024xf32, #tpu.memory_space<vmem>>, vector<16xf32>,
      tpu.vector_store %arg10[%swap3A_288, %swap3A_289], %gather3A_284 {strides = array<i32>} : memref<16x1024xf32, #tpu.memory_space<vmem>>, vector<16xf32>,
      %add3A_291 = arith.constant 16 : i32
      %add3A_292 = arith.addi %mul3A_75, %add3A_291 : i32
      %get3A_293 = arith.index_cast %add3A_292 : i32 to index
      %get3A_294 = tpu.vector_load %arg11[%get3A_293] {strides = array<i32>} : memref<1024xi32, #tpu.memory_space<vmem>>, vector<16xi32>,
      %and3A_295 = arith.constant 7 : i32
      %and3A_296 = vector.broadcast %and3A_295 : i32 to vector<16xi32>
      %and3A_297 = arith.andi %get3A_294, %and3A_296 : vector<16xi32>
      %mul3A_298 = arith.constant 16 : i32
      %mul3A_299 = vector.broadcast %mul3A_298 : i32 to vector<16xi32>
      %mul3A_300 = arith.muli %and3A_297, %mul3A_299 : vector<16xi32>
      %add3A_301 = arith.constant 16 : i32
      %add3A_302 = vector.broadcast %add3A_301 : i32 to vector<16xi32>
      %add3A_303 = arith.addi %iota3A, %add3A_302 : vector<16xi32>
      %add3A_304 = arith.constant 0 : i32
      %add3A_305 = vector.broadcast %add3A_304 : i32 to vector<16xi32>
      %add3A_306 = arith.addi %mul3A_300, %add3A_305 : vector<16xi32>
      %gather3A_307 = tpu.vector_load_idx %arg9[%add3A_303, %add3A_306] : memref<64x128xf32, #tpu.memory_space<vmem>>[vector<16xi32>, vector<16xi32>], vector<16xf32>,
      %add3A_308 = arith.constant 16 : i32
      %add3A_309 = arith.addi %mul3A_75, %add3A_308 : i32
      %swap3A_310 = arith.constant 0 : i32
      %swap3A_311 = arith.index_cast %swap3A_310 : i32 to index
      %swap3A_312 = arith.index_cast %add3A_309 : i32 to index
      %swap3A_313 = tpu.vector_load %arg10[%swap3A_311, %swap3A_312] {strides = array<i32>} : memref<16x1024xf32, #tpu.memory_space<vmem>>, vector<16xf32>,
      tpu.vector_store %arg10[%swap3A_311, %swap3A_312], %gather3A_307 {strides = array<i32>} : memref<16x1024xf32, #tpu.memory_space<vmem>>, vector<16xf32>,
      %add3A_314 = arith.constant 16 : i32
      %add3A_315 = vector.broadcast %add3A_314 : i32 to vector<16xi32>
      %add3A_316 = arith.addi %iota3A, %add3A_315 : vector<16xi32>
      %add3A_317 = arith.constant 1 : i32
      %add3A_318 = vector.broadcast %add3A_317 : i32 to vector<16xi32>
      %add3A_319 = arith.addi %mul3A_300, %add3A_318 : vector<16xi32>
      %gather3A_320 = tpu.vector_load_idx %arg9[%add3A_316, %add3A_319] : memref<64x128xf32, #tpu.memory_space<vmem>>[vector<16xi32>, vector<16xi32>], vector<16xf32>,
      %add3A_321 = arith.constant 16 : i32
      %add3A_322 = arith.addi %mul3A_75, %add3A_321 : i32
      %swap3A_323 = arith.constant 1 : i32
      %swap3A_324 = arith.index_cast %swap3A_323 : i32 to index
      %swap3A_325 = arith.index_cast %add3A_322 : i32 to index
      %swap3A_326 = tpu.vector_load %arg10[%swap3A_324, %swap3A_325] {strides = array<i32>} : memref<16x1024xf32, #tpu.memory_space<vmem>>, vector<16xf32>,
      tpu.vector_store %arg10[%swap3A_324, %swap3A_325], %gather3A_320 {strides = array<i32>} : memref<16x1024xf32, #tpu.memory_space<vmem>>, vector<16xf32>,
      %add3A_327 = arith.constant 16 : i32
      %add3A_328 = vector.broadcast %add3A_327 : i32 to vector<16xi32>
      %add3A_329 = arith.addi %iota3A, %add3A_328 : vector<16xi32>
      %add3A_330 = arith.constant 2 : i32
      %add3A_331 = vector.broadcast %add3A_330 : i32 to vector<16xi32>
      %add3A_332 = arith.addi %mul3A_300, %add3A_331 : vector<16xi32>
      %gather3A_333 = tpu.vector_load_idx %arg9[%add3A_329, %add3A_332] : memref<64x128xf32, #tpu.memory_space<vmem>>[vector<16xi32>, vector<16xi32>], vector<16xf32>,
      %add3A_334 = arith.constant 16 : i32
      %add3A_335 = arith.addi %mul3A_75, %add3A_334 : i32
      %swap3A_336 = arith.constant 2 : i32
      %swap3A_337 = arith.index_cast %swap3A_336 : i32 to index
      %swap3A_338 = arith.index_cast %add3A_335 : i32 to index
      %swap3A_339 = tpu.vector_load %arg10[%swap3A_337, %swap3A_338] {strides = array<i32>} : memref<16x1024xf32, #tpu.memory_space<vmem>>, vector<16xf32>,
      tpu.vector_store %arg10[%swap3A_337, %swap3A_338], %gather3A_333 {strides = array<i32>} : memref<16x1024xf32, #tpu.memory_space<vmem>>, vector<16xf32>,
      %add3A_340 = arith.constant 16 : i32
      %add3A_341 = vector.broadcast %add3A_340 : i32 to vector<16xi32>
      %add3A_342 = arith.addi %iota3A, %add3A_341 : vector<16xi32>
      %add3A_343 = arith.constant 3 : i32
      %add3A_344 = vector.broadcast %add3A_343 : i32 to vector<16xi32>
      %add3A_345 = arith.addi %mul3A_300, %add3A_344 : vector<16xi32>
      %gather3A_346 = tpu.vector_load_idx %arg9[%add3A_342, %add3A_345] : memref<64x128xf32, #tpu.memory_space<vmem>>[vector<16xi32>, vector<16xi32>], vector<16xf32>,
      %add3A_347 = arith.constant 16 : i32
      %add3A_348 = arith.addi %mul3A_75, %add3A_347 : i32
      %swap3A_349 = arith.constant 3 : i32
      %swap3A_350 = arith.index_cast %swap3A_349 : i32 to index
      %swap3A_351 = arith.index_cast %add3A_348 : i32 to index
      %swap3A_352 = tpu.vector_load %arg10[%swap3A_350, %swap3A_351] {strides = array<i32>} : memref<16x1024xf32, #tpu.memory_space<vmem>>, vector<16xf32>,
      tpu.vector_store %arg10[%swap3A_350, %swap3A_351], %gather3A_346 {strides = array<i32>} : memref<16x1024xf32, #tpu.memory_space<vmem>>, vector<16xf32>,
      %add3A_353 = arith.constant 16 : i32
      %add3A_354 = vector.broadcast %add3A_353 : i32 to vector<16xi32>
      %add3A_355 = arith.addi %iota3A, %add3A_354 : vector<16xi32>
      %add3A_356 = arith.constant 4 : i32
      %add3A_357 = vector.broadcast %add3A_356 : i32 to vector<16xi32>
      %add3A_358 = arith.addi %mul3A_300, %add3A_357 : vector<16xi32>
      %gather3A_359 = tpu.vector_load_idx %arg9[%add3A_355, %add3A_358] : memref<64x128xf32, #tpu.memory_space<vmem>>[vector<16xi32>, vector<16xi32>], vector<16xf32>,
      %add3A_360 = arith.constant 16 : i32
      %add3A_361 = arith.addi %mul3A_75, %add3A_360 : i32
      %swap3A_362 = arith.constant 4 : i32
      %swap3A_363 = arith.index_cast %swap3A_362 : i32 to index
      %swap3A_364 = arith.index_cast %add3A_361 : i32 to index
      %swap3A_365 = tpu.vector_load %arg10[%swap3A_363, %swap3A_364] {strides = array<i32>} : memref<16x1024xf32, #tpu.memory_space<vmem>>, vector<16xf32>,
      tpu.vector_store %arg10[%swap3A_363, %swap3A_364], %gather3A_359 {strides = array<i32>} : memref<16x1024xf32, #tpu.memory_space<vmem>>, vector<16xf32>,
      %add3A_366 = arith.constant 16 : i32
      %add3A_367 = vector.broadcast %add3A_366 : i32 to vector<16xi32>
      %add3A_368 = arith.addi %iota3A, %add3A_367 : vector<16xi32>
      %add3A_369 = arith.constant 5 : i32
      %add3A_370 = vector.broadcast %add3A_369 : i32 to vector<16xi32>
      %add3A_371 = arith.addi %mul3A_300, %add3A_370 : vector<16xi32>
      %gather3A_372 = tpu.vector_load_idx %arg9[%add3A_368, %add3A_371] : memref<64x128xf32, #tpu.memory_space<vmem>>[vector<16xi32>, vector<16xi32>], vector<16xf32>,
      %add3A_373 = arith.constant 16 : i32
      %add3A_374 = arith.addi %mul3A_75, %add3A_373 : i32
      %swap3A_375 = arith.constant 5 : i32
      %swap3A_376 = arith.index_cast %swap3A_375 : i32 to index
      %swap3A_377 = arith.index_cast %add3A_374 : i32 to index
      %swap3A_378 = tpu.vector_load %arg10[%swap3A_376, %swap3A_377] {strides = array<i32>} : memref<16x1024xf32, #tpu.memory_space<vmem>>, vector<16xf32>,
      tpu.vector_store %arg10[%swap3A_376, %swap3A_377], %gather3A_372 {strides = array<i32>} : memref<16x1024xf32, #tpu.memory_space<vmem>>, vector<16xf32>,
      %add3A_379 = arith.constant 16 : i32
      %add3A_380 = vector.broadcast %add3A_379 : i32 to vector<16xi32>
      %add3A_381 = arith.addi %iota3A, %add3A_380 : vector<16xi32>
      %add3A_382 = arith.constant 6 : i32
      %add3A_383 = vector.broadcast %add3A_382 : i32 to vector<16xi32>
      %add3A_384 = arith.addi %mul3A_300, %add3A_383 : vector<16xi32>
      %gather3A_385 = tpu.vector_load_idx %arg9[%add3A_381, %add3A_384] : memref<64x128xf32, #tpu.memory_space<vmem>>[vector<16xi32>, vector<16xi32>], vector<16xf32>,
      %add3A_386 = arith.constant 16 : i32
      %add3A_387 = arith.addi %mul3A_75, %add3A_386 : i32
      %swap3A_388 = arith.constant 6 : i32
      %swap3A_389 = arith.index_cast %swap3A_388 : i32 to index
      %swap3A_390 = arith.index_cast %add3A_387 : i32 to index
      %swap3A_391 = tpu.vector_load %arg10[%swap3A_389, %swap3A_390] {strides = array<i32>} : memref<16x1024xf32, #tpu.memory_space<vmem>>, vector<16xf32>,
      tpu.vector_store %arg10[%swap3A_389, %swap3A_390], %gather3A_385 {strides = array<i32>} : memref<16x1024xf32, #tpu.memory_space<vmem>>, vector<16xf32>,
      %add3A_392 = arith.constant 16 : i32
      %add3A_393 = vector.broadcast %add3A_392 : i32 to vector<16xi32>
      %add3A_394 = arith.addi %iota3A, %add3A_393 : vector<16xi32>
      %add3A_395 = arith.constant 7 : i32
      %add3A_396 = vector.broadcast %add3A_395 : i32 to vector<16xi32>
      %add3A_397 = arith.addi %mul3A_300, %add3A_396 : vector<16xi32>
      %gather3A_398 = tpu.vector_load_idx %arg9[%add3A_394, %add3A_397] : memref<64x128xf32, #tpu.memory_space<vmem>>[vector<16xi32>, vector<16xi32>], vector<16xf32>,
      %add3A_399 = arith.constant 16 : i32
      %add3A_400 = arith.addi %mul3A_75, %add3A_399 : i32
      %swap3A_401 = arith.constant 7 : i32
      %swap3A_402 = arith.index_cast %swap3A_401 : i32 to index
      %swap3A_403 = arith.index_cast %add3A_400 : i32 to index
      %swap3A_404 = tpu.vector_load %arg10[%swap3A_402, %swap3A_403] {strides = array<i32>} : memref<16x1024xf32, #tpu.memory_space<vmem>>, vector<16xf32>,
      tpu.vector_store %arg10[%swap3A_402, %swap3A_403], %gather3A_398 {strides = array<i32>} : memref<16x1024xf32, #tpu.memory_space<vmem>>, vector<16xf32>,
      %add3A_405 = arith.constant 16 : i32
      %add3A_406 = vector.broadcast %add3A_405 : i32 to vector<16xi32>
      %add3A_407 = arith.addi %iota3A, %add3A_406 : vector<16xi32>
      %add3A_408 = arith.constant 8 : i32
      %add3A_409 = vector.broadcast %add3A_408 : i32 to vector<16xi32>
      %add3A_410 = arith.addi %mul3A_300, %add3A_409 : vector<16xi32>
      %gather3A_411 = tpu.vector_load_idx %arg9[%add3A_407, %add3A_410] : memref<64x128xf32, #tpu.memory_space<vmem>>[vector<16xi32>, vector<16xi32>], vector<16xf32>,
      %add3A_412 = arith.constant 16 : i32
      %add3A_413 = arith.addi %mul3A_75, %add3A_412 : i32
      %swap3A_414 = arith.constant 8 : i32
      %swap3A_415 = arith.index_cast %swap3A_414 : i32 to index
      %swap3A_416 = arith.index_cast %add3A_413 : i32 to index
      %swap3A_417 = tpu.vector_load %arg10[%swap3A_415, %swap3A_416] {strides = array<i32>} : memref<16x1024xf32, #tpu.memory_space<vmem>>, vector<16xf32>,
      tpu.vector_store %arg10[%swap3A_415, %swap3A_416], %gather3A_411 {strides = array<i32>} : memref<16x1024xf32, #tpu.memory_space<vmem>>, vector<16xf32>,
      %add3A_418 = arith.constant 16 : i32
      %add3A_419 = vector.broadcast %add3A_418 : i32 to vector<16xi32>
      %add3A_420 = arith.addi %iota3A, %add3A_419 : vector<16xi32>
      %add3A_421 = arith.constant 9 : i32
      %add3A_422 = vector.broadcast %add3A_421 : i32 to vector<16xi32>
      %add3A_423 = arith.addi %mul3A_300, %add3A_422 : vector<16xi32>
      %gather3A_424 = tpu.vector_load_idx %arg9[%add3A_420, %add3A_423] : memref<64x128xf32, #tpu.memory_space<vmem>>[vector<16xi32>, vector<16xi32>], vector<16xf32>,
      %add3A_425 = arith.constant 16 : i32
      %add3A_426 = arith.addi %mul3A_75, %add3A_425 : i32
      %swap3A_427 = arith.constant 9 : i32
      %swap3A_428 = arith.index_cast %swap3A_427 : i32 to index
      %swap3A_429 = arith.index_cast %add3A_426 : i32 to index
      %swap3A_430 = tpu.vector_load %arg10[%swap3A_428, %swap3A_429] {strides = array<i32>} : memref<16x1024xf32, #tpu.memory_space<vmem>>, vector<16xf32>,
      tpu.vector_store %arg10[%swap3A_428, %swap3A_429], %gather3A_424 {strides = array<i32>} : memref<16x1024xf32, #tpu.memory_space<vmem>>, vector<16xf32>,
      %add3A_431 = arith.constant 16 : i32
      %add3A_432 = vector.broadcast %add3A_431 : i32 to vector<16xi32>
      %add3A_433 = arith.addi %iota3A, %add3A_432 : vector<16xi32>
      %add3A_434 = arith.constant 10 : i32
      %add3A_435 = vector.broadcast %add3A_434 : i32 to vector<16xi32>
      %add3A_436 = arith.addi %mul3A_300, %add3A_435 : vector<16xi32>
      %gather3A_437 = tpu.vector_load_idx %arg9[%add3A_433, %add3A_436] : memref<64x128xf32, #tpu.memory_space<vmem>>[vector<16xi32>, vector<16xi32>], vector<16xf32>,
      %add3A_438 = arith.constant 16 : i32
      %add3A_439 = arith.addi %mul3A_75, %add3A_438 : i32
      %swap3A_440 = arith.constant 10 : i32
      %swap3A_441 = arith.index_cast %swap3A_440 : i32 to index
      %swap3A_442 = arith.index_cast %add3A_439 : i32 to index
      %swap3A_443 = tpu.vector_load %arg10[%swap3A_441, %swap3A_442] {strides = array<i32>} : memref<16x1024xf32, #tpu.memory_space<vmem>>, vector<16xf32>,
      tpu.vector_store %arg10[%swap3A_441, %swap3A_442], %gather3A_437 {strides = array<i32>} : memref<16x1024xf32, #tpu.memory_space<vmem>>, vector<16xf32>,
      %add3A_444 = arith.constant 16 : i32
      %add3A_445 = vector.broadcast %add3A_444 : i32 to vector<16xi32>
      %add3A_446 = arith.addi %iota3A, %add3A_445 : vector<16xi32>
      %add3A_447 = arith.constant 11 : i32
      %add3A_448 = vector.broadcast %add3A_447 : i32 to vector<16xi32>
      %add3A_449 = arith.addi %mul3A_300, %add3A_448 : vector<16xi32>
      %gather3A_450 = tpu.vector_load_idx %arg9[%add3A_446, %add3A_449] : memref<64x128xf32, #tpu.memory_space<vmem>>[vector<16xi32>, vector<16xi32>], vector<16xf32>,
      %add3A_451 = arith.constant 16 : i32
      %add3A_452 = arith.addi %mul3A_75, %add3A_451 : i32
      %swap3A_453 = arith.constant 11 : i32
      %swap3A_454 = arith.index_cast %swap3A_453 : i32 to index
      %swap3A_455 = arith.index_cast %add3A_452 : i32 to index
      %swap3A_456 = tpu.vector_load %arg10[%swap3A_454, %swap3A_455] {strides = array<i32>} : memref<16x1024xf32, #tpu.memory_space<vmem>>, vector<16xf32>,
      tpu.vector_store %arg10[%swap3A_454, %swap3A_455], %gather3A_450 {strides = array<i32>} : memref<16x1024xf32, #tpu.memory_space<vmem>>, vector<16xf32>,
      %add3A_457 = arith.constant 16 : i32
      %add3A_458 = vector.broadcast %add3A_457 : i32 to vector<16xi32>
      %add3A_459 = arith.addi %iota3A, %add3A_458 : vector<16xi32>
      %add3A_460 = arith.constant 12 : i32
      %add3A_461 = vector.broadcast %add3A_460 : i32 to vector<16xi32>
      %add3A_462 = arith.addi %mul3A_300, %add3A_461 : vector<16xi32>
      %gather3A_463 = tpu.vector_load_idx %arg9[%add3A_459, %add3A_462] : memref<64x128xf32, #tpu.memory_space<vmem>>[vector<16xi32>, vector<16xi32>], vector<16xf32>,
      %add3A_464 = arith.constant 16 : i32
      %add3A_465 = arith.addi %mul3A_75, %add3A_464 : i32
      %swap3A_466 = arith.constant 12 : i32
      %swap3A_467 = arith.index_cast %swap3A_466 : i32 to index
      %swap3A_468 = arith.index_cast %add3A_465 : i32 to index
      %swap3A_469 = tpu.vector_load %arg10[%swap3A_467, %swap3A_468] {strides = array<i32>} : memref<16x1024xf32, #tpu.memory_space<vmem>>, vector<16xf32>,
      tpu.vector_store %arg10[%swap3A_467, %swap3A_468], %gather3A_463 {strides = array<i32>} : memref<16x1024xf32, #tpu.memory_space<vmem>>, vector<16xf32>,
      %add3A_470 = arith.constant 16 : i32
      %add3A_471 = vector.broadcast %add3A_470 : i32 to vector<16xi32>
      %add3A_472 = arith.addi %iota3A, %add3A_471 : vector<16xi32>
      %add3A_473 = arith.constant 13 : i32
      %add3A_474 = vector.broadcast %add3A_473 : i32 to vector<16xi32>
      %add3A_475 = arith.addi %mul3A_300, %add3A_474 : vector<16xi32>
      %gather3A_476 = tpu.vector_load_idx %arg9[%add3A_472, %add3A_475] : memref<64x128xf32, #tpu.memory_space<vmem>>[vector<16xi32>, vector<16xi32>], vector<16xf32>,
      %add3A_477 = arith.constant 16 : i32
      %add3A_478 = arith.addi %mul3A_75, %add3A_477 : i32
      %swap3A_479 = arith.constant 13 : i32
      %swap3A_480 = arith.index_cast %swap3A_479 : i32 to index
      %swap3A_481 = arith.index_cast %add3A_478 : i32 to index
      %swap3A_482 = tpu.vector_load %arg10[%swap3A_480, %swap3A_481] {strides = array<i32>} : memref<16x1024xf32, #tpu.memory_space<vmem>>, vector<16xf32>,
      tpu.vector_store %arg10[%swap3A_480, %swap3A_481], %gather3A_476 {strides = array<i32>} : memref<16x1024xf32, #tpu.memory_space<vmem>>, vector<16xf32>,
      %add3A_483 = arith.constant 16 : i32
      %add3A_484 = vector.broadcast %add3A_483 : i32 to vector<16xi32>
      %add3A_485 = arith.addi %iota3A, %add3A_484 : vector<16xi32>
      %add3A_486 = arith.constant 14 : i32
      %add3A_487 = vector.broadcast %add3A_486 : i32 to vector<16xi32>
      %add3A_488 = arith.addi %mul3A_300, %add3A_487 : vector<16xi32>
      %gather3A_489 = tpu.vector_load_idx %arg9[%add3A_485, %add3A_488] : memref<64x128xf32, #tpu.memory_space<vmem>>[vector<16xi32>, vector<16xi32>], vector<16xf32>,
      %add3A_490 = arith.constant 16 : i32
      %add3A_491 = arith.addi %mul3A_75, %add3A_490 : i32
      %swap3A_492 = arith.constant 14 : i32
      %swap3A_493 = arith.index_cast %swap3A_492 : i32 to index
      %swap3A_494 = arith.index_cast %add3A_491 : i32 to index
      %swap3A_495 = tpu.vector_load %arg10[%swap3A_493, %swap3A_494] {strides = array<i32>} : memref<16x1024xf32, #tpu.memory_space<vmem>>, vector<16xf32>,
      tpu.vector_store %arg10[%swap3A_493, %swap3A_494], %gather3A_489 {strides = array<i32>} : memref<16x1024xf32, #tpu.memory_space<vmem>>, vector<16xf32>,
      %add3A_496 = arith.constant 16 : i32
      %add3A_497 = vector.broadcast %add3A_496 : i32 to vector<16xi32>
      %add3A_498 = arith.addi %iota3A, %add3A_497 : vector<16xi32>
      %add3A_499 = arith.constant 15 : i32
      %add3A_500 = vector.broadcast %add3A_499 : i32 to vector<16xi32>
      %add3A_501 = arith.addi %mul3A_300, %add3A_500 : vector<16xi32>
      %gather3A_502 = tpu.vector_load_idx %arg9[%add3A_498, %add3A_501] : memref<64x128xf32, #tpu.memory_space<vmem>>[vector<16xi32>, vector<16xi32>], vector<16xf32>,
      %add3A_503 = arith.constant 16 : i32
      %add3A_504 = arith.addi %mul3A_75, %add3A_503 : i32
      %swap3A_505 = arith.constant 15 : i32
      %swap3A_506 = arith.index_cast %swap3A_505 : i32 to index
      %swap3A_507 = arith.index_cast %add3A_504 : i32 to index
      %swap3A_508 = tpu.vector_load %arg10[%swap3A_506, %swap3A_507] {strides = array<i32>} : memref<16x1024xf32, #tpu.memory_space<vmem>>, vector<16xf32>,
      tpu.vector_store %arg10[%swap3A_506, %swap3A_507], %gather3A_502 {strides = array<i32>} : memref<16x1024xf32, #tpu.memory_space<vmem>>, vector<16xf32>,
      %add3A_509 = arith.constant 32 : i32
      %add3A_510 = arith.addi %mul3A_75, %add3A_509 : i32
      %get3A_511 = arith.index_cast %add3A_510 : i32 to index
      %get3A_512 = tpu.vector_load %arg11[%get3A_511] {strides = array<i32>} : memref<1024xi32, #tpu.memory_space<vmem>>, vector<16xi32>,
      %and3A_513 = arith.constant 7 : i32
      %and3A_514 = vector.broadcast %and3A_513 : i32 to vector<16xi32>
      %and3A_515 = arith.andi %get3A_512, %and3A_514 : vector<16xi32>
      %mul3A_516 = arith.constant 16 : i32
      %mul3A_517 = vector.broadcast %mul3A_516 : i32 to vector<16xi32>
      %mul3A_518 = arith.muli %and3A_515, %mul3A_517 : vector<16xi32>
      %add3A_519 = arith.constant 32 : i32
      %add3A_520 = vector.broadcast %add3A_519 : i32 to vector<16xi32>
      %add3A_521 = arith.addi %iota3A, %add3A_520 : vector<16xi32>
      %add3A_522 = arith.constant 0 : i32
      %add3A_523 = vector.broadcast %add3A_522 : i32 to vector<16xi32>
      %add3A_524 = arith.addi %mul3A_518, %add3A_523 : vector<16xi32>
      %gather3A_525 = tpu.vector_load_idx %arg9[%add3A_521, %add3A_524] : memref<64x128xf32, #tpu.memory_space<vmem>>[vector<16xi32>, vector<16xi32>], vector<16xf32>,
      %add3A_526 = arith.constant 32 : i32
      %add3A_527 = arith.addi %mul3A_75, %add3A_526 : i32
      %swap3A_528 = arith.constant 0 : i32
      %swap3A_529 = arith.index_cast %swap3A_528 : i32 to index
      %swap3A_530 = arith.index_cast %add3A_527 : i32 to index
      %swap3A_531 = tpu.vector_load %arg10[%swap3A_529, %swap3A_530] {strides = array<i32>} : memref<16x1024xf32, #tpu.memory_space<vmem>>, vector<16xf32>,
      tpu.vector_store %arg10[%swap3A_529, %swap3A_530], %gather3A_525 {strides = array<i32>} : memref<16x1024xf32, #tpu.memory_space<vmem>>, vector<16xf32>,
      %add3A_532 = arith.constant 32 : i32
      %add3A_533 = vector.broadcast %add3A_532 : i32 to vector<16xi32>
      %add3A_534 = arith.addi %iota3A, %add3A_533 : vector<16xi32>
      %add3A_535 = arith.constant 1 : i32
      %add3A_536 = vector.broadcast %add3A_535 : i32 to vector<16xi32>
      %add3A_537 = arith.addi %mul3A_518, %add3A_536 : vector<16xi32>
      %gather3A_538 = tpu.vector_load_idx %arg9[%add3A_534, %add3A_537] : memref<64x128xf32, #tpu.memory_space<vmem>>[vector<16xi32>, vector<16xi32>], vector<16xf32>,
      %add3A_539 = arith.constant 32 : i32
      %add3A_540 = arith.addi %mul3A_75, %add3A_539 : i32
      %swap3A_541 = arith.constant 1 : i32
      %swap3A_542 = arith.index_cast %swap3A_541 : i32 to index
      %swap3A_543 = arith.index_cast %add3A_540 : i32 to index
      %swap3A_544 = tpu.vector_load %arg10[%swap3A_542, %swap3A_543] {strides = array<i32>} : memref<16x1024xf32, #tpu.memory_space<vmem>>, vector<16xf32>,
      tpu.vector_store %arg10[%swap3A_542, %swap3A_543], %gather3A_538 {strides = array<i32>} : memref<16x1024xf32, #tpu.memory_space<vmem>>, vector<16xf32>,
      %add3A_545 = arith.constant 32 : i32
      %add3A_546 = vector.broadcast %add3A_545 : i32 to vector<16xi32>
      %add3A_547 = arith.addi %iota3A, %add3A_546 : vector<16xi32>
      %add3A_548 = arith.constant 2 : i32
      %add3A_549 = vector.broadcast %add3A_548 : i32 to vector<16xi32>
      %add3A_550 = arith.addi %mul3A_518, %add3A_549 : vector<16xi32>
      %gather3A_551 = tpu.vector_load_idx %arg9[%add3A_547, %add3A_550] : memref<64x128xf32, #tpu.memory_space<vmem>>[vector<16xi32>, vector<16xi32>], vector<16xf32>,
      %add3A_552 = arith.constant 32 : i32
      %add3A_553 = arith.addi %mul3A_75, %add3A_552 : i32
      %swap3A_554 = arith.constant 2 : i32
      %swap3A_555 = arith.index_cast %swap3A_554 : i32 to index
      %swap3A_556 = arith.index_cast %add3A_553 : i32 to index
      %swap3A_557 = tpu.vector_load %arg10[%swap3A_555, %swap3A_556] {strides = array<i32>} : memref<16x1024xf32, #tpu.memory_space<vmem>>, vector<16xf32>,
      tpu.vector_store %arg10[%swap3A_555, %swap3A_556], %gather3A_551 {strides = array<i32>} : memref<16x1024xf32, #tpu.memory_space<vmem>>, vector<16xf32>,
      %add3A_558 = arith.constant 32 : i32
      %add3A_559 = vector.broadcast %add3A_558 : i32 to vector<16xi32>
      %add3A_560 = arith.addi %iota3A, %add3A_559 : vector<16xi32>
      %add3A_561 = arith.constant 3 : i32
      %add3A_562 = vector.broadcast %add3A_561 : i32 to vector<16xi32>
      %add3A_563 = arith.addi %mul3A_518, %add3A_562 : vector<16xi32>
      %gather3A_564 = tpu.vector_load_idx %arg9[%add3A_560, %add3A_563] : memref<64x128xf32, #tpu.memory_space<vmem>>[vector<16xi32>, vector<16xi32>], vector<16xf32>,
      %add3A_565 = arith.constant 32 : i32
      %add3A_566 = arith.addi %mul3A_75, %add3A_565 : i32
      %swap3A_567 = arith.constant 3 : i32
      %swap3A_568 = arith.index_cast %swap3A_567 : i32 to index
      %swap3A_569 = arith.index_cast %add3A_566 : i32 to index
      %swap3A_570 = tpu.vector_load %arg10[%swap3A_568, %swap3A_569] {strides = array<i32>} : memref<16x1024xf32, #tpu.memory_space<vmem>>, vector<16xf32>,
      tpu.vector_store %arg10[%swap3A_568, %swap3A_569], %gather3A_564 {strides = array<i32>} : memref<16x1024xf32, #tpu.memory_space<vmem>>, vector<16xf32>,
      %add3A_571 = arith.constant 32 : i32
      %add3A_572 = vector.broadcast %add3A_571 : i32 to vector<16xi32>
      %add3A_573 = arith.addi %iota3A, %add3A_572 : vector<16xi32>
      %add3A_574 = arith.constant 4 : i32
      %add3A_575 = vector.broadcast %add3A_574 : i32 to vector<16xi32>
      %add3A_576 = arith.addi %mul3A_518, %add3A_575 : vector<16xi32>
      %gather3A_577 = tpu.vector_load_idx %arg9[%add3A_573, %add3A_576] : memref<64x128xf32, #tpu.memory_space<vmem>>[vector<16xi32>, vector<16xi32>], vector<16xf32>,
      %add3A_578 = arith.constant 32 : i32
      %add3A_579 = arith.addi %mul3A_75, %add3A_578 : i32
      %swap3A_580 = arith.constant 4 : i32
      %swap3A_581 = arith.index_cast %swap3A_580 : i32 to index
      %swap3A_582 = arith.index_cast %add3A_579 : i32 to index
      %swap3A_583 = tpu.vector_load %arg10[%swap3A_581, %swap3A_582] {strides = array<i32>} : memref<16x1024xf32, #tpu.memory_space<vmem>>, vector<16xf32>,
      tpu.vector_store %arg10[%swap3A_581, %swap3A_582], %gather3A_577 {strides = array<i32>} : memref<16x1024xf32, #tpu.memory_space<vmem>>, vector<16xf32>,
      %add3A_584 = arith.constant 32 : i32
      %add3A_585 = vector.broadcast %add3A_584 : i32 to vector<16xi32>
      %add3A_586 = arith.addi %iota3A, %add3A_585 : vector<16xi32>
      %add3A_587 = arith.constant 5 : i32
      %add3A_588 = vector.broadcast %add3A_587 : i32 to vector<16xi32>
      %add3A_589 = arith.addi %mul3A_518, %add3A_588 : vector<16xi32>
      %gather3A_590 = tpu.vector_load_idx %arg9[%add3A_586, %add3A_589] : memref<64x128xf32, #tpu.memory_space<vmem>>[vector<16xi32>, vector<16xi32>], vector<16xf32>,
      %add3A_591 = arith.constant 32 : i32
      %add3A_592 = arith.addi %mul3A_75, %add3A_591 : i32
      %swap3A_593 = arith.constant 5 : i32
      %swap3A_594 = arith.index_cast %swap3A_593 : i32 to index
      %swap3A_595 = arith.index_cast %add3A_592 : i32 to index
      %swap3A_596 = tpu.vector_load %arg10[%swap3A_594, %swap3A_595] {strides = array<i32>} : memref<16x1024xf32, #tpu.memory_space<vmem>>, vector<16xf32>,
      tpu.vector_store %arg10[%swap3A_594, %swap3A_595], %gather3A_590 {strides = array<i32>} : memref<16x1024xf32, #tpu.memory_space<vmem>>, vector<16xf32>,
      %add3A_597 = arith.constant 32 : i32
      %add3A_598 = vector.broadcast %add3A_597 : i32 to vector<16xi32>
      %add3A_599 = arith.addi %iota3A, %add3A_598 : vector<16xi32>
      %add3A_600 = arith.constant 6 : i32
      %add3A_601 = vector.broadcast %add3A_600 : i32 to vector<16xi32>
      %add3A_602 = arith.addi %mul3A_518, %add3A_601 : vector<16xi32>
      %gather3A_603 = tpu.vector_load_idx %arg9[%add3A_599, %add3A_602] : memref<64x128xf32, #tpu.memory_space<vmem>>[vector<16xi32>, vector<16xi32>], vector<16xf32>,
      %add3A_604 = arith.constant 32 : i32
      %add3A_605 = arith.addi %mul3A_75, %add3A_604 : i32
      %swap3A_606 = arith.constant 6 : i32
      %swap3A_607 = arith.index_cast %swap3A_606 : i32 to index
      %swap3A_608 = arith.index_cast %add3A_605 : i32 to index
      %swap3A_609 = tpu.vector_load %arg10[%swap3A_607, %swap3A_608] {strides = array<i32>} : memref<16x1024xf32, #tpu.memory_space<vmem>>, vector<16xf32>,
      tpu.vector_store %arg10[%swap3A_607, %swap3A_608], %gather3A_603 {strides = array<i32>} : memref<16x1024xf32, #tpu.memory_space<vmem>>, vector<16xf32>,
      %add3A_610 = arith.constant 32 : i32
      %add3A_611 = vector.broadcast %add3A_610 : i32 to vector<16xi32>
      %add3A_612 = arith.addi %iota3A, %add3A_611 : vector<16xi32>
      %add3A_613 = arith.constant 7 : i32
      %add3A_614 = vector.broadcast %add3A_613 : i32 to vector<16xi32>
      %add3A_615 = arith.addi %mul3A_518, %add3A_614 : vector<16xi32>
      %gather3A_616 = tpu.vector_load_idx %arg9[%add3A_612, %add3A_615] : memref<64x128xf32, #tpu.memory_space<vmem>>[vector<16xi32>, vector<16xi32>], vector<16xf32>,
      %add3A_617 = arith.constant 32 : i32
      %add3A_618 = arith.addi %mul3A_75, %add3A_617 : i32
      %swap3A_619 = arith.constant 7 : i32
      %swap3A_620 = arith.index_cast %swap3A_619 : i32 to index
      %swap3A_621 = arith.index_cast %add3A_618 : i32 to index
      %swap3A_622 = tpu.vector_load %arg10[%swap3A_620, %swap3A_621] {strides = array<i32>} : memref<16x1024xf32, #tpu.memory_space<vmem>>, vector<16xf32>,
      tpu.vector_store %arg10[%swap3A_620, %swap3A_621], %gather3A_616 {strides = array<i32>} : memref<16x1024xf32, #tpu.memory_space<vmem>>, vector<16xf32>,
      %add3A_623 = arith.constant 32 : i32
      %add3A_624 = vector.broadcast %add3A_623 : i32 to vector<16xi32>
      %add3A_625 = arith.addi %iota3A, %add3A_624 : vector<16xi32>
      %add3A_626 = arith.constant 8 : i32
      %add3A_627 = vector.broadcast %add3A_626 : i32 to vector<16xi32>
      %add3A_628 = arith.addi %mul3A_518, %add3A_627 : vector<16xi32>
      %gather3A_629 = tpu.vector_load_idx %arg9[%add3A_625, %add3A_628] : memref<64x128xf32, #tpu.memory_space<vmem>>[vector<16xi32>, vector<16xi32>], vector<16xf32>,
      %add3A_630 = arith.constant 32 : i32
      %add3A_631 = arith.addi %mul3A_75, %add3A_630 : i32
      %swap3A_632 = arith.constant 8 : i32
      %swap3A_633 = arith.index_cast %swap3A_632 : i32 to index
      %swap3A_634 = arith.index_cast %add3A_631 : i32 to index
      %swap3A_635 = tpu.vector_load %arg10[%swap3A_633, %swap3A_634] {strides = array<i32>} : memref<16x1024xf32, #tpu.memory_space<vmem>>, vector<16xf32>,
      tpu.vector_store %arg10[%swap3A_633, %swap3A_634], %gather3A_629 {strides = array<i32>} : memref<16x1024xf32, #tpu.memory_space<vmem>>, vector<16xf32>,
      %add3A_636 = arith.constant 32 : i32
      %add3A_637 = vector.broadcast %add3A_636 : i32 to vector<16xi32>
      %add3A_638 = arith.addi %iota3A, %add3A_637 : vector<16xi32>
      %add3A_639 = arith.constant 9 : i32
      %add3A_640 = vector.broadcast %add3A_639 : i32 to vector<16xi32>
      %add3A_641 = arith.addi %mul3A_518, %add3A_640 : vector<16xi32>
      %gather3A_642 = tpu.vector_load_idx %arg9[%add3A_638, %add3A_641] : memref<64x128xf32, #tpu.memory_space<vmem>>[vector<16xi32>, vector<16xi32>], vector<16xf32>,
      %add3A_643 = arith.constant 32 : i32
      %add3A_644 = arith.addi %mul3A_75, %add3A_643 : i32
      %swap3A_645 = arith.constant 9 : i32
      %swap3A_646 = arith.index_cast %swap3A_645 : i32 to index
      %swap3A_647 = arith.index_cast %add3A_644 : i32 to index
      %swap3A_648 = tpu.vector_load %arg10[%swap3A_646, %swap3A_647] {strides = array<i32>} : memref<16x1024xf32, #tpu.memory_space<vmem>>, vector<16xf32>,
      tpu.vector_store %arg10[%swap3A_646, %swap3A_647], %gather3A_642 {strides = array<i32>} : memref<16x1024xf32, #tpu.memory_space<vmem>>, vector<16xf32>,
      %add3A_649 = arith.constant 32 : i32
      %add3A_650 = vector.broadcast %add3A_649 : i32 to vector<16xi32>
      %add3A_651 = arith.addi %iota3A, %add3A_650 : vector<16xi32>
      %add3A_652 = arith.constant 10 : i32
      %add3A_653 = vector.broadcast %add3A_652 : i32 to vector<16xi32>
      %add3A_654 = arith.addi %mul3A_518, %add3A_653 : vector<16xi32>
      %gather3A_655 = tpu.vector_load_idx %arg9[%add3A_651, %add3A_654] : memref<64x128xf32, #tpu.memory_space<vmem>>[vector<16xi32>, vector<16xi32>], vector<16xf32>,
      %add3A_656 = arith.constant 32 : i32
      %add3A_657 = arith.addi %mul3A_75, %add3A_656 : i32
      %swap3A_658 = arith.constant 10 : i32
      %swap3A_659 = arith.index_cast %swap3A_658 : i32 to index
      %swap3A_660 = arith.index_cast %add3A_657 : i32 to index
      %swap3A_661 = tpu.vector_load %arg10[%swap3A_659, %swap3A_660] {strides = array<i32>} : memref<16x1024xf32, #tpu.memory_space<vmem>>, vector<16xf32>,
      tpu.vector_store %arg10[%swap3A_659, %swap3A_660], %gather3A_655 {strides = array<i32>} : memref<16x1024xf32, #tpu.memory_space<vmem>>, vector<16xf32>,
      %add3A_662 = arith.constant 32 : i32
      %add3A_663 = vector.broadcast %add3A_662 : i32 to vector<16xi32>
      %add3A_664 = arith.addi %iota3A, %add3A_663 : vector<16xi32>
      %add3A_665 = arith.constant 11 : i32
      %add3A_666 = vector.broadcast %add3A_665 : i32 to vector<16xi32>
      %add3A_667 = arith.addi %mul3A_518, %add3A_666 : vector<16xi32>
      %gather3A_668 = tpu.vector_load_idx %arg9[%add3A_664, %add3A_667] : memref<64x128xf32, #tpu.memory_space<vmem>>[vector<16xi32>, vector<16xi32>], vector<16xf32>,
      %add3A_669 = arith.constant 32 : i32
      %add3A_670 = arith.addi %mul3A_75, %add3A_669 : i32
      %swap3A_671 = arith.constant 11 : i32
      %swap3A_672 = arith.index_cast %swap3A_671 : i32 to index
      %swap3A_673 = arith.index_cast %add3A_670 : i32 to index
      %swap3A_674 = tpu.vector_load %arg10[%swap3A_672, %swap3A_673] {strides = array<i32>} : memref<16x1024xf32, #tpu.memory_space<vmem>>, vector<16xf32>,
      tpu.vector_store %arg10[%swap3A_672, %swap3A_673], %gather3A_668 {strides = array<i32>} : memref<16x1024xf32, #tpu.memory_space<vmem>>, vector<16xf32>,
      %add3A_675 = arith.constant 32 : i32
      %add3A_676 = vector.broadcast %add3A_675 : i32 to vector<16xi32>
      %add3A_677 = arith.addi %iota3A, %add3A_676 : vector<16xi32>
      %add3A_678 = arith.constant 12 : i32
      %add3A_679 = vector.broadcast %add3A_678 : i32 to vector<16xi32>
      %add3A_680 = arith.addi %mul3A_518, %add3A_679 : vector<16xi32>
      %gather3A_681 = tpu.vector_load_idx %arg9[%add3A_677, %add3A_680] : memref<64x128xf32, #tpu.memory_space<vmem>>[vector<16xi32>, vector<16xi32>], vector<16xf32>,
      %add3A_682 = arith.constant 32 : i32
      %add3A_683 = arith.addi %mul3A_75, %add3A_682 : i32
      %swap3A_684 = arith.constant 12 : i32
      %swap3A_685 = arith.index_cast %swap3A_684 : i32 to index
      %swap3A_686 = arith.index_cast %add3A_683 : i32 to index
      %swap3A_687 = tpu.vector_load %arg10[%swap3A_685, %swap3A_686] {strides = array<i32>} : memref<16x1024xf32, #tpu.memory_space<vmem>>, vector<16xf32>,
      tpu.vector_store %arg10[%swap3A_685, %swap3A_686], %gather3A_681 {strides = array<i32>} : memref<16x1024xf32, #tpu.memory_space<vmem>>, vector<16xf32>,
      %add3A_688 = arith.constant 32 : i32
      %add3A_689 = vector.broadcast %add3A_688 : i32 to vector<16xi32>
      %add3A_690 = arith.addi %iota3A, %add3A_689 : vector<16xi32>
      %add3A_691 = arith.constant 13 : i32
      %add3A_692 = vector.broadcast %add3A_691 : i32 to vector<16xi32>
      %add3A_693 = arith.addi %mul3A_518, %add3A_692 : vector<16xi32>
      %gather3A_694 = tpu.vector_load_idx %arg9[%add3A_690, %add3A_693] : memref<64x128xf32, #tpu.memory_space<vmem>>[vector<16xi32>, vector<16xi32>], vector<16xf32>,
      %add3A_695 = arith.constant 32 : i32
      %add3A_696 = arith.addi %mul3A_75, %add3A_695 : i32
      %swap3A_697 = arith.constant 13 : i32
      %swap3A_698 = arith.index_cast %swap3A_697 : i32 to index
      %swap3A_699 = arith.index_cast %add3A_696 : i32 to index
      %swap3A_700 = tpu.vector_load %arg10[%swap3A_698, %swap3A_699] {strides = array<i32>} : memref<16x1024xf32, #tpu.memory_space<vmem>>, vector<16xf32>,
      tpu.vector_store %arg10[%swap3A_698, %swap3A_699], %gather3A_694 {strides = array<i32>} : memref<16x1024xf32, #tpu.memory_space<vmem>>, vector<16xf32>,
      %add3A_701 = arith.constant 32 : i32
      %add3A_702 = vector.broadcast %add3A_701 : i32 to vector<16xi32>
      %add3A_703 = arith.addi %iota3A, %add3A_702 : vector<16xi32>
      %add3A_704 = arith.constant 14 : i32
      %add3A_705 = vector.broadcast %add3A_704 : i32 to vector<16xi32>
      %add3A_706 = arith.addi %mul3A_518, %add3A_705 : vector<16xi32>
      %gather3A_707 = tpu.vector_load_idx %arg9[%add3A_703, %add3A_706] : memref<64x128xf32, #tpu.memory_space<vmem>>[vector<16xi32>, vector<16xi32>], vector<16xf32>,
      %add3A_708 = arith.constant 32 : i32
      %add3A_709 = arith.addi %mul3A_75, %add3A_708 : i32
      %swap3A_710 = arith.constant 14 : i32
      %swap3A_711 = arith.index_cast %swap3A_710 : i32 to index
      %swap3A_712 = arith.index_cast %add3A_709 : i32 to index
      %swap3A_713 = tpu.vector_load %arg10[%swap3A_711, %swap3A_712] {strides = array<i32>} : memref<16x1024xf32, #tpu.memory_space<vmem>>, vector<16xf32>,
      tpu.vector_store %arg10[%swap3A_711, %swap3A_712], %gather3A_707 {strides = array<i32>} : memref<16x1024xf32, #tpu.memory_space<vmem>>, vector<16xf32>,
      %add3A_714 = arith.constant 32 : i32
      %add3A_715 = vector.broadcast %add3A_714 : i32 to vector<16xi32>
      %add3A_716 = arith.addi %iota3A, %add3A_715 : vector<16xi32>
      %add3A_717 = arith.constant 15 : i32
      %add3A_718 = vector.broadcast %add3A_717 : i32 to vector<16xi32>
      %add3A_719 = arith.addi %mul3A_518, %add3A_718 : vector<16xi32>
      %gather3A_720 = tpu.vector_load_idx %arg9[%add3A_716, %add3A_719] : memref<64x128xf32, #tpu.memory_space<vmem>>[vector<16xi32>, vector<16xi32>], vector<16xf32>,
      %add3A_721 = arith.constant 32 : i32
      %add3A_722 = arith.addi %mul3A_75, %add3A_721 : i32
      %swap3A_723 = arith.constant 15 : i32
      %swap3A_724 = arith.index_cast %swap3A_723 : i32 to index
      %swap3A_725 = arith.index_cast %add3A_722 : i32 to index
      %swap3A_726 = tpu.vector_load %arg10[%swap3A_724, %swap3A_725] {strides = array<i32>} : memref<16x1024xf32, #tpu.memory_space<vmem>>, vector<16xf32>,
      tpu.vector_store %arg10[%swap3A_724, %swap3A_725], %gather3A_720 {strides = array<i32>} : memref<16x1024xf32, #tpu.memory_space<vmem>>, vector<16xf32>,
      %add3A_727 = arith.constant 48 : i32
      %add3A_728 = arith.addi %mul3A_75, %add3A_727 : i32
      %get3A_729 = arith.index_cast %add3A_728 : i32 to index
      %get3A_730 = tpu.vector_load %arg11[%get3A_729] {strides = array<i32>} : memref<1024xi32, #tpu.memory_space<vmem>>, vector<16xi32>,
      %and3A_731 = arith.constant 7 : i32
      %and3A_732 = vector.broadcast %and3A_731 : i32 to vector<16xi32>
      %and3A_733 = arith.andi %get3A_730, %and3A_732 : vector<16xi32>
      %mul3A_734 = arith.constant 16 : i32
      %mul3A_735 = vector.broadcast %mul3A_734 : i32 to vector<16xi32>
      %mul3A_736 = arith.muli %and3A_733, %mul3A_735 : vector<16xi32>
      %add3A_737 = arith.constant 48 : i32
      %add3A_738 = vector.broadcast %add3A_737 : i32 to vector<16xi32>
      %add3A_739 = arith.addi %iota3A, %add3A_738 : vector<16xi32>
      %add3A_740 = arith.constant 0 : i32
      %add3A_741 = vector.broadcast %add3A_740 : i32 to vector<16xi32>
      %add3A_742 = arith.addi %mul3A_736, %add3A_741 : vector<16xi32>
      %gather3A_743 = tpu.vector_load_idx %arg9[%add3A_739, %add3A_742] : memref<64x128xf32, #tpu.memory_space<vmem>>[vector<16xi32>, vector<16xi32>], vector<16xf32>,
      %add3A_744 = arith.constant 48 : i32
      %add3A_745 = arith.addi %mul3A_75, %add3A_744 : i32
      %swap3A_746 = arith.constant 0 : i32
      %swap3A_747 = arith.index_cast %swap3A_746 : i32 to index
      %swap3A_748 = arith.index_cast %add3A_745 : i32 to index
      %swap3A_749 = tpu.vector_load %arg10[%swap3A_747, %swap3A_748] {strides = array<i32>} : memref<16x1024xf32, #tpu.memory_space<vmem>>, vector<16xf32>,
      tpu.vector_store %arg10[%swap3A_747, %swap3A_748], %gather3A_743 {strides = array<i32>} : memref<16x1024xf32, #tpu.memory_space<vmem>>, vector<16xf32>,
      %add3A_750 = arith.constant 48 : i32
      %add3A_751 = vector.broadcast %add3A_750 : i32 to vector<16xi32>
      %add3A_752 = arith.addi %iota3A, %add3A_751 : vector<16xi32>
      %add3A_753 = arith.constant 1 : i32
      %add3A_754 = vector.broadcast %add3A_753 : i32 to vector<16xi32>
      %add3A_755 = arith.addi %mul3A_736, %add3A_754 : vector<16xi32>
      %gather3A_756 = tpu.vector_load_idx %arg9[%add3A_752, %add3A_755] : memref<64x128xf32, #tpu.memory_space<vmem>>[vector<16xi32>, vector<16xi32>], vector<16xf32>,
      %add3A_757 = arith.constant 48 : i32
      %add3A_758 = arith.addi %mul3A_75, %add3A_757 : i32
      %swap3A_759 = arith.constant 1 : i32
      %swap3A_760 = arith.index_cast %swap3A_759 : i32 to index
      %swap3A_761 = arith.index_cast %add3A_758 : i32 to index
      %swap3A_762 = tpu.vector_load %arg10[%swap3A_760, %swap3A_761] {strides = array<i32>} : memref<16x1024xf32, #tpu.memory_space<vmem>>, vector<16xf32>,
      tpu.vector_store %arg10[%swap3A_760, %swap3A_761], %gather3A_756 {strides = array<i32>} : memref<16x1024xf32, #tpu.memory_space<vmem>>, vector<16xf32>,
      %add3A_763 = arith.constant 48 : i32
      %add3A_764 = vector.broadcast %add3A_763 : i32 to vector<16xi32>
      %add3A_765 = arith.addi %iota3A, %add3A_764 : vector<16xi32>
      %add3A_766 = arith.constant 2 : i32
      %add3A_767 = vector.broadcast %add3A_766 : i32 to vector<16xi32>
      %add3A_768 = arith.addi %mul3A_736, %add3A_767 : vector<16xi32>
      %gather3A_769 = tpu.vector_load_idx %arg9[%add3A_765, %add3A_768] : memref<64x128xf32, #tpu.memory_space<vmem>>[vector<16xi32>, vector<16xi32>], vector<16xf32>,
      %add3A_770 = arith.constant 48 : i32
      %add3A_771 = arith.addi %mul3A_75, %add3A_770 : i32
      %swap3A_772 = arith.constant 2 : i32
      %swap3A_773 = arith.index_cast %swap3A_772 : i32 to index
      %swap3A_774 = arith.index_cast %add3A_771 : i32 to index
      %swap3A_775 = tpu.vector_load %arg10[%swap3A_773, %swap3A_774] {strides = array<i32>} : memref<16x1024xf32, #tpu.memory_space<vmem>>, vector<16xf32>,
      tpu.vector_store %arg10[%swap3A_773, %swap3A_774], %gather3A_769 {strides = array<i32>} : memref<16x1024xf32, #tpu.memory_space<vmem>>, vector<16xf32>,
      %add3A_776 = arith.constant 48 : i32
      %add3A_777 = vector.broadcast %add3A_776 : i32 to vector<16xi32>
      %add3A_778 = arith.addi %iota3A, %add3A_777 : vector<16xi32>
      %add3A_779 = arith.constant 3 : i32
      %add3A_780 = vector.broadcast %add3A_779 : i32 to vector<16xi32>
      %add3A_781 = arith.addi %mul3A_736, %add3A_780 : vector<16xi32>
      %gather3A_782 = tpu.vector_load_idx %arg9[%add3A_778, %add3A_781] : memref<64x128xf32, #tpu.memory_space<vmem>>[vector<16xi32>, vector<16xi32>], vector<16xf32>,
      %add3A_783 = arith.constant 48 : i32
      %add3A_784 = arith.addi %mul3A_75, %add3A_783 : i32
      %swap3A_785 = arith.constant 3 : i32
      %swap3A_786 = arith.index_cast %swap3A_785 : i32 to index
      %swap3A_787 = arith.index_cast %add3A_784 : i32 to index
      %swap3A_788 = tpu.vector_load %arg10[%swap3A_786, %swap3A_787] {strides = array<i32>} : memref<16x1024xf32, #tpu.memory_space<vmem>>, vector<16xf32>,
      tpu.vector_store %arg10[%swap3A_786, %swap3A_787], %gather3A_782 {strides = array<i32>} : memref<16x1024xf32, #tpu.memory_space<vmem>>, vector<16xf32>,
      %add3A_789 = arith.constant 48 : i32
      %add3A_790 = vector.broadcast %add3A_789 : i32 to vector<16xi32>
      %add3A_791 = arith.addi %iota3A, %add3A_790 : vector<16xi32>
      %add3A_792 = arith.constant 4 : i32
      %add3A_793 = vector.broadcast %add3A_792 : i32 to vector<16xi32>
      %add3A_794 = arith.addi %mul3A_736, %add3A_793 : vector<16xi32>
      %gather3A_795 = tpu.vector_load_idx %arg9[%add3A_791, %add3A_794] : memref<64x128xf32, #tpu.memory_space<vmem>>[vector<16xi32>, vector<16xi32>], vector<16xf32>,
      %add3A_796 = arith.constant 48 : i32
      %add3A_797 = arith.addi %mul3A_75, %add3A_796 : i32
      %swap3A_798 = arith.constant 4 : i32
      %swap3A_799 = arith.index_cast %swap3A_798 : i32 to index
      %swap3A_800 = arith.index_cast %add3A_797 : i32 to index
      %swap3A_801 = tpu.vector_load %arg10[%swap3A_799, %swap3A_800] {strides = array<i32>} : memref<16x1024xf32, #tpu.memory_space<vmem>>, vector<16xf32>,
      tpu.vector_store %arg10[%swap3A_799, %swap3A_800], %gather3A_795 {strides = array<i32>} : memref<16x1024xf32, #tpu.memory_space<vmem>>, vector<16xf32>,
      %add3A_802 = arith.constant 48 : i32
      %add3A_803 = vector.broadcast %add3A_802 : i32 to vector<16xi32>
      %add3A_804 = arith.addi %iota3A, %add3A_803 : vector<16xi32>
      %add3A_805 = arith.constant 5 : i32
      %add3A_806 = vector.broadcast %add3A_805 : i32 to vector<16xi32>
      %add3A_807 = arith.addi %mul3A_736, %add3A_806 : vector<16xi32>
      %gather3A_808 = tpu.vector_load_idx %arg9[%add3A_804, %add3A_807] : memref<64x128xf32, #tpu.memory_space<vmem>>[vector<16xi32>, vector<16xi32>], vector<16xf32>,
      %add3A_809 = arith.constant 48 : i32
      %add3A_810 = arith.addi %mul3A_75, %add3A_809 : i32
      %swap3A_811 = arith.constant 5 : i32
      %swap3A_812 = arith.index_cast %swap3A_811 : i32 to index
      %swap3A_813 = arith.index_cast %add3A_810 : i32 to index
      %swap3A_814 = tpu.vector_load %arg10[%swap3A_812, %swap3A_813] {strides = array<i32>} : memref<16x1024xf32, #tpu.memory_space<vmem>>, vector<16xf32>,
      tpu.vector_store %arg10[%swap3A_812, %swap3A_813], %gather3A_808 {strides = array<i32>} : memref<16x1024xf32, #tpu.memory_space<vmem>>, vector<16xf32>,
      %add3A_815 = arith.constant 48 : i32
      %add3A_816 = vector.broadcast %add3A_815 : i32 to vector<16xi32>
      %add3A_817 = arith.addi %iota3A, %add3A_816 : vector<16xi32>
      %add3A_818 = arith.constant 6 : i32
      %add3A_819 = vector.broadcast %add3A_818 : i32 to vector<16xi32>
      %add3A_820 = arith.addi %mul3A_736, %add3A_819 : vector<16xi32>
      %gather3A_821 = tpu.vector_load_idx %arg9[%add3A_817, %add3A_820] : memref<64x128xf32, #tpu.memory_space<vmem>>[vector<16xi32>, vector<16xi32>], vector<16xf32>,
      %add3A_822 = arith.constant 48 : i32
      %add3A_823 = arith.addi %mul3A_75, %add3A_822 : i32
      %swap3A_824 = arith.constant 6 : i32
      %swap3A_825 = arith.index_cast %swap3A_824 : i32 to index
      %swap3A_826 = arith.index_cast %add3A_823 : i32 to index
      %swap3A_827 = tpu.vector_load %arg10[%swap3A_825, %swap3A_826] {strides = array<i32>} : memref<16x1024xf32, #tpu.memory_space<vmem>>, vector<16xf32>,
      tpu.vector_store %arg10[%swap3A_825, %swap3A_826], %gather3A_821 {strides = array<i32>} : memref<16x1024xf32, #tpu.memory_space<vmem>>, vector<16xf32>,
      %add3A_828 = arith.constant 48 : i32
      %add3A_829 = vector.broadcast %add3A_828 : i32 to vector<16xi32>
      %add3A_830 = arith.addi %iota3A, %add3A_829 : vector<16xi32>
      %add3A_831 = arith.constant 7 : i32
      %add3A_832 = vector.broadcast %add3A_831 : i32 to vector<16xi32>
      %add3A_833 = arith.addi %mul3A_736, %add3A_832 : vector<16xi32>
      %gather3A_834 = tpu.vector_load_idx %arg9[%add3A_830, %add3A_833] : memref<64x128xf32, #tpu.memory_space<vmem>>[vector<16xi32>, vector<16xi32>], vector<16xf32>,
      %add3A_835 = arith.constant 48 : i32
      %add3A_836 = arith.addi %mul3A_75, %add3A_835 : i32
      %swap3A_837 = arith.constant 7 : i32
      %swap3A_838 = arith.index_cast %swap3A_837 : i32 to index
      %swap3A_839 = arith.index_cast %add3A_836 : i32 to index
      %swap3A_840 = tpu.vector_load %arg10[%swap3A_838, %swap3A_839] {strides = array<i32>} : memref<16x1024xf32, #tpu.memory_space<vmem>>, vector<16xf32>,
      tpu.vector_store %arg10[%swap3A_838, %swap3A_839], %gather3A_834 {strides = array<i32>} : memref<16x1024xf32, #tpu.memory_space<vmem>>, vector<16xf32>,
      %add3A_841 = arith.constant 48 : i32
      %add3A_842 = vector.broadcast %add3A_841 : i32 to vector<16xi32>
      %add3A_843 = arith.addi %iota3A, %add3A_842 : vector<16xi32>
      %add3A_844 = arith.constant 8 : i32
      %add3A_845 = vector.broadcast %add3A_844 : i32 to vector<16xi32>
      %add3A_846 = arith.addi %mul3A_736, %add3A_845 : vector<16xi32>
      %gather3A_847 = tpu.vector_load_idx %arg9[%add3A_843, %add3A_846] : memref<64x128xf32, #tpu.memory_space<vmem>>[vector<16xi32>, vector<16xi32>], vector<16xf32>,
      %add3A_848 = arith.constant 48 : i32
      %add3A_849 = arith.addi %mul3A_75, %add3A_848 : i32
      %swap3A_850 = arith.constant 8 : i32
      %swap3A_851 = arith.index_cast %swap3A_850 : i32 to index
      %swap3A_852 = arith.index_cast %add3A_849 : i32 to index
      %swap3A_853 = tpu.vector_load %arg10[%swap3A_851, %swap3A_852] {strides = array<i32>} : memref<16x1024xf32, #tpu.memory_space<vmem>>, vector<16xf32>,
      tpu.vector_store %arg10[%swap3A_851, %swap3A_852], %gather3A_847 {strides = array<i32>} : memref<16x1024xf32, #tpu.memory_space<vmem>>, vector<16xf32>,
      %add3A_854 = arith.constant 48 : i32
      %add3A_855 = vector.broadcast %add3A_854 : i32 to vector<16xi32>
      %add3A_856 = arith.addi %iota3A, %add3A_855 : vector<16xi32>
      %add3A_857 = arith.constant 9 : i32
      %add3A_858 = vector.broadcast %add3A_857 : i32 to vector<16xi32>
      %add3A_859 = arith.addi %mul3A_736, %add3A_858 : vector<16xi32>
      %gather3A_860 = tpu.vector_load_idx %arg9[%add3A_856, %add3A_859] : memref<64x128xf32, #tpu.memory_space<vmem>>[vector<16xi32>, vector<16xi32>], vector<16xf32>,
      %add3A_861 = arith.constant 48 : i32
      %add3A_862 = arith.addi %mul3A_75, %add3A_861 : i32
      %swap3A_863 = arith.constant 9 : i32
      %swap3A_864 = arith.index_cast %swap3A_863 : i32 to index
      %swap3A_865 = arith.index_cast %add3A_862 : i32 to index
      %swap3A_866 = tpu.vector_load %arg10[%swap3A_864, %swap3A_865] {strides = array<i32>} : memref<16x1024xf32, #tpu.memory_space<vmem>>, vector<16xf32>,
      tpu.vector_store %arg10[%swap3A_864, %swap3A_865], %gather3A_860 {strides = array<i32>} : memref<16x1024xf32, #tpu.memory_space<vmem>>, vector<16xf32>,
      %add3A_867 = arith.constant 48 : i32
      %add3A_868 = vector.broadcast %add3A_867 : i32 to vector<16xi32>
      %add3A_869 = arith.addi %iota3A, %add3A_868 : vector<16xi32>
      %add3A_870 = arith.constant 10 : i32
      %add3A_871 = vector.broadcast %add3A_870 : i32 to vector<16xi32>
      %add3A_872 = arith.addi %mul3A_736, %add3A_871 : vector<16xi32>
      %gather3A_873 = tpu.vector_load_idx %arg9[%add3A_869, %add3A_872] : memref<64x128xf32, #tpu.memory_space<vmem>>[vector<16xi32>, vector<16xi32>], vector<16xf32>,
      %add3A_874 = arith.constant 48 : i32
      %add3A_875 = arith.addi %mul3A_75, %add3A_874 : i32
      %swap3A_876 = arith.constant 10 : i32
      %swap3A_877 = arith.index_cast %swap3A_876 : i32 to index
      %swap3A_878 = arith.index_cast %add3A_875 : i32 to index
      %swap3A_879 = tpu.vector_load %arg10[%swap3A_877, %swap3A_878] {strides = array<i32>} : memref<16x1024xf32, #tpu.memory_space<vmem>>, vector<16xf32>,
      tpu.vector_store %arg10[%swap3A_877, %swap3A_878], %gather3A_873 {strides = array<i32>} : memref<16x1024xf32, #tpu.memory_space<vmem>>, vector<16xf32>,
      %add3A_880 = arith.constant 48 : i32
      %add3A_881 = vector.broadcast %add3A_880 : i32 to vector<16xi32>
      %add3A_882 = arith.addi %iota3A, %add3A_881 : vector<16xi32>
      %add3A_883 = arith.constant 11 : i32
      %add3A_884 = vector.broadcast %add3A_883 : i32 to vector<16xi32>
      %add3A_885 = arith.addi %mul3A_736, %add3A_884 : vector<16xi32>
      %gather3A_886 = tpu.vector_load_idx %arg9[%add3A_882, %add3A_885] : memref<64x128xf32, #tpu.memory_space<vmem>>[vector<16xi32>, vector<16xi32>], vector<16xf32>,
      %add3A_887 = arith.constant 48 : i32
      %add3A_888 = arith.addi %mul3A_75, %add3A_887 : i32
      %swap3A_889 = arith.constant 11 : i32
      %swap3A_890 = arith.index_cast %swap3A_889 : i32 to index
      %swap3A_891 = arith.index_cast %add3A_888 : i32 to index
      %swap3A_892 = tpu.vector_load %arg10[%swap3A_890, %swap3A_891] {strides = array<i32>} : memref<16x1024xf32, #tpu.memory_space<vmem>>, vector<16xf32>,
      tpu.vector_store %arg10[%swap3A_890, %swap3A_891], %gather3A_886 {strides = array<i32>} : memref<16x1024xf32, #tpu.memory_space<vmem>>, vector<16xf32>,
      %add3A_893 = arith.constant 48 : i32
      %add3A_894 = vector.broadcast %add3A_893 : i32 to vector<16xi32>
      %add3A_895 = arith.addi %iota3A, %add3A_894 : vector<16xi32>
      %add3A_896 = arith.constant 12 : i32
      %add3A_897 = vector.broadcast %add3A_896 : i32 to vector<16xi32>
      %add3A_898 = arith.addi %mul3A_736, %add3A_897 : vector<16xi32>
      %gather3A_899 = tpu.vector_load_idx %arg9[%add3A_895, %add3A_898] : memref<64x128xf32, #tpu.memory_space<vmem>>[vector<16xi32>, vector<16xi32>], vector<16xf32>,
      %add3A_900 = arith.constant 48 : i32
      %add3A_901 = arith.addi %mul3A_75, %add3A_900 : i32
      %swap3A_902 = arith.constant 12 : i32
      %swap3A_903 = arith.index_cast %swap3A_902 : i32 to index
      %swap3A_904 = arith.index_cast %add3A_901 : i32 to index
      %swap3A_905 = tpu.vector_load %arg10[%swap3A_903, %swap3A_904] {strides = array<i32>} : memref<16x1024xf32, #tpu.memory_space<vmem>>, vector<16xf32>,
      tpu.vector_store %arg10[%swap3A_903, %swap3A_904], %gather3A_899 {strides = array<i32>} : memref<16x1024xf32, #tpu.memory_space<vmem>>, vector<16xf32>,
      %add3A_906 = arith.constant 48 : i32
      %add3A_907 = vector.broadcast %add3A_906 : i32 to vector<16xi32>
      %add3A_908 = arith.addi %iota3A, %add3A_907 : vector<16xi32>
      %add3A_909 = arith.constant 13 : i32
      %add3A_910 = vector.broadcast %add3A_909 : i32 to vector<16xi32>
      %add3A_911 = arith.addi %mul3A_736, %add3A_910 : vector<16xi32>
      %gather3A_912 = tpu.vector_load_idx %arg9[%add3A_908, %add3A_911] : memref<64x128xf32, #tpu.memory_space<vmem>>[vector<16xi32>, vector<16xi32>], vector<16xf32>,
      %add3A_913 = arith.constant 48 : i32
      %add3A_914 = arith.addi %mul3A_75, %add3A_913 : i32
      %swap3A_915 = arith.constant 13 : i32
      %swap3A_916 = arith.index_cast %swap3A_915 : i32 to index
      %swap3A_917 = arith.index_cast %add3A_914 : i32 to index
      %swap3A_918 = tpu.vector_load %arg10[%swap3A_916, %swap3A_917] {strides = array<i32>} : memref<16x1024xf32, #tpu.memory_space<vmem>>, vector<16xf32>,
      tpu.vector_store %arg10[%swap3A_916, %swap3A_917], %gather3A_912 {strides = array<i32>} : memref<16x1024xf32, #tpu.memory_space<vmem>>, vector<16xf32>,
      %add3A_919 = arith.constant 48 : i32
      %add3A_920 = vector.broadcast %add3A_919 : i32 to vector<16xi32>
      %add3A_921 = arith.addi %iota3A, %add3A_920 : vector<16xi32>
      %add3A_922 = arith.constant 14 : i32
      %add3A_923 = vector.broadcast %add3A_922 : i32 to vector<16xi32>
      %add3A_924 = arith.addi %mul3A_736, %add3A_923 : vector<16xi32>
      %gather3A_925 = tpu.vector_load_idx %arg9[%add3A_921, %add3A_924] : memref<64x128xf32, #tpu.memory_space<vmem>>[vector<16xi32>, vector<16xi32>], vector<16xf32>,
      %add3A_926 = arith.constant 48 : i32
      %add3A_927 = arith.addi %mul3A_75, %add3A_926 : i32
      %swap3A_928 = arith.constant 14 : i32
      %swap3A_929 = arith.index_cast %swap3A_928 : i32 to index
      %swap3A_930 = arith.index_cast %add3A_927 : i32 to index
      %swap3A_931 = tpu.vector_load %arg10[%swap3A_929, %swap3A_930] {strides = array<i32>} : memref<16x1024xf32, #tpu.memory_space<vmem>>, vector<16xf32>,
      tpu.vector_store %arg10[%swap3A_929, %swap3A_930], %gather3A_925 {strides = array<i32>} : memref<16x1024xf32, #tpu.memory_space<vmem>>, vector<16xf32>,
      %add3A_932 = arith.constant 48 : i32
      %add3A_933 = vector.broadcast %add3A_932 : i32 to vector<16xi32>
      %add3A_934 = arith.addi %iota3A, %add3A_933 : vector<16xi32>
      %add3A_935 = arith.constant 15 : i32
      %add3A_936 = vector.broadcast %add3A_935 : i32 to vector<16xi32>
      %add3A_937 = arith.addi %mul3A_736, %add3A_936 : vector<16xi32>
      %gather3A_938 = tpu.vector_load_idx %arg9[%add3A_934, %add3A_937] : memref<64x128xf32, #tpu.memory_space<vmem>>[vector<16xi32>, vector<16xi32>], vector<16xf32>,
      %add3A_939 = arith.constant 48 : i32
      %add3A_940 = arith.addi %mul3A_75, %add3A_939 : i32
      %swap3A_941 = arith.constant 15 : i32
      %swap3A_942 = arith.index_cast %swap3A_941 : i32 to index
      %swap3A_943 = arith.index_cast %add3A_940 : i32 to index
      %swap3A_944 = tpu.vector_load %arg10[%swap3A_942, %swap3A_943] {strides = array<i32>} : memref<16x1024xf32, #tpu.memory_space<vmem>>, vector<16xf32>,
      tpu.vector_store %arg10[%swap3A_942, %swap3A_943], %gather3A_938 {strides = array<i32>} : memref<16x1024xf32, #tpu.memory_space<vmem>>, vector<16xf32>,
    }
    %scan3A_64 = arith.constant 16 : i32
    "tpu.region"() ({
      %run_scoped3A = tpu.sem_alloc : memref<!tpu.dma_semaphore, #tpu.memory_space<semaphore_mem>>
      %dma_start3A = tpu.memref_slice %arg5[%mul3A_0, %mul3A_2] : memref<32x16384xf32, #tpu.memory_space<hbm>> -> memref<16x1024xf32, #tpu.memory_space<hbm>>
      %dma_start3A_65 = tpu.memref_slice %arg5[%mul3A_0, %mul3A_2] : memref<32x16384xf32, #tpu.memory_space<hbm>> -> memref<16x1024xf32, #tpu.memory_space<hbm>>
      tpu.enqueue_dma source(%arg10 : memref<16x1024xf32, #tpu.memory_space<vmem>>) target(%dma_start3A_65 : memref<16x1024xf32, #tpu.memory_space<hbm>>) target_semaphore(%run_scoped3A : memref<!tpu.dma_semaphore, #tpu.memory_space<semaphore_mem>>)
      %dma_wait3A = tpu.memref_slice %arg5[%mul3A_0, %mul3A_2] : memref<32x16384xf32, #tpu.memory_space<hbm>> -> memref<16x1024xf32, #tpu.memory_space<hbm>>
      %dma_wait3A_66 = tpu.memref_slice %arg5[%mul3A_0, %mul3A_2] : memref<32x16384xf32, #tpu.memory_space<hbm>> -> memref<16x1024xf32, #tpu.memory_space<hbm>>
      tpu.wait_dma2 semaphore(%run_scoped3A : memref<!tpu.dma_semaphore, #tpu.memory_space<semaphore_mem>>) src(%arg10 : memref<16x1024xf32, #tpu.memory_space<vmem>>) dst(%dma_wait3A_66 : memref<16x1024xf32, #tpu.memory_space<hbm>>)
      tpu.yield
    }) : () -> ()
    return
  }
}

</mosaic_0001>

<sc_bundles>
// kernel: kernel.3.cloned.1.call-start
scs
__scs_entry_jumppad:
0x0: {  	(pc) =	sbr.rel $0x88, $3  }
0x1: {  	(tag) =	ssettag $0x0;
	lr =	simm.s32 $0x1  }
0x2: {  	[smem:$0x3F9F] =	sst lr;
	_ =	strace $0xD0000000  }
0x3: {  	_ = 	snop  }
0x4: {  	_ = 	snop  }
0x5: {  	_ = 	snop  }
0x6: {  	_ = 	snop  }
0x7: {  	_ = 	snop  }
__scs_overlays_trampoline_lowered:
0x8: {  	[smem:$0x3FAE] =	sst s0  }
0x9: {  	[smem:$0x3FAF] =	sst s1  }
0xa: {  	[smem:$0x3FB0] =	sst s2  }
0xb: {  	[smem:$0x3FB1] =	sst s3  }
0xc: {  	[smem:$0x3FB2] =	sst s4  }
0xd: {  	[smem:$0x3FB3] =	sst s5  }
0xe: {  	[smem:$0x3FB4] =	sst s6  }
0xf: {  	[smem:$0x3FB5] =	sst s7  }
0x10: {  	[smem:$0x3FB6] =	sst s8  }
0x11: {  	[smem:$0x3FB7] =	sst s9;
	s0 =	simm.s32 @!p0 $0x0  }
0x12: {  	s1 =	sld [smem:$0x3F9D];
	s0 =	simm.s32 @p0 $0x1  }
0x13: {  	[smem:$0x3FB8] =	sst s0;
	s0 =	simm.s32 @!p1 $0x0  }
0x14: {  	s2 =	sld [smem:$0x3F9C];
	s0 =	simm.s32 @p1 $0x1  }
0x15: {  	[smem:$0x3FB9] =	sst s0;
	s0 =	simm.s32 @!p2 $0x0  }
0x16: {  	s3 =	sld [smem:$0x3FDB];
	s0 =	simm.s32 @p2 $0x1  }
0x17: {  	s4 =	simm.s32 $0x1BF5;
	[smem:$0x3FBB] =	sst s0  }
0x18: {  	s0 =	sld [smem:$0x3F9E];
	_ =	swait.ge [sflag:s4], $0x0  }
0x19: {  	s7 =	sld [smem:$0x3F9F]  }
0x1a: {  	s8 =	sadd.s32 $0xFFFFE003, lr  }
0x1b: {  	s9 =	sadd.s32 $0xFFFFFEF7, lr;
	s5 =	simm.s32 $0xFFFFFFFF;
	p2 =	slt.u32 s8, $0xFFFFF086  }
0x1c: {  	p1 =	slt.u32 s9, $0xF7A;
	s5 =	simm.s32 @!p2 $0x0  }
0x1d: {  	s5 =	simm.s32 @p1 $0x1;
	p0 =	seq.s32 s7, s2  }
0x1e: {  	s7 =	smul.u32 @!p0 $0xF7A, s2;
	p2 =	seq.s32 @!p0 s5, $0x0  }
0x1f: {  	s9 =	smul.u32 $0xF7A, s1;
	s8 =	simm.s32 @!p0 $0x1BF5;
	p2 =	por !p2, p0  }
0x20: {  	[sflag:s8] =	ssyncset.s32 @!p0 $0xFFFFF086;
	s6 =	sadd.s32 @!p0 s3, s7;
	s7 =	simm.s32 @!p0 $0x108  }
0x21: {  	s3 =	sadd.s32 s3, s9;
	s6 =	sadd.s32 @!p0 $0x88, s6;
	s7 =	simm.s32 @p2 $0x1082  }
0x22: {  	[simem:s7], [sflag:s8] =	dma.local @!p0 [hbm:s6], $0xF7A  }
0x23: {  	s9 =	sor.u32 $0xD0000000, s2;
	s6 =	simm.s32 $0x108;
	_ =	swait.ge @!p0 [sflag:s8], $0x0  }
0x24: {  	s3 =	sadd.s32 $0x88, s3;
	s6 =	simm.s32 @!p1 $0x1082;
	[sflag:s4] =	ssyncset.s32 $0xFFFFF086  }
0x25: {  	[simem:s6], [sflag:s4] =	dma.local [hbm:s3], $0xF7A  }
0x26: {  	[smem:$0x3F9F] =	sst s1;
	(tag) =	ssettag s2;
	_ =	strace s9  }
0x27: {  	s1 =	sld [smem:$0x3FAF]  }
0x28: {  	s2 =	sld [smem:$0x3FB0]  }
0x29: {  	s4 =	sld [smem:$0x3FB2]  }
0x2a: {  	p0 =	seq.s32 s5, $0x0;
	s5 =	sld [smem:$0x3FB3]  }
0x2b: {  	s6 =	sld [smem:$0x3FB4]  }
0x2c: {  	s7 =	sld [smem:$0x3FB5]  }
0x2d: {  	s3 =	simm.s32 $0x108;
	s8 =	sld [smem:$0x3FB6]  }
0x2e: {  	s3 =	simm.s32 @!p0 $0x1082;
	s9 =	sld [smem:$0x3FB7]  }
0x2f: {  	lr =	sadd.s32 s0, s3;
	s0 =	sld [smem:$0x3FAE]  }
0x30: {  	s3 =	sld [smem:$0x3FB1]  }
0x31: {  	[smem:$0x3FBA] =	sst s10  }
0x32: {  	s10 =	sld [smem:$0x3FB8];
	_ =	sdelay $0x3  }
0x33: {  	p0 =	seq.s32 s10, $0x1;
	s10 =	sld [smem:$0x3FBA];
	_ =	sdelay $0x3  }
0x34: {  	[smem:$0x3FBA] =	sst s10  }
0x35: {  	s10 =	sld [smem:$0x3FB9];
	_ =	sdelay $0x3  }
0x36: {  	p1 =	seq.s32 s10, $0x1;
	s10 =	sld [smem:$0x3FBA];
	_ =	sdelay $0x3  }
0x37: {  	[smem:$0x3FBA] =	sst s10  }
0x38: {  	s10 =	sld [smem:$0x3FBB]  }
0x39: {  	_ = 	snop;
	(pc) =	sbr.ind lr, $3  }
0x3a: {  	_ = 	snop  }
0x3b: {  	_ = 	snop  }
0x3c: {  	p2 =	seq.s32 s10, $0x1;
	s10 =	sld [smem:$0x3FBA]  }
0x3d: {  	_ =	shalt  }
0x3e: {  	_ =	shalt  }
0x3f: {  	_ =	shalt  }
0x40: {  	_ =	shalt  }
0x41: {  	_ =	shalt  }
0x42: {  	_ =	shalt  }
0x43: {  	_ =	shalt  }
0x44: {  	_ =	shalt  }
0x45: {  	_ =	shalt  }
0x46: {  	_ =	shalt  }
0x47: {  	_ =	shalt  }
0x48: {  	_ =	shalt  }
0x49: {  	_ =	shalt  }
0x4a: {  	_ =	shalt  }
0x4b: {  	_ =	shalt  }
0x4c: {  	_ =	shalt  }
0x4d: {  	_ =	shalt  }
0x4e: {  	_ =	shalt  }
0x4f: {  	_ =	shalt  }
0x50: {  	_ =	shalt  }
0x51: {  	_ =	shalt  }
0x52: {  	_ =	shalt  }
0x53: {  	_ =	shalt  }
0x54: {  	_ =	shalt  }
0x55: {  	_ =	shalt  }
0x56: {  	_ =	shalt  }
0x57: {  	_ =	shalt  }
0x58: {  	_ =	shalt  }
0x59: {  	_ =	shalt  }
0x5a: {  	_ =	shalt  }
0x5b: {  	_ =	shalt  }
0x5c: {  	_ =	shalt  }
0x5d: {  	_ =	shalt  }
0x5e: {  	_ =	shalt  }
0x5f: {  	_ =	shalt  }
0x60: {  	_ =	shalt  }
0x61: {  	_ =	shalt  }
0x62: {  	_ =	shalt  }
0x63: {  	_ =	shalt  }
0x64: {  	_ =	shalt  }
0x65: {  	_ =	shalt  }
0x66: {  	_ =	shalt  }
0x67: {  	_ =	shalt  }
0x68: {  	_ =	shalt  }
0x69: {  	_ =	shalt  }
0x6a: {  	_ =	shalt  }
0x6b: {  	_ =	shalt  }
0x6c: {  	_ =	shalt  }
0x6d: {  	_ =	shalt  }
0x6e: {  	_ =	shalt  }
0x6f: {  	_ =	shalt  }
0x70: {  	_ =	shalt  }
0x71: {  	_ =	shalt  }
0x72: {  	_ =	shalt  }
0x73: {  	_ =	shalt  }
0x74: {  	_ =	shalt  }
0x75: {  	_ =	shalt  }
0x76: {  	_ =	shalt  }
0x77: {  	_ =	shalt  }
0x78: {  	_ =	shalt  }
0x79: {  	_ =	shalt  }
0x7a: {  	_ =	shalt  }
0x7b: {  	_ =	shalt  }
0x7c: {  	_ =	shalt  }
0x7d: {  	_ =	shalt  }
0x7e: {  	_ =	shalt  }
0x7f: {  	_ =	shalt  }
0x80: {  	_ =	shalt  }
0x81: {  	_ =	shalt  }
0x82: {  	_ =	shalt  }
0x83: {  	_ =	shalt  }
0x84: {  	_ =	shalt  }
0x85: {  	_ =	shalt  }
0x86: {  	_ =	shalt  }
0x87: {  	_ =	shalt  }
.Lfunc_end0:
.L_simem_size_0:
called_computation_lowered:
.L_overlay_start_0:
0x88: {  	s2 =	sld [smem:$0x3FD9]  }
0x89: {  	s3 =	sld [smem:$0x3FFE];
	_ =	sdelay $0x1  }
0x8a: {  	s1 =	srdreg.scid  }
0x8b: {  	s0 =	sand.u32 $0x1, s1  }
0x8c: {  	s17 =	sshll.u32 s0, $0xA;
	s2 =	sadd.s32 s3, s2  }
0x8d: {  	s2 =	sadd.s32 s2, s17  }
0x8e: {  	[smem:$0x3FC6] =	sst s2  }
0x8f: {  	_ = 	snop  }
0x90: {  	s2 =	sld [smem:$0x3FC9]  }
0x91: {  	s18 =	sld [smem:$0x3FC8]  }
0x92: {  	s4 =	sld [smem:$0x3FD0];
	(tm) =	ssettm $0x1  }
0x93: {  	s5 =	sld [smem:$0x3FFB];
	_ =	sdelay $0x3  }
0x94: {  	_ =	strace s5  }
0x95: {  	s5 =	sld [smem:$0x3FFC];
	_ =	sdelay $0x3  }
0x96: {  	_ =	strace s5  }
0x97: {  	s5 =	sld [smem:$0x3FFD];
	_ =	sdelay $0x3  }
0x98: {  	_ =	strace s5  }
0x99: {  	_ =	strace $0x8FFFFFFF  }
0x9a: {  	s19 =	sld [smem:$0x3FDB];
	_ =	sdelay $0x1  }
0x9b: {  	s6 =	simm.s32 $_scs_section_size  }
0x9c: {  	s7 =	simm.s32 $_size__tile_overlayer_lowered;
	s8 =	simm.s32 $_tile_overlayer_lowered  }
0x9d: {  	s22 =	simm.s32 $0x1BFF;
	s21 =	sshll.u32 s8, $0x1;
	s5 =	sadd.s32 s6, s19  }
0x9e: {  	s9 =	simm.s32 $0x0;
	s20 =	sshll.u32 s7, $0x1;
	s7 =	sadd.s32 s21, s5  }
0x9f: {  	[timem:s9], [sflag:s22] =	dma.local [hbm:s7], s20  }
0xa0: {  	_ =	swait.ge [sflag:s22], s20  }
0xa1: {  	s6 =	ssub.s32 $0x0, s20;
	[sflag:s22] =	ssyncset.done $0x0  }
0xa2: {  	[sflag:s22] =	ssyncadd.s32 s6;
	_ =	sdelay $0x1  }
0xa3: {  	s23 =	simm.s32 $0x1B8B  }
0xa4: {  	_ =	swait.ge [sflag:s23], $0x1  }
0xa5: {  	[sflag:s23] =	ssyncset.done $0x0  }
0xa6: {  	s25 =	simm.s32 $0x1B8E;
	s24 =	sld [smem:$0x3FFE];
	[sflag:s23] =	ssyncadd.s32 $0xFFFFFFFF  }
0xa7: {  	s26 =	simm.s32 $execute0_lowered;
	[smem:$0x3FD2] =	sst s25  }
0xa8: {  	s7 =	sshll.u32 s26, $0x1;
	_ =	strace $0x80000046;
	[dreg:$0x1] =	wrdreg $0xFFFFFFFF  }
0xa9: {  	s28 =	simm.s32 $_size_execute0_lowered;
	s5 =	sadd.s32 s5, s7;
	[dreg:$0x0] =	wrdreg $0x0  }
0xaa: {  	s7 =	sshll.u32 s28, $0x1;
	[dreg:$0x2] =	wrdreg s5  }
0xab: {  	[dreg:$0x3] =	wrdreg s7  }
0xac: {  	[dreg:$0x4] =	wrdreg $0xC0  }
0xad: {  	_ =	task [dreg:s9], $0x5FFFF  }
0xae: {  	[dreg:$0x1] =	wrdreg $0xFFFFFFFF  }
0xaf: {  	[dreg:$0x0] =	wrdreg $0x60  }
0xb0: {  	[dreg:$0x2] =	wrdreg s2  }
0xb1: {  	[dreg:$0x3] =	wrdreg s18  }
0xb2: {  	[dreg:$0x4] =	wrdreg s24  }
0xb3: {  	[dreg:$0x5] =	wrdreg s4  }
0xb4: {  	[dreg:$0x6] =	wrdreg $0x0  }
0xb5: {  	[dreg:$0x7] =	wrdreg $0x9  }
0xb6: {  	_ =	task.clear_ibuf [dreg:s9], $0x8FFFF;
	_ =	strace $0x90000046  }
0xb7: {  	s29 =	simm.s32 $0x9;
	_ =	strace $0x80000048  }
0xb8: {  	_ =	swait.ge [sflag:s29], $0x1  }
0xb9: {  	[sflag:s29] =	ssyncadd.s32 $0xFFFFFFFF  }
0xba: {  	_ =	strace $0x90000048  }
0xbb: {  	_ =	sfence  }
0xbc: {  	s30 =	sld [smem:$0x0];
	_ =	sdelay $0x2  }
0xbd: {  	s31 =	sshll.u32 s1, $0xD;
	s1 =	sshrl.u32 s1, $0x2  }
0xbe: {  	s3 =	sand.u32 $0x4000, s31;
	s1 =	sadd.s32 s1, s30  }
0xbf: {  	s0 =	sor.u32 s3, s0;
	s1 =	sshll.u32 s1, $0x11  }
0xc0: {  	s0 =	sor.u32 s1, s0  }
0xc1: {  	s0 =	sadd.s32 $0x8F2B, s0  }
0xc2: {  	[sflag:s0] =	ssyncadd.remote.s32 $0x1  }
0xc3: {  	_ =	sfence.sel $0xFFFF  }
0xc4: {  	[dreg:$0x0] =	wrdreg $0xFFFFFFFF;
	(pc) =	sbr.abs _section_cstart, $3  }
0xc5: {  	[dreg:$0x1] =	wrdreg $0xFFFFFFFF  }
0xc6: {  	_ =	task.clear_ibuf [dreg:s9], $0x2FFFF;
	_ =	strace $0x9FFFFFFF  }
0xc7: {  	(tm) =	ssettm $0x7FFFFFFF  }
tec
execute0_lowered:
.L_overlay_start_1:
0x0: {  	(tag) =	ssettag $0x1  }
0x1: {  	v4 =	vlaneseq.u32  }
0x2: {  	v1 =	vmul.u32 $0x10, v4;
	_ =	sdelay $0x1  }
0x3: {  	v5 =	vor.u32 $0x100, v1;
	v0 =	vor.u32 $0x200, v1;
	v6 =	vor.u32 $0x500, v1  }
0x4: {  	v7 =	vor.u32 $0x600, v1;
	v8 =	vor.u32 $0x700, v1;
	v9 =	vor.u32 $0x1, v1  }
0x5: {  	s2 =	rddreg [dreg:$0x0];
	v10 =	vor.u32 $0x101, v1;
	v11 =	vor.u32 $0x201, v1;
	v12 =	vor.u32 $0x301, v1  }
0x6: {  	s0 =	rddreg [dreg:$0x1];
	v13 =	vor.u32 $0x401, v1;
	v14 =	vor.u32 $0x501, v1;
	v15 =	vor.u32 $0x601, v1  }
0x7: {  	s4 =	rddreg [dreg:$0x2];
	v16 =	vor.u32 $0x701, v1;
	v17 =	vor.u32 $0x2, v1;
	v18 =	vor.u32 $0x102, v1  }
0x8: {  	s5 =	rddreg [dreg:$0x3];
	v19 =	vor.u32 $0x202, v1;
	v20 =	vor.u32 $0x302, v1;
	v21 =	vor.u32 $0x402, v1  }
0x9: {  	s1 =	rddreg [dreg:$0x4];
	s6 =	simm.s32 $0x0;
	s3 =	srdreg.scid;
	v22 =	vor.u32 $0x502, v1;
	v23 =	vor.u32 $0x602, v1;
	v24 =	vor.u32 $0x702, v1  }
0xa: {  	s12 =	simm.s32 $0x2;
	s13 =	simm.s32 $0x400;
	s14 =	simm.s32 $0xC3800;
	v25 =	vor.u32 $0x3, v1;
	v26 =	vor.u32 $0x103, v1;
	v27 =	vor.u32 $0x203, v1  }
0xb: {  	s15 =	simm.s32 $0x18700;
	s16 =	simm.s32 $0x3;
	s17 =	simm.s32 $0x18F00;
	v28 =	vor.u32 $0x303, v1;
	v29 =	vor.u32 $0x403, v1;
	v30 =	vor.u32 $0x503, v1  }
0xc: {  	s18 =	simm.s32 $0x1;
	s31 =	simm.s32 $0x40;
	s19 =	simm.s32 $0x19700;
	v31 =	vor.u32 $0x603, v1;
	v32 =	vor.u32 $0x703, v1;
	v33 =	vor.u32 $0x4, v1  }
0xd: {  	[smem:$0x7FF] =	sst s6;
	s22 =	sand.u32 $0x1, s3;
	s3 =	stileid.u32;
	v34 =	vor.u32 $0x104, v1;
	v35 =	vor.u32 $0x204, v1;
	v36 =	vor.u32 $0x304, v1  }
0xe: {  	s28 =	sadd.s32 $0x186800, s1;
	s7 =	ssub.s32 $0x2, s22;
	s8 =	sshll.u32 s22, $0x8;
	v37 =	vor.u32 $0x404, v1;
	v38 =	vor.u32 $0x504, v1;
	[tilespmem:$0x1FFC0] =	vst v0;
	v0 =	vor.u32 $0x300, v1  }
0xf: {  	s23 =	sshll.u32 s3, $0x7;
	s24 =	sshll.u32 s3, $0xA;
	s25 =	smul.u32 $0x187000, s22;
	v39 =	vor.u32 $0x604, v1;
	v40 =	vor.u32 $0x704, v1;
	[tilespmem:$0x1FFD0] =	vst v0;
	v0 =	vor.u32 $0x400, v1  }
0x10: {  	s9 =	sshrl.u32 s7, $0x1;
	s4 =	sadd.s32 s8, s4;
	s2 =	sadd.s32 s2, s23;
	v41 =	vor.u32 $0x5, v1;
	v42 =	vor.u32 $0x105, v1;
	v43 =	vor.u32 $0x205, v1;
	[tilespmem:$0x1FFE0] =	vst v0  }
0x11: {  	v44 =	vor.u32 $0x305, v1;
	v45 =	vor.u32 $0x405, v1;
	v46 =	vor.u32 $0x505, v1;
	s4 =	sadd.s32 $0x400, s4;
	_ =	strace $0x80000047;
	[dreg:$0x7] =	wrdreg s2  }
0x12: {  	s26 =	sshll.u32 s22, $0xF;
	v47 =	vor.u32 $0x605, v1;
	v48 =	vor.u32 $0x705, v1;
	v49 =	vor.u32 $0x6, v1;
	s7 =	ssub.s32 s7, s9;
	[dreg:$0x8] =	wrdreg s4  }
0x13: {  	s30 =	sshll.u32 s3, $0xB;
	v50 =	vor.u32 $0x106, v1;
	v51 =	vor.u32 $0x206, v1;
	v52 =	vor.u32 $0x306, v1;
	s29 =	smax.u32 s7, $0x1;
	[dreg:$0x9] =	wrdreg s28  }
0x14: {  	s5 =	sadd.s32 s5, s24;
	v53 =	vor.u32 $0x406, v1;
	v54 =	vor.u32 $0x506, v1;
	v55 =	vor.u32 $0x606, v1;
	s2 =	sadd.s32 s24, s25;
	[dreg:$0xb] =	wrdreg s29  }
0x15: {  	v56 =	vor.u32 $0x706, v1;
	v57 =	vor.u32 $0x7, v1;
	v58 =	vor.u32 $0x107, v1;
	s4 =	sadd.s32 s26, s5;
	[dreg:$0x6] =	wrdreg s31;
	s2 =	sshrl.u32 s2, $0x3  }
0x16: {  	p0 =	sne.s32 s3, $0xF;
	v59 =	vor.u32 $0x207, v1;
	v60 =	vor.u32 $0x307, v1;
	v61 =	vor.u32 $0x407, v1;
	[dreg:$0xa] =	wrdreg s4;
	s0 =	sadd.s32 s2, s0  }
0x17: {  	s10 =	sadd.s32 s30, s1;
	v62 =	vor.u32 $0x507, v1;
	v63 =	vor.u32 $0x607, v1;
	s23 =	simm.s32 $0x0;
	v0 =	vor.u32 $0x707, v1;
	[tilespmem:$0x1FFF0] =	vst v5;
	[dreg:$0xc] =	wrdreg s0  }
.LBB2_1:
0x18: {  	s0 =	simm.s32 $0x0  }
.Ltmp0:
0x19: {  	s2 =	rddreg [dreg:$0x7];
	s4 =	simm.s32 $0x1F700;
	(pc) =	sbr.rel .LBB2_2-.Ltmp0, $4  }
0x1a: {  	[tilespmem:s4], [sflag:$0x2] =	stream.linear.gather [hbm4b:s2+s0], $0x400, $0x38;
	[tilespmem:$0x1FF00] =	vst v63  }
0x1b: {  	_ =	swait.ge [sflag:s12], $0x400  }
0x1c: {  	s24 =	smov.u32 s10;
	[sflag:s12] =	ssyncset.done $0x0  }
0x1d: {  	s26 =	simm.s32 $0x0;
	s25 =	rddreg [dreg:$0xc];
	[sflag:s12] =	ssyncadd.s32 $0xFFFFFC00  }
.LBB2_4:
0x1e: {  	s26 =	sadd.s32 $0x10, s26  }
0x1f: {  	p1 =	sne.s32 s26, $0x310  }
.Ltmp1:
0x20: {  	_ = 	snop;
	(pc) =	sbr.rel @!p1 .LBB2_5-.Ltmp1, $2  }
0x21: {  	_ =	sdelay $0x2  }
0x22: {  	s25 =	sadd.s32 $0x800, s25;
	s24 =	sadd.s32 $0x8000, s24  }
.LBB2_2:
0x23: {  	s0 =	sadd.s32 s26, s3  }
0x24: {  	p1 =	sgt.u32 s0, $0x30C  }
.Ltmp2:
0x25: {  	_ = 	snop;
	(pc) =	sbr.rel @p1 .LBB2_4-.Ltmp2, $1  }
0x26: {  	_ =	sdelay $0x3  }
0x27: {  	[tilespmem:s15], [sflag:$0x3] =	stream.strided.gather [hbm4b:s25+s13], $0x800, s14, s13, $0x38;
	[tilespmem:$0x1FF00] =	vst v63  }
0x28: {  	_ =	swait.ge [sflag:s16], $0x800  }
0x29: {  	[sflag:s16] =	ssyncset.done $0x0  }
0x2a: {  	[sflag:s16] =	ssyncadd.s32 $0xFFFFF800  }
0x2b: {  	v2 =	vld [tilespmem:$0x18700];
	_ =	sdelay $0x4  }
0x2c: {  	[tilespmem:v1+s17+$0x0] =	vst.idx.msk $0xffff, v2  }
0x2d: {  	v2 =	vld [tilespmem:$0x18710];
	_ =	sdelay $0x2  }
0x2e: {  	v3 =	vld [tilespmem:$0x1FFC0];
	_ =	sdelay $0x1  }
0x2f: {  	[tilespmem:v5+s17+$0x0] =	vst.idx.msk $0xffff, v2  }
0x30: {  	v2 =	vld [tilespmem:$0x18720];
	_ =	sdelay $0x4  }
0x31: {  	[tilespmem:v3+s17+$0x0] =	vst.idx.msk $0xffff, v2;
	v3 =	vld [tilespmem:$0x1FFD0];
	_ =	sdelay $0x2  }
0x32: {  	v2 =	vld [tilespmem:$0x18730];
	_ =	sdelay $0x4  }
0x33: {  	[tilespmem:v3+s17+$0x0] =	vst.idx.msk $0xffff, v2;
	v3 =	vld [tilespmem:$0x1FFE0];
	_ =	sdelay $0x2  }
0x34: {  	v2 =	vld [tilespmem:$0x18740];
	_ =	sdelay $0x4  }
0x35: {  	[tilespmem:v3+s17+$0x0] =	vst.idx.msk $0xffff, v2  }
0x36: {  	v2 =	vld [tilespmem:$0x18750];
	_ =	sdelay $0x4  }
0x37: {  	[tilespmem:v6+s17+$0x0] =	vst.idx.msk $0xffff, v2  }
0x38: {  	v2 =	vld [tilespmem:$0x18760];
	_ =	sdelay $0x4  }
0x39: {  	[tilespmem:v7+s17+$0x0] =	vst.idx.msk $0xffff, v2  }
0x3a: {  	v2 =	vld [tilespmem:$0x18770];
	_ =	sdelay $0x4  }
0x3b: {  	[tilespmem:v8+s17+$0x0] =	vst.idx.msk $0xffff, v2  }
0x3c: {  	v2 =	vld [tilespmem:$0x18780];
	_ =	sdelay $0x4  }
0x3d: {  	[tilespmem:v9+s17+$0x0] =	vst.idx.msk $0xffff, v2  }
0x3e: {  	v2 =	vld [tilespmem:$0x18790];
	_ =	sdelay $0x4  }
0x3f: {  	[tilespmem:v10+s17+$0x0] =	vst.idx.msk $0xffff, v2  }
0x40: {  	v2 =	vld [tilespmem:$0x187A0];
	_ =	sdelay $0x4  }
0x41: {  	[tilespmem:v11+s17+$0x0] =	vst.idx.msk $0xffff, v2  }
0x42: {  	v2 =	vld [tilespmem:$0x187B0];
	_ =	sdelay $0x4  }
0x43: {  	[tilespmem:v12+s17+$0x0] =	vst.idx.msk $0xffff, v2  }
0x44: {  	v2 =	vld [tilespmem:$0x187C0];
	_ =	sdelay $0x4  }
0x45: {  	[tilespmem:v13+s17+$0x0] =	vst.idx.msk $0xffff, v2  }
0x46: {  	v2 =	vld [tilespmem:$0x187D0];
	_ =	sdelay $0x4  }
0x47: {  	[tilespmem:v14+s17+$0x0] =	vst.idx.msk $0xffff, v2  }
0x48: {  	v2 =	vld [tilespmem:$0x187E0];
	_ =	sdelay $0x4  }
0x49: {  	[tilespmem:v15+s17+$0x0] =	vst.idx.msk $0xffff, v2  }
0x4a: {  	v2 =	vld [tilespmem:$0x187F0];
	_ =	sdelay $0x4  }
0x4b: {  	[tilespmem:v16+s17+$0x0] =	vst.idx.msk $0xffff, v2  }
0x4c: {  	v2 =	vld [tilespmem:$0x18800];
	_ =	sdelay $0x4  }
0x4d: {  	[tilespmem:v17+s17+$0x0] =	vst.idx.msk $0xffff, v2  }
0x4e: {  	v2 =	vld [tilespmem:$0x18810];
	_ =	sdelay $0x4  }
0x4f: {  	[tilespmem:v18+s17+$0x0] =	vst.idx.msk $0xffff, v2  }
0x50: {  	v2 =	vld [tilespmem:$0x18820];
	_ =	sdelay $0x4  }
0x51: {  	[tilespmem:v19+s17+$0x0] =	vst.idx.msk $0xffff, v2  }
0x52: {  	v2 =	vld [tilespmem:$0x18830];
	_ =	sdelay $0x4  }
0x53: {  	[tilespmem:v20+s17+$0x0] =	vst.idx.msk $0xffff, v2  }
0x54: {  	v2 =	vld [tilespmem:$0x18840];
	_ =	sdelay $0x4  }
0x55: {  	[tilespmem:v21+s17+$0x0] =	vst.idx.msk $0xffff, v2  }
0x56: {  	v2 =	vld [tilespmem:$0x18850];
	_ =	sdelay $0x4  }
0x57: {  	[tilespmem:v22+s17+$0x0] =	vst.idx.msk $0xffff, v2  }
0x58: {  	v2 =	vld [tilespmem:$0x18860];
	_ =	sdelay $0x4  }
0x59: {  	[tilespmem:v23+s17+$0x0] =	vst.idx.msk $0xffff, v2  }
0x5a: {  	v2 =	vld [tilespmem:$0x18870];
	_ =	sdelay $0x4  }
0x5b: {  	[tilespmem:v24+s17+$0x0] =	vst.idx.msk $0xffff, v2  }
0x5c: {  	v2 =	vld [tilespmem:$0x18880];
	_ =	sdelay $0x4  }
0x5d: {  	[tilespmem:v25+s17+$0x0] =	vst.idx.msk $0xffff, v2  }
0x5e: {  	v2 =	vld [tilespmem:$0x18890];
	_ =	sdelay $0x4  }
0x5f: {  	[tilespmem:v26+s17+$0x0] =	vst.idx.msk $0xffff, v2  }
0x60: {  	v2 =	vld [tilespmem:$0x188A0];
	_ =	sdelay $0x4  }
0x61: {  	[tilespmem:v27+s17+$0x0] =	vst.idx.msk $0xffff, v2  }
0x62: {  	v2 =	vld [tilespmem:$0x188B0];
	_ =	sdelay $0x4  }
0x63: {  	[tilespmem:v28+s17+$0x0] =	vst.idx.msk $0xffff, v2  }
0x64: {  	v2 =	vld [tilespmem:$0x188C0];
	_ =	sdelay $0x4  }
0x65: {  	[tilespmem:v29+s17+$0x0] =	vst.idx.msk $0xffff, v2  }
0x66: {  	v2 =	vld [tilespmem:$0x188D0];
	_ =	sdelay $0x4  }
0x67: {  	[tilespmem:v30+s17+$0x0] =	vst.idx.msk $0xffff, v2  }
0x68: {  	v2 =	vld [tilespmem:$0x188E0];
	_ =	sdelay $0x4  }
0x69: {  	[tilespmem:v31+s17+$0x0] =	vst.idx.msk $0xffff, v2  }
0x6a: {  	v2 =	vld [tilespmem:$0x188F0];
	_ =	sdelay $0x4  }
0x6b: {  	[tilespmem:v32+s17+$0x0] =	vst.idx.msk $0xffff, v2  }
0x6c: {  	v2 =	vld [tilespmem:$0x18900];
	_ =	sdelay $0x4  }
0x6d: {  	[tilespmem:v33+s17+$0x0] =	vst.idx.msk $0xffff, v2  }
0x6e: {  	v2 =	vld [tilespmem:$0x18910];
	_ =	sdelay $0x4  }
0x6f: {  	[tilespmem:v34+s17+$0x0] =	vst.idx.msk $0xffff, v2  }
0x70: {  	v2 =	vld [tilespmem:$0x18920];
	_ =	sdelay $0x4  }
0x71: {  	[tilespmem:v35+s17+$0x0] =	vst.idx.msk $0xffff, v2  }
0x72: {  	v2 =	vld [tilespmem:$0x18930];
	_ =	sdelay $0x4  }
0x73: {  	[tilespmem:v36+s17+$0x0] =	vst.idx.msk $0xffff, v2  }
0x74: {  	v2 =	vld [tilespmem:$0x18940];
	_ =	sdelay $0x4  }
0x75: {  	[tilespmem:v37+s17+$0x0] =	vst.idx.msk $0xffff, v2  }
0x76: {  	v2 =	vld [tilespmem:$0x18950];
	_ =	sdelay $0x4  }
0x77: {  	[tilespmem:v38+s17+$0x0] =	vst.idx.msk $0xffff, v2  }
0x78: {  	v2 =	vld [tilespmem:$0x18960];
	_ =	sdelay $0x4  }
0x79: {  	[tilespmem:v39+s17+$0x0] =	vst.idx.msk $0xffff, v2  }
0x7a: {  	v2 =	vld [tilespmem:$0x18970];
	_ =	sdelay $0x4  }
0x7b: {  	[tilespmem:v40+s17+$0x0] =	vst.idx.msk $0xffff, v2  }
0x7c: {  	v2 =	vld [tilespmem:$0x18980];
	_ =	sdelay $0x4  }
0x7d: {  	[tilespmem:v41+s17+$0x0] =	vst.idx.msk $0xffff, v2  }
0x7e: {  	v2 =	vld [tilespmem:$0x18990];
	_ =	sdelay $0x4  }
0x7f: {  	[tilespmem:v42+s17+$0x0] =	vst.idx.msk $0xffff, v2  }
0x80: {  	v2 =	vld [tilespmem:$0x189A0];
	_ =	sdelay $0x4  }
0x81: {  	[tilespmem:v43+s17+$0x0] =	vst.idx.msk $0xffff, v2  }
0x82: {  	v2 =	vld [tilespmem:$0x189B0];
	_ =	sdelay $0x4  }
0x83: {  	[tilespmem:v44+s17+$0x0] =	vst.idx.msk $0xffff, v2  }
0x84: {  	v2 =	vld [tilespmem:$0x189C0];
	_ =	sdelay $0x4  }
0x85: {  	[tilespmem:v45+s17+$0x0] =	vst.idx.msk $0xffff, v2  }
0x86: {  	v2 =	vld [tilespmem:$0x189D0];
	_ =	sdelay $0x4  }
0x87: {  	[tilespmem:v46+s17+$0x0] =	vst.idx.msk $0xffff, v2  }
0x88: {  	v2 =	vld [tilespmem:$0x189E0];
	_ =	sdelay $0x4  }
0x89: {  	[tilespmem:v47+s17+$0x0] =	vst.idx.msk $0xffff, v2  }
0x8a: {  	v2 =	vld [tilespmem:$0x189F0];
	_ =	sdelay $0x4  }
0x8b: {  	[tilespmem:v48+s17+$0x0] =	vst.idx.msk $0xffff, v2  }
0x8c: {  	v2 =	vld [tilespmem:$0x18A00];
	_ =	sdelay $0x4  }
0x8d: {  	[tilespmem:v49+s17+$0x0] =	vst.idx.msk $0xffff, v2  }
0x8e: {  	v2 =	vld [tilespmem:$0x18A10];
	_ =	sdelay $0x4  }
0x8f: {  	[tilespmem:v50+s17+$0x0] =	vst.idx.msk $0xffff, v2  }
0x90: {  	v2 =	vld [tilespmem:$0x18A20];
	_ =	sdelay $0x4  }
0x91: {  	[tilespmem:v51+s17+$0x0] =	vst.idx.msk $0xffff, v2  }
0x92: {  	v2 =	vld [tilespmem:$0x18A30];
	_ =	sdelay $0x4  }
0x93: {  	[tilespmem:v52+s17+$0x0] =	vst.idx.msk $0xffff, v2  }
0x94: {  	v2 =	vld [tilespmem:$0x18A40];
	_ =	sdelay $0x4  }
0x95: {  	[tilespmem:v53+s17+$0x0] =	vst.idx.msk $0xffff, v2  }
0x96: {  	v2 =	vld [tilespmem:$0x18A50];
	_ =	sdelay $0x4  }
0x97: {  	[tilespmem:v54+s17+$0x0] =	vst.idx.msk $0xffff, v2  }
0x98: {  	v2 =	vld [tilespmem:$0x18A60];
	_ =	sdelay $0x4  }
0x99: {  	[tilespmem:v55+s17+$0x0] =	vst.idx.msk $0xffff, v2  }
0x9a: {  	v2 =	vld [tilespmem:$0x18A70];
	_ =	sdelay $0x4  }
0x9b: {  	[tilespmem:v56+s17+$0x0] =	vst.idx.msk $0xffff, v2  }
0x9c: {  	v2 =	vld [tilespmem:$0x18A80];
	_ =	sdelay $0x4  }
0x9d: {  	[tilespmem:v57+s17+$0x0] =	vst.idx.msk $0xffff, v2  }
0x9e: {  	v2 =	vld [tilespmem:$0x18A90];
	_ =	sdelay $0x4  }
0x9f: {  	[tilespmem:v58+s17+$0x0] =	vst.idx.msk $0xffff, v2  }
0xa0: {  	v2 =	vld [tilespmem:$0x18AA0];
	_ =	sdelay $0x4  }
0xa1: {  	[tilespmem:v59+s17+$0x0] =	vst.idx.msk $0xffff, v2  }
0xa2: {  	v2 =	vld [tilespmem:$0x18AB0];
	_ =	sdelay $0x4  }
0xa3: {  	[tilespmem:v60+s17+$0x0] =	vst.idx.msk $0xffff, v2  }
0xa4: {  	v2 =	vld [tilespmem:$0x18AC0];
	_ =	sdelay $0x4  }
0xa5: {  	[tilespmem:v61+s17+$0x0] =	vst.idx.msk $0xffff, v2  }
0xa6: {  	v2 =	vld [tilespmem:$0x18AD0];
	_ =	sdelay $0x4  }
0xa7: {  	[tilespmem:v62+s17+$0x0] =	vst.idx.msk $0xffff, v2  }
0xa8: {  	v2 =	vld [tilespmem:$0x18AE0];
	_ =	sdelay $0x4  }
0xa9: {  	[tilespmem:v63+s17+$0x0] =	vst.idx.msk $0xffff, v2  }
0xaa: {  	v2 =	vld [tilespmem:$0x18AF0];
	_ =	sdelay $0x4  }
0xab: {  	[tilespmem:v0+s17+$0x0] =	vst.idx.msk $0xffff, v2  }
0xac: {  	v3 =	vor.u32 $0x8, v1;
	v2 =	vld [tilespmem:$0x18B00];
	_ =	sdelay $0x4  }
0xad: {  	[tilespmem:v3+s17+$0x0] =	vst.idx.msk $0xffff, v2  }
0xae: {  	v3 =	vor.u32 $0x108, v1;
	v2 =	vld [tilespmem:$0x18B10];
	_ =	sdelay $0x4  }
0xaf: {  	[tilespmem:v3+s17+$0x0] =	vst.idx.msk $0xffff, v2  }
0xb0: {  	v3 =	vor.u32 $0x208, v1;
	v2 =	vld [tilespmem:$0x18B20];
	_ =	sdelay $0x4  }
0xb1: {  	[tilespmem:v3+s17+$0x0] =	vst.idx.msk $0xffff, v2  }
0xb2: {  	v3 =	vor.u32 $0x308, v1;
	v2 =	vld [tilespmem:$0x18B30];
	_ =	sdelay $0x4  }
0xb3: {  	[tilespmem:v3+s17+$0x0] =	vst.idx.msk $0xffff, v2  }
0xb4: {  	v3 =	vor.u32 $0x408, v1;
	v2 =	vld [tilespmem:$0x18B40];
	_ =	sdelay $0x4  }
0xb5: {  	[tilespmem:v3+s17+$0x0] =	vst.idx.msk $0xffff, v2  }
0xb6: {  	v3 =	vor.u32 $0x508, v1;
	v2 =	vld [tilespmem:$0x18B50];
	_ =	sdelay $0x4  }
0xb7: {  	[tilespmem:v3+s17+$0x0] =	vst.idx.msk $0xffff, v2  }
0xb8: {  	v3 =	vor.u32 $0x608, v1;
	v2 =	vld [tilespmem:$0x18B60];
	_ =	sdelay $0x4  }
0xb9: {  	[tilespmem:v3+s17+$0x0] =	vst.idx.msk $0xffff, v2  }
0xba: {  	v3 =	vor.u32 $0x708, v1;
	v2 =	vld [tilespmem:$0x18B70];
	_ =	sdelay $0x4  }
0xbb: {  	[tilespmem:v3+s17+$0x0] =	vst.idx.msk $0xffff, v2  }
0xbc: {  	v3 =	vor.u32 $0x9, v1;
	v2 =	vld [tilespmem:$0x18B80];
	_ =	sdelay $0x4  }
0xbd: {  	[tilespmem:v3+s17+$0x0] =	vst.idx.msk $0xffff, v2  }
0xbe: {  	v3 =	vor.u32 $0x109, v1;
	v2 =	vld [tilespmem:$0x18B90];
	_ =	sdelay $0x4  }
0xbf: {  	[tilespmem:v3+s17+$0x0] =	vst.idx.msk $0xffff, v2  }
0xc0: {  	v3 =	vor.u32 $0x209, v1;
	v2 =	vld [tilespmem:$0x18BA0];
	_ =	sdelay $0x4  }
0xc1: {  	[tilespmem:v3+s17+$0x0] =	vst.idx.msk $0xffff, v2  }
0xc2: {  	v3 =	vor.u32 $0x309, v1;
	v2 =	vld [tilespmem:$0x18BB0];
	_ =	sdelay $0x4  }
0xc3: {  	[tilespmem:v3+s17+$0x0] =	vst.idx.msk $0xffff, v2  }
0xc4: {  	v3 =	vor.u32 $0x409, v1;
	v2 =	vld [tilespmem:$0x18BC0];
	_ =	sdelay $0x4  }
0xc5: {  	[tilespmem:v3+s17+$0x0] =	vst.idx.msk $0xffff, v2  }
0xc6: {  	v3 =	vor.u32 $0x509, v1;
	v2 =	vld [tilespmem:$0x18BD0];
	_ =	sdelay $0x4  }
0xc7: {  	[tilespmem:v3+s17+$0x0] =	vst.idx.msk $0xffff, v2  }
0xc8: {  	v3 =	vor.u32 $0x609, v1;
	v2 =	vld [tilespmem:$0x18BE0];
	_ =	sdelay $0x4  }
0xc9: {  	[tilespmem:v3+s17+$0x0] =	vst.idx.msk $0xffff, v2  }
0xca: {  	v3 =	vor.u32 $0x709, v1;
	v2 =	vld [tilespmem:$0x18BF0];
	_ =	sdelay $0x4  }
0xcb: {  	[tilespmem:v3+s17+$0x0] =	vst.idx.msk $0xffff, v2  }
0xcc: {  	v3 =	vor.u32 $0xA, v1;
	v2 =	vld [tilespmem:$0x18C00];
	_ =	sdelay $0x4  }
0xcd: {  	[tilespmem:v3+s17+$0x0] =	vst.idx.msk $0xffff, v2  }
0xce: {  	v3 =	vor.u32 $0x10A, v1;
	v2 =	vld [tilespmem:$0x18C10];
	_ =	sdelay $0x4  }
0xcf: {  	[tilespmem:v3+s17+$0x0] =	vst.idx.msk $0xffff, v2  }
0xd0: {  	v3 =	vor.u32 $0x20A, v1;
	v2 =	vld [tilespmem:$0x18C20];
	_ =	sdelay $0x4  }
0xd1: {  	[tilespmem:v3+s17+$0x0] =	vst.idx.msk $0xffff, v2  }
0xd2: {  	v3 =	vor.u32 $0x30A, v1;
	v2 =	vld [tilespmem:$0x18C30];
	_ =	sdelay $0x4  }
0xd3: {  	[tilespmem:v3+s17+$0x0] =	vst.idx.msk $0xffff, v2  }
0xd4: {  	v3 =	vor.u32 $0x40A, v1;
	v2 =	vld [tilespmem:$0x18C40];
	_ =	sdelay $0x4  }
0xd5: {  	[tilespmem:v3+s17+$0x0] =	vst.idx.msk $0xffff, v2  }
0xd6: {  	v3 =	vor.u32 $0x50A, v1;
	v2 =	vld [tilespmem:$0x18C50];
	_ =	sdelay $0x4  }
0xd7: {  	[tilespmem:v3+s17+$0x0] =	vst.idx.msk $0xffff, v2  }
0xd8: {  	v3 =	vor.u32 $0x60A, v1;
	v2 =	vld [tilespmem:$0x18C60];
	_ =	sdelay $0x4  }
0xd9: {  	[tilespmem:v3+s17+$0x0] =	vst.idx.msk $0xffff, v2  }
0xda: {  	v3 =	vor.u32 $0x70A, v1;
	v2 =	vld [tilespmem:$0x18C70];
	_ =	sdelay $0x4  }
0xdb: {  	[tilespmem:v3+s17+$0x0] =	vst.idx.msk $0xffff, v2  }
0xdc: {  	v3 =	vor.u32 $0xB, v1;
	v2 =	vld [tilespmem:$0x18C80];
	_ =	sdelay $0x4  }
0xdd: {  	[tilespmem:v3+s17+$0x0] =	vst.idx.msk $0xffff, v2  }
0xde: {  	v3 =	vor.u32 $0x10B, v1;
	v2 =	vld [tilespmem:$0x18C90];
	_ =	sdelay $0x4  }
0xdf: {  	[tilespmem:v3+s17+$0x0] =	vst.idx.msk $0xffff, v2  }
0xe0: {  	v3 =	vor.u32 $0x20B, v1;
	v2 =	vld [tilespmem:$0x18CA0];
	_ =	sdelay $0x4  }
0xe1: {  	[tilespmem:v3+s17+$0x0] =	vst.idx.msk $0xffff, v2  }
0xe2: {  	v3 =	vor.u32 $0x30B, v1;
	v2 =	vld [tilespmem:$0x18CB0];
	_ =	sdelay $0x4  }
0xe3: {  	[tilespmem:v3+s17+$0x0] =	vst.idx.msk $0xffff, v2  }
0xe4: {  	v3 =	vor.u32 $0x40B, v1;
	v2 =	vld [tilespmem:$0x18CC0];
	_ =	sdelay $0x4  }
0xe5: {  	[tilespmem:v3+s17+$0x0] =	vst.idx.msk $0xffff, v2  }
0xe6: {  	v3 =	vor.u32 $0x50B, v1;
	v2 =	vld [tilespmem:$0x18CD0];
	_ =	sdelay $0x4  }
0xe7: {  	[tilespmem:v3+s17+$0x0] =	vst.idx.msk $0xffff, v2  }
0xe8: {  	v3 =	vor.u32 $0x60B, v1;
	v2 =	vld [tilespmem:$0x18CE0];
	_ =	sdelay $0x4  }
0xe9: {  	[tilespmem:v3+s17+$0x0] =	vst.idx.msk $0xffff, v2  }
0xea: {  	v3 =	vor.u32 $0x70B, v1;
	v2 =	vld [tilespmem:$0x18CF0];
	_ =	sdelay $0x4  }
0xeb: {  	[tilespmem:v3+s17+$0x0] =	vst.idx.msk $0xffff, v2  }
0xec: {  	v3 =	vor.u32 $0xC, v1;
	v2 =	vld [tilespmem:$0x18D00];
	_ =	sdelay $0x4  }
0xed: {  	[tilespmem:v3+s17+$0x0] =	vst.idx.msk $0xffff, v2  }
0xee: {  	v3 =	vor.u32 $0x10C, v1;
	v2 =	vld [tilespmem:$0x18D10];
	_ =	sdelay $0x4  }
0xef: {  	[tilespmem:v3+s17+$0x0] =	vst.idx.msk $0xffff, v2  }
0xf0: {  	v3 =	vor.u32 $0x20C, v1;
	v2 =	vld [tilespmem:$0x18D20];
	_ =	sdelay $0x4  }
0xf1: {  	[tilespmem:v3+s17+$0x0] =	vst.idx.msk $0xffff, v2  }
0xf2: {  	v3 =	vor.u32 $0x30C, v1;
	v2 =	vld [tilespmem:$0x18D30];
	_ =	sdelay $0x4  }
0xf3: {  	[tilespmem:v3+s17+$0x0] =	vst.idx.msk $0xffff, v2  }
0xf4: {  	v3 =	vor.u32 $0x40C, v1;
	v2 =	vld [tilespmem:$0x18D40];
	_ =	sdelay $0x4  }
0xf5: {  	[tilespmem:v3+s17+$0x0] =	vst.idx.msk $0xffff, v2  }
0xf6: {  	v3 =	vor.u32 $0x50C, v1;
	v2 =	vld [tilespmem:$0x18D50];
	_ =	sdelay $0x4  }
0xf7: {  	[tilespmem:v3+s17+$0x0] =	vst.idx.msk $0xffff, v2  }
0xf8: {  	v3 =	vor.u32 $0x60C, v1;
	v2 =	vld [tilespmem:$0x18D60];
	_ =	sdelay $0x4  }
0xf9: {  	[tilespmem:v3+s17+$0x0] =	vst.idx.msk $0xffff, v2  }
0xfa: {  	v3 =	vor.u32 $0x70C, v1;
	v2 =	vld [tilespmem:$0x18D70];
	_ =	sdelay $0x4  }
0xfb: {  	[tilespmem:v3+s17+$0x0] =	vst.idx.msk $0xffff, v2  }
0xfc: {  	v3 =	vor.u32 $0xD, v1;
	v2 =	vld [tilespmem:$0x18D80];
	_ =	sdelay $0x4  }
0xfd: {  	[tilespmem:v3+s17+$0x0] =	vst.idx.msk $0xffff, v2  }
0xfe: {  	v3 =	vor.u32 $0x10D, v1;
	v2 =	vld [tilespmem:$0x18D90];
	_ =	sdelay $0x4  }
0xff: {  	[tilespmem:v3+s17+$0x0] =	vst.idx.msk $0xffff, v2  }
0x100: {  	v3 =	vor.u32 $0x20D, v1;
	v2 =	vld [tilespmem:$0x18DA0];
	_ =	sdelay $0x4  }
0x101: {  	[tilespmem:v3+s17+$0x0] =	vst.idx.msk $0xffff, v2  }
0x102: {  	v3 =	vor.u32 $0x30D, v1;
	v2 =	vld [tilespmem:$0x18DB0];
	_ =	sdelay $0x4  }
0x103: {  	[tilespmem:v3+s17+$0x0] =	vst.idx.msk $0xffff, v2  }
0x104: {  	v3 =	vor.u32 $0x40D, v1;
	v2 =	vld [tilespmem:$0x18DC0];
	_ =	sdelay $0x4  }
0x105: {  	[tilespmem:v3+s17+$0x0] =	vst.idx.msk $0xffff, v2  }
0x106: {  	v3 =	vor.u32 $0x50D, v1;
	v2 =	vld [tilespmem:$0x18DD0];
	_ =	sdelay $0x4  }
0x107: {  	[tilespmem:v3+s17+$0x0] =	vst.idx.msk $0xffff, v2  }
0x108: {  	v3 =	vor.u32 $0x60D, v1;
	v2 =	vld [tilespmem:$0x18DE0];
	_ =	sdelay $0x4  }
0x109: {  	[tilespmem:v3+s17+$0x0] =	vst.idx.msk $0xffff, v2  }
0x10a: {  	v3 =	vor.u32 $0x70D, v1;
	v2 =	vld [tilespmem:$0x18DF0];
	_ =	sdelay $0x4  }
0x10b: {  	[tilespmem:v3+s17+$0x0] =	vst.idx.msk $0xffff, v2  }
0x10c: {  	v3 =	vor.u32 $0xE, v1;
	v2 =	vld [tilespmem:$0x18E00];
	_ =	sdelay $0x4  }
0x10d: {  	[tilespmem:v3+s17+$0x0] =	vst.idx.msk $0xffff, v2  }
0x10e: {  	v3 =	vor.u32 $0x10E, v1;
	v2 =	vld [tilespmem:$0x18E10];
	_ =	sdelay $0x4  }
0x10f: {  	[tilespmem:v3+s17+$0x0] =	vst.idx.msk $0xffff, v2  }
0x110: {  	v3 =	vor.u32 $0x20E, v1;
	v2 =	vld [tilespmem:$0x18E20];
	_ =	sdelay $0x4  }
0x111: {  	[tilespmem:v3+s17+$0x0] =	vst.idx.msk $0xffff, v2  }
0x112: {  	v3 =	vor.u32 $0x30E, v1;
	v2 =	vld [tilespmem:$0x18E30];
	_ =	sdelay $0x4  }
0x113: {  	[tilespmem:v3+s17+$0x0] =	vst.idx.msk $0xffff, v2  }
0x114: {  	v3 =	vor.u32 $0x40E, v1;
	v2 =	vld [tilespmem:$0x18E40];
	_ =	sdelay $0x4  }
0x115: {  	[tilespmem:v3+s17+$0x0] =	vst.idx.msk $0xffff, v2  }
0x116: {  	v3 =	vor.u32 $0x50E, v1;
	v2 =	vld [tilespmem:$0x18E50];
	_ =	sdelay $0x4  }
0x117: {  	[tilespmem:v3+s17+$0x0] =	vst.idx.msk $0xffff, v2  }
0x118: {  	v3 =	vor.u32 $0x60E, v1;
	v2 =	vld [tilespmem:$0x18E60];
	_ =	sdelay $0x4  }
0x119: {  	[tilespmem:v3+s17+$0x0] =	vst.idx.msk $0xffff, v2  }
0x11a: {  	v3 =	vor.u32 $0x70E, v1;
	v2 =	vld [tilespmem:$0x18E70];
	_ =	sdelay $0x4  }
0x11b: {  	[tilespmem:v3+s17+$0x0] =	vst.idx.msk $0xffff, v2  }
0x11c: {  	v3 =	vor.u32 $0xF, v1;
	v2 =	vld [tilespmem:$0x18E80];
	_ =	sdelay $0x4  }
0x11d: {  	[tilespmem:v3+s17+$0x0] =	vst.idx.msk $0xffff, v2  }
0x11e: {  	v3 =	vor.u32 $0x10F, v1;
	v2 =	vld [tilespmem:$0x18E90];
	_ =	sdelay $0x4  }
0x11f: {  	[tilespmem:v3+s17+$0x0] =	vst.idx.msk $0xffff, v2  }
0x120: {  	v3 =	vor.u32 $0x20F, v1;
	v2 =	vld [tilespmem:$0x18EA0];
	_ =	sdelay $0x4  }
0x121: {  	[tilespmem:v3+s17+$0x0] =	vst.idx.msk $0xffff, v2  }
0x122: {  	v3 =	vor.u32 $0x30F, v1;
	v2 =	vld [tilespmem:$0x18EB0];
	_ =	sdelay $0x4  }
0x123: {  	[tilespmem:v3+s17+$0x0] =	vst.idx.msk $0xffff, v2  }
0x124: {  	v3 =	vor.u32 $0x40F, v1;
	v2 =	vld [tilespmem:$0x18EC0];
	_ =	sdelay $0x4  }
0x125: {  	[tilespmem:v3+s17+$0x0] =	vst.idx.msk $0xffff, v2  }
0x126: {  	v3 =	vor.u32 $0x50F, v1;
	v2 =	vld [tilespmem:$0x18ED0];
	_ =	sdelay $0x4  }
0x127: {  	[tilespmem:v3+s17+$0x0] =	vst.idx.msk $0xffff, v2  }
0x128: {  	v3 =	vor.u32 $0x60F, v1;
	v2 =	vld [tilespmem:$0x18EE0];
	_ =	sdelay $0x4  }
0x129: {  	[tilespmem:v3+s17+$0x0] =	vst.idx.msk $0xffff, v2  }
0x12a: {  	v3 =	vor.u32 $0x70F, v1;
	v2 =	vld [tilespmem:$0x18EF0];
	_ =	sdelay $0x4  }
.Ltmp3:
0x12b: {  	[tilespmem:v3+s17+$0x0] =	vst.idx.msk $0xffff, v2;
	(pc) =	sbr.rel .LBB2_4-.Ltmp3, $4  }
0x12c: {  	[spmem:s24] =	stream.linear.scatter [tilespmem:s17], [sflag:$0x2], $0x800, $0x38;
	[tilespmem:$0x1FF00] =	vst v63  }
0x12d: {  	_ =	swait.ge [sflag:s12], $0x800  }
0x12e: {  	[sflag:s12] =	ssyncset.done $0x0  }
0x12f: {  	[sflag:s12] =	ssyncadd.s32 $0xFFFFF800  }
.LBB2_5:
.Ltmp4:
0x130: {  	(pc) =	sbr.rel @p0 .LBB2_7-.Ltmp4, $1  }
0x131: {  	_ =	sdelay $0x3  }
0x132: {  	s0 =	simm.s32 $0x0;
	s2 =	rddreg [dreg:$0x8]  }
0x133: {  	[tilespmem:s15], [sflag:$0x2] =	stream.linear.gather [hbm4b:s2+s0], $0x800, $0x38;
	[tilespmem:$0x1FF00] =	vst v63  }
0x134: {  	_ =	swait.ge [sflag:s12], $0x800  }
0x135: {  	[sflag:s12] =	ssyncset.done $0x0  }
0x136: {  	[sflag:s12] =	ssyncadd.s32 $0xFFFFF800  }
0x137: {  	v2 =	vld [tilespmem:$0x18700];
	_ =	sdelay $0x4  }
0x138: {  	[tilespmem:v1+s17+$0x0] =	vst.idx.msk $0xffff, v2  }
0x139: {  	v2 =	vld [tilespmem:$0x18710];
	_ =	sdelay $0x2  }
0x13a: {  	v3 =	vld [tilespmem:$0x1FFC0];
	_ =	sdelay $0x1  }
0x13b: {  	[tilespmem:v5+s17+$0x0] =	vst.idx.msk $0xffff, v2  }
0x13c: {  	v2 =	vld [tilespmem:$0x18720];
	_ =	sdelay $0x4  }
0x13d: {  	[tilespmem:v3+s17+$0x0] =	vst.idx.msk $0xffff, v2;
	v3 =	vld [tilespmem:$0x1FFD0];
	_ =	sdelay $0x2  }
0x13e: {  	v2 =	vld [tilespmem:$0x18730];
	_ =	sdelay $0x4  }
0x13f: {  	[tilespmem:v3+s17+$0x0] =	vst.idx.msk $0xffff, v2;
	v3 =	vld [tilespmem:$0x1FFE0];
	_ =	sdelay $0x2  }
0x140: {  	v2 =	vld [tilespmem:$0x18740];
	_ =	sdelay $0x4  }
0x141: {  	[tilespmem:v3+s17+$0x0] =	vst.idx.msk $0xffff, v2  }
0x142: {  	v2 =	vld [tilespmem:$0x18750];
	_ =	sdelay $0x4  }
0x143: {  	[tilespmem:v6+s17+$0x0] =	vst.idx.msk $0xffff, v2  }
0x144: {  	v2 =	vld [tilespmem:$0x18760];
	_ =	sdelay $0x4  }
0x145: {  	[tilespmem:v7+s17+$0x0] =	vst.idx.msk $0xffff, v2  }
0x146: {  	v2 =	vld [tilespmem:$0x18770];
	_ =	sdelay $0x4  }
0x147: {  	[tilespmem:v8+s17+$0x0] =	vst.idx.msk $0xffff, v2  }
0x148: {  	v2 =	vld [tilespmem:$0x18780];
	_ =	sdelay $0x4  }
0x149: {  	[tilespmem:v9+s17+$0x0] =	vst.idx.msk $0xffff, v2  }
0x14a: {  	v2 =	vld [tilespmem:$0x18790];
	_ =	sdelay $0x4  }
0x14b: {  	[tilespmem:v10+s17+$0x0] =	vst.idx.msk $0xffff, v2  }
0x14c: {  	v2 =	vld [tilespmem:$0x187A0];
	_ =	sdelay $0x4  }
0x14d: {  	[tilespmem:v11+s17+$0x0] =	vst.idx.msk $0xffff, v2  }
0x14e: {  	v2 =	vld [tilespmem:$0x187B0];
	_ =	sdelay $0x4  }
0x14f: {  	[tilespmem:v12+s17+$0x0] =	vst.idx.msk $0xffff, v2  }
0x150: {  	v2 =	vld [tilespmem:$0x187C0];
	_ =	sdelay $0x4  }
0x151: {  	[tilespmem:v13+s17+$0x0] =	vst.idx.msk $0xffff, v2  }
0x152: {  	v2 =	vld [tilespmem:$0x187D0];
	_ =	sdelay $0x4  }
0x153: {  	[tilespmem:v14+s17+$0x0] =	vst.idx.msk $0xffff, v2  }
0x154: {  	v2 =	vld [tilespmem:$0x187E0];
	_ =	sdelay $0x4  }
0x155: {  	[tilespmem:v15+s17+$0x0] =	vst.idx.msk $0xffff, v2  }
0x156: {  	v2 =	vld [tilespmem:$0x187F0];
	_ =	sdelay $0x4  }
0x157: {  	[tilespmem:v16+s17+$0x0] =	vst.idx.msk $0xffff, v2  }
0x158: {  	v2 =	vld [tilespmem:$0x18800];
	_ =	sdelay $0x4  }
0x159: {  	[tilespmem:v17+s17+$0x0] =	vst.idx.msk $0xffff, v2  }
0x15a: {  	v2 =	vld [tilespmem:$0x18810];
	_ =	sdelay $0x4  }
0x15b: {  	[tilespmem:v18+s17+$0x0] =	vst.idx.msk $0xffff, v2  }
0x15c: {  	v2 =	vld [tilespmem:$0x18820];
	_ =	sdelay $0x4  }
0x15d: {  	[tilespmem:v19+s17+$0x0] =	vst.idx.msk $0xffff, v2  }
0x15e: {  	v2 =	vld [tilespmem:$0x18830];
	_ =	sdelay $0x4  }
0x15f: {  	[tilespmem:v20+s17+$0x0] =	vst.idx.msk $0xffff, v2  }
0x160: {  	v2 =	vld [tilespmem:$0x18840];
	_ =	sdelay $0x4  }
0x161: {  	[tilespmem:v21+s17+$0x0] =	vst.idx.msk $0xffff, v2  }
0x162: {  	v2 =	vld [tilespmem:$0x18850];
	_ =	sdelay $0x4  }
0x163: {  	[tilespmem:v22+s17+$0x0] =	vst.idx.msk $0xffff, v2  }
0x164: {  	v2 =	vld [tilespmem:$0x18860];
	_ =	sdelay $0x4  }
0x165: {  	[tilespmem:v23+s17+$0x0] =	vst.idx.msk $0xffff, v2  }
0x166: {  	v2 =	vld [tilespmem:$0x18870];
	_ =	sdelay $0x4  }
0x167: {  	[tilespmem:v24+s17+$0x0] =	vst.idx.msk $0xffff, v2  }
0x168: {  	v2 =	vld [tilespmem:$0x18880];
	_ =	sdelay $0x4  }
0x169: {  	[tilespmem:v25+s17+$0x0] =	vst.idx.msk $0xffff, v2  }
0x16a: {  	v2 =	vld [tilespmem:$0x18890];
	_ =	sdelay $0x4  }
0x16b: {  	[tilespmem:v26+s17+$0x0] =	vst.idx.msk $0xffff, v2  }
0x16c: {  	v2 =	vld [tilespmem:$0x188A0];
	_ =	sdelay $0x4  }
0x16d: {  	[tilespmem:v27+s17+$0x0] =	vst.idx.msk $0xffff, v2  }
0x16e: {  	v2 =	vld [tilespmem:$0x188B0];
	_ =	sdelay $0x4  }
0x16f: {  	[tilespmem:v28+s17+$0x0] =	vst.idx.msk $0xffff, v2  }
0x170: {  	v2 =	vld [tilespmem:$0x188C0];
	_ =	sdelay $0x4  }
0x171: {  	[tilespmem:v29+s17+$0x0] =	vst.idx.msk $0xffff, v2  }
0x172: {  	v2 =	vld [tilespmem:$0x188D0];
	_ =	sdelay $0x4  }
0x173: {  	[tilespmem:v30+s17+$0x0] =	vst.idx.msk $0xffff, v2  }
0x174: {  	v2 =	vld [tilespmem:$0x188E0];
	_ =	sdelay $0x4  }
0x175: {  	[tilespmem:v31+s17+$0x0] =	vst.idx.msk $0xffff, v2  }
0x176: {  	v2 =	vld [tilespmem:$0x188F0];
	_ =	sdelay $0x4  }
0x177: {  	[tilespmem:v32+s17+$0x0] =	vst.idx.msk $0xffff, v2  }
0x178: {  	v2 =	vld [tilespmem:$0x18900];
	_ =	sdelay $0x4  }
0x179: {  	[tilespmem:v33+s17+$0x0] =	vst.idx.msk $0xffff, v2  }
0x17a: {  	v2 =	vld [tilespmem:$0x18910];
	_ =	sdelay $0x4  }
0x17b: {  	[tilespmem:v34+s17+$0x0] =	vst.idx.msk $0xffff, v2  }
0x17c: {  	v2 =	vld [tilespmem:$0x18920];
	_ =	sdelay $0x4  }
0x17d: {  	[tilespmem:v35+s17+$0x0] =	vst.idx.msk $0xffff, v2  }
0x17e: {  	v2 =	vld [tilespmem:$0x18930];
	_ =	sdelay $0x4  }
0x17f: {  	[tilespmem:v36+s17+$0x0] =	vst.idx.msk $0xffff, v2  }
0x180: {  	v2 =	vld [tilespmem:$0x18940];
	_ =	sdelay $0x4  }
0x181: {  	[tilespmem:v37+s17+$0x0] =	vst.idx.msk $0xffff, v2  }
0x182: {  	v2 =	vld [tilespmem:$0x18950];
	_ =	sdelay $0x4  }
0x183: {  	[tilespmem:v38+s17+$0x0] =	vst.idx.msk $0xffff, v2  }
0x184: {  	v2 =	vld [tilespmem:$0x18960];
	_ =	sdelay $0x4  }
0x185: {  	[tilespmem:v39+s17+$0x0] =	vst.idx.msk $0xffff, v2  }
0x186: {  	v2 =	vld [tilespmem:$0x18970];
	_ =	sdelay $0x4  }
0x187: {  	[tilespmem:v40+s17+$0x0] =	vst.idx.msk $0xffff, v2  }
0x188: {  	v2 =	vld [tilespmem:$0x18980];
	_ =	sdelay $0x4  }
0x189: {  	[tilespmem:v41+s17+$0x0] =	vst.idx.msk $0xffff, v2  }
0x18a: {  	v2 =	vld [tilespmem:$0x18990];
	_ =	sdelay $0x4  }
0x18b: {  	[tilespmem:v42+s17+$0x0] =	vst.idx.msk $0xffff, v2  }
0x18c: {  	v2 =	vld [tilespmem:$0x189A0];
	_ =	sdelay $0x4  }
0x18d: {  	[tilespmem:v43+s17+$0x0] =	vst.idx.msk $0xffff, v2  }
0x18e: {  	v2 =	vld [tilespmem:$0x189B0];
	_ =	sdelay $0x4  }
0x18f: {  	[tilespmem:v44+s17+$0x0] =	vst.idx.msk $0xffff, v2  }
0x190: {  	v2 =	vld [tilespmem:$0x189C0];
	_ =	sdelay $0x4  }
0x191: {  	[tilespmem:v45+s17+$0x0] =	vst.idx.msk $0xffff, v2  }
0x192: {  	v2 =	vld [tilespmem:$0x189D0];
	_ =	sdelay $0x4  }
0x193: {  	[tilespmem:v46+s17+$0x0] =	vst.idx.msk $0xffff, v2  }
0x194: {  	v2 =	vld [tilespmem:$0x189E0];
	_ =	sdelay $0x4  }
0x195: {  	[tilespmem:v47+s17+$0x0] =	vst.idx.msk $0xffff, v2  }
0x196: {  	v2 =	vld [tilespmem:$0x189F0];
	_ =	sdelay $0x4  }
0x197: {  	[tilespmem:v48+s17+$0x0] =	vst.idx.msk $0xffff, v2  }
0x198: {  	v2 =	vld [tilespmem:$0x18A00];
	_ =	sdelay $0x4  }
0x199: {  	[tilespmem:v49+s17+$0x0] =	vst.idx.msk $0xffff, v2  }
0x19a: {  	v2 =	vld [tilespmem:$0x18A10];
	_ =	sdelay $0x4  }
0x19b: {  	[tilespmem:v50+s17+$0x0] =	vst.idx.msk $0xffff, v2  }
0x19c: {  	v2 =	vld [tilespmem:$0x18A20];
	_ =	sdelay $0x4  }
0x19d: {  	[tilespmem:v51+s17+$0x0] =	vst.idx.msk $0xffff, v2  }
0x19e: {  	v2 =	vld [tilespmem:$0x18A30];
	_ =	sdelay $0x4  }
0x19f: {  	[tilespmem:v52+s17+$0x0] =	vst.idx.msk $0xffff, v2  }
0x1a0: {  	v2 =	vld [tilespmem:$0x18A40];
	_ =	sdelay $0x4  }
0x1a1: {  	[tilespmem:v53+s17+$0x0] =	vst.idx.msk $0xffff, v2  }
0x1a2: {  	v2 =	vld [tilespmem:$0x18A50];
	_ =	sdelay $0x4  }
0x1a3: {  	[tilespmem:v54+s17+$0x0] =	vst.idx.msk $0xffff, v2  }
0x1a4: {  	v2 =	vld [tilespmem:$0x18A60];
	_ =	sdelay $0x4  }
0x1a5: {  	[tilespmem:v55+s17+$0x0] =	vst.idx.msk $0xffff, v2  }
0x1a6: {  	v2 =	vld [tilespmem:$0x18A70];
	_ =	sdelay $0x4  }
0x1a7: {  	[tilespmem:v56+s17+$0x0] =	vst.idx.msk $0xffff, v2  }
0x1a8: {  	v2 =	vld [tilespmem:$0x18A80];
	_ =	sdelay $0x4  }
0x1a9: {  	[tilespmem:v57+s17+$0x0] =	vst.idx.msk $0xffff, v2  }
0x1aa: {  	v2 =	vld [tilespmem:$0x18A90];
	_ =	sdelay $0x4  }
0x1ab: {  	[tilespmem:v58+s17+$0x0] =	vst.idx.msk $0xffff, v2  }
0x1ac: {  	v2 =	vld [tilespmem:$0x18AA0];
	_ =	sdelay $0x4  }
0x1ad: {  	[tilespmem:v59+s17+$0x0] =	vst.idx.msk $0xffff, v2  }
0x1ae: {  	v2 =	vld [tilespmem:$0x18AB0];
	_ =	sdelay $0x4  }
0x1af: {  	[tilespmem:v60+s17+$0x0] =	vst.idx.msk $0xffff, v2  }
0x1b0: {  	v2 =	vld [tilespmem:$0x18AC0];
	_ =	sdelay $0x4  }
0x1b1: {  	[tilespmem:v61+s17+$0x0] =	vst.idx.msk $0xffff, v2  }
0x1b2: {  	v2 =	vld [tilespmem:$0x18AD0];
	_ =	sdelay $0x4  }
0x1b3: {  	[tilespmem:v62+s17+$0x0] =	vst.idx.msk $0xffff, v2  }
0x1b4: {  	v2 =	vld [tilespmem:$0x18AE0];
	_ =	sdelay $0x4  }
0x1b5: {  	[tilespmem:v63+s17+$0x0] =	vst.idx.msk $0xffff, v2  }
0x1b6: {  	v2 =	vld [tilespmem:$0x18AF0];
	_ =	sdelay $0x4  }
0x1b7: {  	[tilespmem:v0+s17+$0x0] =	vst.idx.msk $0xffff, v2  }
0x1b8: {  	v3 =	vor.u32 $0x8, v1;
	v2 =	vld [tilespmem:$0x18B00];
	_ =	sdelay $0x4  }
0x1b9: {  	[tilespmem:v3+s17+$0x0] =	vst.idx.msk $0xffff, v2  }
0x1ba: {  	v3 =	vor.u32 $0x108, v1;
	v2 =	vld [tilespmem:$0x18B10];
	_ =	sdelay $0x4  }
0x1bb: {  	[tilespmem:v3+s17+$0x0] =	vst.idx.msk $0xffff, v2  }
0x1bc: {  	v3 =	vor.u32 $0x208, v1;
	v2 =	vld [tilespmem:$0x18B20];
	_ =	sdelay $0x4  }
0x1bd: {  	[tilespmem:v3+s17+$0x0] =	vst.idx.msk $0xffff, v2  }
0x1be: {  	v3 =	vor.u32 $0x308, v1;
	v2 =	vld [tilespmem:$0x18B30];
	_ =	sdelay $0x4  }
0x1bf: {  	[tilespmem:v3+s17+$0x0] =	vst.idx.msk $0xffff, v2  }
0x1c0: {  	v3 =	vor.u32 $0x408, v1;
	v2 =	vld [tilespmem:$0x18B40];
	_ =	sdelay $0x4  }
0x1c1: {  	[tilespmem:v3+s17+$0x0] =	vst.idx.msk $0xffff, v2  }
0x1c2: {  	v3 =	vor.u32 $0x508, v1;
	v2 =	vld [tilespmem:$0x18B50];
	_ =	sdelay $0x4  }
0x1c3: {  	[tilespmem:v3+s17+$0x0] =	vst.idx.msk $0xffff, v2  }
0x1c4: {  	v3 =	vor.u32 $0x608, v1;
	v2 =	vld [tilespmem:$0x18B60];
	_ =	sdelay $0x4  }
0x1c5: {  	[tilespmem:v3+s17+$0x0] =	vst.idx.msk $0xffff, v2  }
0x1c6: {  	v3 =	vor.u32 $0x708, v1;
	v2 =	vld [tilespmem:$0x18B70];
	_ =	sdelay $0x4  }
0x1c7: {  	[tilespmem:v3+s17+$0x0] =	vst.idx.msk $0xffff, v2  }
0x1c8: {  	v3 =	vor.u32 $0x9, v1;
	v2 =	vld [tilespmem:$0x18B80];
	_ =	sdelay $0x4  }
0x1c9: {  	[tilespmem:v3+s17+$0x0] =	vst.idx.msk $0xffff, v2  }
0x1ca: {  	v3 =	vor.u32 $0x109, v1;
	v2 =	vld [tilespmem:$0x18B90];
	_ =	sdelay $0x4  }
0x1cb: {  	[tilespmem:v3+s17+$0x0] =	vst.idx.msk $0xffff, v2  }
0x1cc: {  	v3 =	vor.u32 $0x209, v1;
	v2 =	vld [tilespmem:$0x18BA0];
	_ =	sdelay $0x4  }
0x1cd: {  	[tilespmem:v3+s17+$0x0] =	vst.idx.msk $0xffff, v2  }
0x1ce: {  	v3 =	vor.u32 $0x309, v1;
	v2 =	vld [tilespmem:$0x18BB0];
	_ =	sdelay $0x4  }
0x1cf: {  	[tilespmem:v3+s17+$0x0] =	vst.idx.msk $0xffff, v2  }
0x1d0: {  	v3 =	vor.u32 $0x409, v1;
	v2 =	vld [tilespmem:$0x18BC0];
	_ =	sdelay $0x4  }
0x1d1: {  	[tilespmem:v3+s17+$0x0] =	vst.idx.msk $0xffff, v2  }
0x1d2: {  	v3 =	vor.u32 $0x509, v1;
	v2 =	vld [tilespmem:$0x18BD0];
	_ =	sdelay $0x4  }
0x1d3: {  	[tilespmem:v3+s17+$0x0] =	vst.idx.msk $0xffff, v2  }
0x1d4: {  	v3 =	vor.u32 $0x609, v1;
	v2 =	vld [tilespmem:$0x18BE0];
	_ =	sdelay $0x4  }
0x1d5: {  	[tilespmem:v3+s17+$0x0] =	vst.idx.msk $0xffff, v2  }
0x1d6: {  	v3 =	vor.u32 $0x709, v1;
	v2 =	vld [tilespmem:$0x18BF0];
	_ =	sdelay $0x4  }
0x1d7: {  	[tilespmem:v3+s17+$0x0] =	vst.idx.msk $0xffff, v2  }
0x1d8: {  	v3 =	vor.u32 $0xA, v1;
	v2 =	vld [tilespmem:$0x18C00];
	_ =	sdelay $0x4  }
0x1d9: {  	[tilespmem:v3+s17+$0x0] =	vst.idx.msk $0xffff, v2  }
0x1da: {  	v3 =	vor.u32 $0x10A, v1;
	v2 =	vld [tilespmem:$0x18C10];
	_ =	sdelay $0x4  }
0x1db: {  	[tilespmem:v3+s17+$0x0] =	vst.idx.msk $0xffff, v2  }
0x1dc: {  	v3 =	vor.u32 $0x20A, v1;
	v2 =	vld [tilespmem:$0x18C20];
	_ =	sdelay $0x4  }
0x1dd: {  	[tilespmem:v3+s17+$0x0] =	vst.idx.msk $0xffff, v2  }
0x1de: {  	v3 =	vor.u32 $0x30A, v1;
	v2 =	vld [tilespmem:$0x18C30];
	_ =	sdelay $0x4  }
0x1df: {  	[tilespmem:v3+s17+$0x0] =	vst.idx.msk $0xffff, v2  }
0x1e0: {  	v3 =	vor.u32 $0x40A, v1;
	v2 =	vld [tilespmem:$0x18C40];
	_ =	sdelay $0x4  }
0x1e1: {  	[tilespmem:v3+s17+$0x0] =	vst.idx.msk $0xffff, v2  }
0x1e2: {  	v3 =	vor.u32 $0x50A, v1;
	v2 =	vld [tilespmem:$0x18C50];
	_ =	sdelay $0x4  }
0x1e3: {  	[tilespmem:v3+s17+$0x0] =	vst.idx.msk $0xffff, v2  }
0x1e4: {  	v3 =	vor.u32 $0x60A, v1;
	v2 =	vld [tilespmem:$0x18C60];
	_ =	sdelay $0x4  }
0x1e5: {  	[tilespmem:v3+s17+$0x0] =	vst.idx.msk $0xffff, v2  }
0x1e6: {  	v3 =	vor.u32 $0x70A, v1;
	v2 =	vld [tilespmem:$0x18C70];
	_ =	sdelay $0x4  }
0x1e7: {  	[tilespmem:v3+s17+$0x0] =	vst.idx.msk $0xffff, v2  }
0x1e8: {  	v3 =	vor.u32 $0xB, v1;
	v2 =	vld [tilespmem:$0x18C80];
	_ =	sdelay $0x4  }
0x1e9: {  	[tilespmem:v3+s17+$0x0] =	vst.idx.msk $0xffff, v2  }
0x1ea: {  	v3 =	vor.u32 $0x10B, v1;
	v2 =	vld [tilespmem:$0x18C90];
	_ =	sdelay $0x4  }
0x1eb: {  	[tilespmem:v3+s17+$0x0] =	vst.idx.msk $0xffff, v2  }
0x1ec: {  	v3 =	vor.u32 $0x20B, v1;
	v2 =	vld [tilespmem:$0x18CA0];
	_ =	sdelay $0x4  }
0x1ed: {  	[tilespmem:v3+s17+$0x0] =	vst.idx.msk $0xffff, v2  }
0x1ee: {  	v3 =	vor.u32 $0x30B, v1;
	v2 =	vld [tilespmem:$0x18CB0];
	_ =	sdelay $0x4  }
0x1ef: {  	[tilespmem:v3+s17+$0x0] =	vst.idx.msk $0xffff, v2  }
0x1f0: {  	v3 =	vor.u32 $0x40B, v1;
	v2 =	vld [tilespmem:$0x18CC0];
	_ =	sdelay $0x4  }
0x1f1: {  	[tilespmem:v3+s17+$0x0] =	vst.idx.msk $0xffff, v2  }
0x1f2: {  	v3 =	vor.u32 $0x50B, v1;
	v2 =	vld [tilespmem:$0x18CD0];
	_ =	sdelay $0x4  }
0x1f3: {  	[tilespmem:v3+s17+$0x0] =	vst.idx.msk $0xffff, v2  }
0x1f4: {  	v3 =	vor.u32 $0x60B, v1;
	v2 =	vld [tilespmem:$0x18CE0];
	_ =	sdelay $0x4  }
0x1f5: {  	[tilespmem:v3+s17+$0x0] =	vst.idx.msk $0xffff, v2  }
0x1f6: {  	v3 =	vor.u32 $0x70B, v1;
	v2 =	vld [tilespmem:$0x18CF0];
	_ =	sdelay $0x4  }
0x1f7: {  	[tilespmem:v3+s17+$0x0] =	vst.idx.msk $0xffff, v2  }
0x1f8: {  	v3 =	vor.u32 $0xC, v1;
	v2 =	vld [tilespmem:$0x18D00];
	_ =	sdelay $0x4  }
0x1f9: {  	[tilespmem:v3+s17+$0x0] =	vst.idx.msk $0xffff, v2  }
0x1fa: {  	v3 =	vor.u32 $0x10C, v1;
	v2 =	vld [tilespmem:$0x18D10];
	_ =	sdelay $0x4  }
0x1fb: {  	[tilespmem:v3+s17+$0x0] =	vst.idx.msk $0xffff, v2  }
0x1fc: {  	v3 =	vor.u32 $0x20C, v1;
	v2 =	vld [tilespmem:$0x18D20];
	_ =	sdelay $0x4  }
0x1fd: {  	[tilespmem:v3+s17+$0x0] =	vst.idx.msk $0xffff, v2  }
0x1fe: {  	v3 =	vor.u32 $0x30C, v1;
	v2 =	vld [tilespmem:$0x18D30];
	_ =	sdelay $0x4  }
0x1ff: {  	[tilespmem:v3+s17+$0x0] =	vst.idx.msk $0xffff, v2  }
0x200: {  	v3 =	vor.u32 $0x40C, v1;
	v2 =	vld [tilespmem:$0x18D40];
	_ =	sdelay $0x4  }
0x201: {  	[tilespmem:v3+s17+$0x0] =	vst.idx.msk $0xffff, v2  }
0x202: {  	v3 =	vor.u32 $0x50C, v1;
	v2 =	vld [tilespmem:$0x18D50];
	_ =	sdelay $0x4  }
0x203: {  	[tilespmem:v3+s17+$0x0] =	vst.idx.msk $0xffff, v2  }
0x204: {  	v3 =	vor.u32 $0x60C, v1;
	v2 =	vld [tilespmem:$0x18D60];
	_ =	sdelay $0x4  }
0x205: {  	[tilespmem:v3+s17+$0x0] =	vst.idx.msk $0xffff, v2  }
0x206: {  	v3 =	vor.u32 $0x70C, v1;
	v2 =	vld [tilespmem:$0x18D70];
	_ =	sdelay $0x4  }
0x207: {  	[tilespmem:v3+s17+$0x0] =	vst.idx.msk $0xffff, v2  }
0x208: {  	v3 =	vor.u32 $0xD, v1;
	v2 =	vld [tilespmem:$0x18D80];
	_ =	sdelay $0x4  }
0x209: {  	[tilespmem:v3+s17+$0x0] =	vst.idx.msk $0xffff, v2  }
0x20a: {  	v3 =	vor.u32 $0x10D, v1;
	v2 =	vld [tilespmem:$0x18D90];
	_ =	sdelay $0x4  }
0x20b: {  	[tilespmem:v3+s17+$0x0] =	vst.idx.msk $0xffff, v2  }
0x20c: {  	v3 =	vor.u32 $0x20D, v1;
	v2 =	vld [tilespmem:$0x18DA0];
	_ =	sdelay $0x4  }
0x20d: {  	[tilespmem:v3+s17+$0x0] =	vst.idx.msk $0xffff, v2  }
0x20e: {  	v3 =	vor.u32 $0x30D, v1;
	v2 =	vld [tilespmem:$0x18DB0];
	_ =	sdelay $0x4  }
0x20f: {  	[tilespmem:v3+s17+$0x0] =	vst.idx.msk $0xffff, v2  }
0x210: {  	v3 =	vor.u32 $0x40D, v1;
	v2 =	vld [tilespmem:$0x18DC0];
	_ =	sdelay $0x4  }
0x211: {  	[tilespmem:v3+s17+$0x0] =	vst.idx.msk $0xffff, v2  }
0x212: {  	v3 =	vor.u32 $0x50D, v1;
	v2 =	vld [tilespmem:$0x18DD0];
	_ =	sdelay $0x4  }
0x213: {  	[tilespmem:v3+s17+$0x0] =	vst.idx.msk $0xffff, v2  }
0x214: {  	v3 =	vor.u32 $0x60D, v1;
	v2 =	vld [tilespmem:$0x18DE0];
	_ =	sdelay $0x4  }
0x215: {  	[tilespmem:v3+s17+$0x0] =	vst.idx.msk $0xffff, v2  }
0x216: {  	v3 =	vor.u32 $0x70D, v1;
	v2 =	vld [tilespmem:$0x18DF0];
	_ =	sdelay $0x4  }
0x217: {  	[tilespmem:v3+s17+$0x0] =	vst.idx.msk $0xffff, v2  }
0x218: {  	v3 =	vor.u32 $0xE, v1;
	v2 =	vld [tilespmem:$0x18E00];
	_ =	sdelay $0x4  }
0x219: {  	[tilespmem:v3+s17+$0x0] =	vst.idx.msk $0xffff, v2  }
0x21a: {  	v3 =	vor.u32 $0x10E, v1;
	v2 =	vld [tilespmem:$0x18E10];
	_ =	sdelay $0x4  }
0x21b: {  	[tilespmem:v3+s17+$0x0] =	vst.idx.msk $0xffff, v2  }
0x21c: {  	v3 =	vor.u32 $0x20E, v1;
	v2 =	vld [tilespmem:$0x18E20];
	_ =	sdelay $0x4  }
0x21d: {  	[tilespmem:v3+s17+$0x0] =	vst.idx.msk $0xffff, v2  }
0x21e: {  	v3 =	vor.u32 $0x30E, v1;
	v2 =	vld [tilespmem:$0x18E30];
	_ =	sdelay $0x4  }
0x21f: {  	[tilespmem:v3+s17+$0x0] =	vst.idx.msk $0xffff, v2  }
0x220: {  	v3 =	vor.u32 $0x40E, v1;
	v2 =	vld [tilespmem:$0x18E40];
	_ =	sdelay $0x4  }
0x221: {  	[tilespmem:v3+s17+$0x0] =	vst.idx.msk $0xffff, v2  }
0x222: {  	v3 =	vor.u32 $0x50E, v1;
	v2 =	vld [tilespmem:$0x18E50];
	_ =	sdelay $0x4  }
0x223: {  	[tilespmem:v3+s17+$0x0] =	vst.idx.msk $0xffff, v2  }
0x224: {  	v3 =	vor.u32 $0x60E, v1;
	v2 =	vld [tilespmem:$0x18E60];
	_ =	sdelay $0x4  }
0x225: {  	[tilespmem:v3+s17+$0x0] =	vst.idx.msk $0xffff, v2  }
0x226: {  	v3 =	vor.u32 $0x70E, v1;
	v2 =	vld [tilespmem:$0x18E70];
	_ =	sdelay $0x4  }
0x227: {  	[tilespmem:v3+s17+$0x0] =	vst.idx.msk $0xffff, v2  }
0x228: {  	v3 =	vor.u32 $0xF, v1;
	v2 =	vld [tilespmem:$0x18E80];
	_ =	sdelay $0x4  }
0x229: {  	[tilespmem:v3+s17+$0x0] =	vst.idx.msk $0xffff, v2  }
0x22a: {  	v3 =	vor.u32 $0x10F, v1;
	v2 =	vld [tilespmem:$0x18E90];
	_ =	sdelay $0x4  }
0x22b: {  	[tilespmem:v3+s17+$0x0] =	vst.idx.msk $0xffff, v2  }
0x22c: {  	v3 =	vor.u32 $0x20F, v1;
	v2 =	vld [tilespmem:$0x18EA0];
	_ =	sdelay $0x4  }
0x22d: {  	[tilespmem:v3+s17+$0x0] =	vst.idx.msk $0xffff, v2  }
0x22e: {  	v3 =	vor.u32 $0x30F, v1;
	v2 =	vld [tilespmem:$0x18EB0];
	_ =	sdelay $0x4  }
0x22f: {  	[tilespmem:v3+s17+$0x0] =	vst.idx.msk $0xffff, v2  }
0x230: {  	v3 =	vor.u32 $0x40F, v1;
	v2 =	vld [tilespmem:$0x18EC0];
	_ =	sdelay $0x4  }
0x231: {  	[tilespmem:v3+s17+$0x0] =	vst.idx.msk $0xffff, v2  }
0x232: {  	v3 =	vor.u32 $0x50F, v1;
	v2 =	vld [tilespmem:$0x18ED0];
	_ =	sdelay $0x4  }
0x233: {  	[tilespmem:v3+s17+$0x0] =	vst.idx.msk $0xffff, v2  }
0x234: {  	v3 =	vor.u32 $0x60F, v1;
	v2 =	vld [tilespmem:$0x18EE0];
	_ =	sdelay $0x4  }
0x235: {  	[tilespmem:v3+s17+$0x0] =	vst.idx.msk $0xffff, v2  }
0x236: {  	v3 =	vor.u32 $0x70F, v1;
	v2 =	vld [tilespmem:$0x18EF0];
	_ =	sdelay $0x4  }
0x237: {  	s31 =	rddreg [dreg:$0x9];
	[tilespmem:v3+s17+$0x0] =	vst.idx.msk $0xffff, v2  }
0x238: {  	[spmem:s31] =	stream.linear.scatter [tilespmem:s17], [sflag:$0x2], $0x800, $0x38;
	[tilespmem:$0x1FF00] =	vst v63  }
0x239: {  	_ =	swait.ge [sflag:s12], $0x800  }
0x23a: {  	[sflag:s12] =	ssyncset.done $0x0  }
0x23b: {  	[sflag:s12] =	ssyncadd.s32 $0xFFFFF800  }
.LBB2_7:
0x23c: {  	s0 =	simm.s32 $0x0  }
0x23d: {  	s2 =	simm.s32 $0x40;
	v2 =	vld [tilespmem:s0+$0x1F700]  }
.LBB2_8:
0x23e: {  	p1 =	sne.s32 s2, $0xFC0  }
.Ltmp5:
0x23f: {  	_ = 	snop;
	(pc) =	sbr.rel @p1 .LBB2_8-.Ltmp5, $3  }
0x240: {  	_ =	sdelay $0x1  }
0x241: {  	s4 =	sshra.s32 s2, $0x2;
	s2 =	sadd.s32 $0x40, s2;
	v3 =	vshra.s32 v2, $0x3  }
0x242: {  	v2 =	vld [tilespmem:s4+$0x1F700];
	[tilespmem:s0+$0x1FB00] =	vst v3;
	s0 =	smov.u32 s4  }
0x243: {  	_ =	sdelay $0x3  }
0x244: {  	v2 =	vshra.s32 v2, $0x3  }
0x245: {  	p1 =	por $0x0, $0x0;
	s24 =	simm.s32 $0x0;
	s25 =	simm.s32 $0x1F700;
	[tilespmem:s0+$0x1FB00] =	vst v2  }
0x246: {  	s26 =	simm.s32 $0x1FB00;
	s28 =	simm.s32 $0x0;
	[bflag:$0x0] =	sbarrier.arrive $0xFFFF  }
.LBB2_10:
0x247: {  	s0 =	rddreg [dreg:$0x6]  }
0x248: {  	[tilespmem:s19], [sflag:$0x1] =	stream.indirect.gather [spmem:s1], $0x80, s26, s0, $0xb8;
	[tilespmem:$0x1FF00] =	vst v63  }
0x249: {  	_ =	swait.ge [sflag:s18], $0x2000  }
0x24a: {  	[sflag:s18] =	ssyncset.done $0x0  }
0x24b: {  	[sflag:s18] =	ssyncadd.s32 $0xFFFFE000  }
0x24c: {  	v2 =	vld [tilespmem:s25+$0x0];
	_ =	sdelay $0x4  }
0x24d: {  	v3 =	vshll.u32 v2, $0x4;
	v2 =	vmul.u32 $0x80, v4  }
0x24e: {  	v3 =	vand.u32 $0x70, v3  }
0x24f: {  	v4 =	vor.u32 v2, v3;
	_ =	sdelay $0x4  }
0x250: {  	v5 =	vor.u32 $0x1, v2;
	v4 =	vld.idx.msk [tilespmem:v4+s19+$0x0], $0xffff  }
0x251: {  	v5 =	vor.u32 v5, v3  }
0x252: {  	s2 =	sand.u32 $0x1C00, s28  }
0x253: {  	s20 =	sand.u32 $0x40, s24;
	s29 =	sadd.s32 $0x1B700, s2  }
0x254: {  	s4 =	sor.u32 s20, s29  }
0x255: {  	[tilespmem:s4+$0x0] =	vst v4  }
0x256: {  	v4 =	vld.idx.msk [tilespmem:v5+s19+$0x0], $0xffff;
	v5 =	vor.u32 $0x2, v2  }
0x257: {  	v5 =	vor.u32 v5, v3;
	_ =	sdelay $0x3  }
0x258: {  	[tilespmem:s4+$0x80] =	vst v4  }
0x259: {  	v4 =	vld.idx.msk [tilespmem:v5+s19+$0x0], $0xffff;
	v5 =	vor.u32 $0x3, v2  }
0x25a: {  	v5 =	vor.u32 v5, v3;
	_ =	sdelay $0x3  }
0x25b: {  	[tilespmem:s4+$0x100] =	vst v4  }
0x25c: {  	v4 =	vld.idx.msk [tilespmem:v5+s19+$0x0], $0xffff;
	v5 =	vor.u32 $0x4, v2  }
0x25d: {  	v5 =	vor.u32 v5, v3;
	_ =	sdelay $0x3  }
0x25e: {  	[tilespmem:s4+$0x180] =	vst v4  }
0x25f: {  	s0 =	simm.s32 $0x1;
	v4 =	vld.idx.msk [tilespmem:v5+s19+$0x0], $0xffff;
	v5 =	vor.u32 $0x5, v2  }
0x260: {  	s0 =	simm.s32 @!p1 $0x0;
	v5 =	vor.u32 v5, v3  }
0x261: {  	s0 =	sshll.u32 s0, $0x6  }
0x262: {  	s30 =	sadd.s32 s0, s28  }
0x263: {  	s0 =	sor.u32 $0x200, s30  }
0x264: {  	[tilespmem:s0+$0x1B700] =	vst v4  }
0x265: {  	v4 =	vld.idx.msk [tilespmem:v5+s19+$0x0], $0xffff;
	v5 =	vor.u32 $0x6, v2  }
0x266: {  	v5 =	vor.u32 v5, v3;
	_ =	sdelay $0x2  }
0x267: {  	s5 =	sor.u32 $0x280, s30  }
0x268: {  	[tilespmem:s5+$0x1B700] =	vst v4  }
0x269: {  	v4 =	vld.idx.msk [tilespmem:v5+s19+$0x0], $0xffff;
	v5 =	vor.u32 $0x7, v2  }
0x26a: {  	v5 =	vor.u32 v5, v3;
	_ =	sdelay $0x2  }
0x26b: {  	s6 =	sor.u32 $0x300, s30  }
0x26c: {  	[tilespmem:s6+$0x1B700] =	vst v4  }
0x26d: {  	v4 =	vld.idx.msk [tilespmem:v5+s19+$0x0], $0xffff;
	v5 =	vor.u32 $0x8, v2  }
0x26e: {  	v5 =	vor.u32 v5, v3;
	_ =	sdelay $0x1  }
0x26f: {  	s7 =	sor.u32 s28, s24  }
0x270: {  	s0 =	sor.u32 $0x380, s7  }
0x271: {  	[tilespmem:s0+$0x1B700] =	vst v4  }
0x272: {  	v4 =	vld.idx.msk [tilespmem:v5+s19+$0x0], $0xffff;
	v5 =	vor.u32 $0x9, v2  }
0x273: {  	v5 =	vor.u32 v5, v3;
	_ =	sdelay $0x1  }
0x274: {  	s31 =	sadd.s32 $0x1D700, s2  }
0x275: {  	s8 =	sor.u32 s20, s31  }
0x276: {  	[tilespmem:s8+$0x0] =	vst v4  }
0x277: {  	v4 =	vld.idx.msk [tilespmem:v5+s19+$0x0], $0xffff;
	v5 =	vor.u32 $0xA, v2  }
0x278: {  	v5 =	vor.u32 v5, v3;
	_ =	sdelay $0x1  }
0x279: {  	s0 =	sadd.s32 $0x1D780, s2  }
0x27a: {  	s4 =	sor.u32 s20, s0  }
0x27b: {  	[tilespmem:s4+$0x0] =	vst v4  }
0x27c: {  	v4 =	vld.idx.msk [tilespmem:v5+s19+$0x0], $0xffff;
	v5 =	vor.u32 $0xB, v2  }
0x27d: {  	v5 =	vor.u32 v5, v3;
	_ =	sdelay $0x1  }
0x27e: {  	s11 =	sadd.s32 $0x1D800, s2  }
0x27f: {  	s9 =	sor.u32 s20, s11  }
0x280: {  	[tilespmem:s9+$0x0] =	vst v4  }
0x281: {  	v4 =	vld.idx.msk [tilespmem:v5+s19+$0x0], $0xffff;
	v5 =	vor.u32 $0xC, v2  }
0x282: {  	v5 =	vor.u32 v5, v3;
	_ =	sdelay $0x1  }
0x283: {  	s5 =	sadd.s32 $0x1D880, s2  }
0x284: {  	s21 =	sor.u32 s20, s5  }
0x285: {  	[tilespmem:s21+$0x0] =	vst v4  }
0x286: {  	v4 =	vld.idx.msk [tilespmem:v5+s19+$0x0], $0xffff;
	v5 =	vor.u32 $0xD, v2  }
0x287: {  	v5 =	vor.u32 v5, v3;
	_ =	sdelay $0x1  }
0x288: {  	s6 =	sadd.s32 $0x1D900, s2  }
0x289: {  	s22 =	sor.u32 s20, s6  }
0x28a: {  	[tilespmem:s22+$0x0] =	vst v4  }
0x28b: {  	v4 =	vld.idx.msk [tilespmem:v5+s19+$0x0], $0xffff;
	v5 =	vor.u32 $0xE, v2  }
0x28c: {  	v5 =	vor.u32 v5, v3;
	_ =	sdelay $0x1  }
0x28d: {  	s21 =	sadd.s32 $0x1D980, s2  }
0x28e: {  	s7 =	sor.u32 s20, s21  }
0x28f: {  	[tilespmem:s7+$0x0] =	vst v4  }
0x290: {  	v4 =	vld.idx.msk [tilespmem:v5+s19+$0x0], $0xffff;
	v5 =	vor.u32 $0xF, v2  }
0x291: {  	v3 =	vor.u32 v5, v3;
	_ =	sdelay $0x1  }
0x292: {  	s22 =	sadd.s32 $0x1DA00, s2  }
0x293: {  	s8 =	sor.u32 s20, s22  }
0x294: {  	[tilespmem:s8+$0x0] =	vst v4  }
0x295: {  	v3 =	vld.idx.msk [tilespmem:v3+s19+$0x0], $0xffff;
	_ =	sdelay $0x2  }
0x296: {  	s9 =	sand.u32 $0x380, s24;
	s2 =	sadd.s32 $0x1DA80, s2  }
0x297: {  	s4 =	sadd.s32 $0x1F700, s9;
	s7 =	sor.u32 $0x10, s20;
	s8 =	sor.u32 s20, s2  }
0x298: {  	s9 =	sor.u32 s7, s4;
	[tilespmem:s8+$0x0] =	vst v3  }
0x299: {  	v3 =	vld [tilespmem:s9+$0x0];
	_ =	sdelay $0x4  }
0x29a: {  	v3 =	vshll.u32 v3, $0x4  }
0x29b: {  	v4 =	vor.u32 $0x800, v2;
	v3 =	vand.u32 $0x70, v3  }
0x29c: {  	v4 =	vor.u32 v4, v3;
	_ =	sdelay $0x4  }
0x29d: {  	v5 =	vor.u32 $0x801, v2;
	v4 =	vld.idx.msk [tilespmem:v4+s19+$0x0], $0xffff  }
0x29e: {  	v5 =	vor.u32 v5, v3;
	_ =	sdelay $0x2  }
0x29f: {  	s9 =	sor.u32 s7, s29  }
0x2a0: {  	[tilespmem:s9+$0x0] =	vst v4  }
0x2a1: {  	v4 =	vld.idx.msk [tilespmem:v5+s19+$0x0], $0xffff;
	v5 =	vor.u32 $0x802, v2  }
0x2a2: {  	v5 =	vor.u32 v5, v3;
	_ =	sdelay $0x3  }
0x2a3: {  	[tilespmem:s9+$0x80] =	vst v4  }
0x2a4: {  	v4 =	vld.idx.msk [tilespmem:v5+s19+$0x0], $0xffff;
	v5 =	vor.u32 $0x803, v2  }
0x2a5: {  	v5 =	vor.u32 v5, v3;
	_ =	sdelay $0x3  }
0x2a6: {  	[tilespmem:s9+$0x100] =	vst v4  }
0x2a7: {  	v4 =	vld.idx.msk [tilespmem:v5+s19+$0x0], $0xffff;
	v5 =	vor.u32 $0x804, v2  }
0x2a8: {  	v5 =	vor.u32 v5, v3;
	_ =	sdelay $0x3  }
0x2a9: {  	[tilespmem:s9+$0x180] =	vst v4  }
0x2aa: {  	v4 =	vld.idx.msk [tilespmem:v5+s19+$0x0], $0xffff;
	v5 =	vor.u32 $0x805, v2  }
0x2ab: {  	v5 =	vor.u32 v5, v3;
	_ =	sdelay $0x1  }
0x2ac: {  	s8 =	sadd.s32 $0x10, s30  }
0x2ad: {  	s9 =	sor.u32 $0x200, s8  }
0x2ae: {  	[tilespmem:s9+$0x1B700] =	vst v4  }
0x2af: {  	v4 =	vld.idx.msk [tilespmem:v5+s19+$0x0], $0xffff;
	v5 =	vor.u32 $0x806, v2  }
0x2b0: {  	v5 =	vor.u32 v5, v3;
	_ =	sdelay $0x2  }
0x2b1: {  	s9 =	sor.u32 $0x280, s8  }
0x2b2: {  	[tilespmem:s9+$0x1B700] =	vst v4  }
0x2b3: {  	v4 =	vld.idx.msk [tilespmem:v5+s19+$0x0], $0xffff;
	v5 =	vor.u32 $0x807, v2  }
0x2b4: {  	v5 =	vor.u32 v5, v3;
	_ =	sdelay $0x2  }
0x2b5: {  	s9 =	sor.u32 $0x300, s8  }
0x2b6: {  	[tilespmem:s9+$0x1B700] =	vst v4  }
0x2b7: {  	v4 =	vld.idx.msk [tilespmem:v5+s19+$0x0], $0xffff;
	v5 =	vor.u32 $0x808, v2  }
0x2b8: {  	v5 =	vor.u32 v5, v3;
	_ =	sdelay $0x2  }
0x2b9: {  	s8 =	sor.u32 $0x380, s8  }
0x2ba: {  	[tilespmem:s8+$0x1B700] =	vst v4  }
0x2bb: {  	v4 =	vld.idx.msk [tilespmem:v5+s19+$0x0], $0xffff;
	v5 =	vor.u32 $0x809, v2  }
0x2bc: {  	v5 =	vor.u32 v5, v3;
	_ =	sdelay $0x2  }
0x2bd: {  	s9 =	sor.u32 s7, s31  }
0x2be: {  	[tilespmem:s9+$0x0] =	vst v4  }
0x2bf: {  	v4 =	vld.idx.msk [tilespmem:v5+s19+$0x0], $0xffff;
	v5 =	vor.u32 $0x80A, v2  }
0x2c0: {  	v5 =	vor.u32 v5, v3;
	_ =	sdelay $0x2  }
0x2c1: {  	s9 =	sor.u32 s7, s0  }
0x2c2: {  	[tilespmem:s9+$0x0] =	vst v4  }
0x2c3: {  	v4 =	vld.idx.msk [tilespmem:v5+s19+$0x0], $0xffff;
	v5 =	vor.u32 $0x80B, v2  }
0x2c4: {  	v5 =	vor.u32 v5, v3;
	_ =	sdelay $0x2  }
0x2c5: {  	s9 =	sor.u32 s7, s11  }
0x2c6: {  	[tilespmem:s9+$0x0] =	vst v4  }
0x2c7: {  	v4 =	vld.idx.msk [tilespmem:v5+s19+$0x0], $0xffff;
	v5 =	vor.u32 $0x80C, v2  }
0x2c8: {  	v5 =	vor.u32 v5, v3;
	_ =	sdelay $0x2  }
0x2c9: {  	s9 =	sor.u32 s7, s5  }
0x2ca: {  	[tilespmem:s9+$0x0] =	vst v4  }
0x2cb: {  	v4 =	vld.idx.msk [tilespmem:v5+s19+$0x0], $0xffff;
	v5 =	vor.u32 $0x80D, v2  }
0x2cc: {  	v5 =	vor.u32 v5, v3;
	_ =	sdelay $0x2  }
0x2cd: {  	s9 =	sor.u32 s7, s6  }
0x2ce: {  	[tilespmem:s9+$0x0] =	vst v4  }
0x2cf: {  	v4 =	vld.idx.msk [tilespmem:v5+s19+$0x0], $0xffff;
	v5 =	vor.u32 $0x80E, v2  }
0x2d0: {  	v5 =	vor.u32 v5, v3;
	_ =	sdelay $0x2  }
0x2d1: {  	s9 =	sor.u32 s7, s21  }
0x2d2: {  	[tilespmem:s9+$0x0] =	vst v4  }
0x2d3: {  	v4 =	vld.idx.msk [tilespmem:v5+s19+$0x0], $0xffff;
	v5 =	vor.u32 $0x80F, v2  }
0x2d4: {  	v3 =	vor.u32 v5, v3;
	_ =	sdelay $0x2  }
0x2d5: {  	s9 =	sor.u32 s7, s22  }
0x2d6: {  	[tilespmem:s9+$0x0] =	vst v4  }
0x2d7: {  	v3 =	vld.idx.msk [tilespmem:v3+s19+$0x0], $0xffff;
	_ =	sdelay $0x3  }
0x2d8: {  	s9 =	sor.u32 s7, s2;
	s7 =	sor.u32 $0x20, s20  }
0x2d9: {  	[tilespmem:s9+$0x0] =	vst v3;
	s9 =	sor.u32 s7, s4  }
0x2da: {  	v3 =	vld [tilespmem:s9+$0x0];
	_ =	sdelay $0x4  }
0x2db: {  	v3 =	vshll.u32 v3, $0x4  }
0x2dc: {  	v4 =	vor.u32 $0x1000, v2;
	v3 =	vand.u32 $0x70, v3  }
0x2dd: {  	v4 =	vor.u32 v4, v3;
	_ =	sdelay $0x4  }
0x2de: {  	v5 =	vor.u32 $0x1001, v2;
	v4 =	vld.idx.msk [tilespmem:v4+s19+$0x0], $0xffff  }
0x2df: {  	v5 =	vor.u32 v5, v3;
	_ =	sdelay $0x2  }
0x2e0: {  	s9 =	sor.u32 s7, s29  }
0x2e1: {  	[tilespmem:s9+$0x0] =	vst v4  }
0x2e2: {  	v4 =	vld.idx.msk [tilespmem:v5+s19+$0x0], $0xffff;
	v5 =	vor.u32 $0x1002, v2  }
0x2e3: {  	v5 =	vor.u32 v5, v3;
	_ =	sdelay $0x3  }
0x2e4: {  	[tilespmem:s9+$0x80] =	vst v4  }
0x2e5: {  	v4 =	vld.idx.msk [tilespmem:v5+s19+$0x0], $0xffff;
	v5 =	vor.u32 $0x1003, v2  }
0x2e6: {  	v5 =	vor.u32 v5, v3;
	_ =	sdelay $0x3  }
0x2e7: {  	[tilespmem:s9+$0x100] =	vst v4  }
0x2e8: {  	v4 =	vld.idx.msk [tilespmem:v5+s19+$0x0], $0xffff;
	v5 =	vor.u32 $0x1004, v2  }
0x2e9: {  	v5 =	vor.u32 v5, v3;
	_ =	sdelay $0x3  }
0x2ea: {  	[tilespmem:s9+$0x180] =	vst v4  }
0x2eb: {  	v4 =	vld.idx.msk [tilespmem:v5+s19+$0x0], $0xffff;
	v5 =	vor.u32 $0x1005, v2  }
0x2ec: {  	v5 =	vor.u32 v5, v3;
	_ =	sdelay $0x1  }
0x2ed: {  	s8 =	sadd.s32 $0x20, s30  }
0x2ee: {  	s9 =	sor.u32 $0x200, s8  }
0x2ef: {  	[tilespmem:s9+$0x1B700] =	vst v4  }
0x2f0: {  	v4 =	vld.idx.msk [tilespmem:v5+s19+$0x0], $0xffff;
	v5 =	vor.u32 $0x1006, v2  }
0x2f1: {  	v5 =	vor.u32 v5, v3;
	_ =	sdelay $0x2  }
0x2f2: {  	s9 =	sor.u32 $0x280, s8  }
0x2f3: {  	[tilespmem:s9+$0x1B700] =	vst v4  }
0x2f4: {  	v4 =	vld.idx.msk [tilespmem:v5+s19+$0x0], $0xffff;
	v5 =	vor.u32 $0x1007, v2  }
0x2f5: {  	v5 =	vor.u32 v5, v3;
	_ =	sdelay $0x2  }
0x2f6: {  	s9 =	sor.u32 $0x300, s8  }
0x2f7: {  	[tilespmem:s9+$0x1B700] =	vst v4  }
0x2f8: {  	v4 =	vld.idx.msk [tilespmem:v5+s19+$0x0], $0xffff;
	v5 =	vor.u32 $0x1008, v2  }
0x2f9: {  	v5 =	vor.u32 v5, v3;
	_ =	sdelay $0x2  }
0x2fa: {  	s8 =	sor.u32 $0x380, s8  }
0x2fb: {  	[tilespmem:s8+$0x1B700] =	vst v4  }
0x2fc: {  	v4 =	vld.idx.msk [tilespmem:v5+s19+$0x0], $0xffff;
	v5 =	vor.u32 $0x1009, v2  }
0x2fd: {  	v5 =	vor.u32 v5, v3;
	_ =	sdelay $0x2  }
0x2fe: {  	s9 =	sor.u32 s7, s31  }
0x2ff: {  	[tilespmem:s9+$0x0] =	vst v4  }
0x300: {  	v4 =	vld.idx.msk [tilespmem:v5+s19+$0x0], $0xffff;
	v5 =	vor.u32 $0x100A, v2  }
0x301: {  	v5 =	vor.u32 v5, v3;
	_ =	sdelay $0x2  }
0x302: {  	s9 =	sor.u32 s7, s0  }
0x303: {  	[tilespmem:s9+$0x0] =	vst v4  }
0x304: {  	v4 =	vld.idx.msk [tilespmem:v5+s19+$0x0], $0xffff;
	v5 =	vor.u32 $0x100B, v2  }
0x305: {  	v5 =	vor.u32 v5, v3;
	_ =	sdelay $0x2  }
0x306: {  	s9 =	sor.u32 s7, s11  }
0x307: {  	[tilespmem:s9+$0x0] =	vst v4  }
0x308: {  	v4 =	vld.idx.msk [tilespmem:v5+s19+$0x0], $0xffff;
	v5 =	vor.u32 $0x100C, v2  }
0x309: {  	v5 =	vor.u32 v5, v3;
	_ =	sdelay $0x2  }
0x30a: {  	s9 =	sor.u32 s7, s5  }
0x30b: {  	[tilespmem:s9+$0x0] =	vst v4  }
0x30c: {  	v4 =	vld.idx.msk [tilespmem:v5+s19+$0x0], $0xffff;
	v5 =	vor.u32 $0x100D, v2  }
0x30d: {  	v5 =	vor.u32 v5, v3;
	_ =	sdelay $0x2  }
0x30e: {  	s9 =	sor.u32 s7, s6  }
0x30f: {  	[tilespmem:s9+$0x0] =	vst v4  }
0x310: {  	v4 =	vld.idx.msk [tilespmem:v5+s19+$0x0], $0xffff;
	v5 =	vor.u32 $0x100E, v2  }
0x311: {  	v5 =	vor.u32 v5, v3;
	_ =	sdelay $0x2  }
0x312: {  	s9 =	sor.u32 s7, s21  }
0x313: {  	[tilespmem:s9+$0x0] =	vst v4  }
0x314: {  	v4 =	vld.idx.msk [tilespmem:v5+s19+$0x0], $0xffff;
	v5 =	vor.u32 $0x100F, v2  }
0x315: {  	v3 =	vor.u32 v5, v3;
	_ =	sdelay $0x2  }
0x316: {  	s9 =	sor.u32 s7, s22  }
0x317: {  	[tilespmem:s9+$0x0] =	vst v4  }
0x318: {  	v3 =	vld.idx.msk [tilespmem:v3+s19+$0x0], $0xffff;
	_ =	sdelay $0x3  }
0x319: {  	s9 =	sor.u32 s7, s2;
	s7 =	sor.u32 $0x30, s20  }
0x31a: {  	s4 =	sor.u32 s7, s4;
	[tilespmem:s9+$0x0] =	vst v3  }
0x31b: {  	v3 =	vld [tilespmem:s4+$0x0];
	_ =	sdelay $0x4  }
0x31c: {  	v3 =	vshll.u32 v3, $0x4  }
0x31d: {  	v4 =	vor.u32 $0x1800, v2;
	v3 =	vand.u32 $0x70, v3  }
0x31e: {  	v4 =	vor.u32 v4, v3;
	_ =	sdelay $0x4  }
0x31f: {  	v5 =	vor.u32 $0x1801, v2;
	v4 =	vld.idx.msk [tilespmem:v4+s19+$0x0], $0xffff  }
0x320: {  	v5 =	vor.u32 v5, v3;
	_ =	sdelay $0x2  }
0x321: {  	s8 =	sor.u32 s7, s29  }
0x322: {  	[tilespmem:s8+$0x0] =	vst v4  }
0x323: {  	v4 =	vld.idx.msk [tilespmem:v5+s19+$0x0], $0xffff;
	v5 =	vor.u32 $0x1802, v2  }
0x324: {  	v5 =	vor.u32 v5, v3;
	_ =	sdelay $0x3  }
0x325: {  	[tilespmem:s8+$0x80] =	vst v4  }
0x326: {  	v4 =	vld.idx.msk [tilespmem:v5+s19+$0x0], $0xffff;
	v5 =	vor.u32 $0x1803, v2  }
0x327: {  	v5 =	vor.u32 v5, v3;
	_ =	sdelay $0x3  }
0x328: {  	[tilespmem:s8+$0x100] =	vst v4  }
0x329: {  	v4 =	vld.idx.msk [tilespmem:v5+s19+$0x0], $0xffff;
	v5 =	vor.u32 $0x1804, v2  }
0x32a: {  	v5 =	vor.u32 v5, v3;
	_ =	sdelay $0x3  }
0x32b: {  	[tilespmem:s8+$0x180] =	vst v4  }
0x32c: {  	v4 =	vld.idx.msk [tilespmem:v5+s19+$0x0], $0xffff;
	v5 =	vor.u32 $0x1805, v2  }
0x32d: {  	v5 =	vor.u32 v5, v3;
	_ =	sdelay $0x1  }
0x32e: {  	s9 =	sadd.s32 $0x30, s30  }
0x32f: {  	s20 =	sor.u32 $0x200, s9  }
0x330: {  	[tilespmem:s20+$0x1B700] =	vst v4  }
0x331: {  	v4 =	vld.idx.msk [tilespmem:v5+s19+$0x0], $0xffff;
	v5 =	vor.u32 $0x1806, v2  }
0x332: {  	v5 =	vor.u32 v5, v3;
	_ =	sdelay $0x2  }
0x333: {  	s29 =	sor.u32 $0x280, s9  }
0x334: {  	[tilespmem:s29+$0x1B700] =	vst v4  }
0x335: {  	v4 =	vld.idx.msk [tilespmem:v5+s19+$0x0], $0xffff;
	v5 =	vor.u32 $0x1807, v2  }
0x336: {  	v5 =	vor.u32 v5, v3;
	_ =	sdelay $0x2  }
0x337: {  	s30 =	sor.u32 $0x300, s9  }
0x338: {  	[tilespmem:s30+$0x1B700] =	vst v4  }
0x339: {  	v4 =	vld.idx.msk [tilespmem:v5+s19+$0x0], $0xffff;
	v5 =	vor.u32 $0x1808, v2  }
0x33a: {  	v5 =	vor.u32 v5, v3;
	_ =	sdelay $0x2  }
0x33b: {  	s4 =	sor.u32 $0x380, s9  }
0x33c: {  	[tilespmem:s4+$0x1B700] =	vst v4  }
0x33d: {  	v4 =	vld.idx.msk [tilespmem:v5+s19+$0x0], $0xffff;
	v5 =	vor.u32 $0x1809, v2  }
0x33e: {  	v5 =	vor.u32 v5, v3;
	_ =	sdelay $0x2  }
0x33f: {  	s8 =	sor.u32 s7, s31  }
0x340: {  	[tilespmem:s8+$0x0] =	vst v4  }
0x341: {  	v4 =	vld.idx.msk [tilespmem:v5+s19+$0x0], $0xffff;
	v5 =	vor.u32 $0x180A, v2  }
0x342: {  	v5 =	vor.u32 v5, v3;
	_ =	sdelay $0x2  }
0x343: {  	s0 =	sor.u32 s7, s0  }
0x344: {  	[tilespmem:s0+$0x0] =	vst v4  }
0x345: {  	v4 =	vld.idx.msk [tilespmem:v5+s19+$0x0], $0xffff;
	v5 =	vor.u32 $0x180B, v2  }
0x346: {  	v5 =	vor.u32 v5, v3;
	_ =	sdelay $0x2  }
0x347: {  	s9 =	sor.u32 s7, s11  }
0x348: {  	[tilespmem:s9+$0x0] =	vst v4  }
0x349: {  	v4 =	vld.idx.msk [tilespmem:v5+s19+$0x0], $0xffff;
	v5 =	vor.u32 $0x180C, v2  }
0x34a: {  	v5 =	vor.u32 v5, v3;
	_ =	sdelay $0x2  }
0x34b: {  	s11 =	sor.u32 s7, s5  }
0x34c: {  	[tilespmem:s11+$0x0] =	vst v4  }
0x34d: {  	v4 =	vld.idx.msk [tilespmem:v5+s19+$0x0], $0xffff;
	v5 =	vor.u32 $0x180D, v2  }
0x34e: {  	v5 =	vor.u32 v5, v3;
	_ =	sdelay $0x2  }
0x34f: {  	s20 =	sor.u32 s7, s6  }
0x350: {  	[tilespmem:s20+$0x0] =	vst v4  }
0x351: {  	v4 =	vld.idx.msk [tilespmem:v5+s19+$0x0], $0xffff;
	v5 =	vor.u32 $0x180E, v2  }
0x352: {  	v5 =	vor.u32 v5, v3;
	_ =	sdelay $0x2  }
0x353: {  	s29 =	sor.u32 s7, s21  }
0x354: {  	[tilespmem:s29+$0x0] =	vst v4  }
0x355: {  	v2 =	vor.u32 $0x180F, v2;
	v4 =	vld.idx.msk [tilespmem:v5+s19+$0x0], $0xffff  }
0x356: {  	v2 =	vor.u32 v2, v3;
	_ =	sdelay $0x2  }
0x357: {  	s30 =	sor.u32 s7, s22  }
0x358: {  	[tilespmem:s30+$0x0] =	vst v4  }
0x359: {  	p2 =	sne.s32 s28, $0x1E00;
	v2 =	vld.idx.msk [tilespmem:v2+s19+$0x0], $0xffff  }
.Ltmp6:
0x35a: {  	_ = 	snop;
	(pc) =	sbr.rel @p2 .LBB2_10-.Ltmp6, $3  }
0x35b: {  	_ =	sdelay $0x1  }
0x35c: {  	s26 =	sadd.s32 $0x40, s26;
	p1 =	por !p1, !p1;
	s31 =	sor.u32 s7, s2  }
0x35d: {  	s28 =	sadd.s32 $0x200, s28;
	s25 =	sadd.s32 $0x40, s25;
	s24 =	sadd.s32 $0x40, s24;
	v4 =	vlaneseq.u32;
	[tilespmem:s31+$0x0] =	vst v2  }
0x35e: {  	s0 =	rddreg [dreg:$0xa]  }
0x35f: {  	s2 =	simm.s32 $0x2000;
	s4 =	simm.s32 $0x20000;
	s5 =	simm.s32 $0x1B700  }
0x360: {  	[hbm4b:s0+s2] =	stream.strided.scatter [tilespmem:s5], [sflag:$0x2], $0x4000, s4, s2, $0x38;
	[tilespmem:$0x1FF00] =	vst v63  }
0x361: {  	_ =	swait.ge [sflag:s12], $0x4000  }
0x362: {  	s23 =	sadd.s32 $0x1, s23;
	s31 =	rddreg [dreg:$0xb]  }
0x363: {  	p1 =	sne.s32 s23, s31  }
.Ltmp7:
0x364: {  	_ = 	snop;
	(pc) =	sbr.rel @p1 .LBB2_1-.Ltmp7, $3  }
0x365: {  	_ =	sdelay $0x1  }
0x366: {  	[sflag:s12] =	ssyncset.done $0x0  }
0x367: {  	v5 =	vld [tilespmem:$0x1FFF0];
	[sflag:s12] =	ssyncadd.s32 $0xFFFFC000  }
0x368: {  	_ =	sfence.sel $0x180000  }
0x369: {  	[bflag:$0x0] =	sbarrier.arrive $0xFFFF  }
0x36a: {  	_ =	strace $0x90000047  }
0x36b: {  	[bflag:$0x2] =	sbarrier.arrive $0xFFFF  }
0x36c: {  	p0 =	sne.s32 s3, $0x0;
	s0 =	rddreg [dreg:$0x5]  }
0x36d: {  	s0 =	sadd.s32 @!p0 $0x100000, s0  }
0x36e: {  	[sflag:s0] =	ssyncadd.tile.s32 @!p0 $0x1;
	_ =	shalt  }
.Lfunc_end2:
_tile_overlayer_lowered:
.L_overlay_start_2:
0x36f: {  	(tag) =	ssettag $0x2  }
0x370: {  	s0 =	rddreg [dreg:$0x0];
	s2 =	stileid.u32  }
0x371: {  	s1 =	rddreg [dreg:$0x1];
	p0 =	sne.s32 s2, $0x0  }
0x372: {  	s3 =	rddreg [dreg:$0x2];
	[bflag:$0x3] =	sbarrier.arrive $0xFFFF;
	s2 =	simm.s32 @!p0 $0x1C02  }
0x373: {  	[timem:s3], [sflag:s2] =	dma.local @!p0 [hbm:s0], s1  }
0x374: {  	s0 =	simm.s32 @!p0 $0x2  }
0x375: {  	_ =	swait.ge @!p0 [sflag:s0], s1  }
0x376: {  	s1 =	ssub.s32 @!p0 $0x0, s1;
	[sflag:s0] =	ssyncset.done @!p0 $0x0  }
0x377: {  	[sflag:s0] =	ssyncadd.s32 @!p0 s1  }
0x378: {  	[bflag:$0x3] =	sbarrier.arrive $0xFFFF  }
0x379: {  	_ =	shalt  }

</sc_bundles>
